<compile_context>
chip_gen: v7x
topology: tpu7x:2x2x1
jax: 0.10.2.dev20260603
libtpu: 0.0.44.dev20260713+nightly
codegen_flags: <defaults>
</compile_context>

<pallas_src>
import functools

import jax
import jax.numpy as jnp
import numpy as np
from jax import lax
from jax.experimental import pallas as pl
from jax.experimental.pallas import tpu as pltpu
from jax.experimental.pallas import tpu_sc as plsc

B, L, D = 1024, 20, 10000
VOCAB, NUM_CLASSES, NGRAM_N = 1000, 100, 3

NC, NS = 2, 16
NW = NC * NS
BPW = B // NW
RB = 8

NCHUNK = 5
DP = 10240
DC = DP // NCHUNK
WB = DC + 32

_NT = L - (NGRAM_N - 1)


def _build_tables(id_weight):
    wb = id_weight.astype(jnp.bfloat16)
    pad = (NCHUNK - 1) * DC + 1 + WB - 2 - D
    ext = jnp.concatenate([wb[:, D - 2 :], wb, jnp.zeros((VOCAB, pad), wb.dtype)], 1)
    tabs = []
    for shift in (0, 1):
        wins = [
            lax.dynamic_slice_in_dim(ext, c * DC + shift, WB, 1)
            for c in range(NCHUNK)
        ]
        tabs.append(jnp.stack(wins, axis=1).reshape(VOCAB * NCHUNK, WB))
    return tabs


def _sc_encode(table_a, table_b, x):
    mesh = plsc.VectorSubcoreMesh(
        core_axis_name="c", subcore_axis_name="s", num_cores=NC, num_subcores=NS
    )

    @functools.partial(
        pl.kernel,
        out_type=jax.ShapeDtypeStruct((B, DP), jnp.bfloat16),
        mesh=mesh,
        compiler_params=pltpu.CompilerParams(use_tc_tiling_on_sc=False),
        scratch_types=[
            pltpu.VMEM((BPW, L), jnp.int32),
            pltpu.VMEM((2, L), jnp.int32),
            pltpu.VMEM((2, L, WB), jnp.bfloat16),
            pltpu.VMEM((2, L, WB), jnp.bfloat16),
            pltpu.VMEM((RB, DC), jnp.bfloat16),
            pltpu.SemaphoreType.DMA,
            pltpu.SemaphoreType.DMA,
        ],
    )
    def enc_kernel(
        ta_hbm, tb_hbm, x_hbm, enc_hbm, xw, idxv, bufa, bufb, acc, sem0, sem1
    ):
        wid = lax.axis_index("s") * NC + lax.axis_index("c")
        base_b = wid * BPW
        pltpu.sync_copy(x_hbm.at[pl.ds(base_b, BPW)], xw)
        sems = (sem0, sem1)

        def fire(pb, i, c):
            idxv[pb, pl.ds(0, 16)] = xw[i, pl.ds(0, 16)] * NCHUNK + c
            idxv[pb, pl.ds(4, 16)] = xw[i, pl.ds(4, 16)] * NCHUNK + c
            pltpu.async_copy(ta_hbm.at[idxv.at[pb]], bufa.at[pb], sems[pb])
            pltpu.async_copy(tb_hbm.at[idxv.at[pb]], bufb.at[pb], sems[pb])

        def drain(pb):
            pltpu.make_async_copy(ta_hbm.at[idxv.at[pb]], bufa.at[pb], sems[pb]).wait()
            pltpu.make_async_copy(tb_hbm.at[idxv.at[pb]], bufb.at[pb], sems[pb]).wait()

        def compute(pb, r):
            NG = 8
            for g in range(DC // (32 * NG)):
                base = g * 32 * NG

                def tbody(t, accs):
                    out = []
                    for k in range(NG):
                        o = base + k * 32
                        v = bufa[pb, t, pl.ds(o, 32)]
                        v = v * bufb[pb, t + 1, pl.ds(o, 32)]
                        v = v * bufa[pb, t + 2, pl.ds(o + 2, 32)]
                        out.append(accs[k] + v)
                    return tuple(out)

                z = jnp.zeros((32,), jnp.bfloat16)
                accs = lax.fori_loop(0, _NT, tbody, (z,) * NG)
                for k in range(NG):
                    acc[r, pl.ds(base + k * 32, 32)] = accs[k]

        NR2 = RB // 2
        NU = (BPW // RB) * NCHUNK * NR2

        def unit(u):
            i8 = u // (NCHUNK * NR2)
            rem = u % (NCHUNK * NR2)
            return i8, rem // NR2, (rem % NR2) * 2

        fire(0, 0, 0)

        def body_u(u, carry):
            i8, c, r0 = unit(u)
            i = i8 * RB + r0
            fire(1, i + 1, c)
            drain(0)
            compute(0, r0)

            @pl.when(u < NU - 1)
            def _():
                ni8, nc, nr0 = unit(u + 1)
                fire(0, ni8 * RB + nr0, nc)

            drain(1)
            compute(1, r0 + 1)

            @pl.when(r0 == RB - 2)
            def _():
                row0 = pl.multiple_of(base_b + i8 * RB, RB)
                col0 = pl.multiple_of(c * DC, 256)
                pltpu.sync_copy(
                    acc, enc_hbm.at[pl.ds(row0, RB), pl.ds(col0, DC)]
                )

            return carry

        lax.fori_loop(0, NU, body_u, 0)

    return enc_kernel(table_a, table_b, x)


def _tc_search(enc, am_pad):
    BB = 128

    def body(enc_ref, am_ref, out_ref):
        am = am_ref[...]
        an = jnp.sqrt(jnp.sum(am * am, axis=1, keepdims=True)) + 1e-12
        am_n = am / an
        e = enc_ref[...].astype(jnp.float32)
        en = jnp.sqrt(jnp.sum(e * e, axis=1, keepdims=True)) + 1e-12
        s = lax.dot_general(
            e, am_n, (((1,), (1,)), ((), ())), preferred_element_type=jnp.float32
        )
        out_ref[...] = s / en

    return pl.pallas_call(
        body,
        grid=(B // BB,),
        in_specs=[
            pl.BlockSpec((BB, DP), lambda i: (i, 0)),
            pl.BlockSpec((NUM_CLASSES, DP), lambda i: (0, 0)),
        ],
        out_specs=pl.BlockSpec((BB, NUM_CLASSES), lambda i: (i, 0)),
        out_shape=jax.ShapeDtypeStruct((B, NUM_CLASSES), jnp.float32),
    )(enc, am_pad)


@jax.jit
def kernel(x, id_weight, am_weight):
    table_a, table_b = _build_tables(id_weight)
    enc = _sc_encode(table_a, table_b, x.astype(jnp.int32))
    am_pad = jnp.pad(am_weight, ((0, 0), (0, DP - D)))
    return _tc_search(enc, am_pad)

# --- scband reference (transcript-rebuilt; emitter-appended) ---
"""Pipeline reference for scband-language-hdc-76785425318384 (READ-ONLY COPY).

The authoritative reference and input builder live on the scoring server;
editing this copy changes nothing except your own understanding.
"""

import jax, jax.numpy as jnp
import numpy as np

B, L, D = 1024, 20, 10000
VOCAB, NUM_CLASSES, NGRAM_N = 1000, 100, 3
PADDING_IDX = 0


def setup_inputs(seed: int = 0) -> dict:
    key = jax.random.key(seed)
    k1, k2, k3 = jax.random.split(key, 3)
    x = jax.random.randint(k1, (B, L), 0, VOCAB)
    # torchhd embeddings.Random with vsa='MAP': random bipolar {-1,+1} hypervectors
    id_weight = jnp.where(jax.random.uniform(k2, (VOCAB, D)) < 0.5, -1.0, 1.0).astype(jnp.float32)
    id_weight = id_weight.at[PADDING_IDX].set(0.0)  # padding_idx=0 zeroed
    # Associative memory class prototypes [num_classes, D]
    am_weight = jax.random.normal(k3, (NUM_CLASSES, D), dtype=jnp.float32)
    return {"x": x, "id_weight": id_weight, "am_weight": am_weight}


def _ngrams(hv, n=NGRAM_N):
    # torchhd.ngrams for MAP VSA: permute = roll along hyperdim, bind = elementwise
    # multiply, multiset = sum over the sequence axis.
    Lseq = hv.shape[-2]
    n_gram = jnp.roll(hv[..., : Lseq - (n - 1), :], n - 1, axis=-1)
    for i in range(1, n):
        stop = Lseq if i == (n - 1) else Lseq - (n - 1 - i)
        sample = jnp.roll(hv[..., i:stop, :], n - i - 1, axis=-1)
        n_gram = n_gram * sample
    return jnp.sum(n_gram, axis=-2)


def reference(x, id_weight, am_weight):
    # encode: embedding gather -> ngrams
    hv = jnp.take(id_weight, x, axis=0)  # [B, L, D]
    enc = _ngrams(hv)                    # [B, D]
    # am.search: cosine similarity against class prototypes
    enc_n = enc / (jnp.linalg.norm(enc, axis=-1, keepdims=True) + 1e-12)
    am_n = am_weight / (jnp.linalg.norm(am_weight, axis=-1, keepdims=True) + 1e-12)
    return enc_n @ am_n.T  # [B, num_classes]

if __name__ == "__main__":
    import jax
    _d = setup_inputs()
    print(jax.jit(kernel)(*tuple(_d.values())))

</pallas_src>

<mosaic_0001>
#map = affine_map<(d0, d1) -> (0, 0)>
module attributes {stable_mosaic.version = 14 : i64} {
  func.func @enc_kernel(%arg0: i32, %arg1: i32, %arg2: memref<5000x2080xbf16, #tpu.memory_space<hbm>>, %arg3: memref<5000x2080xbf16, #tpu.memory_space<hbm>>, %arg4: memref<1024x20xi32, #tpu.memory_space<hbm>>, %arg5: memref<1024x10240xbf16, #tpu.memory_space<hbm>>, %arg6: memref<32x20xi32, #tpu.memory_space<vmem>>, %arg7: memref<2x20xi32, #tpu.memory_space<vmem>>, %arg8: memref<2x20x2080xbf16, #tpu.memory_space<vmem>>, %arg9: memref<2x20x2080xbf16, #tpu.memory_space<vmem>>, %arg10: memref<8x2048xbf16, #tpu.memory_space<vmem>>, %arg11: memref<!tpu.dma_semaphore, #tpu.memory_space<semaphore_mem>>, %arg12: memref<!tpu.dma_semaphore, #tpu.memory_space<semaphore_mem>>) attributes {dimension_semantics = [#tpu.dimension_semantics<core_parallel>, #tpu.dimension_semantics<subcore_parallel>], iteration_bounds = array<i64: 2, 16>, scalar_prefetch = 0 : i64, scratch_operands = 7 : i64, tpu.core_type = #tpu.core_type<sc_vector_subcore>, window_params = [{transform_indices = #map}, {transform_indices = #map}, {transform_indices = #map}, {transform_indices = #map}]} {
    %mul3A = arith.constant 2 : i32
    %mul3A_0 = arith.muli %arg1, %mul3A : i32
    %add3A = arith.addi %mul3A_0, %arg0 : i32
    %mul3A_1 = arith.constant 32 : i32
    %mul3A_2 = arith.muli %add3A, %mul3A_1 : i32
    "tpu.region"() ({
      %run_scoped3A = tpu.sem_alloc : memref<!tpu.dma_semaphore, #tpu.memory_space<semaphore_mem>>
      %dma_start3A_63 = arith.constant 0 : i32
      %dma_start3A_64 = tpu.memref_slice %arg4[%mul3A_2, %dma_start3A_63] : memref<1024x20xi32, #tpu.memory_space<hbm>> -> memref<32x20xi32, #tpu.memory_space<hbm>>
      %dma_start3A_65 = arith.constant 0 : i32
      %dma_start3A_66 = tpu.memref_slice %arg4[%mul3A_2, %dma_start3A_65] : memref<1024x20xi32, #tpu.memory_space<hbm>> -> memref<32x20xi32, #tpu.memory_space<hbm>>
      tpu.enqueue_dma source(%dma_start3A_66 : memref<32x20xi32, #tpu.memory_space<hbm>>) target(%arg6 : memref<32x20xi32, #tpu.memory_space<vmem>>) target_semaphore(%run_scoped3A : memref<!tpu.dma_semaphore, #tpu.memory_space<semaphore_mem>>)
      %dma_wait3A = arith.constant 0 : i32
      %dma_wait3A_67 = tpu.memref_slice %arg4[%mul3A_2, %dma_wait3A] : memref<1024x20xi32, #tpu.memory_space<hbm>> -> memref<32x20xi32, #tpu.memory_space<hbm>>
      %dma_wait3A_68 = arith.constant 0 : i32
      %dma_wait3A_69 = tpu.memref_slice %arg4[%mul3A_2, %dma_wait3A_68] : memref<1024x20xi32, #tpu.memory_space<hbm>> -> memref<32x20xi32, #tpu.memory_space<hbm>>
      tpu.wait_dma2 semaphore(%run_scoped3A : memref<!tpu.dma_semaphore, #tpu.memory_space<semaphore_mem>>) src(%dma_wait3A_69 : memref<32x20xi32, #tpu.memory_space<hbm>>) dst(%arg6 : memref<32x20xi32, #tpu.memory_space<vmem>>)
      tpu.yield
    }) : () -> ()
    %get3A = arith.constant 0 : i32
    %get3A_3 = arith.index_cast %get3A : i32 to index
    %get3A_4 = arith.constant 0 : index
    %get3A_5 = tpu.vector_load %arg6[%get3A_3, %get3A_4] {strides = array<i32>} : memref<32x20xi32, #tpu.memory_space<vmem>>, vector<1x16xi32>,
    %get3A_6 = vector.shape_cast %get3A_5 : vector<1x16xi32> to vector<16xi32>
    %mul3A_7 = arith.constant 5 : i32
    %mul3A_8 = vector.broadcast %mul3A_7 : i32 to vector<16xi32>
    %mul3A_9 = arith.muli %get3A_6, %mul3A_8 : vector<16xi32>
    %add3A_10 = arith.constant 0 : i32
    %add3A_11 = vector.broadcast %add3A_10 : i32 to vector<16xi32>
    %add3A_12 = arith.addi %mul3A_9, %add3A_11 : vector<16xi32>
    %swap3A = arith.constant 0 : i32
    %swap3A_13 = arith.index_cast %swap3A : i32 to index
    %swap3A_14 = arith.constant 0 : index
    %swap3A_15 = tpu.vector_load %arg7[%swap3A_13, %swap3A_14] {strides = array<i32>} : memref<2x20xi32, #tpu.memory_space<vmem>>, vector<1x16xi32>,
    %swap3A_16 = vector.shape_cast %swap3A_15 : vector<1x16xi32> to vector<16xi32>
    %swap3A_17 = vector.shape_cast %add3A_12 : vector<16xi32> to vector<1x16xi32>
    tpu.vector_store %arg7[%swap3A_13, %swap3A_14], %swap3A_17 {strides = array<i32>} : memref<2x20xi32, #tpu.memory_space<vmem>>, vector<1x16xi32>,
    %get3A_18 = arith.constant 0 : i32
    %get3A_19 = arith.index_cast %get3A_18 : i32 to index
    %get3A_20 = arith.constant 4 : index
    %get3A_21 = tpu.vector_load %arg6[%get3A_19, %get3A_20] {strides = array<i32>} : memref<32x20xi32, #tpu.memory_space<vmem>>, vector<1x16xi32>,
    %get3A_22 = vector.shape_cast %get3A_21 : vector<1x16xi32> to vector<16xi32>
    %mul3A_23 = arith.constant 5 : i32
    %mul3A_24 = vector.broadcast %mul3A_23 : i32 to vector<16xi32>
    %mul3A_25 = arith.muli %get3A_22, %mul3A_24 : vector<16xi32>
    %add3A_26 = arith.constant 0 : i32
    %add3A_27 = vector.broadcast %add3A_26 : i32 to vector<16xi32>
    %add3A_28 = arith.addi %mul3A_25, %add3A_27 : vector<16xi32>
    %swap3A_29 = arith.constant 0 : i32
    %swap3A_30 = arith.index_cast %swap3A_29 : i32 to index
    %swap3A_31 = arith.constant 4 : index
    %swap3A_32 = tpu.vector_load %arg7[%swap3A_30, %swap3A_31] {strides = array<i32>} : memref<2x20xi32, #tpu.memory_space<vmem>>, vector<1x16xi32>,
    %swap3A_33 = vector.shape_cast %swap3A_32 : vector<1x16xi32> to vector<16xi32>
    %swap3A_34 = vector.shape_cast %add3A_28 : vector<16xi32> to vector<1x16xi32>
    tpu.vector_store %arg7[%swap3A_30, %swap3A_31], %swap3A_34 {strides = array<i32>} : memref<2x20xi32, #tpu.memory_space<vmem>>, vector<1x16xi32>,
    %dma_start3A = arith.constant 0 : i32
    %dma_start3A_35 = arith.constant 0 : i32
    %dma_start3A_36 = arith.constant 0 : i32
    %dma_start3A_37 = arith.constant 0 : i32
    %dma_start3A_38 = tpu.memref_slice %arg8[%dma_start3A_35, %dma_start3A_36, %dma_start3A_37] : memref<2x20x2080xbf16, #tpu.memory_space<vmem>> -> memref<1x20x2080xbf16, #tpu.memory_space<vmem>>
    %dma_start3A_39 = tpu.memref_squeeze %dma_start3A_38 : memref<1x20x2080xbf16, #tpu.memory_space<vmem>> -> memref<20x2080xbf16, #tpu.memory_space<vmem>>
    %dma_start3A_40 = arith.constant 0 : i32
    %dma_start3A_41 = tpu.memref_slice %arg7[%dma_start3A, %dma_start3A_40] : memref<2x20xi32, #tpu.memory_space<vmem>> -> memref<1x20xi32, #tpu.memory_space<vmem>>
    %dma_start3A_42 = tpu.memref_squeeze %dma_start3A_41 : memref<1x20xi32, #tpu.memory_space<vmem>> -> memref<20xi32, #tpu.memory_space<vmem>>
    %dma_start3A_43 = arith.constant 0 : i32
    %dma_start3A_44 = arith.constant 0 : i32
    %dma_start3A_45 = tpu.memref_slice %arg2[%dma_start3A_43, %dma_start3A_44] : memref<5000x2080xbf16, #tpu.memory_space<hbm>> -> memref<5000x2080xbf16, #tpu.memory_space<hbm>>
    tpu.enqueue_indirect_dma source(%dma_start3A_45 : memref<5000x2080xbf16, #tpu.memory_space<hbm>>) target(%dma_start3A_39 : memref<20x2080xbf16, #tpu.memory_space<vmem>>) offsets(%dma_start3A_42 : memref<20xi32, #tpu.memory_space<vmem>>) semaphore(%arg11 : memref<!tpu.dma_semaphore, #tpu.memory_space<semaphore_mem>>)
    %dma_start3A_46 = arith.constant 0 : i32
    %dma_start3A_47 = arith.constant 0 : i32
    %dma_start3A_48 = arith.constant 0 : i32
    %dma_start3A_49 = arith.constant 0 : i32
    %dma_start3A_50 = tpu.memref_slice %arg9[%dma_start3A_47, %dma_start3A_48, %dma_start3A_49] : memref<2x20x2080xbf16, #tpu.memory_space<vmem>> -> memref<1x20x2080xbf16, #tpu.memory_space<vmem>>
    %dma_start3A_51 = tpu.memref_squeeze %dma_start3A_50 : memref<1x20x2080xbf16, #tpu.memory_space<vmem>> -> memref<20x2080xbf16, #tpu.memory_space<vmem>>
    %dma_start3A_52 = arith.constant 0 : i32
    %dma_start3A_53 = tpu.memref_slice %arg7[%dma_start3A_46, %dma_start3A_52] : memref<2x20xi32, #tpu.memory_space<vmem>> -> memref<1x20xi32, #tpu.memory_space<vmem>>
    %dma_start3A_54 = tpu.memref_squeeze %dma_start3A_53 : memref<1x20xi32, #tpu.memory_space<vmem>> -> memref<20xi32, #tpu.memory_space<vmem>>
    %dma_start3A_55 = arith.constant 0 : i32
    %dma_start3A_56 = arith.constant 0 : i32
    %dma_start3A_57 = tpu.memref_slice %arg3[%dma_start3A_55, %dma_start3A_56] : memref<5000x2080xbf16, #tpu.memory_space<hbm>> -> memref<5000x2080xbf16, #tpu.memory_space<hbm>>
    tpu.enqueue_indirect_dma source(%dma_start3A_57 : memref<5000x2080xbf16, #tpu.memory_space<hbm>>) target(%dma_start3A_51 : memref<20x2080xbf16, #tpu.memory_space<vmem>>) offsets(%dma_start3A_54 : memref<20xi32, #tpu.memory_space<vmem>>) semaphore(%arg11 : memref<!tpu.dma_semaphore, #tpu.memory_space<semaphore_mem>>)
    %scan3A = arith.constant 0 : i32
    %scan3A_58 = arith.constant 0 : i32
    %scan3A_59 = arith.constant 80 : i32
    %scan3A_60 = arith.addi %scan3A_58, %scan3A_59 : i32
    %scan3A_61 = arith.constant 1 : i32
    scf.for %scan3A_63 = %scan3A_58 to %scan3A_60 step %scan3A_61  : i32 {
      %jit3A = arith.constant 20 : i32
      %div3A = arith.divsi %scan3A_63, %jit3A : i32
      %sign3A = arith.constant 0 : i32
      %sign3A_64 = arith.cmpi sgt, %scan3A_63, %sign3A : i32
      %sign3A_65 = arith.extui %sign3A_64 : i1 to i32
      %sign3A_66 = arith.constant 0 : i32
      %sign3A_67 = arith.cmpi slt, %scan3A_63, %sign3A_66 : i32
      %sign3A_68 = arith.extui %sign3A_67 : i1 to i32
      %sign3A_69 = arith.subi %sign3A_65, %sign3A_68 : i32
      %sign3A_70 = arith.constant 0 : i32
      %sign3A_71 = arith.cmpi sgt, %jit3A, %sign3A_70 : i32
      %sign3A_72 = arith.extui %sign3A_71 : i1 to i32
      %sign3A_73 = arith.constant 0 : i32
      %sign3A_74 = arith.cmpi slt, %jit3A, %sign3A_73 : i32
      %sign3A_75 = arith.extui %sign3A_74 : i1 to i32
      %sign3A_76 = arith.subi %sign3A_72, %sign3A_75 : i32
      %ne3A = arith.cmpi ne, %sign3A_69, %sign3A_76 : i32
      %rem3A = arith.remsi %scan3A_63, %jit3A : i32
      %ne3A_77 = arith.constant 0 : i32
      %ne3A_78 = arith.cmpi ne, %rem3A, %ne3A_77 : i32
      %and3A = arith.andi %ne3A, %ne3A_78 : i1
      %sub3A = arith.constant 1 : i32
      %sub3A_79 = arith.subi %div3A, %sub3A : i32
      %select_n3A = arith.select %and3A, %sub3A_79, %div3A : i32
      %jit3A_80 = arith.constant 20 : i32
      %eq3A = arith.constant 0 : i32
      %eq3A_81 = arith.cmpi eq, %jit3A_80, %eq3A : i32
      %jit3A_82 = arith.constant 1 : i32
      %select_n3A_83 = arith.select %eq3A_81, %jit3A_82, %jit3A_80 : i32
      %rem3A_84 = arith.remsi %scan3A_63, %select_n3A_83 : i32
      %ne3A_85 = arith.constant 0 : i32
      %ne3A_86 = arith.cmpi ne, %rem3A_84, %ne3A_85 : i32
      %lt3A = arith.constant 0 : i32
      %lt3A_87 = arith.cmpi slt, %rem3A_84, %lt3A : i32
      %lt3A_88 = arith.constant 0 : i32
      %lt3A_89 = arith.cmpi slt, %select_n3A_83, %lt3A_88 : i32
      %ne3A_90 = arith.xori %lt3A_87, %lt3A_89 : i1
      %and3A_91 = arith.andi %ne3A_90, %ne3A_86 : i1
      %add3A_92 = arith.addi %rem3A_84, %select_n3A_83 : i32
      %select_n3A_93 = arith.select %and3A_91, %add3A_92, %rem3A_84 : i32
      %jit3A_94 = arith.constant 4 : i32
      %div3A_95 = arith.divsi %select_n3A_93, %jit3A_94 : i32
      %sign3A_96 = arith.constant 0 : i32
      %sign3A_97 = arith.cmpi sgt, %select_n3A_93, %sign3A_96 : i32
      %sign3A_98 = arith.extui %sign3A_97 : i1 to i32
      %sign3A_99 = arith.constant 0 : i32
      %sign3A_100 = arith.cmpi slt, %select_n3A_93, %sign3A_99 : i32
      %sign3A_101 = arith.extui %sign3A_100 : i1 to i32
      %sign3A_102 = arith.subi %sign3A_98, %sign3A_101 : i32
      %sign3A_103 = arith.constant 0 : i32
      %sign3A_104 = arith.cmpi sgt, %jit3A_94, %sign3A_103 : i32
      %sign3A_105 = arith.extui %sign3A_104 : i1 to i32
      %sign3A_106 = arith.constant 0 : i32
      %sign3A_107 = arith.cmpi slt, %jit3A_94, %sign3A_106 : i32
      %sign3A_108 = arith.extui %sign3A_107 : i1 to i32
      %sign3A_109 = arith.subi %sign3A_105, %sign3A_108 : i32
      %ne3A_110 = arith.cmpi ne, %sign3A_102, %sign3A_109 : i32
      %rem3A_111 = arith.remsi %select_n3A_93, %jit3A_94 : i32
      %ne3A_112 = arith.constant 0 : i32
      %ne3A_113 = arith.cmpi ne, %rem3A_111, %ne3A_112 : i32
      %and3A_114 = arith.andi %ne3A_110, %ne3A_113 : i1
      %sub3A_115 = arith.constant 1 : i32
      %sub3A_116 = arith.subi %div3A_95, %sub3A_115 : i32
      %select_n3A_117 = arith.select %and3A_114, %sub3A_116, %div3A_95 : i32
      %jit3A_118 = arith.constant 4 : i32
      %eq3A_119 = arith.constant 0 : i32
      %eq3A_120 = arith.cmpi eq, %jit3A_118, %eq3A_119 : i32
      %jit3A_121 = arith.constant 1 : i32
      %select_n3A_122 = arith.select %eq3A_120, %jit3A_121, %jit3A_118 : i32
      %rem3A_123 = arith.remsi %select_n3A_93, %select_n3A_122 : i32
      %ne3A_124 = arith.constant 0 : i32
      %ne3A_125 = arith.cmpi ne, %rem3A_123, %ne3A_124 : i32
      %lt3A_126 = arith.constant 0 : i32
      %lt3A_127 = arith.cmpi slt, %rem3A_123, %lt3A_126 : i32
      %lt3A_128 = arith.constant 0 : i32
      %lt3A_129 = arith.cmpi slt, %select_n3A_122, %lt3A_128 : i32
      %ne3A_130 = arith.xori %lt3A_127, %lt3A_129 : i1
      %and3A_131 = arith.andi %ne3A_130, %ne3A_125 : i1
      %add3A_132 = arith.addi %rem3A_123, %select_n3A_122 : i32
      %select_n3A_133 = arith.select %and3A_131, %add3A_132, %rem3A_123 : i32
      %mul3A_134 = arith.constant 2 : i32
      %mul3A_135 = arith.muli %select_n3A_133, %mul3A_134 : i32
      %mul3A_136 = arith.constant 8 : i32
      %mul3A_137 = arith.muli %select_n3A, %mul3A_136 : i32
      %add3A_138 = arith.addi %mul3A_137, %mul3A_135 : i32
      %add3A_139 = arith.constant 1 : i32
      %add3A_140 = arith.addi %add3A_138, %add3A_139 : i32
      %get3A_141 = arith.index_cast %add3A_140 : i32 to index
      %get3A_142 = arith.constant 0 : index
      %get3A_143 = tpu.vector_load %arg6[%get3A_141, %get3A_142] {strides = array<i32>} : memref<32x20xi32, #tpu.memory_space<vmem>>, vector<1x16xi32>,
      %get3A_144 = vector.shape_cast %get3A_143 : vector<1x16xi32> to vector<16xi32>
      %mul3A_145 = arith.constant 5 : i32
      %mul3A_146 = vector.broadcast %mul3A_145 : i32 to vector<16xi32>
      %mul3A_147 = arith.muli %get3A_144, %mul3A_146 : vector<16xi32>
      %add3A_148 = vector.broadcast %select_n3A_117 : i32 to vector<16xi32>
      %add3A_149 = arith.addi %mul3A_147, %add3A_148 : vector<16xi32>
      %swap3A_150 = arith.constant 1 : i32
      %swap3A_151 = arith.index_cast %swap3A_150 : i32 to index
      %swap3A_152 = arith.constant 0 : index
      %swap3A_153 = tpu.vector_load %arg7[%swap3A_151, %swap3A_152] {strides = array<i32>} : memref<2x20xi32, #tpu.memory_space<vmem>>, vector<1x16xi32>,
      %swap3A_154 = vector.shape_cast %swap3A_153 : vector<1x16xi32> to vector<16xi32>
      %swap3A_155 = vector.shape_cast %add3A_149 : vector<16xi32> to vector<1x16xi32>
      tpu.vector_store %arg7[%swap3A_151, %swap3A_152], %swap3A_155 {strides = array<i32>} : memref<2x20xi32, #tpu.memory_space<vmem>>, vector<1x16xi32>,
      %get3A_156 = arith.index_cast %add3A_140 : i32 to index
      %get3A_157 = arith.constant 4 : index
      %get3A_158 = tpu.vector_load %arg6[%get3A_156, %get3A_157] {strides = array<i32>} : memref<32x20xi32, #tpu.memory_space<vmem>>, vector<1x16xi32>,
      %get3A_159 = vector.shape_cast %get3A_158 : vector<1x16xi32> to vector<16xi32>
      %mul3A_160 = arith.constant 5 : i32
      %mul3A_161 = vector.broadcast %mul3A_160 : i32 to vector<16xi32>
      %mul3A_162 = arith.muli %get3A_159, %mul3A_161 : vector<16xi32>
      %add3A_163 = vector.broadcast %select_n3A_117 : i32 to vector<16xi32>
      %add3A_164 = arith.addi %mul3A_162, %add3A_163 : vector<16xi32>
      %swap3A_165 = arith.constant 1 : i32
      %swap3A_166 = arith.index_cast %swap3A_165 : i32 to index
      %swap3A_167 = arith.constant 4 : index
      %swap3A_168 = tpu.vector_load %arg7[%swap3A_166, %swap3A_167] {strides = array<i32>} : memref<2x20xi32, #tpu.memory_space<vmem>>, vector<1x16xi32>,
      %swap3A_169 = vector.shape_cast %swap3A_168 : vector<1x16xi32> to vector<16xi32>
      %swap3A_170 = vector.shape_cast %add3A_164 : vector<16xi32> to vector<1x16xi32>
      tpu.vector_store %arg7[%swap3A_166, %swap3A_167], %swap3A_170 {strides = array<i32>} : memref<2x20xi32, #tpu.memory_space<vmem>>, vector<1x16xi32>,
      %dma_start3A_171 = arith.constant 1 : i32
      %dma_start3A_172 = arith.constant 1 : i32
      %dma_start3A_173 = arith.constant 0 : i32
      %dma_start3A_174 = arith.constant 0 : i32
      %dma_start3A_175 = tpu.memref_slice %arg8[%dma_start3A_172, %dma_start3A_173, %dma_start3A_174] : memref<2x20x2080xbf16, #tpu.memory_space<vmem>> -> memref<1x20x2080xbf16, #tpu.memory_space<vmem>>
      %dma_start3A_176 = tpu.memref_squeeze %dma_start3A_175 : memref<1x20x2080xbf16, #tpu.memory_space<vmem>> -> memref<20x2080xbf16, #tpu.memory_space<vmem>>
      %dma_start3A_177 = arith.constant 0 : i32
      %dma_start3A_178 = tpu.memref_slice %arg7[%dma_start3A_171, %dma_start3A_177] : memref<2x20xi32, #tpu.memory_space<vmem>> -> memref<1x20xi32, #tpu.memory_space<vmem>>
      %dma_start3A_179 = tpu.memref_squeeze %dma_start3A_178 : memref<1x20xi32, #tpu.memory_space<vmem>> -> memref<20xi32, #tpu.memory_space<vmem>>
      %dma_start3A_180 = arith.constant 0 : i32
      %dma_start3A_181 = arith.constant 0 : i32
      %dma_start3A_182 = tpu.memref_slice %arg2[%dma_start3A_180, %dma_start3A_181] : memref<5000x2080xbf16, #tpu.memory_space<hbm>> -> memref<5000x2080xbf16, #tpu.memory_space<hbm>>
      tpu.enqueue_indirect_dma source(%dma_start3A_182 : memref<5000x2080xbf16, #tpu.memory_space<hbm>>) target(%dma_start3A_176 : memref<20x2080xbf16, #tpu.memory_space<vmem>>) offsets(%dma_start3A_179 : memref<20xi32, #tpu.memory_space<vmem>>) semaphore(%arg12 : memref<!tpu.dma_semaphore, #tpu.memory_space<semaphore_mem>>)
      %dma_start3A_183 = arith.constant 1 : i32
      %dma_start3A_184 = arith.constant 1 : i32
      %dma_start3A_185 = arith.constant 0 : i32
      %dma_start3A_186 = arith.constant 0 : i32
      %dma_start3A_187 = tpu.memref_slice %arg9[%dma_start3A_184, %dma_start3A_185, %dma_start3A_186] : memref<2x20x2080xbf16, #tpu.memory_space<vmem>> -> memref<1x20x2080xbf16, #tpu.memory_space<vmem>>
      %dma_start3A_188 = tpu.memref_squeeze %dma_start3A_187 : memref<1x20x2080xbf16, #tpu.memory_space<vmem>> -> memref<20x2080xbf16, #tpu.memory_space<vmem>>
      %dma_start3A_189 = arith.constant 0 : i32
      %dma_start3A_190 = tpu.memref_slice %arg7[%dma_start3A_183, %dma_start3A_189] : memref<2x20xi32, #tpu.memory_space<vmem>> -> memref<1x20xi32, #tpu.memory_space<vmem>>
      %dma_start3A_191 = tpu.memref_squeeze %dma_start3A_190 : memref<1x20xi32, #tpu.memory_space<vmem>> -> memref<20xi32, #tpu.memory_space<vmem>>
      %dma_start3A_192 = arith.constant 0 : i32
      %dma_start3A_193 = arith.constant 0 : i32
      %dma_start3A_194 = tpu.memref_slice %arg3[%dma_start3A_192, %dma_start3A_193] : memref<5000x2080xbf16, #tpu.memory_space<hbm>> -> memref<5000x2080xbf16, #tpu.memory_space<hbm>>
      tpu.enqueue_indirect_dma source(%dma_start3A_194 : memref<5000x2080xbf16, #tpu.memory_space<hbm>>) target(%dma_start3A_188 : memref<20x2080xbf16, #tpu.memory_space<vmem>>) offsets(%dma_start3A_191 : memref<20xi32, #tpu.memory_space<vmem>>) semaphore(%arg12 : memref<!tpu.dma_semaphore, #tpu.memory_space<semaphore_mem>>)
      %dma_wait3A = arith.constant 0 : i32
      %dma_wait3A_195 = arith.constant 0 : i32
      %dma_wait3A_196 = arith.constant 0 : i32
      %dma_wait3A_197 = arith.constant 0 : i32
      %dma_wait3A_198 = tpu.memref_slice %arg8[%dma_wait3A_195, %dma_wait3A_196, %dma_wait3A_197] : memref<2x20x2080xbf16, #tpu.memory_space<vmem>> -> memref<1x20x2080xbf16, #tpu.memory_space<vmem>>
      %dma_wait3A_199 = tpu.memref_squeeze %dma_wait3A_198 : memref<1x20x2080xbf16, #tpu.memory_space<vmem>> -> memref<20x2080xbf16, #tpu.memory_space<vmem>>
      %dma_wait3A_200 = arith.constant 0 : i32
      %dma_wait3A_201 = tpu.memref_slice %arg7[%dma_wait3A, %dma_wait3A_200] : memref<2x20xi32, #tpu.memory_space<vmem>> -> memref<1x20xi32, #tpu.memory_space<vmem>>
      %dma_wait3A_202 = tpu.memref_squeeze %dma_wait3A_201 : memref<1x20xi32, #tpu.memory_space<vmem>> -> memref<20xi32, #tpu.memory_space<vmem>>
      %dma_wait3A_203 = arith.constant 0 : i32
      %dma_wait3A_204 = arith.constant 0 : i32
      %dma_wait3A_205 = tpu.memref_slice %arg2[%dma_wait3A_203, %dma_wait3A_204] : memref<5000x2080xbf16, #tpu.memory_space<hbm>> -> memref<5000x2080xbf16, #tpu.memory_space<hbm>>
      tpu.wait_indirect_dma semaphore(%arg11 : memref<!tpu.dma_semaphore, #tpu.memory_space<semaphore_mem>>) src(%dma_wait3A_205 : memref<5000x2080xbf16, #tpu.memory_space<hbm>>) dst(%dma_wait3A_199 : memref<20x2080xbf16, #tpu.memory_space<vmem>>)
      %dma_wait3A_206 = arith.constant 0 : i32
      %dma_wait3A_207 = arith.constant 0 : i32
      %dma_wait3A_208 = arith.constant 0 : i32
      %dma_wait3A_209 = arith.constant 0 : i32
      %dma_wait3A_210 = tpu.memref_slice %arg9[%dma_wait3A_207, %dma_wait3A_208, %dma_wait3A_209] : memref<2x20x2080xbf16, #tpu.memory_space<vmem>> -> memref<1x20x2080xbf16, #tpu.memory_space<vmem>>
      %dma_wait3A_211 = tpu.memref_squeeze %dma_wait3A_210 : memref<1x20x2080xbf16, #tpu.memory_space<vmem>> -> memref<20x2080xbf16, #tpu.memory_space<vmem>>
      %dma_wait3A_212 = arith.constant 0 : i32
      %dma_wait3A_213 = tpu.memref_slice %arg7[%dma_wait3A_206, %dma_wait3A_212] : memref<2x20xi32, #tpu.memory_space<vmem>> -> memref<1x20xi32, #tpu.memory_space<vmem>>
      %dma_wait3A_214 = tpu.memref_squeeze %dma_wait3A_213 : memref<1x20xi32, #tpu.memory_space<vmem>> -> memref<20xi32, #tpu.memory_space<vmem>>
      %dma_wait3A_215 = arith.constant 0 : i32
      %dma_wait3A_216 = arith.constant 0 : i32
      %dma_wait3A_217 = tpu.memref_slice %arg3[%dma_wait3A_215, %dma_wait3A_216] : memref<5000x2080xbf16, #tpu.memory_space<hbm>> -> memref<5000x2080xbf16, #tpu.memory_space<hbm>>
      tpu.wait_indirect_dma semaphore(%arg11 : memref<!tpu.dma_semaphore, #tpu.memory_space<semaphore_mem>>) src(%dma_wait3A_217 : memref<5000x2080xbf16, #tpu.memory_space<hbm>>) dst(%dma_wait3A_211 : memref<20x2080xbf16, #tpu.memory_space<vmem>>)
      %broadcast_in_dim3A = arith.constant 0.000000e+00 : bf16
      %broadcast_in_dim3A_218 = vector.broadcast %broadcast_in_dim3A : bf16 to vector<32xbf16>
      %scan3A_219 = arith.constant 0 : i32
      %scan3A_220 = arith.constant 18 : i32
      %scan3A_221 = arith.addi %scan3A_219, %scan3A_220 : i32
      %scan3A_222 = arith.constant 1 : i32
      %scan3A_223:8 = scf.for %scan3A_1019 = %scan3A_219 to %scan3A_221 step %scan3A_222 iter_args(%scan3A_1020 = %broadcast_in_dim3A_218, %scan3A_1021 = %broadcast_in_dim3A_218, %scan3A_1022 = %broadcast_in_dim3A_218, %scan3A_1023 = %broadcast_in_dim3A_218, %scan3A_1024 = %broadcast_in_dim3A_218, %scan3A_1025 = %broadcast_in_dim3A_218, %scan3A_1026 = %broadcast_in_dim3A_218, %scan3A_1027 = %broadcast_in_dim3A_218) -> (vector<32xbf16>, vector<32xbf16>, vector<32xbf16>, vector<32xbf16>, vector<32xbf16>, vector<32xbf16>, vector<32xbf16>, vector<32xbf16>)  : i32 {
        %get3A_1028 = arith.constant 0 : i32
        %get3A_1029 = arith.index_cast %get3A_1028 : i32 to index
        %get3A_1030 = arith.index_cast %scan3A_1019 : i32 to index
        %get3A_1031 = arith.constant 0 : index
        %get3A_1032 = tpu.vector_load %arg8[%get3A_1029, %get3A_1030, %get3A_1031] {strides = array<i32>} : memref<2x20x2080xbf16, #tpu.memory_space<vmem>>, vector<1x1x32xbf16>,
        %get3A_1033 = vector.shape_cast %get3A_1032 : vector<1x1x32xbf16> to vector<32xbf16>
        %add3A_1034 = arith.constant 1 : i32
        %add3A_1035 = arith.addi %scan3A_1019, %add3A_1034 : i32
        %get3A_1036 = arith.constant 0 : i32
        %get3A_1037 = arith.index_cast %get3A_1036 : i32 to index
        %get3A_1038 = arith.index_cast %add3A_1035 : i32 to index
        %get3A_1039 = arith.constant 0 : index
        %get3A_1040 = tpu.vector_load %arg9[%get3A_1037, %get3A_1038, %get3A_1039] {strides = array<i32>} : memref<2x20x2080xbf16, #tpu.memory_space<vmem>>, vector<1x1x32xbf16>,
        %get3A_1041 = vector.shape_cast %get3A_1040 : vector<1x1x32xbf16> to vector<32xbf16>
        %mul3A_1042 = arith.mulf %get3A_1033, %get3A_1041 : vector<32xbf16>
        %add3A_1043 = arith.constant 2 : i32
        %add3A_1044 = arith.addi %scan3A_1019, %add3A_1043 : i32
        %get3A_1045 = arith.constant 0 : i32
        %get3A_1046 = arith.index_cast %get3A_1045 : i32 to index
        %get3A_1047 = arith.index_cast %add3A_1044 : i32 to index
        %get3A_1048 = arith.constant 2 : index
        %get3A_1049 = tpu.vector_load %arg8[%get3A_1046, %get3A_1047, %get3A_1048] {strides = array<i32>} : memref<2x20x2080xbf16, #tpu.memory_space<vmem>>, vector<1x1x32xbf16>,
        %get3A_1050 = vector.shape_cast %get3A_1049 : vector<1x1x32xbf16> to vector<32xbf16>
        %mul3A_1051 = arith.mulf %mul3A_1042, %get3A_1050 : vector<32xbf16>
        %add3A_1052 = arith.addf %scan3A_1020, %mul3A_1051 : vector<32xbf16>
        %get3A_1053 = arith.constant 0 : i32
        %get3A_1054 = arith.index_cast %get3A_1053 : i32 to index
        %get3A_1055 = arith.index_cast %scan3A_1019 : i32 to index
        %get3A_1056 = arith.constant 32 : index
        %get3A_1057 = tpu.vector_load %arg8[%get3A_1054, %get3A_1055, %get3A_1056] {strides = array<i32>} : memref<2x20x2080xbf16, #tpu.memory_space<vmem>>, vector<1x1x32xbf16>,
        %get3A_1058 = vector.shape_cast %get3A_1057 : vector<1x1x32xbf16> to vector<32xbf16>
        %add3A_1059 = arith.constant 1 : i32
        %add3A_1060 = arith.addi %scan3A_1019, %add3A_1059 : i32
        %get3A_1061 = arith.constant 0 : i32
        %get3A_1062 = arith.index_cast %get3A_1061 : i32 to index
        %get3A_1063 = arith.index_cast %add3A_1060 : i32 to index
        %get3A_1064 = arith.constant 32 : index
        %get3A_1065 = tpu.vector_load %arg9[%get3A_1062, %get3A_1063, %get3A_1064] {strides = array<i32>} : memref<2x20x2080xbf16, #tpu.memory_space<vmem>>, vector<1x1x32xbf16>,
        %get3A_1066 = vector.shape_cast %get3A_1065 : vector<1x1x32xbf16> to vector<32xbf16>
        %mul3A_1067 = arith.mulf %get3A_1058, %get3A_1066 : vector<32xbf16>
        %add3A_1068 = arith.constant 2 : i32
        %add3A_1069 = arith.addi %scan3A_1019, %add3A_1068 : i32
        %get3A_1070 = arith.constant 0 : i32
        %get3A_1071 = arith.index_cast %get3A_1070 : i32 to index
        %get3A_1072 = arith.index_cast %add3A_1069 : i32 to index
        %get3A_1073 = arith.constant 34 : index
        %get3A_1074 = tpu.vector_load %arg8[%get3A_1071, %get3A_1072, %get3A_1073] {strides = array<i32>} : memref<2x20x2080xbf16, #tpu.memory_space<vmem>>, vector<1x1x32xbf16>,
        %get3A_1075 = vector.shape_cast %get3A_1074 : vector<1x1x32xbf16> to vector<32xbf16>
        %mul3A_1076 = arith.mulf %mul3A_1067, %get3A_1075 : vector<32xbf16>
        %add3A_1077 = arith.addf %scan3A_1021, %mul3A_1076 : vector<32xbf16>
        %get3A_1078 = arith.constant 0 : i32
        %get3A_1079 = arith.index_cast %get3A_1078 : i32 to index
        %get3A_1080 = arith.index_cast %scan3A_1019 : i32 to index
        %get3A_1081 = arith.constant 64 : index
        %get3A_1082 = tpu.vector_load %arg8[%get3A_1079, %get3A_1080, %get3A_1081] {strides = array<i32>} : memref<2x20x2080xbf16, #tpu.memory_space<vmem>>, vector<1x1x32xbf16>,
        %get3A_1083 = vector.shape_cast %get3A_1082 : vector<1x1x32xbf16> to vector<32xbf16>
        %add3A_1084 = arith.constant 1 : i32
        %add3A_1085 = arith.addi %scan3A_1019, %add3A_1084 : i32
        %get3A_1086 = arith.constant 0 : i32
        %get3A_1087 = arith.index_cast %get3A_1086 : i32 to index
        %get3A_1088 = arith.index_cast %add3A_1085 : i32 to index
        %get3A_1089 = arith.constant 64 : index
        %get3A_1090 = tpu.vector_load %arg9[%get3A_1087, %get3A_1088, %get3A_1089] {strides = array<i32>} : memref<2x20x2080xbf16, #tpu.memory_space<vmem>>, vector<1x1x32xbf16>,
        %get3A_1091 = vector.shape_cast %get3A_1090 : vector<1x1x32xbf16> to vector<32xbf16>
        %mul3A_1092 = arith.mulf %get3A_1083, %get3A_1091 : vector<32xbf16>
        %add3A_1093 = arith.constant 2 : i32
        %add3A_1094 = arith.addi %scan3A_1019, %add3A_1093 : i32
        %get3A_1095 = arith.constant 0 : i32
        %get3A_1096 = arith.index_cast %get3A_1095 : i32 to index
        %get3A_1097 = arith.index_cast %add3A_1094 : i32 to index
        %get3A_1098 = arith.constant 66 : index
        %get3A_1099 = tpu.vector_load %arg8[%get3A_1096, %get3A_1097, %get3A_1098] {strides = array<i32>} : memref<2x20x2080xbf16, #tpu.memory_space<vmem>>, vector<1x1x32xbf16>,
        %get3A_1100 = vector.shape_cast %get3A_1099 : vector<1x1x32xbf16> to vector<32xbf16>
        %mul3A_1101 = arith.mulf %mul3A_1092, %get3A_1100 : vector<32xbf16>
        %add3A_1102 = arith.addf %scan3A_1022, %mul3A_1101 : vector<32xbf16>
        %get3A_1103 = arith.constant 0 : i32
        %get3A_1104 = arith.index_cast %get3A_1103 : i32 to index
        %get3A_1105 = arith.index_cast %scan3A_1019 : i32 to index
        %get3A_1106 = arith.constant 96 : index
        %get3A_1107 = tpu.vector_load %arg8[%get3A_1104, %get3A_1105, %get3A_1106] {strides = array<i32>} : memref<2x20x2080xbf16, #tpu.memory_space<vmem>>, vector<1x1x32xbf16>,
        %get3A_1108 = vector.shape_cast %get3A_1107 : vector<1x1x32xbf16> to vector<32xbf16>
        %add3A_1109 = arith.constant 1 : i32
        %add3A_1110 = arith.addi %scan3A_1019, %add3A_1109 : i32
        %get3A_1111 = arith.constant 0 : i32
        %get3A_1112 = arith.index_cast %get3A_1111 : i32 to index
        %get3A_1113 = arith.index_cast %add3A_1110 : i32 to index
        %get3A_1114 = arith.constant 96 : index
        %get3A_1115 = tpu.vector_load %arg9[%get3A_1112, %get3A_1113, %get3A_1114] {strides = array<i32>} : memref<2x20x2080xbf16, #tpu.memory_space<vmem>>, vector<1x1x32xbf16>,
        %get3A_1116 = vector.shape_cast %get3A_1115 : vector<1x1x32xbf16> to vector<32xbf16>
        %mul3A_1117 = arith.mulf %get3A_1108, %get3A_1116 : vector<32xbf16>
        %add3A_1118 = arith.constant 2 : i32
        %add3A_1119 = arith.addi %scan3A_1019, %add3A_1118 : i32
        %get3A_1120 = arith.constant 0 : i32
        %get3A_1121 = arith.index_cast %get3A_1120 : i32 to index
        %get3A_1122 = arith.index_cast %add3A_1119 : i32 to index
        %get3A_1123 = arith.constant 98 : index
        %get3A_1124 = tpu.vector_load %arg8[%get3A_1121, %get3A_1122, %get3A_1123] {strides = array<i32>} : memref<2x20x2080xbf16, #tpu.memory_space<vmem>>, vector<1x1x32xbf16>,
        %get3A_1125 = vector.shape_cast %get3A_1124 : vector<1x1x32xbf16> to vector<32xbf16>
        %mul3A_1126 = arith.mulf %mul3A_1117, %get3A_1125 : vector<32xbf16>
        %add3A_1127 = arith.addf %scan3A_1023, %mul3A_1126 : vector<32xbf16>
        %get3A_1128 = arith.constant 0 : i32
        %get3A_1129 = arith.index_cast %get3A_1128 : i32 to index
        %get3A_1130 = arith.index_cast %scan3A_1019 : i32 to index
        %get3A_1131 = arith.constant 128 : index
        %get3A_1132 = tpu.vector_load %arg8[%get3A_1129, %get3A_1130, %get3A_1131] {strides = array<i32>} : memref<2x20x2080xbf16, #tpu.memory_space<vmem>>, vector<1x1x32xbf16>,
        %get3A_1133 = vector.shape_cast %get3A_1132 : vector<1x1x32xbf16> to vector<32xbf16>
        %add3A_1134 = arith.constant 1 : i32
        %add3A_1135 = arith.addi %scan3A_1019, %add3A_1134 : i32
        %get3A_1136 = arith.constant 0 : i32
        %get3A_1137 = arith.index_cast %get3A_1136 : i32 to index
        %get3A_1138 = arith.index_cast %add3A_1135 : i32 to index
        %get3A_1139 = arith.constant 128 : index
        %get3A_1140 = tpu.vector_load %arg9[%get3A_1137, %get3A_1138, %get3A_1139] {strides = array<i32>} : memref<2x20x2080xbf16, #tpu.memory_space<vmem>>, vector<1x1x32xbf16>,
        %get3A_1141 = vector.shape_cast %get3A_1140 : vector<1x1x32xbf16> to vector<32xbf16>
        %mul3A_1142 = arith.mulf %get3A_1133, %get3A_1141 : vector<32xbf16>
        %add3A_1143 = arith.constant 2 : i32
        %add3A_1144 = arith.addi %scan3A_1019, %add3A_1143 : i32
        %get3A_1145 = arith.constant 0 : i32
        %get3A_1146 = arith.index_cast %get3A_1145 : i32 to index
        %get3A_1147 = arith.index_cast %add3A_1144 : i32 to index
        %get3A_1148 = arith.constant 130 : index
        %get3A_1149 = tpu.vector_load %arg8[%get3A_1146, %get3A_1147, %get3A_1148] {strides = array<i32>} : memref<2x20x2080xbf16, #tpu.memory_space<vmem>>, vector<1x1x32xbf16>,
        %get3A_1150 = vector.shape_cast %get3A_1149 : vector<1x1x32xbf16> to vector<32xbf16>
        %mul3A_1151 = arith.mulf %mul3A_1142, %get3A_1150 : vector<32xbf16>
        %add3A_1152 = arith.addf %scan3A_1024, %mul3A_1151 : vector<32xbf16>
        %get3A_1153 = arith.constant 0 : i32
        %get3A_1154 = arith.index_cast %get3A_1153 : i32 to index
        %get3A_1155 = arith.index_cast %scan3A_1019 : i32 to index
        %get3A_1156 = arith.constant 160 : index
        %get3A_1157 = tpu.vector_load %arg8[%get3A_1154, %get3A_1155, %get3A_1156] {strides = array<i32>} : memref<2x20x2080xbf16, #tpu.memory_space<vmem>>, vector<1x1x32xbf16>,
        %get3A_1158 = vector.shape_cast %get3A_1157 : vector<1x1x32xbf16> to vector<32xbf16>
        %add3A_1159 = arith.constant 1 : i32
        %add3A_1160 = arith.addi %scan3A_1019, %add3A_1159 : i32
        %get3A_1161 = arith.constant 0 : i32
        %get3A_1162 = arith.index_cast %get3A_1161 : i32 to index
        %get3A_1163 = arith.index_cast %add3A_1160 : i32 to index
        %get3A_1164 = arith.constant 160 : index
        %get3A_1165 = tpu.vector_load %arg9[%get3A_1162, %get3A_1163, %get3A_1164] {strides = array<i32>} : memref<2x20x2080xbf16, #tpu.memory_space<vmem>>, vector<1x1x32xbf16>,
        %get3A_1166 = vector.shape_cast %get3A_1165 : vector<1x1x32xbf16> to vector<32xbf16>
        %mul3A_1167 = arith.mulf %get3A_1158, %get3A_1166 : vector<32xbf16>
        %add3A_1168 = arith.constant 2 : i32
        %add3A_1169 = arith.addi %scan3A_1019, %add3A_1168 : i32
        %get3A_1170 = arith.constant 0 : i32
        %get3A_1171 = arith.index_cast %get3A_1170 : i32 to index
        %get3A_1172 = arith.index_cast %add3A_1169 : i32 to index
        %get3A_1173 = arith.constant 162 : index
        %get3A_1174 = tpu.vector_load %arg8[%get3A_1171, %get3A_1172, %get3A_1173] {strides = array<i32>} : memref<2x20x2080xbf16, #tpu.memory_space<vmem>>, vector<1x1x32xbf16>,
        %get3A_1175 = vector.shape_cast %get3A_1174 : vector<1x1x32xbf16> to vector<32xbf16>
        %mul3A_1176 = arith.mulf %mul3A_1167, %get3A_1175 : vector<32xbf16>
        %add3A_1177 = arith.addf %scan3A_1025, %mul3A_1176 : vector<32xbf16>
        %get3A_1178 = arith.constant 0 : i32
        %get3A_1179 = arith.index_cast %get3A_1178 : i32 to index
        %get3A_1180 = arith.index_cast %scan3A_1019 : i32 to index
        %get3A_1181 = arith.constant 192 : index
        %get3A_1182 = tpu.vector_load %arg8[%get3A_1179, %get3A_1180, %get3A_1181] {strides = array<i32>} : memref<2x20x2080xbf16, #tpu.memory_space<vmem>>, vector<1x1x32xbf16>,
        %get3A_1183 = vector.shape_cast %get3A_1182 : vector<1x1x32xbf16> to vector<32xbf16>
        %add3A_1184 = arith.constant 1 : i32
        %add3A_1185 = arith.addi %scan3A_1019, %add3A_1184 : i32
        %get3A_1186 = arith.constant 0 : i32
        %get3A_1187 = arith.index_cast %get3A_1186 : i32 to index
        %get3A_1188 = arith.index_cast %add3A_1185 : i32 to index
        %get3A_1189 = arith.constant 192 : index
        %get3A_1190 = tpu.vector_load %arg9[%get3A_1187, %get3A_1188, %get3A_1189] {strides = array<i32>} : memref<2x20x2080xbf16, #tpu.memory_space<vmem>>, vector<1x1x32xbf16>,
        %get3A_1191 = vector.shape_cast %get3A_1190 : vector<1x1x32xbf16> to vector<32xbf16>
        %mul3A_1192 = arith.mulf %get3A_1183, %get3A_1191 : vector<32xbf16>
        %add3A_1193 = arith.constant 2 : i32
        %add3A_1194 = arith.addi %scan3A_1019, %add3A_1193 : i32
        %get3A_1195 = arith.constant 0 : i32
        %get3A_1196 = arith.index_cast %get3A_1195 : i32 to index
        %get3A_1197 = arith.index_cast %add3A_1194 : i32 to index
        %get3A_1198 = arith.constant 194 : index
        %get3A_1199 = tpu.vector_load %arg8[%get3A_1196, %get3A_1197, %get3A_1198] {strides = array<i32>} : memref<2x20x2080xbf16, #tpu.memory_space<vmem>>, vector<1x1x32xbf16>,
        %get3A_1200 = vector.shape_cast %get3A_1199 : vector<1x1x32xbf16> to vector<32xbf16>
        %mul3A_1201 = arith.mulf %mul3A_1192, %get3A_1200 : vector<32xbf16>
        %add3A_1202 = arith.addf %scan3A_1026, %mul3A_1201 : vector<32xbf16>
        %get3A_1203 = arith.constant 0 : i32
        %get3A_1204 = arith.index_cast %get3A_1203 : i32 to index
        %get3A_1205 = arith.index_cast %scan3A_1019 : i32 to index
        %get3A_1206 = arith.constant 224 : index
        %get3A_1207 = tpu.vector_load %arg8[%get3A_1204, %get3A_1205, %get3A_1206] {strides = array<i32>} : memref<2x20x2080xbf16, #tpu.memory_space<vmem>>, vector<1x1x32xbf16>,
        %get3A_1208 = vector.shape_cast %get3A_1207 : vector<1x1x32xbf16> to vector<32xbf16>
        %add3A_1209 = arith.constant 1 : i32
        %add3A_1210 = arith.addi %scan3A_1019, %add3A_1209 : i32
        %get3A_1211 = arith.constant 0 : i32
        %get3A_1212 = arith.index_cast %get3A_1211 : i32 to index
        %get3A_1213 = arith.index_cast %add3A_1210 : i32 to index
        %get3A_1214 = arith.constant 224 : index
        %get3A_1215 = tpu.vector_load %arg9[%get3A_1212, %get3A_1213, %get3A_1214] {strides = array<i32>} : memref<2x20x2080xbf16, #tpu.memory_space<vmem>>, vector<1x1x32xbf16>,
        %get3A_1216 = vector.shape_cast %get3A_1215 : vector<1x1x32xbf16> to vector<32xbf16>
        %mul3A_1217 = arith.mulf %get3A_1208, %get3A_1216 : vector<32xbf16>
        %add3A_1218 = arith.constant 2 : i32
        %add3A_1219 = arith.addi %scan3A_1019, %add3A_1218 : i32
        %get3A_1220 = arith.constant 0 : i32
        %get3A_1221 = arith.index_cast %get3A_1220 : i32 to index
        %get3A_1222 = arith.index_cast %add3A_1219 : i32 to index
        %get3A_1223 = arith.constant 226 : index
        %get3A_1224 = tpu.vector_load %arg8[%get3A_1221, %get3A_1222, %get3A_1223] {strides = array<i32>} : memref<2x20x2080xbf16, #tpu.memory_space<vmem>>, vector<1x1x32xbf16>,
        %get3A_1225 = vector.shape_cast %get3A_1224 : vector<1x1x32xbf16> to vector<32xbf16>
        %mul3A_1226 = arith.mulf %mul3A_1217, %get3A_1225 : vector<32xbf16>
        %add3A_1227 = arith.addf %scan3A_1027, %mul3A_1226 : vector<32xbf16>
        scf.yield %add3A_1052, %add3A_1077, %add3A_1102, %add3A_1127, %add3A_1152, %add3A_1177, %add3A_1202, %add3A_1227 : vector<32xbf16>, vector<32xbf16>, vector<32xbf16>, vector<32xbf16>, vector<32xbf16>, vector<32xbf16>, vector<32xbf16>, vector<32xbf16>
      }
      %scan3A_224 = arith.constant 18 : i32
      %swap3A_225 = arith.index_cast %mul3A_135 : i32 to index
      %swap3A_226 = arith.constant 0 : index
      %swap3A_227 = tpu.vector_load %arg10[%swap3A_225, %swap3A_226] {strides = array<i32>} : memref<8x2048xbf16, #tpu.memory_space<vmem>>, vector<1x32xbf16>,
      %swap3A_228 = vector.shape_cast %swap3A_227 : vector<1x32xbf16> to vector<32xbf16>
      %swap3A_229 = vector.shape_cast %scan3A_223#0 : vector<32xbf16> to vector<1x32xbf16>
      tpu.vector_store %arg10[%swap3A_225, %swap3A_226], %swap3A_229 {strides = array<i32>} : memref<8x2048xbf16, #tpu.memory_space<vmem>>, vector<1x32xbf16>,
      %swap3A_230 = arith.index_cast %mul3A_135 : i32 to index
      %swap3A_231 = arith.constant 32 : index
      %swap3A_232 = tpu.vector_load %arg10[%swap3A_230, %swap3A_231] {strides = array<i32>} : memref<8x2048xbf16, #tpu.memory_space<vmem>>, vector<1x32xbf16>,
      %swap3A_233 = vector.shape_cast %swap3A_232 : vector<1x32xbf16> to vector<32xbf16>
      %swap3A_234 = vector.shape_cast %scan3A_223#1 : vector<32xbf16> to vector<1x32xbf16>
      tpu.vector_store %arg10[%swap3A_230, %swap3A_231], %swap3A_234 {strides = array<i32>} : memref<8x2048xbf16, #tpu.memory_space<vmem>>, vector<1x32xbf16>,
      %swap3A_235 = arith.index_cast %mul3A_135 : i32 to index
      %swap3A_236 = arith.constant 64 : index
      %swap3A_237 = tpu.vector_load %arg10[%swap3A_235, %swap3A_236] {strides = array<i32>} : memref<8x2048xbf16, #tpu.memory_space<vmem>>, vector<1x32xbf16>,
      %swap3A_238 = vector.shape_cast %swap3A_237 : vector<1x32xbf16> to vector<32xbf16>
      %swap3A_239 = vector.shape_cast %scan3A_223#2 : vector<32xbf16> to vector<1x32xbf16>
      tpu.vector_store %arg10[%swap3A_235, %swap3A_236], %swap3A_239 {strides = array<i32>} : memref<8x2048xbf16, #tpu.memory_space<vmem>>, vector<1x32xbf16>,
      %swap3A_240 = arith.index_cast %mul3A_135 : i32 to index
      %swap3A_241 = arith.constant 96 : index
      %swap3A_242 = tpu.vector_load %arg10[%swap3A_240, %swap3A_241] {strides = array<i32>} : memref<8x2048xbf16, #tpu.memory_space<vmem>>, vector<1x32xbf16>,
      %swap3A_243 = vector.shape_cast %swap3A_242 : vector<1x32xbf16> to vector<32xbf16>
      %swap3A_244 = vector.shape_cast %scan3A_223#3 : vector<32xbf16> to vector<1x32xbf16>
      tpu.vector_store %arg10[%swap3A_240, %swap3A_241], %swap3A_244 {strides = array<i32>} : memref<8x2048xbf16, #tpu.memory_space<vmem>>, vector<1x32xbf16>,
      %swap3A_245 = arith.index_cast %mul3A_135 : i32 to index
      %swap3A_246 = arith.constant 128 : index
      %swap3A_247 = tpu.vector_load %arg10[%swap3A_245, %swap3A_246] {strides = array<i32>} : memref<8x2048xbf16, #tpu.memory_space<vmem>>, vector<1x32xbf16>,
      %swap3A_248 = vector.shape_cast %swap3A_247 : vector<1x32xbf16> to vector<32xbf16>
      %swap3A_249 = vector.shape_cast %scan3A_223#4 : vector<32xbf16> to vector<1x32xbf16>
      tpu.vector_store %arg10[%swap3A_245, %swap3A_246], %swap3A_249 {strides = array<i32>} : memref<8x2048xbf16, #tpu.memory_space<vmem>>, vector<1x32xbf16>,
      %swap3A_250 = arith.index_cast %mul3A_135 : i32 to index
      %swap3A_251 = arith.constant 160 : index
      %swap3A_252 = tpu.vector_load %arg10[%swap3A_250, %swap3A_251] {strides = array<i32>} : memref<8x2048xbf16, #tpu.memory_space<vmem>>, vector<1x32xbf16>,
      %swap3A_253 = vector.shape_cast %swap3A_252 : vector<1x32xbf16> to vector<32xbf16>
      %swap3A_254 = vector.shape_cast %scan3A_223#5 : vector<32xbf16> to vector<1x32xbf16>
      tpu.vector_store %arg10[%swap3A_250, %swap3A_251], %swap3A_254 {strides = array<i32>} : memref<8x2048xbf16, #tpu.memory_space<vmem>>, vector<1x32xbf16>,
      %swap3A_255 = arith.index_cast %mul3A_135 : i32 to index
      %swap3A_256 = arith.constant 192 : index
      %swap3A_257 = tpu.vector_load %arg10[%swap3A_255, %swap3A_256] {strides = array<i32>} : memref<8x2048xbf16, #tpu.memory_space<vmem>>, vector<1x32xbf16>,
      %swap3A_258 = vector.shape_cast %swap3A_257 : vector<1x32xbf16> to vector<32xbf16>
      %swap3A_259 = vector.shape_cast %scan3A_223#6 : vector<32xbf16> to vector<1x32xbf16>
      tpu.vector_store %arg10[%swap3A_255, %swap3A_256], %swap3A_259 {strides = array<i32>} : memref<8x2048xbf16, #tpu.memory_space<vmem>>, vector<1x32xbf16>,
      %swap3A_260 = arith.index_cast %mul3A_135 : i32 to index
      %swap3A_261 = arith.constant 224 : index
      %swap3A_262 = tpu.vector_load %arg10[%swap3A_260, %swap3A_261] {strides = array<i32>} : memref<8x2048xbf16, #tpu.memory_space<vmem>>, vector<1x32xbf16>,
      %swap3A_263 = vector.shape_cast %swap3A_262 : vector<1x32xbf16> to vector<32xbf16>
      %swap3A_264 = vector.shape_cast %scan3A_223#7 : vector<32xbf16> to vector<1x32xbf16>
      tpu.vector_store %arg10[%swap3A_260, %swap3A_261], %swap3A_264 {strides = array<i32>} : memref<8x2048xbf16, #tpu.memory_space<vmem>>, vector<1x32xbf16>,
      %broadcast_in_dim3A_265 = arith.constant 0.000000e+00 : bf16
      %broadcast_in_dim3A_266 = vector.broadcast %broadcast_in_dim3A_265 : bf16 to vector<32xbf16>
      %scan3A_267 = arith.constant 0 : i32
      %scan3A_268 = arith.constant 18 : i32
      %scan3A_269 = arith.addi %scan3A_267, %scan3A_268 : i32
      %scan3A_270 = arith.constant 1 : i32
      %scan3A_271:8 = scf.for %scan3A_1019 = %scan3A_267 to %scan3A_269 step %scan3A_270 iter_args(%scan3A_1020 = %broadcast_in_dim3A_266, %scan3A_1021 = %broadcast_in_dim3A_266, %scan3A_1022 = %broadcast_in_dim3A_266, %scan3A_1023 = %broadcast_in_dim3A_266, %scan3A_1024 = %broadcast_in_dim3A_266, %scan3A_1025 = %broadcast_in_dim3A_266, %scan3A_1026 = %broadcast_in_dim3A_266, %scan3A_1027 = %broadcast_in_dim3A_266) -> (vector<32xbf16>, vector<32xbf16>, vector<32xbf16>, vector<32xbf16>, vector<32xbf16>, vector<32xbf16>, vector<32xbf16>, vector<32xbf16>)  : i32 {
        %get3A_1028 = arith.constant 0 : i32
        %get3A_1029 = arith.index_cast %get3A_1028 : i32 to index
        %get3A_1030 = arith.index_cast %scan3A_1019 : i32 to index
        %get3A_1031 = arith.constant 256 : index
        %get3A_1032 = tpu.vector_load %arg8[%get3A_1029, %get3A_1030, %get3A_1031] {strides = array<i32>} : memref<2x20x2080xbf16, #tpu.memory_space<vmem>>, vector<1x1x32xbf16>,
        %get3A_1033 = vector.shape_cast %get3A_1032 : vector<1x1x32xbf16> to vector<32xbf16>
        %add3A_1034 = arith.constant 1 : i32
        %add3A_1035 = arith.addi %scan3A_1019, %add3A_1034 : i32
        %get3A_1036 = arith.constant 0 : i32
        %get3A_1037 = arith.index_cast %get3A_1036 : i32 to index
        %get3A_1038 = arith.index_cast %add3A_1035 : i32 to index
        %get3A_1039 = arith.constant 256 : index
        %get3A_1040 = tpu.vector_load %arg9[%get3A_1037, %get3A_1038, %get3A_1039] {strides = array<i32>} : memref<2x20x2080xbf16, #tpu.memory_space<vmem>>, vector<1x1x32xbf16>,
        %get3A_1041 = vector.shape_cast %get3A_1040 : vector<1x1x32xbf16> to vector<32xbf16>
        %mul3A_1042 = arith.mulf %get3A_1033, %get3A_1041 : vector<32xbf16>
        %add3A_1043 = arith.constant 2 : i32
        %add3A_1044 = arith.addi %scan3A_1019, %add3A_1043 : i32
        %get3A_1045 = arith.constant 0 : i32
        %get3A_1046 = arith.index_cast %get3A_1045 : i32 to index
        %get3A_1047 = arith.index_cast %add3A_1044 : i32 to index
        %get3A_1048 = arith.constant 258 : index
        %get3A_1049 = tpu.vector_load %arg8[%get3A_1046, %get3A_1047, %get3A_1048] {strides = array<i32>} : memref<2x20x2080xbf16, #tpu.memory_space<vmem>>, vector<1x1x32xbf16>,
        %get3A_1050 = vector.shape_cast %get3A_1049 : vector<1x1x32xbf16> to vector<32xbf16>
        %mul3A_1051 = arith.mulf %mul3A_1042, %get3A_1050 : vector<32xbf16>
        %add3A_1052 = arith.addf %scan3A_1020, %mul3A_1051 : vector<32xbf16>
        %get3A_1053 = arith.constant 0 : i32
        %get3A_1054 = arith.index_cast %get3A_1053 : i32 to index
        %get3A_1055 = arith.index_cast %scan3A_1019 : i32 to index
        %get3A_1056 = arith.constant 288 : index
        %get3A_1057 = tpu.vector_load %arg8[%get3A_1054, %get3A_1055, %get3A_1056] {strides = array<i32>} : memref<2x20x2080xbf16, #tpu.memory_space<vmem>>, vector<1x1x32xbf16>,
        %get3A_1058 = vector.shape_cast %get3A_1057 : vector<1x1x32xbf16> to vector<32xbf16>
        %add3A_1059 = arith.constant 1 : i32
        %add3A_1060 = arith.addi %scan3A_1019, %add3A_1059 : i32
        %get3A_1061 = arith.constant 0 : i32
        %get3A_1062 = arith.index_cast %get3A_1061 : i32 to index
        %get3A_1063 = arith.index_cast %add3A_1060 : i32 to index
        %get3A_1064 = arith.constant 288 : index
        %get3A_1065 = tpu.vector_load %arg9[%get3A_1062, %get3A_1063, %get3A_1064] {strides = array<i32>} : memref<2x20x2080xbf16, #tpu.memory_space<vmem>>, vector<1x1x32xbf16>,
        %get3A_1066 = vector.shape_cast %get3A_1065 : vector<1x1x32xbf16> to vector<32xbf16>
        %mul3A_1067 = arith.mulf %get3A_1058, %get3A_1066 : vector<32xbf16>
        %add3A_1068 = arith.constant 2 : i32
        %add3A_1069 = arith.addi %scan3A_1019, %add3A_1068 : i32
        %get3A_1070 = arith.constant 0 : i32
        %get3A_1071 = arith.index_cast %get3A_1070 : i32 to index
        %get3A_1072 = arith.index_cast %add3A_1069 : i32 to index
        %get3A_1073 = arith.constant 290 : index
        %get3A_1074 = tpu.vector_load %arg8[%get3A_1071, %get3A_1072, %get3A_1073] {strides = array<i32>} : memref<2x20x2080xbf16, #tpu.memory_space<vmem>>, vector<1x1x32xbf16>,
        %get3A_1075 = vector.shape_cast %get3A_1074 : vector<1x1x32xbf16> to vector<32xbf16>
        %mul3A_1076 = arith.mulf %mul3A_1067, %get3A_1075 : vector<32xbf16>
        %add3A_1077 = arith.addf %scan3A_1021, %mul3A_1076 : vector<32xbf16>
        %get3A_1078 = arith.constant 0 : i32
        %get3A_1079 = arith.index_cast %get3A_1078 : i32 to index
        %get3A_1080 = arith.index_cast %scan3A_1019 : i32 to index
        %get3A_1081 = arith.constant 320 : index
        %get3A_1082 = tpu.vector_load %arg8[%get3A_1079, %get3A_1080, %get3A_1081] {strides = array<i32>} : memref<2x20x2080xbf16, #tpu.memory_space<vmem>>, vector<1x1x32xbf16>,
        %get3A_1083 = vector.shape_cast %get3A_1082 : vector<1x1x32xbf16> to vector<32xbf16>
        %add3A_1084 = arith.constant 1 : i32
        %add3A_1085 = arith.addi %scan3A_1019, %add3A_1084 : i32
        %get3A_1086 = arith.constant 0 : i32
        %get3A_1087 = arith.index_cast %get3A_1086 : i32 to index
        %get3A_1088 = arith.index_cast %add3A_1085 : i32 to index
        %get3A_1089 = arith.constant 320 : index
        %get3A_1090 = tpu.vector_load %arg9[%get3A_1087, %get3A_1088, %get3A_1089] {strides = array<i32>} : memref<2x20x2080xbf16, #tpu.memory_space<vmem>>, vector<1x1x32xbf16>,
        %get3A_1091 = vector.shape_cast %get3A_1090 : vector<1x1x32xbf16> to vector<32xbf16>
        %mul3A_1092 = arith.mulf %get3A_1083, %get3A_1091 : vector<32xbf16>
        %add3A_1093 = arith.constant 2 : i32
        %add3A_1094 = arith.addi %scan3A_1019, %add3A_1093 : i32
        %get3A_1095 = arith.constant 0 : i32
        %get3A_1096 = arith.index_cast %get3A_1095 : i32 to index
        %get3A_1097 = arith.index_cast %add3A_1094 : i32 to index
        %get3A_1098 = arith.constant 322 : index
        %get3A_1099 = tpu.vector_load %arg8[%get3A_1096, %get3A_1097, %get3A_1098] {strides = array<i32>} : memref<2x20x2080xbf16, #tpu.memory_space<vmem>>, vector<1x1x32xbf16>,
        %get3A_1100 = vector.shape_cast %get3A_1099 : vector<1x1x32xbf16> to vector<32xbf16>
        %mul3A_1101 = arith.mulf %mul3A_1092, %get3A_1100 : vector<32xbf16>
        %add3A_1102 = arith.addf %scan3A_1022, %mul3A_1101 : vector<32xbf16>
        %get3A_1103 = arith.constant 0 : i32
        %get3A_1104 = arith.index_cast %get3A_1103 : i32 to index
        %get3A_1105 = arith.index_cast %scan3A_1019 : i32 to index
        %get3A_1106 = arith.constant 352 : index
        %get3A_1107 = tpu.vector_load %arg8[%get3A_1104, %get3A_1105, %get3A_1106] {strides = array<i32>} : memref<2x20x2080xbf16, #tpu.memory_space<vmem>>, vector<1x1x32xbf16>,
        %get3A_1108 = vector.shape_cast %get3A_1107 : vector<1x1x32xbf16> to vector<32xbf16>
        %add3A_1109 = arith.constant 1 : i32
        %add3A_1110 = arith.addi %scan3A_1019, %add3A_1109 : i32
        %get3A_1111 = arith.constant 0 : i32
        %get3A_1112 = arith.index_cast %get3A_1111 : i32 to index
        %get3A_1113 = arith.index_cast %add3A_1110 : i32 to index
        %get3A_1114 = arith.constant 352 : index
        %get3A_1115 = tpu.vector_load %arg9[%get3A_1112, %get3A_1113, %get3A_1114] {strides = array<i32>} : memref<2x20x2080xbf16, #tpu.memory_space<vmem>>, vector<1x1x32xbf16>,
        %get3A_1116 = vector.shape_cast %get3A_1115 : vector<1x1x32xbf16> to vector<32xbf16>
        %mul3A_1117 = arith.mulf %get3A_1108, %get3A_1116 : vector<32xbf16>
        %add3A_1118 = arith.constant 2 : i32
        %add3A_1119 = arith.addi %scan3A_1019, %add3A_1118 : i32
        %get3A_1120 = arith.constant 0 : i32
        %get3A_1121 = arith.index_cast %get3A_1120 : i32 to index
        %get3A_1122 = arith.index_cast %add3A_1119 : i32 to index
        %get3A_1123 = arith.constant 354 : index
        %get3A_1124 = tpu.vector_load %arg8[%get3A_1121, %get3A_1122, %get3A_1123] {strides = array<i32>} : memref<2x20x2080xbf16, #tpu.memory_space<vmem>>, vector<1x1x32xbf16>,
        %get3A_1125 = vector.shape_cast %get3A_1124 : vector<1x1x32xbf16> to vector<32xbf16>
        %mul3A_1126 = arith.mulf %mul3A_1117, %get3A_1125 : vector<32xbf16>
        %add3A_1127 = arith.addf %scan3A_1023, %mul3A_1126 : vector<32xbf16>
        %get3A_1128 = arith.constant 0 : i32
        %get3A_1129 = arith.index_cast %get3A_1128 : i32 to index
        %get3A_1130 = arith.index_cast %scan3A_1019 : i32 to index
        %get3A_1131 = arith.constant 384 : index
        %get3A_1132 = tpu.vector_load %arg8[%get3A_1129, %get3A_1130, %get3A_1131] {strides = array<i32>} : memref<2x20x2080xbf16, #tpu.memory_space<vmem>>, vector<1x1x32xbf16>,
        %get3A_1133 = vector.shape_cast %get3A_1132 : vector<1x1x32xbf16> to vector<32xbf16>
        %add3A_1134 = arith.constant 1 : i32
        %add3A_1135 = arith.addi %scan3A_1019, %add3A_1134 : i32
        %get3A_1136 = arith.constant 0 : i32
        %get3A_1137 = arith.index_cast %get3A_1136 : i32 to index
        %get3A_1138 = arith.index_cast %add3A_1135 : i32 to index
        %get3A_1139 = arith.constant 384 : index
        %get3A_1140 = tpu.vector_load %arg9[%get3A_1137, %get3A_1138, %get3A_1139] {strides = array<i32>} : memref<2x20x2080xbf16, #tpu.memory_space<vmem>>, vector<1x1x32xbf16>,
        %get3A_1141 = vector.shape_cast %get3A_1140 : vector<1x1x32xbf16> to vector<32xbf16>
        %mul3A_1142 = arith.mulf %get3A_1133, %get3A_1141 : vector<32xbf16>
        %add3A_1143 = arith.constant 2 : i32
        %add3A_1144 = arith.addi %scan3A_1019, %add3A_1143 : i32
        %get3A_1145 = arith.constant 0 : i32
        %get3A_1146 = arith.index_cast %get3A_1145 : i32 to index
        %get3A_1147 = arith.index_cast %add3A_1144 : i32 to index
        %get3A_1148 = arith.constant 386 : index
        %get3A_1149 = tpu.vector_load %arg8[%get3A_1146, %get3A_1147, %get3A_1148] {strides = array<i32>} : memref<2x20x2080xbf16, #tpu.memory_space<vmem>>, vector<1x1x32xbf16>,
        %get3A_1150 = vector.shape_cast %get3A_1149 : vector<1x1x32xbf16> to vector<32xbf16>
        %mul3A_1151 = arith.mulf %mul3A_1142, %get3A_1150 : vector<32xbf16>
        %add3A_1152 = arith.addf %scan3A_1024, %mul3A_1151 : vector<32xbf16>
        %get3A_1153 = arith.constant 0 : i32
        %get3A_1154 = arith.index_cast %get3A_1153 : i32 to index
        %get3A_1155 = arith.index_cast %scan3A_1019 : i32 to index
        %get3A_1156 = arith.constant 416 : index
        %get3A_1157 = tpu.vector_load %arg8[%get3A_1154, %get3A_1155, %get3A_1156] {strides = array<i32>} : memref<2x20x2080xbf16, #tpu.memory_space<vmem>>, vector<1x1x32xbf16>,
        %get3A_1158 = vector.shape_cast %get3A_1157 : vector<1x1x32xbf16> to vector<32xbf16>
        %add3A_1159 = arith.constant 1 : i32
        %add3A_1160 = arith.addi %scan3A_1019, %add3A_1159 : i32
        %get3A_1161 = arith.constant 0 : i32
        %get3A_1162 = arith.index_cast %get3A_1161 : i32 to index
        %get3A_1163 = arith.index_cast %add3A_1160 : i32 to index
        %get3A_1164 = arith.constant 416 : index
        %get3A_1165 = tpu.vector_load %arg9[%get3A_1162, %get3A_1163, %get3A_1164] {strides = array<i32>} : memref<2x20x2080xbf16, #tpu.memory_space<vmem>>, vector<1x1x32xbf16>,
        %get3A_1166 = vector.shape_cast %get3A_1165 : vector<1x1x32xbf16> to vector<32xbf16>
        %mul3A_1167 = arith.mulf %get3A_1158, %get3A_1166 : vector<32xbf16>
        %add3A_1168 = arith.constant 2 : i32
        %add3A_1169 = arith.addi %scan3A_1019, %add3A_1168 : i32
        %get3A_1170 = arith.constant 0 : i32
        %get3A_1171 = arith.index_cast %get3A_1170 : i32 to index
        %get3A_1172 = arith.index_cast %add3A_1169 : i32 to index
        %get3A_1173 = arith.constant 418 : index
        %get3A_1174 = tpu.vector_load %arg8[%get3A_1171, %get3A_1172, %get3A_1173] {strides = array<i32>} : memref<2x20x2080xbf16, #tpu.memory_space<vmem>>, vector<1x1x32xbf16>,
        %get3A_1175 = vector.shape_cast %get3A_1174 : vector<1x1x32xbf16> to vector<32xbf16>
        %mul3A_1176 = arith.mulf %mul3A_1167, %get3A_1175 : vector<32xbf16>
        %add3A_1177 = arith.addf %scan3A_1025, %mul3A_1176 : vector<32xbf16>
        %get3A_1178 = arith.constant 0 : i32
        %get3A_1179 = arith.index_cast %get3A_1178 : i32 to index
        %get3A_1180 = arith.index_cast %scan3A_1019 : i32 to index
        %get3A_1181 = arith.constant 448 : index
        %get3A_1182 = tpu.vector_load %arg8[%get3A_1179, %get3A_1180, %get3A_1181] {strides = array<i32>} : memref<2x20x2080xbf16, #tpu.memory_space<vmem>>, vector<1x1x32xbf16>,
        %get3A_1183 = vector.shape_cast %get3A_1182 : vector<1x1x32xbf16> to vector<32xbf16>
        %add3A_1184 = arith.constant 1 : i32
        %add3A_1185 = arith.addi %scan3A_1019, %add3A_1184 : i32
        %get3A_1186 = arith.constant 0 : i32
        %get3A_1187 = arith.index_cast %get3A_1186 : i32 to index
        %get3A_1188 = arith.index_cast %add3A_1185 : i32 to index
        %get3A_1189 = arith.constant 448 : index
        %get3A_1190 = tpu.vector_load %arg9[%get3A_1187, %get3A_1188, %get3A_1189] {strides = array<i32>} : memref<2x20x2080xbf16, #tpu.memory_space<vmem>>, vector<1x1x32xbf16>,
        %get3A_1191 = vector.shape_cast %get3A_1190 : vector<1x1x32xbf16> to vector<32xbf16>
        %mul3A_1192 = arith.mulf %get3A_1183, %get3A_1191 : vector<32xbf16>
        %add3A_1193 = arith.constant 2 : i32
        %add3A_1194 = arith.addi %scan3A_1019, %add3A_1193 : i32
        %get3A_1195 = arith.constant 0 : i32
        %get3A_1196 = arith.index_cast %get3A_1195 : i32 to index
        %get3A_1197 = arith.index_cast %add3A_1194 : i32 to index
        %get3A_1198 = arith.constant 450 : index
        %get3A_1199 = tpu.vector_load %arg8[%get3A_1196, %get3A_1197, %get3A_1198] {strides = array<i32>} : memref<2x20x2080xbf16, #tpu.memory_space<vmem>>, vector<1x1x32xbf16>,
        %get3A_1200 = vector.shape_cast %get3A_1199 : vector<1x1x32xbf16> to vector<32xbf16>
        %mul3A_1201 = arith.mulf %mul3A_1192, %get3A_1200 : vector<32xbf16>
        %add3A_1202 = arith.addf %scan3A_1026, %mul3A_1201 : vector<32xbf16>
        %get3A_1203 = arith.constant 0 : i32
        %get3A_1204 = arith.index_cast %get3A_1203 : i32 to index
        %get3A_1205 = arith.index_cast %scan3A_1019 : i32 to index
        %get3A_1206 = arith.constant 480 : index
        %get3A_1207 = tpu.vector_load %arg8[%get3A_1204, %get3A_1205, %get3A_1206] {strides = array<i32>} : memref<2x20x2080xbf16, #tpu.memory_space<vmem>>, vector<1x1x32xbf16>,
        %get3A_1208 = vector.shape_cast %get3A_1207 : vector<1x1x32xbf16> to vector<32xbf16>
        %add3A_1209 = arith.constant 1 : i32
        %add3A_1210 = arith.addi %scan3A_1019, %add3A_1209 : i32
        %get3A_1211 = arith.constant 0 : i32
        %get3A_1212 = arith.index_cast %get3A_1211 : i32 to index
        %get3A_1213 = arith.index_cast %add3A_1210 : i32 to index
        %get3A_1214 = arith.constant 480 : index
        %get3A_1215 = tpu.vector_load %arg9[%get3A_1212, %get3A_1213, %get3A_1214] {strides = array<i32>} : memref<2x20x2080xbf16, #tpu.memory_space<vmem>>, vector<1x1x32xbf16>,
        %get3A_1216 = vector.shape_cast %get3A_1215 : vector<1x1x32xbf16> to vector<32xbf16>
        %mul3A_1217 = arith.mulf %get3A_1208, %get3A_1216 : vector<32xbf16>
        %add3A_1218 = arith.constant 2 : i32
        %add3A_1219 = arith.addi %scan3A_1019, %add3A_1218 : i32
        %get3A_1220 = arith.constant 0 : i32
        %get3A_1221 = arith.index_cast %get3A_1220 : i32 to index
        %get3A_1222 = arith.index_cast %add3A_1219 : i32 to index
        %get3A_1223 = arith.constant 482 : index
        %get3A_1224 = tpu.vector_load %arg8[%get3A_1221, %get3A_1222, %get3A_1223] {strides = array<i32>} : memref<2x20x2080xbf16, #tpu.memory_space<vmem>>, vector<1x1x32xbf16>,
        %get3A_1225 = vector.shape_cast %get3A_1224 : vector<1x1x32xbf16> to vector<32xbf16>
        %mul3A_1226 = arith.mulf %mul3A_1217, %get3A_1225 : vector<32xbf16>
        %add3A_1227 = arith.addf %scan3A_1027, %mul3A_1226 : vector<32xbf16>
        scf.yield %add3A_1052, %add3A_1077, %add3A_1102, %add3A_1127, %add3A_1152, %add3A_1177, %add3A_1202, %add3A_1227 : vector<32xbf16>, vector<32xbf16>, vector<32xbf16>, vector<32xbf16>, vector<32xbf16>, vector<32xbf16>, vector<32xbf16>, vector<32xbf16>
      }
      %scan3A_272 = arith.constant 18 : i32
      %swap3A_273 = arith.index_cast %mul3A_135 : i32 to index
      %swap3A_274 = arith.constant 256 : index
      %swap3A_275 = tpu.vector_load %arg10[%swap3A_273, %swap3A_274] {strides = array<i32>} : memref<8x2048xbf16, #tpu.memory_space<vmem>>, vector<1x32xbf16>,
      %swap3A_276 = vector.shape_cast %swap3A_275 : vector<1x32xbf16> to vector<32xbf16>
      %swap3A_277 = vector.shape_cast %scan3A_271#0 : vector<32xbf16> to vector<1x32xbf16>
      tpu.vector_store %arg10[%swap3A_273, %swap3A_274], %swap3A_277 {strides = array<i32>} : memref<8x2048xbf16, #tpu.memory_space<vmem>>, vector<1x32xbf16>,
      %swap3A_278 = arith.index_cast %mul3A_135 : i32 to index
      %swap3A_279 = arith.constant 288 : index
      %swap3A_280 = tpu.vector_load %arg10[%swap3A_278, %swap3A_279] {strides = array<i32>} : memref<8x2048xbf16, #tpu.memory_space<vmem>>, vector<1x32xbf16>,
      %swap3A_281 = vector.shape_cast %swap3A_280 : vector<1x32xbf16> to vector<32xbf16>
      %swap3A_282 = vector.shape_cast %scan3A_271#1 : vector<32xbf16> to vector<1x32xbf16>
      tpu.vector_store %arg10[%swap3A_278, %swap3A_279], %swap3A_282 {strides = array<i32>} : memref<8x2048xbf16, #tpu.memory_space<vmem>>, vector<1x32xbf16>,
      %swap3A_283 = arith.index_cast %mul3A_135 : i32 to index
      %swap3A_284 = arith.constant 320 : index
      %swap3A_285 = tpu.vector_load %arg10[%swap3A_283, %swap3A_284] {strides = array<i32>} : memref<8x2048xbf16, #tpu.memory_space<vmem>>, vector<1x32xbf16>,
      %swap3A_286 = vector.shape_cast %swap3A_285 : vector<1x32xbf16> to vector<32xbf16>
      %swap3A_287 = vector.shape_cast %scan3A_271#2 : vector<32xbf16> to vector<1x32xbf16>
      tpu.vector_store %arg10[%swap3A_283, %swap3A_284], %swap3A_287 {strides = array<i32>} : memref<8x2048xbf16, #tpu.memory_space<vmem>>, vector<1x32xbf16>,
      %swap3A_288 = arith.index_cast %mul3A_135 : i32 to index
      %swap3A_289 = arith.constant 352 : index
      %swap3A_290 = tpu.vector_load %arg10[%swap3A_288, %swap3A_289] {strides = array<i32>} : memref<8x2048xbf16, #tpu.memory_space<vmem>>, vector<1x32xbf16>,
      %swap3A_291 = vector.shape_cast %swap3A_290 : vector<1x32xbf16> to vector<32xbf16>
      %swap3A_292 = vector.shape_cast %scan3A_271#3 : vector<32xbf16> to vector<1x32xbf16>
      tpu.vector_store %arg10[%swap3A_288, %swap3A_289], %swap3A_292 {strides = array<i32>} : memref<8x2048xbf16, #tpu.memory_space<vmem>>, vector<1x32xbf16>,
      %swap3A_293 = arith.index_cast %mul3A_135 : i32 to index
      %swap3A_294 = arith.constant 384 : index
      %swap3A_295 = tpu.vector_load %arg10[%swap3A_293, %swap3A_294] {strides = array<i32>} : memref<8x2048xbf16, #tpu.memory_space<vmem>>, vector<1x32xbf16>,
      %swap3A_296 = vector.shape_cast %swap3A_295 : vector<1x32xbf16> to vector<32xbf16>
      %swap3A_297 = vector.shape_cast %scan3A_271#4 : vector<32xbf16> to vector<1x32xbf16>
      tpu.vector_store %arg10[%swap3A_293, %swap3A_294], %swap3A_297 {strides = array<i32>} : memref<8x2048xbf16, #tpu.memory_space<vmem>>, vector<1x32xbf16>,
      %swap3A_298 = arith.index_cast %mul3A_135 : i32 to index
      %swap3A_299 = arith.constant 416 : index
      %swap3A_300 = tpu.vector_load %arg10[%swap3A_298, %swap3A_299] {strides = array<i32>} : memref<8x2048xbf16, #tpu.memory_space<vmem>>, vector<1x32xbf16>,
      %swap3A_301 = vector.shape_cast %swap3A_300 : vector<1x32xbf16> to vector<32xbf16>
      %swap3A_302 = vector.shape_cast %scan3A_271#5 : vector<32xbf16> to vector<1x32xbf16>
      tpu.vector_store %arg10[%swap3A_298, %swap3A_299], %swap3A_302 {strides = array<i32>} : memref<8x2048xbf16, #tpu.memory_space<vmem>>, vector<1x32xbf16>,
      %swap3A_303 = arith.index_cast %mul3A_135 : i32 to index
      %swap3A_304 = arith.constant 448 : index
      %swap3A_305 = tpu.vector_load %arg10[%swap3A_303, %swap3A_304] {strides = array<i32>} : memref<8x2048xbf16, #tpu.memory_space<vmem>>, vector<1x32xbf16>,
      %swap3A_306 = vector.shape_cast %swap3A_305 : vector<1x32xbf16> to vector<32xbf16>
      %swap3A_307 = vector.shape_cast %scan3A_271#6 : vector<32xbf16> to vector<1x32xbf16>
      tpu.vector_store %arg10[%swap3A_303, %swap3A_304], %swap3A_307 {strides = array<i32>} : memref<8x2048xbf16, #tpu.memory_space<vmem>>, vector<1x32xbf16>,
      %swap3A_308 = arith.index_cast %mul3A_135 : i32 to index
      %swap3A_309 = arith.constant 480 : index
      %swap3A_310 = tpu.vector_load %arg10[%swap3A_308, %swap3A_309] {strides = array<i32>} : memref<8x2048xbf16, #tpu.memory_space<vmem>>, vector<1x32xbf16>,
      %swap3A_311 = vector.shape_cast %swap3A_310 : vector<1x32xbf16> to vector<32xbf16>
      %swap3A_312 = vector.shape_cast %scan3A_271#7 : vector<32xbf16> to vector<1x32xbf16>
      tpu.vector_store %arg10[%swap3A_308, %swap3A_309], %swap3A_312 {strides = array<i32>} : memref<8x2048xbf16, #tpu.memory_space<vmem>>, vector<1x32xbf16>,
      %broadcast_in_dim3A_313 = arith.constant 0.000000e+00 : bf16
      %broadcast_in_dim3A_314 = vector.broadcast %broadcast_in_dim3A_313 : bf16 to vector<32xbf16>
      %scan3A_315 = arith.constant 0 : i32
      %scan3A_316 = arith.constant 18 : i32
      %scan3A_317 = arith.addi %scan3A_315, %scan3A_316 : i32
      %scan3A_318 = arith.constant 1 : i32
      %scan3A_319:8 = scf.for %scan3A_1019 = %scan3A_315 to %scan3A_317 step %scan3A_318 iter_args(%scan3A_1020 = %broadcast_in_dim3A_314, %scan3A_1021 = %broadcast_in_dim3A_314, %scan3A_1022 = %broadcast_in_dim3A_314, %scan3A_1023 = %broadcast_in_dim3A_314, %scan3A_1024 = %broadcast_in_dim3A_314, %scan3A_1025 = %broadcast_in_dim3A_314, %scan3A_1026 = %broadcast_in_dim3A_314, %scan3A_1027 = %broadcast_in_dim3A_314) -> (vector<32xbf16>, vector<32xbf16>, vector<32xbf16>, vector<32xbf16>, vector<32xbf16>, vector<32xbf16>, vector<32xbf16>, vector<32xbf16>)  : i32 {
        %get3A_1028 = arith.constant 0 : i32
        %get3A_1029 = arith.index_cast %get3A_1028 : i32 to index
        %get3A_1030 = arith.index_cast %scan3A_1019 : i32 to index
        %get3A_1031 = arith.constant 512 : index
        %get3A_1032 = tpu.vector_load %arg8[%get3A_1029, %get3A_1030, %get3A_1031] {strides = array<i32>} : memref<2x20x2080xbf16, #tpu.memory_space<vmem>>, vector<1x1x32xbf16>,
        %get3A_1033 = vector.shape_cast %get3A_1032 : vector<1x1x32xbf16> to vector<32xbf16>
        %add3A_1034 = arith.constant 1 : i32
        %add3A_1035 = arith.addi %scan3A_1019, %add3A_1034 : i32
        %get3A_1036 = arith.constant 0 : i32
        %get3A_1037 = arith.index_cast %get3A_1036 : i32 to index
        %get3A_1038 = arith.index_cast %add3A_1035 : i32 to index
        %get3A_1039 = arith.constant 512 : index
        %get3A_1040 = tpu.vector_load %arg9[%get3A_1037, %get3A_1038, %get3A_1039] {strides = array<i32>} : memref<2x20x2080xbf16, #tpu.memory_space<vmem>>, vector<1x1x32xbf16>,
        %get3A_1041 = vector.shape_cast %get3A_1040 : vector<1x1x32xbf16> to vector<32xbf16>
        %mul3A_1042 = arith.mulf %get3A_1033, %get3A_1041 : vector<32xbf16>
        %add3A_1043 = arith.constant 2 : i32
        %add3A_1044 = arith.addi %scan3A_1019, %add3A_1043 : i32
        %get3A_1045 = arith.constant 0 : i32
        %get3A_1046 = arith.index_cast %get3A_1045 : i32 to index
        %get3A_1047 = arith.index_cast %add3A_1044 : i32 to index
        %get3A_1048 = arith.constant 514 : index
        %get3A_1049 = tpu.vector_load %arg8[%get3A_1046, %get3A_1047, %get3A_1048] {strides = array<i32>} : memref<2x20x2080xbf16, #tpu.memory_space<vmem>>, vector<1x1x32xbf16>,
        %get3A_1050 = vector.shape_cast %get3A_1049 : vector<1x1x32xbf16> to vector<32xbf16>
        %mul3A_1051 = arith.mulf %mul3A_1042, %get3A_1050 : vector<32xbf16>
        %add3A_1052 = arith.addf %scan3A_1020, %mul3A_1051 : vector<32xbf16>
        %get3A_1053 = arith.constant 0 : i32
        %get3A_1054 = arith.index_cast %get3A_1053 : i32 to index
        %get3A_1055 = arith.index_cast %scan3A_1019 : i32 to index
        %get3A_1056 = arith.constant 544 : index
        %get3A_1057 = tpu.vector_load %arg8[%get3A_1054, %get3A_1055, %get3A_1056] {strides = array<i32>} : memref<2x20x2080xbf16, #tpu.memory_space<vmem>>, vector<1x1x32xbf16>,
        %get3A_1058 = vector.shape_cast %get3A_1057 : vector<1x1x32xbf16> to vector<32xbf16>
        %add3A_1059 = arith.constant 1 : i32
        %add3A_1060 = arith.addi %scan3A_1019, %add3A_1059 : i32
        %get3A_1061 = arith.constant 0 : i32
        %get3A_1062 = arith.index_cast %get3A_1061 : i32 to index
        %get3A_1063 = arith.index_cast %add3A_1060 : i32 to index
        %get3A_1064 = arith.constant 544 : index
        %get3A_1065 = tpu.vector_load %arg9[%get3A_1062, %get3A_1063, %get3A_1064] {strides = array<i32>} : memref<2x20x2080xbf16, #tpu.memory_space<vmem>>, vector<1x1x32xbf16>,
        %get3A_1066 = vector.shape_cast %get3A_1065 : vector<1x1x32xbf16> to vector<32xbf16>
        %mul3A_1067 = arith.mulf %get3A_1058, %get3A_1066 : vector<32xbf16>
        %add3A_1068 = arith.constant 2 : i32
        %add3A_1069 = arith.addi %scan3A_1019, %add3A_1068 : i32
        %get3A_1070 = arith.constant 0 : i32
        %get3A_1071 = arith.index_cast %get3A_1070 : i32 to index
        %get3A_1072 = arith.index_cast %add3A_1069 : i32 to index
        %get3A_1073 = arith.constant 546 : index
        %get3A_1074 = tpu.vector_load %arg8[%get3A_1071, %get3A_1072, %get3A_1073] {strides = array<i32>} : memref<2x20x2080xbf16, #tpu.memory_space<vmem>>, vector<1x1x32xbf16>,
        %get3A_1075 = vector.shape_cast %get3A_1074 : vector<1x1x32xbf16> to vector<32xbf16>
        %mul3A_1076 = arith.mulf %mul3A_1067, %get3A_1075 : vector<32xbf16>
        %add3A_1077 = arith.addf %scan3A_1021, %mul3A_1076 : vector<32xbf16>
        %get3A_1078 = arith.constant 0 : i32
        %get3A_1079 = arith.index_cast %get3A_1078 : i32 to index
        %get3A_1080 = arith.index_cast %scan3A_1019 : i32 to index
        %get3A_1081 = arith.constant 576 : index
        %get3A_1082 = tpu.vector_load %arg8[%get3A_1079, %get3A_1080, %get3A_1081] {strides = array<i32>} : memref<2x20x2080xbf16, #tpu.memory_space<vmem>>, vector<1x1x32xbf16>,
        %get3A_1083 = vector.shape_cast %get3A_1082 : vector<1x1x32xbf16> to vector<32xbf16>
        %add3A_1084 = arith.constant 1 : i32
        %add3A_1085 = arith.addi %scan3A_1019, %add3A_1084 : i32
        %get3A_1086 = arith.constant 0 : i32
        %get3A_1087 = arith.index_cast %get3A_1086 : i32 to index
        %get3A_1088 = arith.index_cast %add3A_1085 : i32 to index
        %get3A_1089 = arith.constant 576 : index
        %get3A_1090 = tpu.vector_load %arg9[%get3A_1087, %get3A_1088, %get3A_1089] {strides = array<i32>} : memref<2x20x2080xbf16, #tpu.memory_space<vmem>>, vector<1x1x32xbf16>,
        %get3A_1091 = vector.shape_cast %get3A_1090 : vector<1x1x32xbf16> to vector<32xbf16>
        %mul3A_1092 = arith.mulf %get3A_1083, %get3A_1091 : vector<32xbf16>
        %add3A_1093 = arith.constant 2 : i32
        %add3A_1094 = arith.addi %scan3A_1019, %add3A_1093 : i32
        %get3A_1095 = arith.constant 0 : i32
        %get3A_1096 = arith.index_cast %get3A_1095 : i32 to index
        %get3A_1097 = arith.index_cast %add3A_1094 : i32 to index
        %get3A_1098 = arith.constant 578 : index
        %get3A_1099 = tpu.vector_load %arg8[%get3A_1096, %get3A_1097, %get3A_1098] {strides = array<i32>} : memref<2x20x2080xbf16, #tpu.memory_space<vmem>>, vector<1x1x32xbf16>,
        %get3A_1100 = vector.shape_cast %get3A_1099 : vector<1x1x32xbf16> to vector<32xbf16>
        %mul3A_1101 = arith.mulf %mul3A_1092, %get3A_1100 : vector<32xbf16>
        %add3A_1102 = arith.addf %scan3A_1022, %mul3A_1101 : vector<32xbf16>
        %get3A_1103 = arith.constant 0 : i32
        %get3A_1104 = arith.index_cast %get3A_1103 : i32 to index
        %get3A_1105 = arith.index_cast %scan3A_1019 : i32 to index
        %get3A_1106 = arith.constant 608 : index
        %get3A_1107 = tpu.vector_load %arg8[%get3A_1104, %get3A_1105, %get3A_1106] {strides = array<i32>} : memref<2x20x2080xbf16, #tpu.memory_space<vmem>>, vector<1x1x32xbf16>,
        %get3A_1108 = vector.shape_cast %get3A_1107 : vector<1x1x32xbf16> to vector<32xbf16>
        %add3A_1109 = arith.constant 1 : i32
        %add3A_1110 = arith.addi %scan3A_1019, %add3A_1109 : i32
        %get3A_1111 = arith.constant 0 : i32
        %get3A_1112 = arith.index_cast %get3A_1111 : i32 to index
        %get3A_1113 = arith.index_cast %add3A_1110 : i32 to index
        %get3A_1114 = arith.constant 608 : index
        %get3A_1115 = tpu.vector_load %arg9[%get3A_1112, %get3A_1113, %get3A_1114] {strides = array<i32>} : memref<2x20x2080xbf16, #tpu.memory_space<vmem>>, vector<1x1x32xbf16>,
        %get3A_1116 = vector.shape_cast %get3A_1115 : vector<1x1x32xbf16> to vector<32xbf16>
        %mul3A_1117 = arith.mulf %get3A_1108, %get3A_1116 : vector<32xbf16>
        %add3A_1118 = arith.constant 2 : i32
        %add3A_1119 = arith.addi %scan3A_1019, %add3A_1118 : i32
        %get3A_1120 = arith.constant 0 : i32
        %get3A_1121 = arith.index_cast %get3A_1120 : i32 to index
        %get3A_1122 = arith.index_cast %add3A_1119 : i32 to index
        %get3A_1123 = arith.constant 610 : index
        %get3A_1124 = tpu.vector_load %arg8[%get3A_1121, %get3A_1122, %get3A_1123] {strides = array<i32>} : memref<2x20x2080xbf16, #tpu.memory_space<vmem>>, vector<1x1x32xbf16>,
        %get3A_1125 = vector.shape_cast %get3A_1124 : vector<1x1x32xbf16> to vector<32xbf16>
        %mul3A_1126 = arith.mulf %mul3A_1117, %get3A_1125 : vector<32xbf16>
        %add3A_1127 = arith.addf %scan3A_1023, %mul3A_1126 : vector<32xbf16>
        %get3A_1128 = arith.constant 0 : i32
        %get3A_1129 = arith.index_cast %get3A_1128 : i32 to index
        %get3A_1130 = arith.index_cast %scan3A_1019 : i32 to index
        %get3A_1131 = arith.constant 640 : index
        %get3A_1132 = tpu.vector_load %arg8[%get3A_1129, %get3A_1130, %get3A_1131] {strides = array<i32>} : memref<2x20x2080xbf16, #tpu.memory_space<vmem>>, vector<1x1x32xbf16>,
        %get3A_1133 = vector.shape_cast %get3A_1132 : vector<1x1x32xbf16> to vector<32xbf16>
        %add3A_1134 = arith.constant 1 : i32
        %add3A_1135 = arith.addi %scan3A_1019, %add3A_1134 : i32
        %get3A_1136 = arith.constant 0 : i32
        %get3A_1137 = arith.index_cast %get3A_1136 : i32 to index
        %get3A_1138 = arith.index_cast %add3A_1135 : i32 to index
        %get3A_1139 = arith.constant 640 : index
        %get3A_1140 = tpu.vector_load %arg9[%get3A_1137, %get3A_1138, %get3A_1139] {strides = array<i32>} : memref<2x20x2080xbf16, #tpu.memory_space<vmem>>, vector<1x1x32xbf16>,
        %get3A_1141 = vector.shape_cast %get3A_1140 : vector<1x1x32xbf16> to vector<32xbf16>
        %mul3A_1142 = arith.mulf %get3A_1133, %get3A_1141 : vector<32xbf16>
        %add3A_1143 = arith.constant 2 : i32
        %add3A_1144 = arith.addi %scan3A_1019, %add3A_1143 : i32
        %get3A_1145 = arith.constant 0 : i32
        %get3A_1146 = arith.index_cast %get3A_1145 : i32 to index
        %get3A_1147 = arith.index_cast %add3A_1144 : i32 to index
        %get3A_1148 = arith.constant 642 : index
        %get3A_1149 = tpu.vector_load %arg8[%get3A_1146, %get3A_1147, %get3A_1148] {strides = array<i32>} : memref<2x20x2080xbf16, #tpu.memory_space<vmem>>, vector<1x1x32xbf16>,
        %get3A_1150 = vector.shape_cast %get3A_1149 : vector<1x1x32xbf16> to vector<32xbf16>
        %mul3A_1151 = arith.mulf %mul3A_1142, %get3A_1150 : vector<32xbf16>
        %add3A_1152 = arith.addf %scan3A_1024, %mul3A_1151 : vector<32xbf16>
        %get3A_1153 = arith.constant 0 : i32
        %get3A_1154 = arith.index_cast %get3A_1153 : i32 to index
        %get3A_1155 = arith.index_cast %scan3A_1019 : i32 to index
        %get3A_1156 = arith.constant 672 : index
        %get3A_1157 = tpu.vector_load %arg8[%get3A_1154, %get3A_1155, %get3A_1156] {strides = array<i32>} : memref<2x20x2080xbf16, #tpu.memory_space<vmem>>, vector<1x1x32xbf16>,
        %get3A_1158 = vector.shape_cast %get3A_1157 : vector<1x1x32xbf16> to vector<32xbf16>
        %add3A_1159 = arith.constant 1 : i32
        %add3A_1160 = arith.addi %scan3A_1019, %add3A_1159 : i32
        %get3A_1161 = arith.constant 0 : i32
        %get3A_1162 = arith.index_cast %get3A_1161 : i32 to index
        %get3A_1163 = arith.index_cast %add3A_1160 : i32 to index
        %get3A_1164 = arith.constant 672 : index
        %get3A_1165 = tpu.vector_load %arg9[%get3A_1162, %get3A_1163, %get3A_1164] {strides = array<i32>} : memref<2x20x2080xbf16, #tpu.memory_space<vmem>>, vector<1x1x32xbf16>,
        %get3A_1166 = vector.shape_cast %get3A_1165 : vector<1x1x32xbf16> to vector<32xbf16>
        %mul3A_1167 = arith.mulf %get3A_1158, %get3A_1166 : vector<32xbf16>
        %add3A_1168 = arith.constant 2 : i32
        %add3A_1169 = arith.addi %scan3A_1019, %add3A_1168 : i32
        %get3A_1170 = arith.constant 0 : i32
        %get3A_1171 = arith.index_cast %get3A_1170 : i32 to index
        %get3A_1172 = arith.index_cast %add3A_1169 : i32 to index
        %get3A_1173 = arith.constant 674 : index
        %get3A_1174 = tpu.vector_load %arg8[%get3A_1171, %get3A_1172, %get3A_1173] {strides = array<i32>} : memref<2x20x2080xbf16, #tpu.memory_space<vmem>>, vector<1x1x32xbf16>,
        %get3A_1175 = vector.shape_cast %get3A_1174 : vector<1x1x32xbf16> to vector<32xbf16>
        %mul3A_1176 = arith.mulf %mul3A_1167, %get3A_1175 : vector<32xbf16>
        %add3A_1177 = arith.addf %scan3A_1025, %mul3A_1176 : vector<32xbf16>
        %get3A_1178 = arith.constant 0 : i32
        %get3A_1179 = arith.index_cast %get3A_1178 : i32 to index
        %get3A_1180 = arith.index_cast %scan3A_1019 : i32 to index
        %get3A_1181 = arith.constant 704 : index
        %get3A_1182 = tpu.vector_load %arg8[%get3A_1179, %get3A_1180, %get3A_1181] {strides = array<i32>} : memref<2x20x2080xbf16, #tpu.memory_space<vmem>>, vector<1x1x32xbf16>,
        %get3A_1183 = vector.shape_cast %get3A_1182 : vector<1x1x32xbf16> to vector<32xbf16>
        %add3A_1184 = arith.constant 1 : i32
        %add3A_1185 = arith.addi %scan3A_1019, %add3A_1184 : i32
        %get3A_1186 = arith.constant 0 : i32
        %get3A_1187 = arith.index_cast %get3A_1186 : i32 to index
        %get3A_1188 = arith.index_cast %add3A_1185 : i32 to index
        %get3A_1189 = arith.constant 704 : index
        %get3A_1190 = tpu.vector_load %arg9[%get3A_1187, %get3A_1188, %get3A_1189] {strides = array<i32>} : memref<2x20x2080xbf16, #tpu.memory_space<vmem>>, vector<1x1x32xbf16>,
        %get3A_1191 = vector.shape_cast %get3A_1190 : vector<1x1x32xbf16> to vector<32xbf16>
        %mul3A_1192 = arith.mulf %get3A_1183, %get3A_1191 : vector<32xbf16>
        %add3A_1193 = arith.constant 2 : i32
        %add3A_1194 = arith.addi %scan3A_1019, %add3A_1193 : i32
        %get3A_1195 = arith.constant 0 : i32
        %get3A_1196 = arith.index_cast %get3A_1195 : i32 to index
        %get3A_1197 = arith.index_cast %add3A_1194 : i32 to index
        %get3A_1198 = arith.constant 706 : index
        %get3A_1199 = tpu.vector_load %arg8[%get3A_1196, %get3A_1197, %get3A_1198] {strides = array<i32>} : memref<2x20x2080xbf16, #tpu.memory_space<vmem>>, vector<1x1x32xbf16>,
        %get3A_1200 = vector.shape_cast %get3A_1199 : vector<1x1x32xbf16> to vector<32xbf16>
        %mul3A_1201 = arith.mulf %mul3A_1192, %get3A_1200 : vector<32xbf16>
        %add3A_1202 = arith.addf %scan3A_1026, %mul3A_1201 : vector<32xbf16>
        %get3A_1203 = arith.constant 0 : i32
        %get3A_1204 = arith.index_cast %get3A_1203 : i32 to index
        %get3A_1205 = arith.index_cast %scan3A_1019 : i32 to index
        %get3A_1206 = arith.constant 736 : index
        %get3A_1207 = tpu.vector_load %arg8[%get3A_1204, %get3A_1205, %get3A_1206] {strides = array<i32>} : memref<2x20x2080xbf16, #tpu.memory_space<vmem>>, vector<1x1x32xbf16>,
        %get3A_1208 = vector.shape_cast %get3A_1207 : vector<1x1x32xbf16> to vector<32xbf16>
        %add3A_1209 = arith.constant 1 : i32
        %add3A_1210 = arith.addi %scan3A_1019, %add3A_1209 : i32
        %get3A_1211 = arith.constant 0 : i32
        %get3A_1212 = arith.index_cast %get3A_1211 : i32 to index
        %get3A_1213 = arith.index_cast %add3A_1210 : i32 to index
        %get3A_1214 = arith.constant 736 : index
        %get3A_1215 = tpu.vector_load %arg9[%get3A_1212, %get3A_1213, %get3A_1214] {strides = array<i32>} : memref<2x20x2080xbf16, #tpu.memory_space<vmem>>, vector<1x1x32xbf16>,
        %get3A_1216 = vector.shape_cast %get3A_1215 : vector<1x1x32xbf16> to vector<32xbf16>
        %mul3A_1217 = arith.mulf %get3A_1208, %get3A_1216 : vector<32xbf16>
        %add3A_1218 = arith.constant 2 : i32
        %add3A_1219 = arith.addi %scan3A_1019, %add3A_1218 : i32
        %get3A_1220 = arith.constant 0 : i32
        %get3A_1221 = arith.index_cast %get3A_1220 : i32 to index
        %get3A_1222 = arith.index_cast %add3A_1219 : i32 to index
        %get3A_1223 = arith.constant 738 : index
        %get3A_1224 = tpu.vector_load %arg8[%get3A_1221, %get3A_1222, %get3A_1223] {strides = array<i32>} : memref<2x20x2080xbf16, #tpu.memory_space<vmem>>, vector<1x1x32xbf16>,
        %get3A_1225 = vector.shape_cast %get3A_1224 : vector<1x1x32xbf16> to vector<32xbf16>
        %mul3A_1226 = arith.mulf %mul3A_1217, %get3A_1225 : vector<32xbf16>
        %add3A_1227 = arith.addf %scan3A_1027, %mul3A_1226 : vector<32xbf16>
        scf.yield %add3A_1052, %add3A_1077, %add3A_1102, %add3A_1127, %add3A_1152, %add3A_1177, %add3A_1202, %add3A_1227 : vector<32xbf16>, vector<32xbf16>, vector<32xbf16>, vector<32xbf16>, vector<32xbf16>, vector<32xbf16>, vector<32xbf16>, vector<32xbf16>
      }
      %scan3A_320 = arith.constant 18 : i32
      %swap3A_321 = arith.index_cast %mul3A_135 : i32 to index
      %swap3A_322 = arith.constant 512 : index
      %swap3A_323 = tpu.vector_load %arg10[%swap3A_321, %swap3A_322] {strides = array<i32>} : memref<8x2048xbf16, #tpu.memory_space<vmem>>, vector<1x32xbf16>,
      %swap3A_324 = vector.shape_cast %swap3A_323 : vector<1x32xbf16> to vector<32xbf16>
      %swap3A_325 = vector.shape_cast %scan3A_319#0 : vector<32xbf16> to vector<1x32xbf16>
      tpu.vector_store %arg10[%swap3A_321, %swap3A_322], %swap3A_325 {strides = array<i32>} : memref<8x2048xbf16, #tpu.memory_space<vmem>>, vector<1x32xbf16>,
      %swap3A_326 = arith.index_cast %mul3A_135 : i32 to index
      %swap3A_327 = arith.constant 544 : index
      %swap3A_328 = tpu.vector_load %arg10[%swap3A_326, %swap3A_327] {strides = array<i32>} : memref<8x2048xbf16, #tpu.memory_space<vmem>>, vector<1x32xbf16>,
      %swap3A_329 = vector.shape_cast %swap3A_328 : vector<1x32xbf16> to vector<32xbf16>
      %swap3A_330 = vector.shape_cast %scan3A_319#1 : vector<32xbf16> to vector<1x32xbf16>
      tpu.vector_store %arg10[%swap3A_326, %swap3A_327], %swap3A_330 {strides = array<i32>} : memref<8x2048xbf16, #tpu.memory_space<vmem>>, vector<1x32xbf16>,
      %swap3A_331 = arith.index_cast %mul3A_135 : i32 to index
      %swap3A_332 = arith.constant 576 : index
      %swap3A_333 = tpu.vector_load %arg10[%swap3A_331, %swap3A_332] {strides = array<i32>} : memref<8x2048xbf16, #tpu.memory_space<vmem>>, vector<1x32xbf16>,
      %swap3A_334 = vector.shape_cast %swap3A_333 : vector<1x32xbf16> to vector<32xbf16>
      %swap3A_335 = vector.shape_cast %scan3A_319#2 : vector<32xbf16> to vector<1x32xbf16>
      tpu.vector_store %arg10[%swap3A_331, %swap3A_332], %swap3A_335 {strides = array<i32>} : memref<8x2048xbf16, #tpu.memory_space<vmem>>, vector<1x32xbf16>,
      %swap3A_336 = arith.index_cast %mul3A_135 : i32 to index
      %swap3A_337 = arith.constant 608 : index
      %swap3A_338 = tpu.vector_load %arg10[%swap3A_336, %swap3A_337] {strides = array<i32>} : memref<8x2048xbf16, #tpu.memory_space<vmem>>, vector<1x32xbf16>,
      %swap3A_339 = vector.shape_cast %swap3A_338 : vector<1x32xbf16> to vector<32xbf16>
      %swap3A_340 = vector.shape_cast %scan3A_319#3 : vector<32xbf16> to vector<1x32xbf16>
      tpu.vector_store %arg10[%swap3A_336, %swap3A_337], %swap3A_340 {strides = array<i32>} : memref<8x2048xbf16, #tpu.memory_space<vmem>>, vector<1x32xbf16>,
      %swap3A_341 = arith.index_cast %mul3A_135 : i32 to index
      %swap3A_342 = arith.constant 640 : index
      %swap3A_343 = tpu.vector_load %arg10[%swap3A_341, %swap3A_342] {strides = array<i32>} : memref<8x2048xbf16, #tpu.memory_space<vmem>>, vector<1x32xbf16>,
      %swap3A_344 = vector.shape_cast %swap3A_343 : vector<1x32xbf16> to vector<32xbf16>
      %swap3A_345 = vector.shape_cast %scan3A_319#4 : vector<32xbf16> to vector<1x32xbf16>
      tpu.vector_store %arg10[%swap3A_341, %swap3A_342], %swap3A_345 {strides = array<i32>} : memref<8x2048xbf16, #tpu.memory_space<vmem>>, vector<1x32xbf16>,
      %swap3A_346 = arith.index_cast %mul3A_135 : i32 to index
      %swap3A_347 = arith.constant 672 : index
      %swap3A_348 = tpu.vector_load %arg10[%swap3A_346, %swap3A_347] {strides = array<i32>} : memref<8x2048xbf16, #tpu.memory_space<vmem>>, vector<1x32xbf16>,
      %swap3A_349 = vector.shape_cast %swap3A_348 : vector<1x32xbf16> to vector<32xbf16>
      %swap3A_350 = vector.shape_cast %scan3A_319#5 : vector<32xbf16> to vector<1x32xbf16>
      tpu.vector_store %arg10[%swap3A_346, %swap3A_347], %swap3A_350 {strides = array<i32>} : memref<8x2048xbf16, #tpu.memory_space<vmem>>, vector<1x32xbf16>,
      %swap3A_351 = arith.index_cast %mul3A_135 : i32 to index
      %swap3A_352 = arith.constant 704 : index
      %swap3A_353 = tpu.vector_load %arg10[%swap3A_351, %swap3A_352] {strides = array<i32>} : memref<8x2048xbf16, #tpu.memory_space<vmem>>, vector<1x32xbf16>,
      %swap3A_354 = vector.shape_cast %swap3A_353 : vector<1x32xbf16> to vector<32xbf16>
      %swap3A_355 = vector.shape_cast %scan3A_319#6 : vector<32xbf16> to vector<1x32xbf16>
      tpu.vector_store %arg10[%swap3A_351, %swap3A_352], %swap3A_355 {strides = array<i32>} : memref<8x2048xbf16, #tpu.memory_space<vmem>>, vector<1x32xbf16>,
      %swap3A_356 = arith.index_cast %mul3A_135 : i32 to index
      %swap3A_357 = arith.constant 736 : index
      %swap3A_358 = tpu.vector_load %arg10[%swap3A_356, %swap3A_357] {strides = array<i32>} : memref<8x2048xbf16, #tpu.memory_space<vmem>>, vector<1x32xbf16>,
      %swap3A_359 = vector.shape_cast %swap3A_358 : vector<1x32xbf16> to vector<32xbf16>
      %swap3A_360 = vector.shape_cast %scan3A_319#7 : vector<32xbf16> to vector<1x32xbf16>
      tpu.vector_store %arg10[%swap3A_356, %swap3A_357], %swap3A_360 {strides = array<i32>} : memref<8x2048xbf16, #tpu.memory_space<vmem>>, vector<1x32xbf16>,
      %broadcast_in_dim3A_361 = arith.constant 0.000000e+00 : bf16
      %broadcast_in_dim3A_362 = vector.broadcast %broadcast_in_dim3A_361 : bf16 to vector<32xbf16>
      %scan3A_363 = arith.constant 0 : i32
      %scan3A_364 = arith.constant 18 : i32
      %scan3A_365 = arith.addi %scan3A_363, %scan3A_364 : i32
      %scan3A_366 = arith.constant 1 : i32
      %scan3A_367:8 = scf.for %scan3A_1019 = %scan3A_363 to %scan3A_365 step %scan3A_366 iter_args(%scan3A_1020 = %broadcast_in_dim3A_362, %scan3A_1021 = %broadcast_in_dim3A_362, %scan3A_1022 = %broadcast_in_dim3A_362, %scan3A_1023 = %broadcast_in_dim3A_362, %scan3A_1024 = %broadcast_in_dim3A_362, %scan3A_1025 = %broadcast_in_dim3A_362, %scan3A_1026 = %broadcast_in_dim3A_362, %scan3A_1027 = %broadcast_in_dim3A_362) -> (vector<32xbf16>, vector<32xbf16>, vector<32xbf16>, vector<32xbf16>, vector<32xbf16>, vector<32xbf16>, vector<32xbf16>, vector<32xbf16>)  : i32 {
        %get3A_1028 = arith.constant 0 : i32
        %get3A_1029 = arith.index_cast %get3A_1028 : i32 to index
        %get3A_1030 = arith.index_cast %scan3A_1019 : i32 to index
        %get3A_1031 = arith.constant 768 : index
        %get3A_1032 = tpu.vector_load %arg8[%get3A_1029, %get3A_1030, %get3A_1031] {strides = array<i32>} : memref<2x20x2080xbf16, #tpu.memory_space<vmem>>, vector<1x1x32xbf16>,
        %get3A_1033 = vector.shape_cast %get3A_1032 : vector<1x1x32xbf16> to vector<32xbf16>
        %add3A_1034 = arith.constant 1 : i32
        %add3A_1035 = arith.addi %scan3A_1019, %add3A_1034 : i32
        %get3A_1036 = arith.constant 0 : i32
        %get3A_1037 = arith.index_cast %get3A_1036 : i32 to index
        %get3A_1038 = arith.index_cast %add3A_1035 : i32 to index
        %get3A_1039 = arith.constant 768 : index
        %get3A_1040 = tpu.vector_load %arg9[%get3A_1037, %get3A_1038, %get3A_1039] {strides = array<i32>} : memref<2x20x2080xbf16, #tpu.memory_space<vmem>>, vector<1x1x32xbf16>,
        %get3A_1041 = vector.shape_cast %get3A_1040 : vector<1x1x32xbf16> to vector<32xbf16>
        %mul3A_1042 = arith.mulf %get3A_1033, %get3A_1041 : vector<32xbf16>
        %add3A_1043 = arith.constant 2 : i32
        %add3A_1044 = arith.addi %scan3A_1019, %add3A_1043 : i32
        %get3A_1045 = arith.constant 0 : i32
        %get3A_1046 = arith.index_cast %get3A_1045 : i32 to index
        %get3A_1047 = arith.index_cast %add3A_1044 : i32 to index
        %get3A_1048 = arith.constant 770 : index
        %get3A_1049 = tpu.vector_load %arg8[%get3A_1046, %get3A_1047, %get3A_1048] {strides = array<i32>} : memref<2x20x2080xbf16, #tpu.memory_space<vmem>>, vector<1x1x32xbf16>,
        %get3A_1050 = vector.shape_cast %get3A_1049 : vector<1x1x32xbf16> to vector<32xbf16>
        %mul3A_1051 = arith.mulf %mul3A_1042, %get3A_1050 : vector<32xbf16>
        %add3A_1052 = arith.addf %scan3A_1020, %mul3A_1051 : vector<32xbf16>
        %get3A_1053 = arith.constant 0 : i32
        %get3A_1054 = arith.index_cast %get3A_1053 : i32 to index
        %get3A_1055 = arith.index_cast %scan3A_1019 : i32 to index
        %get3A_1056 = arith.constant 800 : index
        %get3A_1057 = tpu.vector_load %arg8[%get3A_1054, %get3A_1055, %get3A_1056] {strides = array<i32>} : memref<2x20x2080xbf16, #tpu.memory_space<vmem>>, vector<1x1x32xbf16>,
        %get3A_1058 = vector.shape_cast %get3A_1057 : vector<1x1x32xbf16> to vector<32xbf16>
        %add3A_1059 = arith.constant 1 : i32
        %add3A_1060 = arith.addi %scan3A_1019, %add3A_1059 : i32
        %get3A_1061 = arith.constant 0 : i32
        %get3A_1062 = arith.index_cast %get3A_1061 : i32 to index
        %get3A_1063 = arith.index_cast %add3A_1060 : i32 to index
        %get3A_1064 = arith.constant 800 : index
        %get3A_1065 = tpu.vector_load %arg9[%get3A_1062, %get3A_1063, %get3A_1064] {strides = array<i32>} : memref<2x20x2080xbf16, #tpu.memory_space<vmem>>, vector<1x1x32xbf16>,
        %get3A_1066 = vector.shape_cast %get3A_1065 : vector<1x1x32xbf16> to vector<32xbf16>
        %mul3A_1067 = arith.mulf %get3A_1058, %get3A_1066 : vector<32xbf16>
        %add3A_1068 = arith.constant 2 : i32
        %add3A_1069 = arith.addi %scan3A_1019, %add3A_1068 : i32
        %get3A_1070 = arith.constant 0 : i32
        %get3A_1071 = arith.index_cast %get3A_1070 : i32 to index
        %get3A_1072 = arith.index_cast %add3A_1069 : i32 to index
        %get3A_1073 = arith.constant 802 : index
        %get3A_1074 = tpu.vector_load %arg8[%get3A_1071, %get3A_1072, %get3A_1073] {strides = array<i32>} : memref<2x20x2080xbf16, #tpu.memory_space<vmem>>, vector<1x1x32xbf16>,
        %get3A_1075 = vector.shape_cast %get3A_1074 : vector<1x1x32xbf16> to vector<32xbf16>
        %mul3A_1076 = arith.mulf %mul3A_1067, %get3A_1075 : vector<32xbf16>
        %add3A_1077 = arith.addf %scan3A_1021, %mul3A_1076 : vector<32xbf16>
        %get3A_1078 = arith.constant 0 : i32
        %get3A_1079 = arith.index_cast %get3A_1078 : i32 to index
        %get3A_1080 = arith.index_cast %scan3A_1019 : i32 to index
        %get3A_1081 = arith.constant 832 : index
        %get3A_1082 = tpu.vector_load %arg8[%get3A_1079, %get3A_1080, %get3A_1081] {strides = array<i32>} : memref<2x20x2080xbf16, #tpu.memory_space<vmem>>, vector<1x1x32xbf16>,
        %get3A_1083 = vector.shape_cast %get3A_1082 : vector<1x1x32xbf16> to vector<32xbf16>
        %add3A_1084 = arith.constant 1 : i32
        %add3A_1085 = arith.addi %scan3A_1019, %add3A_1084 : i32
        %get3A_1086 = arith.constant 0 : i32
        %get3A_1087 = arith.index_cast %get3A_1086 : i32 to index
        %get3A_1088 = arith.index_cast %add3A_1085 : i32 to index
        %get3A_1089 = arith.constant 832 : index
        %get3A_1090 = tpu.vector_load %arg9[%get3A_1087, %get3A_1088, %get3A_1089] {strides = array<i32>} : memref<2x20x2080xbf16, #tpu.memory_space<vmem>>, vector<1x1x32xbf16>,
        %get3A_1091 = vector.shape_cast %get3A_1090 : vector<1x1x32xbf16> to vector<32xbf16>
        %mul3A_1092 = arith.mulf %get3A_1083, %get3A_1091 : vector<32xbf16>
        %add3A_1093 = arith.constant 2 : i32
        %add3A_1094 = arith.addi %scan3A_1019, %add3A_1093 : i32
        %get3A_1095 = arith.constant 0 : i32
        %get3A_1096 = arith.index_cast %get3A_1095 : i32 to index
        %get3A_1097 = arith.index_cast %add3A_1094 : i32 to index
        %get3A_1098 = arith.constant 834 : index
        %get3A_1099 = tpu.vector_load %arg8[%get3A_1096, %get3A_1097, %get3A_1098] {strides = array<i32>} : memref<2x20x2080xbf16, #tpu.memory_space<vmem>>, vector<1x1x32xbf16>,
        %get3A_1100 = vector.shape_cast %get3A_1099 : vector<1x1x32xbf16> to vector<32xbf16>
        %mul3A_1101 = arith.mulf %mul3A_1092, %get3A_1100 : vector<32xbf16>
        %add3A_1102 = arith.addf %scan3A_1022, %mul3A_1101 : vector<32xbf16>
        %get3A_1103 = arith.constant 0 : i32
        %get3A_1104 = arith.index_cast %get3A_1103 : i32 to index
        %get3A_1105 = arith.index_cast %scan3A_1019 : i32 to index
        %get3A_1106 = arith.constant 864 : index
        %get3A_1107 = tpu.vector_load %arg8[%get3A_1104, %get3A_1105, %get3A_1106] {strides = array<i32>} : memref<2x20x2080xbf16, #tpu.memory_space<vmem>>, vector<1x1x32xbf16>,
        %get3A_1108 = vector.shape_cast %get3A_1107 : vector<1x1x32xbf16> to vector<32xbf16>
        %add3A_1109 = arith.constant 1 : i32
        %add3A_1110 = arith.addi %scan3A_1019, %add3A_1109 : i32
        %get3A_1111 = arith.constant 0 : i32
        %get3A_1112 = arith.index_cast %get3A_1111 : i32 to index
        %get3A_1113 = arith.index_cast %add3A_1110 : i32 to index
        %get3A_1114 = arith.constant 864 : index
        %get3A_1115 = tpu.vector_load %arg9[%get3A_1112, %get3A_1113, %get3A_1114] {strides = array<i32>} : memref<2x20x2080xbf16, #tpu.memory_space<vmem>>, vector<1x1x32xbf16>,
        %get3A_1116 = vector.shape_cast %get3A_1115 : vector<1x1x32xbf16> to vector<32xbf16>
        %mul3A_1117 = arith.mulf %get3A_1108, %get3A_1116 : vector<32xbf16>
        %add3A_1118 = arith.constant 2 : i32
        %add3A_1119 = arith.addi %scan3A_1019, %add3A_1118 : i32
        %get3A_1120 = arith.constant 0 : i32
        %get3A_1121 = arith.index_cast %get3A_1120 : i32 to index
        %get3A_1122 = arith.index_cast %add3A_1119 : i32 to index
        %get3A_1123 = arith.constant 866 : index
        %get3A_1124 = tpu.vector_load %arg8[%get3A_1121, %get3A_1122, %get3A_1123] {strides = array<i32>} : memref<2x20x2080xbf16, #tpu.memory_space<vmem>>, vector<1x1x32xbf16>,
        %get3A_1125 = vector.shape_cast %get3A_1124 : vector<1x1x32xbf16> to vector<32xbf16>
        %mul3A_1126 = arith.mulf %mul3A_1117, %get3A_1125 : vector<32xbf16>
        %add3A_1127 = arith.addf %scan3A_1023, %mul3A_1126 : vector<32xbf16>
        %get3A_1128 = arith.constant 0 : i32
        %get3A_1129 = arith.index_cast %get3A_1128 : i32 to index
        %get3A_1130 = arith.index_cast %scan3A_1019 : i32 to index
        %get3A_1131 = arith.constant 896 : index
        %get3A_1132 = tpu.vector_load %arg8[%get3A_1129, %get3A_1130, %get3A_1131] {strides = array<i32>} : memref<2x20x2080xbf16, #tpu.memory_space<vmem>>, vector<1x1x32xbf16>,
        %get3A_1133 = vector.shape_cast %get3A_1132 : vector<1x1x32xbf16> to vector<32xbf16>
        %add3A_1134 = arith.constant 1 : i32
        %add3A_1135 = arith.addi %scan3A_1019, %add3A_1134 : i32
        %get3A_1136 = arith.constant 0 : i32
        %get3A_1137 = arith.index_cast %get3A_1136 : i32 to index
        %get3A_1138 = arith.index_cast %add3A_1135 : i32 to index
        %get3A_1139 = arith.constant 896 : index
        %get3A_1140 = tpu.vector_load %arg9[%get3A_1137, %get3A_1138, %get3A_1139] {strides = array<i32>} : memref<2x20x2080xbf16, #tpu.memory_space<vmem>>, vector<1x1x32xbf16>,
        %get3A_1141 = vector.shape_cast %get3A_1140 : vector<1x1x32xbf16> to vector<32xbf16>
        %mul3A_1142 = arith.mulf %get3A_1133, %get3A_1141 : vector<32xbf16>
        %add3A_1143 = arith.constant 2 : i32
        %add3A_1144 = arith.addi %scan3A_1019, %add3A_1143 : i32
        %get3A_1145 = arith.constant 0 : i32
        %get3A_1146 = arith.index_cast %get3A_1145 : i32 to index
        %get3A_1147 = arith.index_cast %add3A_1144 : i32 to index
        %get3A_1148 = arith.constant 898 : index
        %get3A_1149 = tpu.vector_load %arg8[%get3A_1146, %get3A_1147, %get3A_1148] {strides = array<i32>} : memref<2x20x2080xbf16, #tpu.memory_space<vmem>>, vector<1x1x32xbf16>,
        %get3A_1150 = vector.shape_cast %get3A_1149 : vector<1x1x32xbf16> to vector<32xbf16>
        %mul3A_1151 = arith.mulf %mul3A_1142, %get3A_1150 : vector<32xbf16>
        %add3A_1152 = arith.addf %scan3A_1024, %mul3A_1151 : vector<32xbf16>
        %get3A_1153 = arith.constant 0 : i32
        %get3A_1154 = arith.index_cast %get3A_1153 : i32 to index
        %get3A_1155 = arith.index_cast %scan3A_1019 : i32 to index
        %get3A_1156 = arith.constant 928 : index
        %get3A_1157 = tpu.vector_load %arg8[%get3A_1154, %get3A_1155, %get3A_1156] {strides = array<i32>} : memref<2x20x2080xbf16, #tpu.memory_space<vmem>>, vector<1x1x32xbf16>,
        %get3A_1158 = vector.shape_cast %get3A_1157 : vector<1x1x32xbf16> to vector<32xbf16>
        %add3A_1159 = arith.constant 1 : i32
        %add3A_1160 = arith.addi %scan3A_1019, %add3A_1159 : i32
        %get3A_1161 = arith.constant 0 : i32
        %get3A_1162 = arith.index_cast %get3A_1161 : i32 to index
        %get3A_1163 = arith.index_cast %add3A_1160 : i32 to index
        %get3A_1164 = arith.constant 928 : index
        %get3A_1165 = tpu.vector_load %arg9[%get3A_1162, %get3A_1163, %get3A_1164] {strides = array<i32>} : memref<2x20x2080xbf16, #tpu.memory_space<vmem>>, vector<1x1x32xbf16>,
        %get3A_1166 = vector.shape_cast %get3A_1165 : vector<1x1x32xbf16> to vector<32xbf16>
        %mul3A_1167 = arith.mulf %get3A_1158, %get3A_1166 : vector<32xbf16>
        %add3A_1168 = arith.constant 2 : i32
        %add3A_1169 = arith.addi %scan3A_1019, %add3A_1168 : i32
        %get3A_1170 = arith.constant 0 : i32
        %get3A_1171 = arith.index_cast %get3A_1170 : i32 to index
        %get3A_1172 = arith.index_cast %add3A_1169 : i32 to index
        %get3A_1173 = arith.constant 930 : index
        %get3A_1174 = tpu.vector_load %arg8[%get3A_1171, %get3A_1172, %get3A_1173] {strides = array<i32>} : memref<2x20x2080xbf16, #tpu.memory_space<vmem>>, vector<1x1x32xbf16>,
        %get3A_1175 = vector.shape_cast %get3A_1174 : vector<1x1x32xbf16> to vector<32xbf16>
        %mul3A_1176 = arith.mulf %mul3A_1167, %get3A_1175 : vector<32xbf16>
        %add3A_1177 = arith.addf %scan3A_1025, %mul3A_1176 : vector<32xbf16>
        %get3A_1178 = arith.constant 0 : i32
        %get3A_1179 = arith.index_cast %get3A_1178 : i32 to index
        %get3A_1180 = arith.index_cast %scan3A_1019 : i32 to index
        %get3A_1181 = arith.constant 960 : index
        %get3A_1182 = tpu.vector_load %arg8[%get3A_1179, %get3A_1180, %get3A_1181] {strides = array<i32>} : memref<2x20x2080xbf16, #tpu.memory_space<vmem>>, vector<1x1x32xbf16>,
        %get3A_1183 = vector.shape_cast %get3A_1182 : vector<1x1x32xbf16> to vector<32xbf16>
        %add3A_1184 = arith.constant 1 : i32
        %add3A_1185 = arith.addi %scan3A_1019, %add3A_1184 : i32
        %get3A_1186 = arith.constant 0 : i32
        %get3A_1187 = arith.index_cast %get3A_1186 : i32 to index
        %get3A_1188 = arith.index_cast %add3A_1185 : i32 to index
        %get3A_1189 = arith.constant 960 : index
        %get3A_1190 = tpu.vector_load %arg9[%get3A_1187, %get3A_1188, %get3A_1189] {strides = array<i32>} : memref<2x20x2080xbf16, #tpu.memory_space<vmem>>, vector<1x1x32xbf16>,
        %get3A_1191 = vector.shape_cast %get3A_1190 : vector<1x1x32xbf16> to vector<32xbf16>
        %mul3A_1192 = arith.mulf %get3A_1183, %get3A_1191 : vector<32xbf16>
        %add3A_1193 = arith.constant 2 : i32
        %add3A_1194 = arith.addi %scan3A_1019, %add3A_1193 : i32
        %get3A_1195 = arith.constant 0 : i32
        %get3A_1196 = arith.index_cast %get3A_1195 : i32 to index
        %get3A_1197 = arith.index_cast %add3A_1194 : i32 to index
        %get3A_1198 = arith.constant 962 : index
        %get3A_1199 = tpu.vector_load %arg8[%get3A_1196, %get3A_1197, %get3A_1198] {strides = array<i32>} : memref<2x20x2080xbf16, #tpu.memory_space<vmem>>, vector<1x1x32xbf16>,
        %get3A_1200 = vector.shape_cast %get3A_1199 : vector<1x1x32xbf16> to vector<32xbf16>
        %mul3A_1201 = arith.mulf %mul3A_1192, %get3A_1200 : vector<32xbf16>
        %add3A_1202 = arith.addf %scan3A_1026, %mul3A_1201 : vector<32xbf16>
        %get3A_1203 = arith.constant 0 : i32
        %get3A_1204 = arith.index_cast %get3A_1203 : i32 to index
        %get3A_1205 = arith.index_cast %scan3A_1019 : i32 to index
        %get3A_1206 = arith.constant 992 : index
        %get3A_1207 = tpu.vector_load %arg8[%get3A_1204, %get3A_1205, %get3A_1206] {strides = array<i32>} : memref<2x20x2080xbf16, #tpu.memory_space<vmem>>, vector<1x1x32xbf16>,
        %get3A_1208 = vector.shape_cast %get3A_1207 : vector<1x1x32xbf16> to vector<32xbf16>
        %add3A_1209 = arith.constant 1 : i32
        %add3A_1210 = arith.addi %scan3A_1019, %add3A_1209 : i32
        %get3A_1211 = arith.constant 0 : i32
        %get3A_1212 = arith.index_cast %get3A_1211 : i32 to index
        %get3A_1213 = arith.index_cast %add3A_1210 : i32 to index
        %get3A_1214 = arith.constant 992 : index
        %get3A_1215 = tpu.vector_load %arg9[%get3A_1212, %get3A_1213, %get3A_1214] {strides = array<i32>} : memref<2x20x2080xbf16, #tpu.memory_space<vmem>>, vector<1x1x32xbf16>,
        %get3A_1216 = vector.shape_cast %get3A_1215 : vector<1x1x32xbf16> to vector<32xbf16>
        %mul3A_1217 = arith.mulf %get3A_1208, %get3A_1216 : vector<32xbf16>
        %add3A_1218 = arith.constant 2 : i32
        %add3A_1219 = arith.addi %scan3A_1019, %add3A_1218 : i32
        %get3A_1220 = arith.constant 0 : i32
        %get3A_1221 = arith.index_cast %get3A_1220 : i32 to index
        %get3A_1222 = arith.index_cast %add3A_1219 : i32 to index
        %get3A_1223 = arith.constant 994 : index
        %get3A_1224 = tpu.vector_load %arg8[%get3A_1221, %get3A_1222, %get3A_1223] {strides = array<i32>} : memref<2x20x2080xbf16, #tpu.memory_space<vmem>>, vector<1x1x32xbf16>,
        %get3A_1225 = vector.shape_cast %get3A_1224 : vector<1x1x32xbf16> to vector<32xbf16>
        %mul3A_1226 = arith.mulf %mul3A_1217, %get3A_1225 : vector<32xbf16>
        %add3A_1227 = arith.addf %scan3A_1027, %mul3A_1226 : vector<32xbf16>
        scf.yield %add3A_1052, %add3A_1077, %add3A_1102, %add3A_1127, %add3A_1152, %add3A_1177, %add3A_1202, %add3A_1227 : vector<32xbf16>, vector<32xbf16>, vector<32xbf16>, vector<32xbf16>, vector<32xbf16>, vector<32xbf16>, vector<32xbf16>, vector<32xbf16>
      }
      %scan3A_368 = arith.constant 18 : i32
      %swap3A_369 = arith.index_cast %mul3A_135 : i32 to index
      %swap3A_370 = arith.constant 768 : index
      %swap3A_371 = tpu.vector_load %arg10[%swap3A_369, %swap3A_370] {strides = array<i32>} : memref<8x2048xbf16, #tpu.memory_space<vmem>>, vector<1x32xbf16>,
      %swap3A_372 = vector.shape_cast %swap3A_371 : vector<1x32xbf16> to vector<32xbf16>
      %swap3A_373 = vector.shape_cast %scan3A_367#0 : vector<32xbf16> to vector<1x32xbf16>
      tpu.vector_store %arg10[%swap3A_369, %swap3A_370], %swap3A_373 {strides = array<i32>} : memref<8x2048xbf16, #tpu.memory_space<vmem>>, vector<1x32xbf16>,
      %swap3A_374 = arith.index_cast %mul3A_135 : i32 to index
      %swap3A_375 = arith.constant 800 : index
      %swap3A_376 = tpu.vector_load %arg10[%swap3A_374, %swap3A_375] {strides = array<i32>} : memref<8x2048xbf16, #tpu.memory_space<vmem>>, vector<1x32xbf16>,
      %swap3A_377 = vector.shape_cast %swap3A_376 : vector<1x32xbf16> to vector<32xbf16>
      %swap3A_378 = vector.shape_cast %scan3A_367#1 : vector<32xbf16> to vector<1x32xbf16>
      tpu.vector_store %arg10[%swap3A_374, %swap3A_375], %swap3A_378 {strides = array<i32>} : memref<8x2048xbf16, #tpu.memory_space<vmem>>, vector<1x32xbf16>,
      %swap3A_379 = arith.index_cast %mul3A_135 : i32 to index
      %swap3A_380 = arith.constant 832 : index
      %swap3A_381 = tpu.vector_load %arg10[%swap3A_379, %swap3A_380] {strides = array<i32>} : memref<8x2048xbf16, #tpu.memory_space<vmem>>, vector<1x32xbf16>,
      %swap3A_382 = vector.shape_cast %swap3A_381 : vector<1x32xbf16> to vector<32xbf16>
      %swap3A_383 = vector.shape_cast %scan3A_367#2 : vector<32xbf16> to vector<1x32xbf16>
      tpu.vector_store %arg10[%swap3A_379, %swap3A_380], %swap3A_383 {strides = array<i32>} : memref<8x2048xbf16, #tpu.memory_space<vmem>>, vector<1x32xbf16>,
      %swap3A_384 = arith.index_cast %mul3A_135 : i32 to index
      %swap3A_385 = arith.constant 864 : index
      %swap3A_386 = tpu.vector_load %arg10[%swap3A_384, %swap3A_385] {strides = array<i32>} : memref<8x2048xbf16, #tpu.memory_space<vmem>>, vector<1x32xbf16>,
      %swap3A_387 = vector.shape_cast %swap3A_386 : vector<1x32xbf16> to vector<32xbf16>
      %swap3A_388 = vector.shape_cast %scan3A_367#3 : vector<32xbf16> to vector<1x32xbf16>
      tpu.vector_store %arg10[%swap3A_384, %swap3A_385], %swap3A_388 {strides = array<i32>} : memref<8x2048xbf16, #tpu.memory_space<vmem>>, vector<1x32xbf16>,
      %swap3A_389 = arith.index_cast %mul3A_135 : i32 to index
      %swap3A_390 = arith.constant 896 : index
      %swap3A_391 = tpu.vector_load %arg10[%swap3A_389, %swap3A_390] {strides = array<i32>} : memref<8x2048xbf16, #tpu.memory_space<vmem>>, vector<1x32xbf16>,
      %swap3A_392 = vector.shape_cast %swap3A_391 : vector<1x32xbf16> to vector<32xbf16>
      %swap3A_393 = vector.shape_cast %scan3A_367#4 : vector<32xbf16> to vector<1x32xbf16>
      tpu.vector_store %arg10[%swap3A_389, %swap3A_390], %swap3A_393 {strides = array<i32>} : memref<8x2048xbf16, #tpu.memory_space<vmem>>, vector<1x32xbf16>,
      %swap3A_394 = arith.index_cast %mul3A_135 : i32 to index
      %swap3A_395 = arith.constant 928 : index
      %swap3A_396 = tpu.vector_load %arg10[%swap3A_394, %swap3A_395] {strides = array<i32>} : memref<8x2048xbf16, #tpu.memory_space<vmem>>, vector<1x32xbf16>,
      %swap3A_397 = vector.shape_cast %swap3A_396 : vector<1x32xbf16> to vector<32xbf16>
      %swap3A_398 = vector.shape_cast %scan3A_367#5 : vector<32xbf16> to vector<1x32xbf16>
      tpu.vector_store %arg10[%swap3A_394, %swap3A_395], %swap3A_398 {strides = array<i32>} : memref<8x2048xbf16, #tpu.memory_space<vmem>>, vector<1x32xbf16>,
      %swap3A_399 = arith.index_cast %mul3A_135 : i32 to index
      %swap3A_400 = arith.constant 960 : index
      %swap3A_401 = tpu.vector_load %arg10[%swap3A_399, %swap3A_400] {strides = array<i32>} : memref<8x2048xbf16, #tpu.memory_space<vmem>>, vector<1x32xbf16>,
      %swap3A_402 = vector.shape_cast %swap3A_401 : vector<1x32xbf16> to vector<32xbf16>
      %swap3A_403 = vector.shape_cast %scan3A_367#6 : vector<32xbf16> to vector<1x32xbf16>
      tpu.vector_store %arg10[%swap3A_399, %swap3A_400], %swap3A_403 {strides = array<i32>} : memref<8x2048xbf16, #tpu.memory_space<vmem>>, vector<1x32xbf16>,
      %swap3A_404 = arith.index_cast %mul3A_135 : i32 to index
      %swap3A_405 = arith.constant 992 : index
      %swap3A_406 = tpu.vector_load %arg10[%swap3A_404, %swap3A_405] {strides = array<i32>} : memref<8x2048xbf16, #tpu.memory_space<vmem>>, vector<1x32xbf16>,
      %swap3A_407 = vector.shape_cast %swap3A_406 : vector<1x32xbf16> to vector<32xbf16>
      %swap3A_408 = vector.shape_cast %scan3A_367#7 : vector<32xbf16> to vector<1x32xbf16>
      tpu.vector_store %arg10[%swap3A_404, %swap3A_405], %swap3A_408 {strides = array<i32>} : memref<8x2048xbf16, #tpu.memory_space<vmem>>, vector<1x32xbf16>,
      %broadcast_in_dim3A_409 = arith.constant 0.000000e+00 : bf16
      %broadcast_in_dim3A_410 = vector.broadcast %broadcast_in_dim3A_409 : bf16 to vector<32xbf16>
      %scan3A_411 = arith.constant 0 : i32
      %scan3A_412 = arith.constant 18 : i32
      %scan3A_413 = arith.addi %scan3A_411, %scan3A_412 : i32
      %scan3A_414 = arith.constant 1 : i32
      %scan3A_415:8 = scf.for %scan3A_1019 = %scan3A_411 to %scan3A_413 step %scan3A_414 iter_args(%scan3A_1020 = %broadcast_in_dim3A_410, %scan3A_1021 = %broadcast_in_dim3A_410, %scan3A_1022 = %broadcast_in_dim3A_410, %scan3A_1023 = %broadcast_in_dim3A_410, %scan3A_1024 = %broadcast_in_dim3A_410, %scan3A_1025 = %broadcast_in_dim3A_410, %scan3A_1026 = %broadcast_in_dim3A_410, %scan3A_1027 = %broadcast_in_dim3A_410) -> (vector<32xbf16>, vector<32xbf16>, vector<32xbf16>, vector<32xbf16>, vector<32xbf16>, vector<32xbf16>, vector<32xbf16>, vector<32xbf16>)  : i32 {
        %get3A_1028 = arith.constant 0 : i32
        %get3A_1029 = arith.index_cast %get3A_1028 : i32 to index
        %get3A_1030 = arith.index_cast %scan3A_1019 : i32 to index
        %get3A_1031 = arith.constant 1024 : index
        %get3A_1032 = tpu.vector_load %arg8[%get3A_1029, %get3A_1030, %get3A_1031] {strides = array<i32>} : memref<2x20x2080xbf16, #tpu.memory_space<vmem>>, vector<1x1x32xbf16>,
        %get3A_1033 = vector.shape_cast %get3A_1032 : vector<1x1x32xbf16> to vector<32xbf16>
        %add3A_1034 = arith.constant 1 : i32
        %add3A_1035 = arith.addi %scan3A_1019, %add3A_1034 : i32
        %get3A_1036 = arith.constant 0 : i32
        %get3A_1037 = arith.index_cast %get3A_1036 : i32 to index
        %get3A_1038 = arith.index_cast %add3A_1035 : i32 to index
        %get3A_1039 = arith.constant 1024 : index
        %get3A_1040 = tpu.vector_load %arg9[%get3A_1037, %get3A_1038, %get3A_1039] {strides = array<i32>} : memref<2x20x2080xbf16, #tpu.memory_space<vmem>>, vector<1x1x32xbf16>,
        %get3A_1041 = vector.shape_cast %get3A_1040 : vector<1x1x32xbf16> to vector<32xbf16>
        %mul3A_1042 = arith.mulf %get3A_1033, %get3A_1041 : vector<32xbf16>
        %add3A_1043 = arith.constant 2 : i32
        %add3A_1044 = arith.addi %scan3A_1019, %add3A_1043 : i32
        %get3A_1045 = arith.constant 0 : i32
        %get3A_1046 = arith.index_cast %get3A_1045 : i32 to index
        %get3A_1047 = arith.index_cast %add3A_1044 : i32 to index
        %get3A_1048 = arith.constant 1026 : index
        %get3A_1049 = tpu.vector_load %arg8[%get3A_1046, %get3A_1047, %get3A_1048] {strides = array<i32>} : memref<2x20x2080xbf16, #tpu.memory_space<vmem>>, vector<1x1x32xbf16>,
        %get3A_1050 = vector.shape_cast %get3A_1049 : vector<1x1x32xbf16> to vector<32xbf16>
        %mul3A_1051 = arith.mulf %mul3A_1042, %get3A_1050 : vector<32xbf16>
        %add3A_1052 = arith.addf %scan3A_1020, %mul3A_1051 : vector<32xbf16>
        %get3A_1053 = arith.constant 0 : i32
        %get3A_1054 = arith.index_cast %get3A_1053 : i32 to index
        %get3A_1055 = arith.index_cast %scan3A_1019 : i32 to index
        %get3A_1056 = arith.constant 1056 : index
        %get3A_1057 = tpu.vector_load %arg8[%get3A_1054, %get3A_1055, %get3A_1056] {strides = array<i32>} : memref<2x20x2080xbf16, #tpu.memory_space<vmem>>, vector<1x1x32xbf16>,
        %get3A_1058 = vector.shape_cast %get3A_1057 : vector<1x1x32xbf16> to vector<32xbf16>
        %add3A_1059 = arith.constant 1 : i32
        %add3A_1060 = arith.addi %scan3A_1019, %add3A_1059 : i32
        %get3A_1061 = arith.constant 0 : i32
        %get3A_1062 = arith.index_cast %get3A_1061 : i32 to index
        %get3A_1063 = arith.index_cast %add3A_1060 : i32 to index
        %get3A_1064 = arith.constant 1056 : index
        %get3A_1065 = tpu.vector_load %arg9[%get3A_1062, %get3A_1063, %get3A_1064] {strides = array<i32>} : memref<2x20x2080xbf16, #tpu.memory_space<vmem>>, vector<1x1x32xbf16>,
        %get3A_1066 = vector.shape_cast %get3A_1065 : vector<1x1x32xbf16> to vector<32xbf16>
        %mul3A_1067 = arith.mulf %get3A_1058, %get3A_1066 : vector<32xbf16>
        %add3A_1068 = arith.constant 2 : i32
        %add3A_1069 = arith.addi %scan3A_1019, %add3A_1068 : i32
        %get3A_1070 = arith.constant 0 : i32
        %get3A_1071 = arith.index_cast %get3A_1070 : i32 to index
        %get3A_1072 = arith.index_cast %add3A_1069 : i32 to index
        %get3A_1073 = arith.constant 1058 : index
        %get3A_1074 = tpu.vector_load %arg8[%get3A_1071, %get3A_1072, %get3A_1073] {strides = array<i32>} : memref<2x20x2080xbf16, #tpu.memory_space<vmem>>, vector<1x1x32xbf16>,
        %get3A_1075 = vector.shape_cast %get3A_1074 : vector<1x1x32xbf16> to vector<32xbf16>
        %mul3A_1076 = arith.mulf %mul3A_1067, %get3A_1075 : vector<32xbf16>
        %add3A_1077 = arith.addf %scan3A_1021, %mul3A_1076 : vector<32xbf16>
        %get3A_1078 = arith.constant 0 : i32
        %get3A_1079 = arith.index_cast %get3A_1078 : i32 to index
        %get3A_1080 = arith.index_cast %scan3A_1019 : i32 to index
        %get3A_1081 = arith.constant 1088 : index
        %get3A_1082 = tpu.vector_load %arg8[%get3A_1079, %get3A_1080, %get3A_1081] {strides = array<i32>} : memref<2x20x2080xbf16, #tpu.memory_space<vmem>>, vector<1x1x32xbf16>,
        %get3A_1083 = vector.shape_cast %get3A_1082 : vector<1x1x32xbf16> to vector<32xbf16>
        %add3A_1084 = arith.constant 1 : i32
        %add3A_1085 = arith.addi %scan3A_1019, %add3A_1084 : i32
        %get3A_1086 = arith.constant 0 : i32
        %get3A_1087 = arith.index_cast %get3A_1086 : i32 to index
        %get3A_1088 = arith.index_cast %add3A_1085 : i32 to index
        %get3A_1089 = arith.constant 1088 : index
        %get3A_1090 = tpu.vector_load %arg9[%get3A_1087, %get3A_1088, %get3A_1089] {strides = array<i32>} : memref<2x20x2080xbf16, #tpu.memory_space<vmem>>, vector<1x1x32xbf16>,
        %get3A_1091 = vector.shape_cast %get3A_1090 : vector<1x1x32xbf16> to vector<32xbf16>
        %mul3A_1092 = arith.mulf %get3A_1083, %get3A_1091 : vector<32xbf16>
        %add3A_1093 = arith.constant 2 : i32
        %add3A_1094 = arith.addi %scan3A_1019, %add3A_1093 : i32
        %get3A_1095 = arith.constant 0 : i32
        %get3A_1096 = arith.index_cast %get3A_1095 : i32 to index
        %get3A_1097 = arith.index_cast %add3A_1094 : i32 to index
        %get3A_1098 = arith.constant 1090 : index
        %get3A_1099 = tpu.vector_load %arg8[%get3A_1096, %get3A_1097, %get3A_1098] {strides = array<i32>} : memref<2x20x2080xbf16, #tpu.memory_space<vmem>>, vector<1x1x32xbf16>,
        %get3A_1100 = vector.shape_cast %get3A_1099 : vector<1x1x32xbf16> to vector<32xbf16>
        %mul3A_1101 = arith.mulf %mul3A_1092, %get3A_1100 : vector<32xbf16>
        %add3A_1102 = arith.addf %scan3A_1022, %mul3A_1101 : vector<32xbf16>
        %get3A_1103 = arith.constant 0 : i32
        %get3A_1104 = arith.index_cast %get3A_1103 : i32 to index
        %get3A_1105 = arith.index_cast %scan3A_1019 : i32 to index
        %get3A_1106 = arith.constant 1120 : index
        %get3A_1107 = tpu.vector_load %arg8[%get3A_1104, %get3A_1105, %get3A_1106] {strides = array<i32>} : memref<2x20x2080xbf16, #tpu.memory_space<vmem>>, vector<1x1x32xbf16>,
        %get3A_1108 = vector.shape_cast %get3A_1107 : vector<1x1x32xbf16> to vector<32xbf16>
        %add3A_1109 = arith.constant 1 : i32
        %add3A_1110 = arith.addi %scan3A_1019, %add3A_1109 : i32
        %get3A_1111 = arith.constant 0 : i32
        %get3A_1112 = arith.index_cast %get3A_1111 : i32 to index
        %get3A_1113 = arith.index_cast %add3A_1110 : i32 to index
        %get3A_1114 = arith.constant 1120 : index
        %get3A_1115 = tpu.vector_load %arg9[%get3A_1112, %get3A_1113, %get3A_1114] {strides = array<i32>} : memref<2x20x2080xbf16, #tpu.memory_space<vmem>>, vector<1x1x32xbf16>,
        %get3A_1116 = vector.shape_cast %get3A_1115 : vector<1x1x32xbf16> to vector<32xbf16>
        %mul3A_1117 = arith.mulf %get3A_1108, %get3A_1116 : vector<32xbf16>
        %add3A_1118 = arith.constant 2 : i32
        %add3A_1119 = arith.addi %scan3A_1019, %add3A_1118 : i32
        %get3A_1120 = arith.constant 0 : i32
        %get3A_1121 = arith.index_cast %get3A_1120 : i32 to index
        %get3A_1122 = arith.index_cast %add3A_1119 : i32 to index
        %get3A_1123 = arith.constant 1122 : index
        %get3A_1124 = tpu.vector_load %arg8[%get3A_1121, %get3A_1122, %get3A_1123] {strides = array<i32>} : memref<2x20x2080xbf16, #tpu.memory_space<vmem>>, vector<1x1x32xbf16>,
        %get3A_1125 = vector.shape_cast %get3A_1124 : vector<1x1x32xbf16> to vector<32xbf16>
        %mul3A_1126 = arith.mulf %mul3A_1117, %get3A_1125 : vector<32xbf16>
        %add3A_1127 = arith.addf %scan3A_1023, %mul3A_1126 : vector<32xbf16>
        %get3A_1128 = arith.constant 0 : i32
        %get3A_1129 = arith.index_cast %get3A_1128 : i32 to index
        %get3A_1130 = arith.index_cast %scan3A_1019 : i32 to index
        %get3A_1131 = arith.constant 1152 : index
        %get3A_1132 = tpu.vector_load %arg8[%get3A_1129, %get3A_1130, %get3A_1131] {strides = array<i32>} : memref<2x20x2080xbf16, #tpu.memory_space<vmem>>, vector<1x1x32xbf16>,
        %get3A_1133 = vector.shape_cast %get3A_1132 : vector<1x1x32xbf16> to vector<32xbf16>
        %add3A_1134 = arith.constant 1 : i32
        %add3A_1135 = arith.addi %scan3A_1019, %add3A_1134 : i32
        %get3A_1136 = arith.constant 0 : i32
        %get3A_1137 = arith.index_cast %get3A_1136 : i32 to index
        %get3A_1138 = arith.index_cast %add3A_1135 : i32 to index
        %get3A_1139 = arith.constant 1152 : index
        %get3A_1140 = tpu.vector_load %arg9[%get3A_1137, %get3A_1138, %get3A_1139] {strides = array<i32>} : memref<2x20x2080xbf16, #tpu.memory_space<vmem>>, vector<1x1x32xbf16>,
        %get3A_1141 = vector.shape_cast %get3A_1140 : vector<1x1x32xbf16> to vector<32xbf16>
        %mul3A_1142 = arith.mulf %get3A_1133, %get3A_1141 : vector<32xbf16>
        %add3A_1143 = arith.constant 2 : i32
        %add3A_1144 = arith.addi %scan3A_1019, %add3A_1143 : i32
        %get3A_1145 = arith.constant 0 : i32
        %get3A_1146 = arith.index_cast %get3A_1145 : i32 to index
        %get3A_1147 = arith.index_cast %add3A_1144 : i32 to index
        %get3A_1148 = arith.constant 1154 : index
        %get3A_1149 = tpu.vector_load %arg8[%get3A_1146, %get3A_1147, %get3A_1148] {strides = array<i32>} : memref<2x20x2080xbf16, #tpu.memory_space<vmem>>, vector<1x1x32xbf16>,
        %get3A_1150 = vector.shape_cast %get3A_1149 : vector<1x1x32xbf16> to vector<32xbf16>
        %mul3A_1151 = arith.mulf %mul3A_1142, %get3A_1150 : vector<32xbf16>
        %add3A_1152 = arith.addf %scan3A_1024, %mul3A_1151 : vector<32xbf16>
        %get3A_1153 = arith.constant 0 : i32
        %get3A_1154 = arith.index_cast %get3A_1153 : i32 to index
        %get3A_1155 = arith.index_cast %scan3A_1019 : i32 to index
        %get3A_1156 = arith.constant 1184 : index
        %get3A_1157 = tpu.vector_load %arg8[%get3A_1154, %get3A_1155, %get3A_1156] {strides = array<i32>} : memref<2x20x2080xbf16, #tpu.memory_space<vmem>>, vector<1x1x32xbf16>,
        %get3A_1158 = vector.shape_cast %get3A_1157 : vector<1x1x32xbf16> to vector<32xbf16>
        %add3A_1159 = arith.constant 1 : i32
        %add3A_1160 = arith.addi %scan3A_1019, %add3A_1159 : i32
        %get3A_1161 = arith.constant 0 : i32
        %get3A_1162 = arith.index_cast %get3A_1161 : i32 to index
        %get3A_1163 = arith.index_cast %add3A_1160 : i32 to index
        %get3A_1164 = arith.constant 1184 : index
        %get3A_1165 = tpu.vector_load %arg9[%get3A_1162, %get3A_1163, %get3A_1164] {strides = array<i32>} : memref<2x20x2080xbf16, #tpu.memory_space<vmem>>, vector<1x1x32xbf16>,
        %get3A_1166 = vector.shape_cast %get3A_1165 : vector<1x1x32xbf16> to vector<32xbf16>
        %mul3A_1167 = arith.mulf %get3A_1158, %get3A_1166 : vector<32xbf16>
        %add3A_1168 = arith.constant 2 : i32
        %add3A_1169 = arith.addi %scan3A_1019, %add3A_1168 : i32
        %get3A_1170 = arith.constant 0 : i32
        %get3A_1171 = arith.index_cast %get3A_1170 : i32 to index
        %get3A_1172 = arith.index_cast %add3A_1169 : i32 to index
        %get3A_1173 = arith.constant 1186 : index
        %get3A_1174 = tpu.vector_load %arg8[%get3A_1171, %get3A_1172, %get3A_1173] {strides = array<i32>} : memref<2x20x2080xbf16, #tpu.memory_space<vmem>>, vector<1x1x32xbf16>,
        %get3A_1175 = vector.shape_cast %get3A_1174 : vector<1x1x32xbf16> to vector<32xbf16>
        %mul3A_1176 = arith.mulf %mul3A_1167, %get3A_1175 : vector<32xbf16>
        %add3A_1177 = arith.addf %scan3A_1025, %mul3A_1176 : vector<32xbf16>
        %get3A_1178 = arith.constant 0 : i32
        %get3A_1179 = arith.index_cast %get3A_1178 : i32 to index
        %get3A_1180 = arith.index_cast %scan3A_1019 : i32 to index
        %get3A_1181 = arith.constant 1216 : index
        %get3A_1182 = tpu.vector_load %arg8[%get3A_1179, %get3A_1180, %get3A_1181] {strides = array<i32>} : memref<2x20x2080xbf16, #tpu.memory_space<vmem>>, vector<1x1x32xbf16>,
        %get3A_1183 = vector.shape_cast %get3A_1182 : vector<1x1x32xbf16> to vector<32xbf16>
        %add3A_1184 = arith.constant 1 : i32
        %add3A_1185 = arith.addi %scan3A_1019, %add3A_1184 : i32
        %get3A_1186 = arith.constant 0 : i32
        %get3A_1187 = arith.index_cast %get3A_1186 : i32 to index
        %get3A_1188 = arith.index_cast %add3A_1185 : i32 to index
        %get3A_1189 = arith.constant 1216 : index
        %get3A_1190 = tpu.vector_load %arg9[%get3A_1187, %get3A_1188, %get3A_1189] {strides = array<i32>} : memref<2x20x2080xbf16, #tpu.memory_space<vmem>>, vector<1x1x32xbf16>,
        %get3A_1191 = vector.shape_cast %get3A_1190 : vector<1x1x32xbf16> to vector<32xbf16>
        %mul3A_1192 = arith.mulf %get3A_1183, %get3A_1191 : vector<32xbf16>
        %add3A_1193 = arith.constant 2 : i32
        %add3A_1194 = arith.addi %scan3A_1019, %add3A_1193 : i32
        %get3A_1195 = arith.constant 0 : i32
        %get3A_1196 = arith.index_cast %get3A_1195 : i32 to index
        %get3A_1197 = arith.index_cast %add3A_1194 : i32 to index
        %get3A_1198 = arith.constant 1218 : index
        %get3A_1199 = tpu.vector_load %arg8[%get3A_1196, %get3A_1197, %get3A_1198] {strides = array<i32>} : memref<2x20x2080xbf16, #tpu.memory_space<vmem>>, vector<1x1x32xbf16>,
        %get3A_1200 = vector.shape_cast %get3A_1199 : vector<1x1x32xbf16> to vector<32xbf16>
        %mul3A_1201 = arith.mulf %mul3A_1192, %get3A_1200 : vector<32xbf16>
        %add3A_1202 = arith.addf %scan3A_1026, %mul3A_1201 : vector<32xbf16>
        %get3A_1203 = arith.constant 0 : i32
        %get3A_1204 = arith.index_cast %get3A_1203 : i32 to index
        %get3A_1205 = arith.index_cast %scan3A_1019 : i32 to index
        %get3A_1206 = arith.constant 1248 : index
        %get3A_1207 = tpu.vector_load %arg8[%get3A_1204, %get3A_1205, %get3A_1206] {strides = array<i32>} : memref<2x20x2080xbf16, #tpu.memory_space<vmem>>, vector<1x1x32xbf16>,
        %get3A_1208 = vector.shape_cast %get3A_1207 : vector<1x1x32xbf16> to vector<32xbf16>
        %add3A_1209 = arith.constant 1 : i32
        %add3A_1210 = arith.addi %scan3A_1019, %add3A_1209 : i32
        %get3A_1211 = arith.constant 0 : i32
        %get3A_1212 = arith.index_cast %get3A_1211 : i32 to index
        %get3A_1213 = arith.index_cast %add3A_1210 : i32 to index
        %get3A_1214 = arith.constant 1248 : index
        %get3A_1215 = tpu.vector_load %arg9[%get3A_1212, %get3A_1213, %get3A_1214] {strides = array<i32>} : memref<2x20x2080xbf16, #tpu.memory_space<vmem>>, vector<1x1x32xbf16>,
        %get3A_1216 = vector.shape_cast %get3A_1215 : vector<1x1x32xbf16> to vector<32xbf16>
        %mul3A_1217 = arith.mulf %get3A_1208, %get3A_1216 : vector<32xbf16>
        %add3A_1218 = arith.constant 2 : i32
        %add3A_1219 = arith.addi %scan3A_1019, %add3A_1218 : i32
        %get3A_1220 = arith.constant 0 : i32
        %get3A_1221 = arith.index_cast %get3A_1220 : i32 to index
        %get3A_1222 = arith.index_cast %add3A_1219 : i32 to index
        %get3A_1223 = arith.constant 1250 : index
        %get3A_1224 = tpu.vector_load %arg8[%get3A_1221, %get3A_1222, %get3A_1223] {strides = array<i32>} : memref<2x20x2080xbf16, #tpu.memory_space<vmem>>, vector<1x1x32xbf16>,
        %get3A_1225 = vector.shape_cast %get3A_1224 : vector<1x1x32xbf16> to vector<32xbf16>
        %mul3A_1226 = arith.mulf %mul3A_1217, %get3A_1225 : vector<32xbf16>
        %add3A_1227 = arith.addf %scan3A_1027, %mul3A_1226 : vector<32xbf16>
        scf.yield %add3A_1052, %add3A_1077, %add3A_1102, %add3A_1127, %add3A_1152, %add3A_1177, %add3A_1202, %add3A_1227 : vector<32xbf16>, vector<32xbf16>, vector<32xbf16>, vector<32xbf16>, vector<32xbf16>, vector<32xbf16>, vector<32xbf16>, vector<32xbf16>
      }
      %scan3A_416 = arith.constant 18 : i32
      %swap3A_417 = arith.index_cast %mul3A_135 : i32 to index
      %swap3A_418 = arith.constant 1024 : index
      %swap3A_419 = tpu.vector_load %arg10[%swap3A_417, %swap3A_418] {strides = array<i32>} : memref<8x2048xbf16, #tpu.memory_space<vmem>>, vector<1x32xbf16>,
      %swap3A_420 = vector.shape_cast %swap3A_419 : vector<1x32xbf16> to vector<32xbf16>
      %swap3A_421 = vector.shape_cast %scan3A_415#0 : vector<32xbf16> to vector<1x32xbf16>
      tpu.vector_store %arg10[%swap3A_417, %swap3A_418], %swap3A_421 {strides = array<i32>} : memref<8x2048xbf16, #tpu.memory_space<vmem>>, vector<1x32xbf16>,
      %swap3A_422 = arith.index_cast %mul3A_135 : i32 to index
      %swap3A_423 = arith.constant 1056 : index
      %swap3A_424 = tpu.vector_load %arg10[%swap3A_422, %swap3A_423] {strides = array<i32>} : memref<8x2048xbf16, #tpu.memory_space<vmem>>, vector<1x32xbf16>,
      %swap3A_425 = vector.shape_cast %swap3A_424 : vector<1x32xbf16> to vector<32xbf16>
      %swap3A_426 = vector.shape_cast %scan3A_415#1 : vector<32xbf16> to vector<1x32xbf16>
      tpu.vector_store %arg10[%swap3A_422, %swap3A_423], %swap3A_426 {strides = array<i32>} : memref<8x2048xbf16, #tpu.memory_space<vmem>>, vector<1x32xbf16>,
      %swap3A_427 = arith.index_cast %mul3A_135 : i32 to index
      %swap3A_428 = arith.constant 1088 : index
      %swap3A_429 = tpu.vector_load %arg10[%swap3A_427, %swap3A_428] {strides = array<i32>} : memref<8x2048xbf16, #tpu.memory_space<vmem>>, vector<1x32xbf16>,
      %swap3A_430 = vector.shape_cast %swap3A_429 : vector<1x32xbf16> to vector<32xbf16>
      %swap3A_431 = vector.shape_cast %scan3A_415#2 : vector<32xbf16> to vector<1x32xbf16>
      tpu.vector_store %arg10[%swap3A_427, %swap3A_428], %swap3A_431 {strides = array<i32>} : memref<8x2048xbf16, #tpu.memory_space<vmem>>, vector<1x32xbf16>,
      %swap3A_432 = arith.index_cast %mul3A_135 : i32 to index
      %swap3A_433 = arith.constant 1120 : index
      %swap3A_434 = tpu.vector_load %arg10[%swap3A_432, %swap3A_433] {strides = array<i32>} : memref<8x2048xbf16, #tpu.memory_space<vmem>>, vector<1x32xbf16>,
      %swap3A_435 = vector.shape_cast %swap3A_434 : vector<1x32xbf16> to vector<32xbf16>
      %swap3A_436 = vector.shape_cast %scan3A_415#3 : vector<32xbf16> to vector<1x32xbf16>
      tpu.vector_store %arg10[%swap3A_432, %swap3A_433], %swap3A_436 {strides = array<i32>} : memref<8x2048xbf16, #tpu.memory_space<vmem>>, vector<1x32xbf16>,
      %swap3A_437 = arith.index_cast %mul3A_135 : i32 to index
      %swap3A_438 = arith.constant 1152 : index
      %swap3A_439 = tpu.vector_load %arg10[%swap3A_437, %swap3A_438] {strides = array<i32>} : memref<8x2048xbf16, #tpu.memory_space<vmem>>, vector<1x32xbf16>,
      %swap3A_440 = vector.shape_cast %swap3A_439 : vector<1x32xbf16> to vector<32xbf16>
      %swap3A_441 = vector.shape_cast %scan3A_415#4 : vector<32xbf16> to vector<1x32xbf16>
      tpu.vector_store %arg10[%swap3A_437, %swap3A_438], %swap3A_441 {strides = array<i32>} : memref<8x2048xbf16, #tpu.memory_space<vmem>>, vector<1x32xbf16>,
      %swap3A_442 = arith.index_cast %mul3A_135 : i32 to index
      %swap3A_443 = arith.constant 1184 : index
      %swap3A_444 = tpu.vector_load %arg10[%swap3A_442, %swap3A_443] {strides = array<i32>} : memref<8x2048xbf16, #tpu.memory_space<vmem>>, vector<1x32xbf16>,
      %swap3A_445 = vector.shape_cast %swap3A_444 : vector<1x32xbf16> to vector<32xbf16>
      %swap3A_446 = vector.shape_cast %scan3A_415#5 : vector<32xbf16> to vector<1x32xbf16>
      tpu.vector_store %arg10[%swap3A_442, %swap3A_443], %swap3A_446 {strides = array<i32>} : memref<8x2048xbf16, #tpu.memory_space<vmem>>, vector<1x32xbf16>,
      %swap3A_447 = arith.index_cast %mul3A_135 : i32 to index
      %swap3A_448 = arith.constant 1216 : index
      %swap3A_449 = tpu.vector_load %arg10[%swap3A_447, %swap3A_448] {strides = array<i32>} : memref<8x2048xbf16, #tpu.memory_space<vmem>>, vector<1x32xbf16>,
      %swap3A_450 = vector.shape_cast %swap3A_449 : vector<1x32xbf16> to vector<32xbf16>
      %swap3A_451 = vector.shape_cast %scan3A_415#6 : vector<32xbf16> to vector<1x32xbf16>
      tpu.vector_store %arg10[%swap3A_447, %swap3A_448], %swap3A_451 {strides = array<i32>} : memref<8x2048xbf16, #tpu.memory_space<vmem>>, vector<1x32xbf16>,
      %swap3A_452 = arith.index_cast %mul3A_135 : i32 to index
      %swap3A_453 = arith.constant 1248 : index
      %swap3A_454 = tpu.vector_load %arg10[%swap3A_452, %swap3A_453] {strides = array<i32>} : memref<8x2048xbf16, #tpu.memory_space<vmem>>, vector<1x32xbf16>,
      %swap3A_455 = vector.shape_cast %swap3A_454 : vector<1x32xbf16> to vector<32xbf16>
      %swap3A_456 = vector.shape_cast %scan3A_415#7 : vector<32xbf16> to vector<1x32xbf16>
      tpu.vector_store %arg10[%swap3A_452, %swap3A_453], %swap3A_456 {strides = array<i32>} : memref<8x2048xbf16, #tpu.memory_space<vmem>>, vector<1x32xbf16>,
      %broadcast_in_dim3A_457 = arith.constant 0.000000e+00 : bf16
      %broadcast_in_dim3A_458 = vector.broadcast %broadcast_in_dim3A_457 : bf16 to vector<32xbf16>
      %scan3A_459 = arith.constant 0 : i32
      %scan3A_460 = arith.constant 18 : i32
      %scan3A_461 = arith.addi %scan3A_459, %scan3A_460 : i32
      %scan3A_462 = arith.constant 1 : i32
      %scan3A_463:8 = scf.for %scan3A_1019 = %scan3A_459 to %scan3A_461 step %scan3A_462 iter_args(%scan3A_1020 = %broadcast_in_dim3A_458, %scan3A_1021 = %broadcast_in_dim3A_458, %scan3A_1022 = %broadcast_in_dim3A_458, %scan3A_1023 = %broadcast_in_dim3A_458, %scan3A_1024 = %broadcast_in_dim3A_458, %scan3A_1025 = %broadcast_in_dim3A_458, %scan3A_1026 = %broadcast_in_dim3A_458, %scan3A_1027 = %broadcast_in_dim3A_458) -> (vector<32xbf16>, vector<32xbf16>, vector<32xbf16>, vector<32xbf16>, vector<32xbf16>, vector<32xbf16>, vector<32xbf16>, vector<32xbf16>)  : i32 {
        %get3A_1028 = arith.constant 0 : i32
        %get3A_1029 = arith.index_cast %get3A_1028 : i32 to index
        %get3A_1030 = arith.index_cast %scan3A_1019 : i32 to index
        %get3A_1031 = arith.constant 1280 : index
        %get3A_1032 = tpu.vector_load %arg8[%get3A_1029, %get3A_1030, %get3A_1031] {strides = array<i32>} : memref<2x20x2080xbf16, #tpu.memory_space<vmem>>, vector<1x1x32xbf16>,
        %get3A_1033 = vector.shape_cast %get3A_1032 : vector<1x1x32xbf16> to vector<32xbf16>
        %add3A_1034 = arith.constant 1 : i32
        %add3A_1035 = arith.addi %scan3A_1019, %add3A_1034 : i32
        %get3A_1036 = arith.constant 0 : i32
        %get3A_1037 = arith.index_cast %get3A_1036 : i32 to index
        %get3A_1038 = arith.index_cast %add3A_1035 : i32 to index
        %get3A_1039 = arith.constant 1280 : index
        %get3A_1040 = tpu.vector_load %arg9[%get3A_1037, %get3A_1038, %get3A_1039] {strides = array<i32>} : memref<2x20x2080xbf16, #tpu.memory_space<vmem>>, vector<1x1x32xbf16>,
        %get3A_1041 = vector.shape_cast %get3A_1040 : vector<1x1x32xbf16> to vector<32xbf16>
        %mul3A_1042 = arith.mulf %get3A_1033, %get3A_1041 : vector<32xbf16>
        %add3A_1043 = arith.constant 2 : i32
        %add3A_1044 = arith.addi %scan3A_1019, %add3A_1043 : i32
        %get3A_1045 = arith.constant 0 : i32
        %get3A_1046 = arith.index_cast %get3A_1045 : i32 to index
        %get3A_1047 = arith.index_cast %add3A_1044 : i32 to index
        %get3A_1048 = arith.constant 1282 : index
        %get3A_1049 = tpu.vector_load %arg8[%get3A_1046, %get3A_1047, %get3A_1048] {strides = array<i32>} : memref<2x20x2080xbf16, #tpu.memory_space<vmem>>, vector<1x1x32xbf16>,
        %get3A_1050 = vector.shape_cast %get3A_1049 : vector<1x1x32xbf16> to vector<32xbf16>
        %mul3A_1051 = arith.mulf %mul3A_1042, %get3A_1050 : vector<32xbf16>
        %add3A_1052 = arith.addf %scan3A_1020, %mul3A_1051 : vector<32xbf16>
        %get3A_1053 = arith.constant 0 : i32
        %get3A_1054 = arith.index_cast %get3A_1053 : i32 to index
        %get3A_1055 = arith.index_cast %scan3A_1019 : i32 to index
        %get3A_1056 = arith.constant 1312 : index
        %get3A_1057 = tpu.vector_load %arg8[%get3A_1054, %get3A_1055, %get3A_1056] {strides = array<i32>} : memref<2x20x2080xbf16, #tpu.memory_space<vmem>>, vector<1x1x32xbf16>,
        %get3A_1058 = vector.shape_cast %get3A_1057 : vector<1x1x32xbf16> to vector<32xbf16>
        %add3A_1059 = arith.constant 1 : i32
        %add3A_1060 = arith.addi %scan3A_1019, %add3A_1059 : i32
        %get3A_1061 = arith.constant 0 : i32
        %get3A_1062 = arith.index_cast %get3A_1061 : i32 to index
        %get3A_1063 = arith.index_cast %add3A_1060 : i32 to index
        %get3A_1064 = arith.constant 1312 : index
        %get3A_1065 = tpu.vector_load %arg9[%get3A_1062, %get3A_1063, %get3A_1064] {strides = array<i32>} : memref<2x20x2080xbf16, #tpu.memory_space<vmem>>, vector<1x1x32xbf16>,
        %get3A_1066 = vector.shape_cast %get3A_1065 : vector<1x1x32xbf16> to vector<32xbf16>
        %mul3A_1067 = arith.mulf %get3A_1058, %get3A_1066 : vector<32xbf16>
        %add3A_1068 = arith.constant 2 : i32
        %add3A_1069 = arith.addi %scan3A_1019, %add3A_1068 : i32
        %get3A_1070 = arith.constant 0 : i32
        %get3A_1071 = arith.index_cast %get3A_1070 : i32 to index
        %get3A_1072 = arith.index_cast %add3A_1069 : i32 to index
        %get3A_1073 = arith.constant 1314 : index
        %get3A_1074 = tpu.vector_load %arg8[%get3A_1071, %get3A_1072, %get3A_1073] {strides = array<i32>} : memref<2x20x2080xbf16, #tpu.memory_space<vmem>>, vector<1x1x32xbf16>,
        %get3A_1075 = vector.shape_cast %get3A_1074 : vector<1x1x32xbf16> to vector<32xbf16>
        %mul3A_1076 = arith.mulf %mul3A_1067, %get3A_1075 : vector<32xbf16>
        %add3A_1077 = arith.addf %scan3A_1021, %mul3A_1076 : vector<32xbf16>
        %get3A_1078 = arith.constant 0 : i32
        %get3A_1079 = arith.index_cast %get3A_1078 : i32 to index
        %get3A_1080 = arith.index_cast %scan3A_1019 : i32 to index
        %get3A_1081 = arith.constant 1344 : index
        %get3A_1082 = tpu.vector_load %arg8[%get3A_1079, %get3A_1080, %get3A_1081] {strides = array<i32>} : memref<2x20x2080xbf16, #tpu.memory_space<vmem>>, vector<1x1x32xbf16>,
        %get3A_1083 = vector.shape_cast %get3A_1082 : vector<1x1x32xbf16> to vector<32xbf16>
        %add3A_1084 = arith.constant 1 : i32
        %add3A_1085 = arith.addi %scan3A_1019, %add3A_1084 : i32
        %get3A_1086 = arith.constant 0 : i32
        %get3A_1087 = arith.index_cast %get3A_1086 : i32 to index
        %get3A_1088 = arith.index_cast %add3A_1085 : i32 to index
        %get3A_1089 = arith.constant 1344 : index
        %get3A_1090 = tpu.vector_load %arg9[%get3A_1087, %get3A_1088, %get3A_1089] {strides = array<i32>} : memref<2x20x2080xbf16, #tpu.memory_space<vmem>>, vector<1x1x32xbf16>,
        %get3A_1091 = vector.shape_cast %get3A_1090 : vector<1x1x32xbf16> to vector<32xbf16>
        %mul3A_1092 = arith.mulf %get3A_1083, %get3A_1091 : vector<32xbf16>
        %add3A_1093 = arith.constant 2 : i32
        %add3A_1094 = arith.addi %scan3A_1019, %add3A_1093 : i32
        %get3A_1095 = arith.constant 0 : i32
        %get3A_1096 = arith.index_cast %get3A_1095 : i32 to index
        %get3A_1097 = arith.index_cast %add3A_1094 : i32 to index
        %get3A_1098 = arith.constant 1346 : index
        %get3A_1099 = tpu.vector_load %arg8[%get3A_1096, %get3A_1097, %get3A_1098] {strides = array<i32>} : memref<2x20x2080xbf16, #tpu.memory_space<vmem>>, vector<1x1x32xbf16>,
        %get3A_1100 = vector.shape_cast %get3A_1099 : vector<1x1x32xbf16> to vector<32xbf16>
        %mul3A_1101 = arith.mulf %mul3A_1092, %get3A_1100 : vector<32xbf16>
        %add3A_1102 = arith.addf %scan3A_1022, %mul3A_1101 : vector<32xbf16>
        %get3A_1103 = arith.constant 0 : i32
        %get3A_1104 = arith.index_cast %get3A_1103 : i32 to index
        %get3A_1105 = arith.index_cast %scan3A_1019 : i32 to index
        %get3A_1106 = arith.constant 1376 : index
        %get3A_1107 = tpu.vector_load %arg8[%get3A_1104, %get3A_1105, %get3A_1106] {strides = array<i32>} : memref<2x20x2080xbf16, #tpu.memory_space<vmem>>, vector<1x1x32xbf16>,
        %get3A_1108 = vector.shape_cast %get3A_1107 : vector<1x1x32xbf16> to vector<32xbf16>
        %add3A_1109 = arith.constant 1 : i32
        %add3A_1110 = arith.addi %scan3A_1019, %add3A_1109 : i32
        %get3A_1111 = arith.constant 0 : i32
        %get3A_1112 = arith.index_cast %get3A_1111 : i32 to index
        %get3A_1113 = arith.index_cast %add3A_1110 : i32 to index
        %get3A_1114 = arith.constant 1376 : index
        %get3A_1115 = tpu.vector_load %arg9[%get3A_1112, %get3A_1113, %get3A_1114] {strides = array<i32>} : memref<2x20x2080xbf16, #tpu.memory_space<vmem>>, vector<1x1x32xbf16>,
        %get3A_1116 = vector.shape_cast %get3A_1115 : vector<1x1x32xbf16> to vector<32xbf16>
        %mul3A_1117 = arith.mulf %get3A_1108, %get3A_1116 : vector<32xbf16>
        %add3A_1118 = arith.constant 2 : i32
        %add3A_1119 = arith.addi %scan3A_1019, %add3A_1118 : i32
        %get3A_1120 = arith.constant 0 : i32
        %get3A_1121 = arith.index_cast %get3A_1120 : i32 to index
        %get3A_1122 = arith.index_cast %add3A_1119 : i32 to index
        %get3A_1123 = arith.constant 1378 : index
        %get3A_1124 = tpu.vector_load %arg8[%get3A_1121, %get3A_1122, %get3A_1123] {strides = array<i32>} : memref<2x20x2080xbf16, #tpu.memory_space<vmem>>, vector<1x1x32xbf16>,
        %get3A_1125 = vector.shape_cast %get3A_1124 : vector<1x1x32xbf16> to vector<32xbf16>
        %mul3A_1126 = arith.mulf %mul3A_1117, %get3A_1125 : vector<32xbf16>
        %add3A_1127 = arith.addf %scan3A_1023, %mul3A_1126 : vector<32xbf16>
        %get3A_1128 = arith.constant 0 : i32
        %get3A_1129 = arith.index_cast %get3A_1128 : i32 to index
        %get3A_1130 = arith.index_cast %scan3A_1019 : i32 to index
        %get3A_1131 = arith.constant 1408 : index
        %get3A_1132 = tpu.vector_load %arg8[%get3A_1129, %get3A_1130, %get3A_1131] {strides = array<i32>} : memref<2x20x2080xbf16, #tpu.memory_space<vmem>>, vector<1x1x32xbf16>,
        %get3A_1133 = vector.shape_cast %get3A_1132 : vector<1x1x32xbf16> to vector<32xbf16>
        %add3A_1134 = arith.constant 1 : i32
        %add3A_1135 = arith.addi %scan3A_1019, %add3A_1134 : i32
        %get3A_1136 = arith.constant 0 : i32
        %get3A_1137 = arith.index_cast %get3A_1136 : i32 to index
        %get3A_1138 = arith.index_cast %add3A_1135 : i32 to index
        %get3A_1139 = arith.constant 1408 : index
        %get3A_1140 = tpu.vector_load %arg9[%get3A_1137, %get3A_1138, %get3A_1139] {strides = array<i32>} : memref<2x20x2080xbf16, #tpu.memory_space<vmem>>, vector<1x1x32xbf16>,
        %get3A_1141 = vector.shape_cast %get3A_1140 : vector<1x1x32xbf16> to vector<32xbf16>
        %mul3A_1142 = arith.mulf %get3A_1133, %get3A_1141 : vector<32xbf16>
        %add3A_1143 = arith.constant 2 : i32
        %add3A_1144 = arith.addi %scan3A_1019, %add3A_1143 : i32
        %get3A_1145 = arith.constant 0 : i32
        %get3A_1146 = arith.index_cast %get3A_1145 : i32 to index
        %get3A_1147 = arith.index_cast %add3A_1144 : i32 to index
        %get3A_1148 = arith.constant 1410 : index
        %get3A_1149 = tpu.vector_load %arg8[%get3A_1146, %get3A_1147, %get3A_1148] {strides = array<i32>} : memref<2x20x2080xbf16, #tpu.memory_space<vmem>>, vector<1x1x32xbf16>,
        %get3A_1150 = vector.shape_cast %get3A_1149 : vector<1x1x32xbf16> to vector<32xbf16>
        %mul3A_1151 = arith.mulf %mul3A_1142, %get3A_1150 : vector<32xbf16>
        %add3A_1152 = arith.addf %scan3A_1024, %mul3A_1151 : vector<32xbf16>
        %get3A_1153 = arith.constant 0 : i32
        %get3A_1154 = arith.index_cast %get3A_1153 : i32 to index
        %get3A_1155 = arith.index_cast %scan3A_1019 : i32 to index
        %get3A_1156 = arith.constant 1440 : index
        %get3A_1157 = tpu.vector_load %arg8[%get3A_1154, %get3A_1155, %get3A_1156] {strides = array<i32>} : memref<2x20x2080xbf16, #tpu.memory_space<vmem>>, vector<1x1x32xbf16>,
        %get3A_1158 = vector.shape_cast %get3A_1157 : vector<1x1x32xbf16> to vector<32xbf16>
        %add3A_1159 = arith.constant 1 : i32
        %add3A_1160 = arith.addi %scan3A_1019, %add3A_1159 : i32
        %get3A_1161 = arith.constant 0 : i32
        %get3A_1162 = arith.index_cast %get3A_1161 : i32 to index
        %get3A_1163 = arith.index_cast %add3A_1160 : i32 to index
        %get3A_1164 = arith.constant 1440 : index
        %get3A_1165 = tpu.vector_load %arg9[%get3A_1162, %get3A_1163, %get3A_1164] {strides = array<i32>} : memref<2x20x2080xbf16, #tpu.memory_space<vmem>>, vector<1x1x32xbf16>,
        %get3A_1166 = vector.shape_cast %get3A_1165 : vector<1x1x32xbf16> to vector<32xbf16>
        %mul3A_1167 = arith.mulf %get3A_1158, %get3A_1166 : vector<32xbf16>
        %add3A_1168 = arith.constant 2 : i32
        %add3A_1169 = arith.addi %scan3A_1019, %add3A_1168 : i32
        %get3A_1170 = arith.constant 0 : i32
        %get3A_1171 = arith.index_cast %get3A_1170 : i32 to index
        %get3A_1172 = arith.index_cast %add3A_1169 : i32 to index
        %get3A_1173 = arith.constant 1442 : index
        %get3A_1174 = tpu.vector_load %arg8[%get3A_1171, %get3A_1172, %get3A_1173] {strides = array<i32>} : memref<2x20x2080xbf16, #tpu.memory_space<vmem>>, vector<1x1x32xbf16>,
        %get3A_1175 = vector.shape_cast %get3A_1174 : vector<1x1x32xbf16> to vector<32xbf16>
        %mul3A_1176 = arith.mulf %mul3A_1167, %get3A_1175 : vector<32xbf16>
        %add3A_1177 = arith.addf %scan3A_1025, %mul3A_1176 : vector<32xbf16>
        %get3A_1178 = arith.constant 0 : i32
        %get3A_1179 = arith.index_cast %get3A_1178 : i32 to index
        %get3A_1180 = arith.index_cast %scan3A_1019 : i32 to index
        %get3A_1181 = arith.constant 1472 : index
        %get3A_1182 = tpu.vector_load %arg8[%get3A_1179, %get3A_1180, %get3A_1181] {strides = array<i32>} : memref<2x20x2080xbf16, #tpu.memory_space<vmem>>, vector<1x1x32xbf16>,
        %get3A_1183 = vector.shape_cast %get3A_1182 : vector<1x1x32xbf16> to vector<32xbf16>
        %add3A_1184 = arith.constant 1 : i32
        %add3A_1185 = arith.addi %scan3A_1019, %add3A_1184 : i32
        %get3A_1186 = arith.constant 0 : i32
        %get3A_1187 = arith.index_cast %get3A_1186 : i32 to index
        %get3A_1188 = arith.index_cast %add3A_1185 : i32 to index
        %get3A_1189 = arith.constant 1472 : index
        %get3A_1190 = tpu.vector_load %arg9[%get3A_1187, %get3A_1188, %get3A_1189] {strides = array<i32>} : memref<2x20x2080xbf16, #tpu.memory_space<vmem>>, vector<1x1x32xbf16>,
        %get3A_1191 = vector.shape_cast %get3A_1190 : vector<1x1x32xbf16> to vector<32xbf16>
        %mul3A_1192 = arith.mulf %get3A_1183, %get3A_1191 : vector<32xbf16>
        %add3A_1193 = arith.constant 2 : i32
        %add3A_1194 = arith.addi %scan3A_1019, %add3A_1193 : i32
        %get3A_1195 = arith.constant 0 : i32
        %get3A_1196 = arith.index_cast %get3A_1195 : i32 to index
        %get3A_1197 = arith.index_cast %add3A_1194 : i32 to index
        %get3A_1198 = arith.constant 1474 : index
        %get3A_1199 = tpu.vector_load %arg8[%get3A_1196, %get3A_1197, %get3A_1198] {strides = array<i32>} : memref<2x20x2080xbf16, #tpu.memory_space<vmem>>, vector<1x1x32xbf16>,
        %get3A_1200 = vector.shape_cast %get3A_1199 : vector<1x1x32xbf16> to vector<32xbf16>
        %mul3A_1201 = arith.mulf %mul3A_1192, %get3A_1200 : vector<32xbf16>
        %add3A_1202 = arith.addf %scan3A_1026, %mul3A_1201 : vector<32xbf16>
        %get3A_1203 = arith.constant 0 : i32
        %get3A_1204 = arith.index_cast %get3A_1203 : i32 to index
        %get3A_1205 = arith.index_cast %scan3A_1019 : i32 to index
        %get3A_1206 = arith.constant 1504 : index
        %get3A_1207 = tpu.vector_load %arg8[%get3A_1204, %get3A_1205, %get3A_1206] {strides = array<i32>} : memref<2x20x2080xbf16, #tpu.memory_space<vmem>>, vector<1x1x32xbf16>,
        %get3A_1208 = vector.shape_cast %get3A_1207 : vector<1x1x32xbf16> to vector<32xbf16>
        %add3A_1209 = arith.constant 1 : i32
        %add3A_1210 = arith.addi %scan3A_1019, %add3A_1209 : i32
        %get3A_1211 = arith.constant 0 : i32
        %get3A_1212 = arith.index_cast %get3A_1211 : i32 to index
        %get3A_1213 = arith.index_cast %add3A_1210 : i32 to index
        %get3A_1214 = arith.constant 1504 : index
        %get3A_1215 = tpu.vector_load %arg9[%get3A_1212, %get3A_1213, %get3A_1214] {strides = array<i32>} : memref<2x20x2080xbf16, #tpu.memory_space<vmem>>, vector<1x1x32xbf16>,
        %get3A_1216 = vector.shape_cast %get3A_1215 : vector<1x1x32xbf16> to vector<32xbf16>
        %mul3A_1217 = arith.mulf %get3A_1208, %get3A_1216 : vector<32xbf16>
        %add3A_1218 = arith.constant 2 : i32
        %add3A_1219 = arith.addi %scan3A_1019, %add3A_1218 : i32
        %get3A_1220 = arith.constant 0 : i32
        %get3A_1221 = arith.index_cast %get3A_1220 : i32 to index
        %get3A_1222 = arith.index_cast %add3A_1219 : i32 to index
        %get3A_1223 = arith.constant 1506 : index
        %get3A_1224 = tpu.vector_load %arg8[%get3A_1221, %get3A_1222, %get3A_1223] {strides = array<i32>} : memref<2x20x2080xbf16, #tpu.memory_space<vmem>>, vector<1x1x32xbf16>,
        %get3A_1225 = vector.shape_cast %get3A_1224 : vector<1x1x32xbf16> to vector<32xbf16>
        %mul3A_1226 = arith.mulf %mul3A_1217, %get3A_1225 : vector<32xbf16>
        %add3A_1227 = arith.addf %scan3A_1027, %mul3A_1226 : vector<32xbf16>
        scf.yield %add3A_1052, %add3A_1077, %add3A_1102, %add3A_1127, %add3A_1152, %add3A_1177, %add3A_1202, %add3A_1227 : vector<32xbf16>, vector<32xbf16>, vector<32xbf16>, vector<32xbf16>, vector<32xbf16>, vector<32xbf16>, vector<32xbf16>, vector<32xbf16>
      }
      %scan3A_464 = arith.constant 18 : i32
      %swap3A_465 = arith.index_cast %mul3A_135 : i32 to index
      %swap3A_466 = arith.constant 1280 : index
      %swap3A_467 = tpu.vector_load %arg10[%swap3A_465, %swap3A_466] {strides = array<i32>} : memref<8x2048xbf16, #tpu.memory_space<vmem>>, vector<1x32xbf16>,
      %swap3A_468 = vector.shape_cast %swap3A_467 : vector<1x32xbf16> to vector<32xbf16>
      %swap3A_469 = vector.shape_cast %scan3A_463#0 : vector<32xbf16> to vector<1x32xbf16>
      tpu.vector_store %arg10[%swap3A_465, %swap3A_466], %swap3A_469 {strides = array<i32>} : memref<8x2048xbf16, #tpu.memory_space<vmem>>, vector<1x32xbf16>,
      %swap3A_470 = arith.index_cast %mul3A_135 : i32 to index
      %swap3A_471 = arith.constant 1312 : index
      %swap3A_472 = tpu.vector_load %arg10[%swap3A_470, %swap3A_471] {strides = array<i32>} : memref<8x2048xbf16, #tpu.memory_space<vmem>>, vector<1x32xbf16>,
      %swap3A_473 = vector.shape_cast %swap3A_472 : vector<1x32xbf16> to vector<32xbf16>
      %swap3A_474 = vector.shape_cast %scan3A_463#1 : vector<32xbf16> to vector<1x32xbf16>
      tpu.vector_store %arg10[%swap3A_470, %swap3A_471], %swap3A_474 {strides = array<i32>} : memref<8x2048xbf16, #tpu.memory_space<vmem>>, vector<1x32xbf16>,
      %swap3A_475 = arith.index_cast %mul3A_135 : i32 to index
      %swap3A_476 = arith.constant 1344 : index
      %swap3A_477 = tpu.vector_load %arg10[%swap3A_475, %swap3A_476] {strides = array<i32>} : memref<8x2048xbf16, #tpu.memory_space<vmem>>, vector<1x32xbf16>,
      %swap3A_478 = vector.shape_cast %swap3A_477 : vector<1x32xbf16> to vector<32xbf16>
      %swap3A_479 = vector.shape_cast %scan3A_463#2 : vector<32xbf16> to vector<1x32xbf16>
      tpu.vector_store %arg10[%swap3A_475, %swap3A_476], %swap3A_479 {strides = array<i32>} : memref<8x2048xbf16, #tpu.memory_space<vmem>>, vector<1x32xbf16>,
      %swap3A_480 = arith.index_cast %mul3A_135 : i32 to index
      %swap3A_481 = arith.constant 1376 : index
      %swap3A_482 = tpu.vector_load %arg10[%swap3A_480, %swap3A_481] {strides = array<i32>} : memref<8x2048xbf16, #tpu.memory_space<vmem>>, vector<1x32xbf16>,
      %swap3A_483 = vector.shape_cast %swap3A_482 : vector<1x32xbf16> to vector<32xbf16>
      %swap3A_484 = vector.shape_cast %scan3A_463#3 : vector<32xbf16> to vector<1x32xbf16>
      tpu.vector_store %arg10[%swap3A_480, %swap3A_481], %swap3A_484 {strides = array<i32>} : memref<8x2048xbf16, #tpu.memory_space<vmem>>, vector<1x32xbf16>,
      %swap3A_485 = arith.index_cast %mul3A_135 : i32 to index
      %swap3A_486 = arith.constant 1408 : index
      %swap3A_487 = tpu.vector_load %arg10[%swap3A_485, %swap3A_486] {strides = array<i32>} : memref<8x2048xbf16, #tpu.memory_space<vmem>>, vector<1x32xbf16>,
      %swap3A_488 = vector.shape_cast %swap3A_487 : vector<1x32xbf16> to vector<32xbf16>
      %swap3A_489 = vector.shape_cast %scan3A_463#4 : vector<32xbf16> to vector<1x32xbf16>
      tpu.vector_store %arg10[%swap3A_485, %swap3A_486], %swap3A_489 {strides = array<i32>} : memref<8x2048xbf16, #tpu.memory_space<vmem>>, vector<1x32xbf16>,
      %swap3A_490 = arith.index_cast %mul3A_135 : i32 to index
      %swap3A_491 = arith.constant 1440 : index
      %swap3A_492 = tpu.vector_load %arg10[%swap3A_490, %swap3A_491] {strides = array<i32>} : memref<8x2048xbf16, #tpu.memory_space<vmem>>, vector<1x32xbf16>,
      %swap3A_493 = vector.shape_cast %swap3A_492 : vector<1x32xbf16> to vector<32xbf16>
      %swap3A_494 = vector.shape_cast %scan3A_463#5 : vector<32xbf16> to vector<1x32xbf16>
      tpu.vector_store %arg10[%swap3A_490, %swap3A_491], %swap3A_494 {strides = array<i32>} : memref<8x2048xbf16, #tpu.memory_space<vmem>>, vector<1x32xbf16>,
      %swap3A_495 = arith.index_cast %mul3A_135 : i32 to index
      %swap3A_496 = arith.constant 1472 : index
      %swap3A_497 = tpu.vector_load %arg10[%swap3A_495, %swap3A_496] {strides = array<i32>} : memref<8x2048xbf16, #tpu.memory_space<vmem>>, vector<1x32xbf16>,
      %swap3A_498 = vector.shape_cast %swap3A_497 : vector<1x32xbf16> to vector<32xbf16>
      %swap3A_499 = vector.shape_cast %scan3A_463#6 : vector<32xbf16> to vector<1x32xbf16>
      tpu.vector_store %arg10[%swap3A_495, %swap3A_496], %swap3A_499 {strides = array<i32>} : memref<8x2048xbf16, #tpu.memory_space<vmem>>, vector<1x32xbf16>,
      %swap3A_500 = arith.index_cast %mul3A_135 : i32 to index
      %swap3A_501 = arith.constant 1504 : index
      %swap3A_502 = tpu.vector_load %arg10[%swap3A_500, %swap3A_501] {strides = array<i32>} : memref<8x2048xbf16, #tpu.memory_space<vmem>>, vector<1x32xbf16>,
      %swap3A_503 = vector.shape_cast %swap3A_502 : vector<1x32xbf16> to vector<32xbf16>
      %swap3A_504 = vector.shape_cast %scan3A_463#7 : vector<32xbf16> to vector<1x32xbf16>
      tpu.vector_store %arg10[%swap3A_500, %swap3A_501], %swap3A_504 {strides = array<i32>} : memref<8x2048xbf16, #tpu.memory_space<vmem>>, vector<1x32xbf16>,
      %broadcast_in_dim3A_505 = arith.constant 0.000000e+00 : bf16
      %broadcast_in_dim3A_506 = vector.broadcast %broadcast_in_dim3A_505 : bf16 to vector<32xbf16>
      %scan3A_507 = arith.constant 0 : i32
      %scan3A_508 = arith.constant 18 : i32
      %scan3A_509 = arith.addi %scan3A_507, %scan3A_508 : i32
      %scan3A_510 = arith.constant 1 : i32
      %scan3A_511:8 = scf.for %scan3A_1019 = %scan3A_507 to %scan3A_509 step %scan3A_510 iter_args(%scan3A_1020 = %broadcast_in_dim3A_506, %scan3A_1021 = %broadcast_in_dim3A_506, %scan3A_1022 = %broadcast_in_dim3A_506, %scan3A_1023 = %broadcast_in_dim3A_506, %scan3A_1024 = %broadcast_in_dim3A_506, %scan3A_1025 = %broadcast_in_dim3A_506, %scan3A_1026 = %broadcast_in_dim3A_506, %scan3A_1027 = %broadcast_in_dim3A_506) -> (vector<32xbf16>, vector<32xbf16>, vector<32xbf16>, vector<32xbf16>, vector<32xbf16>, vector<32xbf16>, vector<32xbf16>, vector<32xbf16>)  : i32 {
        %get3A_1028 = arith.constant 0 : i32
        %get3A_1029 = arith.index_cast %get3A_1028 : i32 to index
        %get3A_1030 = arith.index_cast %scan3A_1019 : i32 to index
        %get3A_1031 = arith.constant 1536 : index
        %get3A_1032 = tpu.vector_load %arg8[%get3A_1029, %get3A_1030, %get3A_1031] {strides = array<i32>} : memref<2x20x2080xbf16, #tpu.memory_space<vmem>>, vector<1x1x32xbf16>,
        %get3A_1033 = vector.shape_cast %get3A_1032 : vector<1x1x32xbf16> to vector<32xbf16>
        %add3A_1034 = arith.constant 1 : i32
        %add3A_1035 = arith.addi %scan3A_1019, %add3A_1034 : i32
        %get3A_1036 = arith.constant 0 : i32
        %get3A_1037 = arith.index_cast %get3A_1036 : i32 to index
        %get3A_1038 = arith.index_cast %add3A_1035 : i32 to index
        %get3A_1039 = arith.constant 1536 : index
        %get3A_1040 = tpu.vector_load %arg9[%get3A_1037, %get3A_1038, %get3A_1039] {strides = array<i32>} : memref<2x20x2080xbf16, #tpu.memory_space<vmem>>, vector<1x1x32xbf16>,
        %get3A_1041 = vector.shape_cast %get3A_1040 : vector<1x1x32xbf16> to vector<32xbf16>
        %mul3A_1042 = arith.mulf %get3A_1033, %get3A_1041 : vector<32xbf16>
        %add3A_1043 = arith.constant 2 : i32
        %add3A_1044 = arith.addi %scan3A_1019, %add3A_1043 : i32
        %get3A_1045 = arith.constant 0 : i32
        %get3A_1046 = arith.index_cast %get3A_1045 : i32 to index
        %get3A_1047 = arith.index_cast %add3A_1044 : i32 to index
        %get3A_1048 = arith.constant 1538 : index
        %get3A_1049 = tpu.vector_load %arg8[%get3A_1046, %get3A_1047, %get3A_1048] {strides = array<i32>} : memref<2x20x2080xbf16, #tpu.memory_space<vmem>>, vector<1x1x32xbf16>,
        %get3A_1050 = vector.shape_cast %get3A_1049 : vector<1x1x32xbf16> to vector<32xbf16>
        %mul3A_1051 = arith.mulf %mul3A_1042, %get3A_1050 : vector<32xbf16>
        %add3A_1052 = arith.addf %scan3A_1020, %mul3A_1051 : vector<32xbf16>
        %get3A_1053 = arith.constant 0 : i32
        %get3A_1054 = arith.index_cast %get3A_1053 : i32 to index
        %get3A_1055 = arith.index_cast %scan3A_1019 : i32 to index
        %get3A_1056 = arith.constant 1568 : index
        %get3A_1057 = tpu.vector_load %arg8[%get3A_1054, %get3A_1055, %get3A_1056] {strides = array<i32>} : memref<2x20x2080xbf16, #tpu.memory_space<vmem>>, vector<1x1x32xbf16>,
        %get3A_1058 = vector.shape_cast %get3A_1057 : vector<1x1x32xbf16> to vector<32xbf16>
        %add3A_1059 = arith.constant 1 : i32
        %add3A_1060 = arith.addi %scan3A_1019, %add3A_1059 : i32
        %get3A_1061 = arith.constant 0 : i32
        %get3A_1062 = arith.index_cast %get3A_1061 : i32 to index
        %get3A_1063 = arith.index_cast %add3A_1060 : i32 to index
        %get3A_1064 = arith.constant 1568 : index
        %get3A_1065 = tpu.vector_load %arg9[%get3A_1062, %get3A_1063, %get3A_1064] {strides = array<i32>} : memref<2x20x2080xbf16, #tpu.memory_space<vmem>>, vector<1x1x32xbf16>,
        %get3A_1066 = vector.shape_cast %get3A_1065 : vector<1x1x32xbf16> to vector<32xbf16>
        %mul3A_1067 = arith.mulf %get3A_1058, %get3A_1066 : vector<32xbf16>
        %add3A_1068 = arith.constant 2 : i32
        %add3A_1069 = arith.addi %scan3A_1019, %add3A_1068 : i32
        %get3A_1070 = arith.constant 0 : i32
        %get3A_1071 = arith.index_cast %get3A_1070 : i32 to index
        %get3A_1072 = arith.index_cast %add3A_1069 : i32 to index
        %get3A_1073 = arith.constant 1570 : index
        %get3A_1074 = tpu.vector_load %arg8[%get3A_1071, %get3A_1072, %get3A_1073] {strides = array<i32>} : memref<2x20x2080xbf16, #tpu.memory_space<vmem>>, vector<1x1x32xbf16>,
        %get3A_1075 = vector.shape_cast %get3A_1074 : vector<1x1x32xbf16> to vector<32xbf16>
        %mul3A_1076 = arith.mulf %mul3A_1067, %get3A_1075 : vector<32xbf16>
        %add3A_1077 = arith.addf %scan3A_1021, %mul3A_1076 : vector<32xbf16>
        %get3A_1078 = arith.constant 0 : i32
        %get3A_1079 = arith.index_cast %get3A_1078 : i32 to index
        %get3A_1080 = arith.index_cast %scan3A_1019 : i32 to index
        %get3A_1081 = arith.constant 1600 : index
        %get3A_1082 = tpu.vector_load %arg8[%get3A_1079, %get3A_1080, %get3A_1081] {strides = array<i32>} : memref<2x20x2080xbf16, #tpu.memory_space<vmem>>, vector<1x1x32xbf16>,
        %get3A_1083 = vector.shape_cast %get3A_1082 : vector<1x1x32xbf16> to vector<32xbf16>
        %add3A_1084 = arith.constant 1 : i32
        %add3A_1085 = arith.addi %scan3A_1019, %add3A_1084 : i32
        %get3A_1086 = arith.constant 0 : i32
        %get3A_1087 = arith.index_cast %get3A_1086 : i32 to index
        %get3A_1088 = arith.index_cast %add3A_1085 : i32 to index
        %get3A_1089 = arith.constant 1600 : index
        %get3A_1090 = tpu.vector_load %arg9[%get3A_1087, %get3A_1088, %get3A_1089] {strides = array<i32>} : memref<2x20x2080xbf16, #tpu.memory_space<vmem>>, vector<1x1x32xbf16>,
        %get3A_1091 = vector.shape_cast %get3A_1090 : vector<1x1x32xbf16> to vector<32xbf16>
        %mul3A_1092 = arith.mulf %get3A_1083, %get3A_1091 : vector<32xbf16>
        %add3A_1093 = arith.constant 2 : i32
        %add3A_1094 = arith.addi %scan3A_1019, %add3A_1093 : i32
        %get3A_1095 = arith.constant 0 : i32
        %get3A_1096 = arith.index_cast %get3A_1095 : i32 to index
        %get3A_1097 = arith.index_cast %add3A_1094 : i32 to index
        %get3A_1098 = arith.constant 1602 : index
        %get3A_1099 = tpu.vector_load %arg8[%get3A_1096, %get3A_1097, %get3A_1098] {strides = array<i32>} : memref<2x20x2080xbf16, #tpu.memory_space<vmem>>, vector<1x1x32xbf16>,
        %get3A_1100 = vector.shape_cast %get3A_1099 : vector<1x1x32xbf16> to vector<32xbf16>
        %mul3A_1101 = arith.mulf %mul3A_1092, %get3A_1100 : vector<32xbf16>
        %add3A_1102 = arith.addf %scan3A_1022, %mul3A_1101 : vector<32xbf16>
        %get3A_1103 = arith.constant 0 : i32
        %get3A_1104 = arith.index_cast %get3A_1103 : i32 to index
        %get3A_1105 = arith.index_cast %scan3A_1019 : i32 to index
        %get3A_1106 = arith.constant 1632 : index
        %get3A_1107 = tpu.vector_load %arg8[%get3A_1104, %get3A_1105, %get3A_1106] {strides = array<i32>} : memref<2x20x2080xbf16, #tpu.memory_space<vmem>>, vector<1x1x32xbf16>,
        %get3A_1108 = vector.shape_cast %get3A_1107 : vector<1x1x32xbf16> to vector<32xbf16>
        %add3A_1109 = arith.constant 1 : i32
        %add3A_1110 = arith.addi %scan3A_1019, %add3A_1109 : i32
        %get3A_1111 = arith.constant 0 : i32
        %get3A_1112 = arith.index_cast %get3A_1111 : i32 to index
        %get3A_1113 = arith.index_cast %add3A_1110 : i32 to index
        %get3A_1114 = arith.constant 1632 : index
        %get3A_1115 = tpu.vector_load %arg9[%get3A_1112, %get3A_1113, %get3A_1114] {strides = array<i32>} : memref<2x20x2080xbf16, #tpu.memory_space<vmem>>, vector<1x1x32xbf16>,
        %get3A_1116 = vector.shape_cast %get3A_1115 : vector<1x1x32xbf16> to vector<32xbf16>
        %mul3A_1117 = arith.mulf %get3A_1108, %get3A_1116 : vector<32xbf16>
        %add3A_1118 = arith.constant 2 : i32
        %add3A_1119 = arith.addi %scan3A_1019, %add3A_1118 : i32
        %get3A_1120 = arith.constant 0 : i32
        %get3A_1121 = arith.index_cast %get3A_1120 : i32 to index
        %get3A_1122 = arith.index_cast %add3A_1119 : i32 to index
        %get3A_1123 = arith.constant 1634 : index
        %get3A_1124 = tpu.vector_load %arg8[%get3A_1121, %get3A_1122, %get3A_1123] {strides = array<i32>} : memref<2x20x2080xbf16, #tpu.memory_space<vmem>>, vector<1x1x32xbf16>,
        %get3A_1125 = vector.shape_cast %get3A_1124 : vector<1x1x32xbf16> to vector<32xbf16>
        %mul3A_1126 = arith.mulf %mul3A_1117, %get3A_1125 : vector<32xbf16>
        %add3A_1127 = arith.addf %scan3A_1023, %mul3A_1126 : vector<32xbf16>
        %get3A_1128 = arith.constant 0 : i32
        %get3A_1129 = arith.index_cast %get3A_1128 : i32 to index
        %get3A_1130 = arith.index_cast %scan3A_1019 : i32 to index
        %get3A_1131 = arith.constant 1664 : index
        %get3A_1132 = tpu.vector_load %arg8[%get3A_1129, %get3A_1130, %get3A_1131] {strides = array<i32>} : memref<2x20x2080xbf16, #tpu.memory_space<vmem>>, vector<1x1x32xbf16>,
        %get3A_1133 = vector.shape_cast %get3A_1132 : vector<1x1x32xbf16> to vector<32xbf16>
        %add3A_1134 = arith.constant 1 : i32
        %add3A_1135 = arith.addi %scan3A_1019, %add3A_1134 : i32
        %get3A_1136 = arith.constant 0 : i32
        %get3A_1137 = arith.index_cast %get3A_1136 : i32 to index
        %get3A_1138 = arith.index_cast %add3A_1135 : i32 to index
        %get3A_1139 = arith.constant 1664 : index
        %get3A_1140 = tpu.vector_load %arg9[%get3A_1137, %get3A_1138, %get3A_1139] {strides = array<i32>} : memref<2x20x2080xbf16, #tpu.memory_space<vmem>>, vector<1x1x32xbf16>,
        %get3A_1141 = vector.shape_cast %get3A_1140 : vector<1x1x32xbf16> to vector<32xbf16>
        %mul3A_1142 = arith.mulf %get3A_1133, %get3A_1141 : vector<32xbf16>
        %add3A_1143 = arith.constant 2 : i32
        %add3A_1144 = arith.addi %scan3A_1019, %add3A_1143 : i32
        %get3A_1145 = arith.constant 0 : i32
        %get3A_1146 = arith.index_cast %get3A_1145 : i32 to index
        %get3A_1147 = arith.index_cast %add3A_1144 : i32 to index
        %get3A_1148 = arith.constant 1666 : index
        %get3A_1149 = tpu.vector_load %arg8[%get3A_1146, %get3A_1147, %get3A_1148] {strides = array<i32>} : memref<2x20x2080xbf16, #tpu.memory_space<vmem>>, vector<1x1x32xbf16>,
        %get3A_1150 = vector.shape_cast %get3A_1149 : vector<1x1x32xbf16> to vector<32xbf16>
        %mul3A_1151 = arith.mulf %mul3A_1142, %get3A_1150 : vector<32xbf16>
        %add3A_1152 = arith.addf %scan3A_1024, %mul3A_1151 : vector<32xbf16>
        %get3A_1153 = arith.constant 0 : i32
        %get3A_1154 = arith.index_cast %get3A_1153 : i32 to index
        %get3A_1155 = arith.index_cast %scan3A_1019 : i32 to index
        %get3A_1156 = arith.constant 1696 : index
        %get3A_1157 = tpu.vector_load %arg8[%get3A_1154, %get3A_1155, %get3A_1156] {strides = array<i32>} : memref<2x20x2080xbf16, #tpu.memory_space<vmem>>, vector<1x1x32xbf16>,
        %get3A_1158 = vector.shape_cast %get3A_1157 : vector<1x1x32xbf16> to vector<32xbf16>
        %add3A_1159 = arith.constant 1 : i32
        %add3A_1160 = arith.addi %scan3A_1019, %add3A_1159 : i32
        %get3A_1161 = arith.constant 0 : i32
        %get3A_1162 = arith.index_cast %get3A_1161 : i32 to index
        %get3A_1163 = arith.index_cast %add3A_1160 : i32 to index
        %get3A_1164 = arith.constant 1696 : index
        %get3A_1165 = tpu.vector_load %arg9[%get3A_1162, %get3A_1163, %get3A_1164] {strides = array<i32>} : memref<2x20x2080xbf16, #tpu.memory_space<vmem>>, vector<1x1x32xbf16>,
        %get3A_1166 = vector.shape_cast %get3A_1165 : vector<1x1x32xbf16> to vector<32xbf16>
        %mul3A_1167 = arith.mulf %get3A_1158, %get3A_1166 : vector<32xbf16>
        %add3A_1168 = arith.constant 2 : i32
        %add3A_1169 = arith.addi %scan3A_1019, %add3A_1168 : i32
        %get3A_1170 = arith.constant 0 : i32
        %get3A_1171 = arith.index_cast %get3A_1170 : i32 to index
        %get3A_1172 = arith.index_cast %add3A_1169 : i32 to index
        %get3A_1173 = arith.constant 1698 : index
        %get3A_1174 = tpu.vector_load %arg8[%get3A_1171, %get3A_1172, %get3A_1173] {strides = array<i32>} : memref<2x20x2080xbf16, #tpu.memory_space<vmem>>, vector<1x1x32xbf16>,
        %get3A_1175 = vector.shape_cast %get3A_1174 : vector<1x1x32xbf16> to vector<32xbf16>
        %mul3A_1176 = arith.mulf %mul3A_1167, %get3A_1175 : vector<32xbf16>
        %add3A_1177 = arith.addf %scan3A_1025, %mul3A_1176 : vector<32xbf16>
        %get3A_1178 = arith.constant 0 : i32
        %get3A_1179 = arith.index_cast %get3A_1178 : i32 to index
        %get3A_1180 = arith.index_cast %scan3A_1019 : i32 to index
        %get3A_1181 = arith.constant 1728 : index
        %get3A_1182 = tpu.vector_load %arg8[%get3A_1179, %get3A_1180, %get3A_1181] {strides = array<i32>} : memref<2x20x2080xbf16, #tpu.memory_space<vmem>>, vector<1x1x32xbf16>,
        %get3A_1183 = vector.shape_cast %get3A_1182 : vector<1x1x32xbf16> to vector<32xbf16>
        %add3A_1184 = arith.constant 1 : i32
        %add3A_1185 = arith.addi %scan3A_1019, %add3A_1184 : i32
        %get3A_1186 = arith.constant 0 : i32
        %get3A_1187 = arith.index_cast %get3A_1186 : i32 to index
        %get3A_1188 = arith.index_cast %add3A_1185 : i32 to index
        %get3A_1189 = arith.constant 1728 : index
        %get3A_1190 = tpu.vector_load %arg9[%get3A_1187, %get3A_1188, %get3A_1189] {strides = array<i32>} : memref<2x20x2080xbf16, #tpu.memory_space<vmem>>, vector<1x1x32xbf16>,
        %get3A_1191 = vector.shape_cast %get3A_1190 : vector<1x1x32xbf16> to vector<32xbf16>
        %mul3A_1192 = arith.mulf %get3A_1183, %get3A_1191 : vector<32xbf16>
        %add3A_1193 = arith.constant 2 : i32
        %add3A_1194 = arith.addi %scan3A_1019, %add3A_1193 : i32
        %get3A_1195 = arith.constant 0 : i32
        %get3A_1196 = arith.index_cast %get3A_1195 : i32 to index
        %get3A_1197 = arith.index_cast %add3A_1194 : i32 to index
        %get3A_1198 = arith.constant 1730 : index
        %get3A_1199 = tpu.vector_load %arg8[%get3A_1196, %get3A_1197, %get3A_1198] {strides = array<i32>} : memref<2x20x2080xbf16, #tpu.memory_space<vmem>>, vector<1x1x32xbf16>,
        %get3A_1200 = vector.shape_cast %get3A_1199 : vector<1x1x32xbf16> to vector<32xbf16>
        %mul3A_1201 = arith.mulf %mul3A_1192, %get3A_1200 : vector<32xbf16>
        %add3A_1202 = arith.addf %scan3A_1026, %mul3A_1201 : vector<32xbf16>
        %get3A_1203 = arith.constant 0 : i32
        %get3A_1204 = arith.index_cast %get3A_1203 : i32 to index
        %get3A_1205 = arith.index_cast %scan3A_1019 : i32 to index
        %get3A_1206 = arith.constant 1760 : index
        %get3A_1207 = tpu.vector_load %arg8[%get3A_1204, %get3A_1205, %get3A_1206] {strides = array<i32>} : memref<2x20x2080xbf16, #tpu.memory_space<vmem>>, vector<1x1x32xbf16>,
        %get3A_1208 = vector.shape_cast %get3A_1207 : vector<1x1x32xbf16> to vector<32xbf16>
        %add3A_1209 = arith.constant 1 : i32
        %add3A_1210 = arith.addi %scan3A_1019, %add3A_1209 : i32
        %get3A_1211 = arith.constant 0 : i32
        %get3A_1212 = arith.index_cast %get3A_1211 : i32 to index
        %get3A_1213 = arith.index_cast %add3A_1210 : i32 to index
        %get3A_1214 = arith.constant 1760 : index
        %get3A_1215 = tpu.vector_load %arg9[%get3A_1212, %get3A_1213, %get3A_1214] {strides = array<i32>} : memref<2x20x2080xbf16, #tpu.memory_space<vmem>>, vector<1x1x32xbf16>,
        %get3A_1216 = vector.shape_cast %get3A_1215 : vector<1x1x32xbf16> to vector<32xbf16>
        %mul3A_1217 = arith.mulf %get3A_1208, %get3A_1216 : vector<32xbf16>
        %add3A_1218 = arith.constant 2 : i32
        %add3A_1219 = arith.addi %scan3A_1019, %add3A_1218 : i32
        %get3A_1220 = arith.constant 0 : i32
        %get3A_1221 = arith.index_cast %get3A_1220 : i32 to index
        %get3A_1222 = arith.index_cast %add3A_1219 : i32 to index
        %get3A_1223 = arith.constant 1762 : index
        %get3A_1224 = tpu.vector_load %arg8[%get3A_1221, %get3A_1222, %get3A_1223] {strides = array<i32>} : memref<2x20x2080xbf16, #tpu.memory_space<vmem>>, vector<1x1x32xbf16>,
        %get3A_1225 = vector.shape_cast %get3A_1224 : vector<1x1x32xbf16> to vector<32xbf16>
        %mul3A_1226 = arith.mulf %mul3A_1217, %get3A_1225 : vector<32xbf16>
        %add3A_1227 = arith.addf %scan3A_1027, %mul3A_1226 : vector<32xbf16>
        scf.yield %add3A_1052, %add3A_1077, %add3A_1102, %add3A_1127, %add3A_1152, %add3A_1177, %add3A_1202, %add3A_1227 : vector<32xbf16>, vector<32xbf16>, vector<32xbf16>, vector<32xbf16>, vector<32xbf16>, vector<32xbf16>, vector<32xbf16>, vector<32xbf16>
      }
      %scan3A_512 = arith.constant 18 : i32
      %swap3A_513 = arith.index_cast %mul3A_135 : i32 to index
      %swap3A_514 = arith.constant 1536 : index
      %swap3A_515 = tpu.vector_load %arg10[%swap3A_513, %swap3A_514] {strides = array<i32>} : memref<8x2048xbf16, #tpu.memory_space<vmem>>, vector<1x32xbf16>,
      %swap3A_516 = vector.shape_cast %swap3A_515 : vector<1x32xbf16> to vector<32xbf16>
      %swap3A_517 = vector.shape_cast %scan3A_511#0 : vector<32xbf16> to vector<1x32xbf16>
      tpu.vector_store %arg10[%swap3A_513, %swap3A_514], %swap3A_517 {strides = array<i32>} : memref<8x2048xbf16, #tpu.memory_space<vmem>>, vector<1x32xbf16>,
      %swap3A_518 = arith.index_cast %mul3A_135 : i32 to index
      %swap3A_519 = arith.constant 1568 : index
      %swap3A_520 = tpu.vector_load %arg10[%swap3A_518, %swap3A_519] {strides = array<i32>} : memref<8x2048xbf16, #tpu.memory_space<vmem>>, vector<1x32xbf16>,
      %swap3A_521 = vector.shape_cast %swap3A_520 : vector<1x32xbf16> to vector<32xbf16>
      %swap3A_522 = vector.shape_cast %scan3A_511#1 : vector<32xbf16> to vector<1x32xbf16>
      tpu.vector_store %arg10[%swap3A_518, %swap3A_519], %swap3A_522 {strides = array<i32>} : memref<8x2048xbf16, #tpu.memory_space<vmem>>, vector<1x32xbf16>,
      %swap3A_523 = arith.index_cast %mul3A_135 : i32 to index
      %swap3A_524 = arith.constant 1600 : index
      %swap3A_525 = tpu.vector_load %arg10[%swap3A_523, %swap3A_524] {strides = array<i32>} : memref<8x2048xbf16, #tpu.memory_space<vmem>>, vector<1x32xbf16>,
      %swap3A_526 = vector.shape_cast %swap3A_525 : vector<1x32xbf16> to vector<32xbf16>
      %swap3A_527 = vector.shape_cast %scan3A_511#2 : vector<32xbf16> to vector<1x32xbf16>
      tpu.vector_store %arg10[%swap3A_523, %swap3A_524], %swap3A_527 {strides = array<i32>} : memref<8x2048xbf16, #tpu.memory_space<vmem>>, vector<1x32xbf16>,
      %swap3A_528 = arith.index_cast %mul3A_135 : i32 to index
      %swap3A_529 = arith.constant 1632 : index
      %swap3A_530 = tpu.vector_load %arg10[%swap3A_528, %swap3A_529] {strides = array<i32>} : memref<8x2048xbf16, #tpu.memory_space<vmem>>, vector<1x32xbf16>,
      %swap3A_531 = vector.shape_cast %swap3A_530 : vector<1x32xbf16> to vector<32xbf16>
      %swap3A_532 = vector.shape_cast %scan3A_511#3 : vector<32xbf16> to vector<1x32xbf16>
      tpu.vector_store %arg10[%swap3A_528, %swap3A_529], %swap3A_532 {strides = array<i32>} : memref<8x2048xbf16, #tpu.memory_space<vmem>>, vector<1x32xbf16>,
      %swap3A_533 = arith.index_cast %mul3A_135 : i32 to index
      %swap3A_534 = arith.constant 1664 : index
      %swap3A_535 = tpu.vector_load %arg10[%swap3A_533, %swap3A_534] {strides = array<i32>} : memref<8x2048xbf16, #tpu.memory_space<vmem>>, vector<1x32xbf16>,
      %swap3A_536 = vector.shape_cast %swap3A_535 : vector<1x32xbf16> to vector<32xbf16>
      %swap3A_537 = vector.shape_cast %scan3A_511#4 : vector<32xbf16> to vector<1x32xbf16>
      tpu.vector_store %arg10[%swap3A_533, %swap3A_534], %swap3A_537 {strides = array<i32>} : memref<8x2048xbf16, #tpu.memory_space<vmem>>, vector<1x32xbf16>,
      %swap3A_538 = arith.index_cast %mul3A_135 : i32 to index
      %swap3A_539 = arith.constant 1696 : index
      %swap3A_540 = tpu.vector_load %arg10[%swap3A_538, %swap3A_539] {strides = array<i32>} : memref<8x2048xbf16, #tpu.memory_space<vmem>>, vector<1x32xbf16>,
      %swap3A_541 = vector.shape_cast %swap3A_540 : vector<1x32xbf16> to vector<32xbf16>
      %swap3A_542 = vector.shape_cast %scan3A_511#5 : vector<32xbf16> to vector<1x32xbf16>
      tpu.vector_store %arg10[%swap3A_538, %swap3A_539], %swap3A_542 {strides = array<i32>} : memref<8x2048xbf16, #tpu.memory_space<vmem>>, vector<1x32xbf16>,
      %swap3A_543 = arith.index_cast %mul3A_135 : i32 to index
      %swap3A_544 = arith.constant 1728 : index
      %swap3A_545 = tpu.vector_load %arg10[%swap3A_543, %swap3A_544] {strides = array<i32>} : memref<8x2048xbf16, #tpu.memory_space<vmem>>, vector<1x32xbf16>,
      %swap3A_546 = vector.shape_cast %swap3A_545 : vector<1x32xbf16> to vector<32xbf16>
      %swap3A_547 = vector.shape_cast %scan3A_511#6 : vector<32xbf16> to vector<1x32xbf16>
      tpu.vector_store %arg10[%swap3A_543, %swap3A_544], %swap3A_547 {strides = array<i32>} : memref<8x2048xbf16, #tpu.memory_space<vmem>>, vector<1x32xbf16>,
      %swap3A_548 = arith.index_cast %mul3A_135 : i32 to index
      %swap3A_549 = arith.constant 1760 : index
      %swap3A_550 = tpu.vector_load %arg10[%swap3A_548, %swap3A_549] {strides = array<i32>} : memref<8x2048xbf16, #tpu.memory_space<vmem>>, vector<1x32xbf16>,
      %swap3A_551 = vector.shape_cast %swap3A_550 : vector<1x32xbf16> to vector<32xbf16>
      %swap3A_552 = vector.shape_cast %scan3A_511#7 : vector<32xbf16> to vector<1x32xbf16>
      tpu.vector_store %arg10[%swap3A_548, %swap3A_549], %swap3A_552 {strides = array<i32>} : memref<8x2048xbf16, #tpu.memory_space<vmem>>, vector<1x32xbf16>,
      %broadcast_in_dim3A_553 = arith.constant 0.000000e+00 : bf16
      %broadcast_in_dim3A_554 = vector.broadcast %broadcast_in_dim3A_553 : bf16 to vector<32xbf16>
      %scan3A_555 = arith.constant 0 : i32
      %scan3A_556 = arith.constant 18 : i32
      %scan3A_557 = arith.addi %scan3A_555, %scan3A_556 : i32
      %scan3A_558 = arith.constant 1 : i32
      %scan3A_559:8 = scf.for %scan3A_1019 = %scan3A_555 to %scan3A_557 step %scan3A_558 iter_args(%scan3A_1020 = %broadcast_in_dim3A_554, %scan3A_1021 = %broadcast_in_dim3A_554, %scan3A_1022 = %broadcast_in_dim3A_554, %scan3A_1023 = %broadcast_in_dim3A_554, %scan3A_1024 = %broadcast_in_dim3A_554, %scan3A_1025 = %broadcast_in_dim3A_554, %scan3A_1026 = %broadcast_in_dim3A_554, %scan3A_1027 = %broadcast_in_dim3A_554) -> (vector<32xbf16>, vector<32xbf16>, vector<32xbf16>, vector<32xbf16>, vector<32xbf16>, vector<32xbf16>, vector<32xbf16>, vector<32xbf16>)  : i32 {
        %get3A_1028 = arith.constant 0 : i32
        %get3A_1029 = arith.index_cast %get3A_1028 : i32 to index
        %get3A_1030 = arith.index_cast %scan3A_1019 : i32 to index
        %get3A_1031 = arith.constant 1792 : index
        %get3A_1032 = tpu.vector_load %arg8[%get3A_1029, %get3A_1030, %get3A_1031] {strides = array<i32>} : memref<2x20x2080xbf16, #tpu.memory_space<vmem>>, vector<1x1x32xbf16>,
        %get3A_1033 = vector.shape_cast %get3A_1032 : vector<1x1x32xbf16> to vector<32xbf16>
        %add3A_1034 = arith.constant 1 : i32
        %add3A_1035 = arith.addi %scan3A_1019, %add3A_1034 : i32
        %get3A_1036 = arith.constant 0 : i32
        %get3A_1037 = arith.index_cast %get3A_1036 : i32 to index
        %get3A_1038 = arith.index_cast %add3A_1035 : i32 to index
        %get3A_1039 = arith.constant 1792 : index
        %get3A_1040 = tpu.vector_load %arg9[%get3A_1037, %get3A_1038, %get3A_1039] {strides = array<i32>} : memref<2x20x2080xbf16, #tpu.memory_space<vmem>>, vector<1x1x32xbf16>,
        %get3A_1041 = vector.shape_cast %get3A_1040 : vector<1x1x32xbf16> to vector<32xbf16>
        %mul3A_1042 = arith.mulf %get3A_1033, %get3A_1041 : vector<32xbf16>
        %add3A_1043 = arith.constant 2 : i32
        %add3A_1044 = arith.addi %scan3A_1019, %add3A_1043 : i32
        %get3A_1045 = arith.constant 0 : i32
        %get3A_1046 = arith.index_cast %get3A_1045 : i32 to index
        %get3A_1047 = arith.index_cast %add3A_1044 : i32 to index
        %get3A_1048 = arith.constant 1794 : index
        %get3A_1049 = tpu.vector_load %arg8[%get3A_1046, %get3A_1047, %get3A_1048] {strides = array<i32>} : memref<2x20x2080xbf16, #tpu.memory_space<vmem>>, vector<1x1x32xbf16>,
        %get3A_1050 = vector.shape_cast %get3A_1049 : vector<1x1x32xbf16> to vector<32xbf16>
        %mul3A_1051 = arith.mulf %mul3A_1042, %get3A_1050 : vector<32xbf16>
        %add3A_1052 = arith.addf %scan3A_1020, %mul3A_1051 : vector<32xbf16>
        %get3A_1053 = arith.constant 0 : i32
        %get3A_1054 = arith.index_cast %get3A_1053 : i32 to index
        %get3A_1055 = arith.index_cast %scan3A_1019 : i32 to index
        %get3A_1056 = arith.constant 1824 : index
        %get3A_1057 = tpu.vector_load %arg8[%get3A_1054, %get3A_1055, %get3A_1056] {strides = array<i32>} : memref<2x20x2080xbf16, #tpu.memory_space<vmem>>, vector<1x1x32xbf16>,
        %get3A_1058 = vector.shape_cast %get3A_1057 : vector<1x1x32xbf16> to vector<32xbf16>
        %add3A_1059 = arith.constant 1 : i32
        %add3A_1060 = arith.addi %scan3A_1019, %add3A_1059 : i32
        %get3A_1061 = arith.constant 0 : i32
        %get3A_1062 = arith.index_cast %get3A_1061 : i32 to index
        %get3A_1063 = arith.index_cast %add3A_1060 : i32 to index
        %get3A_1064 = arith.constant 1824 : index
        %get3A_1065 = tpu.vector_load %arg9[%get3A_1062, %get3A_1063, %get3A_1064] {strides = array<i32>} : memref<2x20x2080xbf16, #tpu.memory_space<vmem>>, vector<1x1x32xbf16>,
        %get3A_1066 = vector.shape_cast %get3A_1065 : vector<1x1x32xbf16> to vector<32xbf16>
        %mul3A_1067 = arith.mulf %get3A_1058, %get3A_1066 : vector<32xbf16>
        %add3A_1068 = arith.constant 2 : i32
        %add3A_1069 = arith.addi %scan3A_1019, %add3A_1068 : i32
        %get3A_1070 = arith.constant 0 : i32
        %get3A_1071 = arith.index_cast %get3A_1070 : i32 to index
        %get3A_1072 = arith.index_cast %add3A_1069 : i32 to index
        %get3A_1073 = arith.constant 1826 : index
        %get3A_1074 = tpu.vector_load %arg8[%get3A_1071, %get3A_1072, %get3A_1073] {strides = array<i32>} : memref<2x20x2080xbf16, #tpu.memory_space<vmem>>, vector<1x1x32xbf16>,
        %get3A_1075 = vector.shape_cast %get3A_1074 : vector<1x1x32xbf16> to vector<32xbf16>
        %mul3A_1076 = arith.mulf %mul3A_1067, %get3A_1075 : vector<32xbf16>
        %add3A_1077 = arith.addf %scan3A_1021, %mul3A_1076 : vector<32xbf16>
        %get3A_1078 = arith.constant 0 : i32
        %get3A_1079 = arith.index_cast %get3A_1078 : i32 to index
        %get3A_1080 = arith.index_cast %scan3A_1019 : i32 to index
        %get3A_1081 = arith.constant 1856 : index
        %get3A_1082 = tpu.vector_load %arg8[%get3A_1079, %get3A_1080, %get3A_1081] {strides = array<i32>} : memref<2x20x2080xbf16, #tpu.memory_space<vmem>>, vector<1x1x32xbf16>,
        %get3A_1083 = vector.shape_cast %get3A_1082 : vector<1x1x32xbf16> to vector<32xbf16>
        %add3A_1084 = arith.constant 1 : i32
        %add3A_1085 = arith.addi %scan3A_1019, %add3A_1084 : i32
        %get3A_1086 = arith.constant 0 : i32
        %get3A_1087 = arith.index_cast %get3A_1086 : i32 to index
        %get3A_1088 = arith.index_cast %add3A_1085 : i32 to index
        %get3A_1089 = arith.constant 1856 : index
        %get3A_1090 = tpu.vector_load %arg9[%get3A_1087, %get3A_1088, %get3A_1089] {strides = array<i32>} : memref<2x20x2080xbf16, #tpu.memory_space<vmem>>, vector<1x1x32xbf16>,
        %get3A_1091 = vector.shape_cast %get3A_1090 : vector<1x1x32xbf16> to vector<32xbf16>
        %mul3A_1092 = arith.mulf %get3A_1083, %get3A_1091 : vector<32xbf16>
        %add3A_1093 = arith.constant 2 : i32
        %add3A_1094 = arith.addi %scan3A_1019, %add3A_1093 : i32
        %get3A_1095 = arith.constant 0 : i32
        %get3A_1096 = arith.index_cast %get3A_1095 : i32 to index
        %get3A_1097 = arith.index_cast %add3A_1094 : i32 to index
        %get3A_1098 = arith.constant 1858 : index
        %get3A_1099 = tpu.vector_load %arg8[%get3A_1096, %get3A_1097, %get3A_1098] {strides = array<i32>} : memref<2x20x2080xbf16, #tpu.memory_space<vmem>>, vector<1x1x32xbf16>,
        %get3A_1100 = vector.shape_cast %get3A_1099 : vector<1x1x32xbf16> to vector<32xbf16>
        %mul3A_1101 = arith.mulf %mul3A_1092, %get3A_1100 : vector<32xbf16>
        %add3A_1102 = arith.addf %scan3A_1022, %mul3A_1101 : vector<32xbf16>
        %get3A_1103 = arith.constant 0 : i32
        %get3A_1104 = arith.index_cast %get3A_1103 : i32 to index
        %get3A_1105 = arith.index_cast %scan3A_1019 : i32 to index
        %get3A_1106 = arith.constant 1888 : index
        %get3A_1107 = tpu.vector_load %arg8[%get3A_1104, %get3A_1105, %get3A_1106] {strides = array<i32>} : memref<2x20x2080xbf16, #tpu.memory_space<vmem>>, vector<1x1x32xbf16>,
        %get3A_1108 = vector.shape_cast %get3A_1107 : vector<1x1x32xbf16> to vector<32xbf16>
        %add3A_1109 = arith.constant 1 : i32
        %add3A_1110 = arith.addi %scan3A_1019, %add3A_1109 : i32
        %get3A_1111 = arith.constant 0 : i32
        %get3A_1112 = arith.index_cast %get3A_1111 : i32 to index
        %get3A_1113 = arith.index_cast %add3A_1110 : i32 to index
        %get3A_1114 = arith.constant 1888 : index
        %get3A_1115 = tpu.vector_load %arg9[%get3A_1112, %get3A_1113, %get3A_1114] {strides = array<i32>} : memref<2x20x2080xbf16, #tpu.memory_space<vmem>>, vector<1x1x32xbf16>,
        %get3A_1116 = vector.shape_cast %get3A_1115 : vector<1x1x32xbf16> to vector<32xbf16>
        %mul3A_1117 = arith.mulf %get3A_1108, %get3A_1116 : vector<32xbf16>
        %add3A_1118 = arith.constant 2 : i32
        %add3A_1119 = arith.addi %scan3A_1019, %add3A_1118 : i32
        %get3A_1120 = arith.constant 0 : i32
        %get3A_1121 = arith.index_cast %get3A_1120 : i32 to index
        %get3A_1122 = arith.index_cast %add3A_1119 : i32 to index
        %get3A_1123 = arith.constant 1890 : index
        %get3A_1124 = tpu.vector_load %arg8[%get3A_1121, %get3A_1122, %get3A_1123] {strides = array<i32>} : memref<2x20x2080xbf16, #tpu.memory_space<vmem>>, vector<1x1x32xbf16>,
        %get3A_1125 = vector.shape_cast %get3A_1124 : vector<1x1x32xbf16> to vector<32xbf16>
        %mul3A_1126 = arith.mulf %mul3A_1117, %get3A_1125 : vector<32xbf16>
        %add3A_1127 = arith.addf %scan3A_1023, %mul3A_1126 : vector<32xbf16>
        %get3A_1128 = arith.constant 0 : i32
        %get3A_1129 = arith.index_cast %get3A_1128 : i32 to index
        %get3A_1130 = arith.index_cast %scan3A_1019 : i32 to index
        %get3A_1131 = arith.constant 1920 : index
        %get3A_1132 = tpu.vector_load %arg8[%get3A_1129, %get3A_1130, %get3A_1131] {strides = array<i32>} : memref<2x20x2080xbf16, #tpu.memory_space<vmem>>, vector<1x1x32xbf16>,
        %get3A_1133 = vector.shape_cast %get3A_1132 : vector<1x1x32xbf16> to vector<32xbf16>
        %add3A_1134 = arith.constant 1 : i32
        %add3A_1135 = arith.addi %scan3A_1019, %add3A_1134 : i32
        %get3A_1136 = arith.constant 0 : i32
        %get3A_1137 = arith.index_cast %get3A_1136 : i32 to index
        %get3A_1138 = arith.index_cast %add3A_1135 : i32 to index
        %get3A_1139 = arith.constant 1920 : index
        %get3A_1140 = tpu.vector_load %arg9[%get3A_1137, %get3A_1138, %get3A_1139] {strides = array<i32>} : memref<2x20x2080xbf16, #tpu.memory_space<vmem>>, vector<1x1x32xbf16>,
        %get3A_1141 = vector.shape_cast %get3A_1140 : vector<1x1x32xbf16> to vector<32xbf16>
        %mul3A_1142 = arith.mulf %get3A_1133, %get3A_1141 : vector<32xbf16>
        %add3A_1143 = arith.constant 2 : i32
        %add3A_1144 = arith.addi %scan3A_1019, %add3A_1143 : i32
        %get3A_1145 = arith.constant 0 : i32
        %get3A_1146 = arith.index_cast %get3A_1145 : i32 to index
        %get3A_1147 = arith.index_cast %add3A_1144 : i32 to index
        %get3A_1148 = arith.constant 1922 : index
        %get3A_1149 = tpu.vector_load %arg8[%get3A_1146, %get3A_1147, %get3A_1148] {strides = array<i32>} : memref<2x20x2080xbf16, #tpu.memory_space<vmem>>, vector<1x1x32xbf16>,
        %get3A_1150 = vector.shape_cast %get3A_1149 : vector<1x1x32xbf16> to vector<32xbf16>
        %mul3A_1151 = arith.mulf %mul3A_1142, %get3A_1150 : vector<32xbf16>
        %add3A_1152 = arith.addf %scan3A_1024, %mul3A_1151 : vector<32xbf16>
        %get3A_1153 = arith.constant 0 : i32
        %get3A_1154 = arith.index_cast %get3A_1153 : i32 to index
        %get3A_1155 = arith.index_cast %scan3A_1019 : i32 to index
        %get3A_1156 = arith.constant 1952 : index
        %get3A_1157 = tpu.vector_load %arg8[%get3A_1154, %get3A_1155, %get3A_1156] {strides = array<i32>} : memref<2x20x2080xbf16, #tpu.memory_space<vmem>>, vector<1x1x32xbf16>,
        %get3A_1158 = vector.shape_cast %get3A_1157 : vector<1x1x32xbf16> to vector<32xbf16>
        %add3A_1159 = arith.constant 1 : i32
        %add3A_1160 = arith.addi %scan3A_1019, %add3A_1159 : i32
        %get3A_1161 = arith.constant 0 : i32
        %get3A_1162 = arith.index_cast %get3A_1161 : i32 to index
        %get3A_1163 = arith.index_cast %add3A_1160 : i32 to index
        %get3A_1164 = arith.constant 1952 : index
        %get3A_1165 = tpu.vector_load %arg9[%get3A_1162, %get3A_1163, %get3A_1164] {strides = array<i32>} : memref<2x20x2080xbf16, #tpu.memory_space<vmem>>, vector<1x1x32xbf16>,
        %get3A_1166 = vector.shape_cast %get3A_1165 : vector<1x1x32xbf16> to vector<32xbf16>
        %mul3A_1167 = arith.mulf %get3A_1158, %get3A_1166 : vector<32xbf16>
        %add3A_1168 = arith.constant 2 : i32
        %add3A_1169 = arith.addi %scan3A_1019, %add3A_1168 : i32
        %get3A_1170 = arith.constant 0 : i32
        %get3A_1171 = arith.index_cast %get3A_1170 : i32 to index
        %get3A_1172 = arith.index_cast %add3A_1169 : i32 to index
        %get3A_1173 = arith.constant 1954 : index
        %get3A_1174 = tpu.vector_load %arg8[%get3A_1171, %get3A_1172, %get3A_1173] {strides = array<i32>} : memref<2x20x2080xbf16, #tpu.memory_space<vmem>>, vector<1x1x32xbf16>,
        %get3A_1175 = vector.shape_cast %get3A_1174 : vector<1x1x32xbf16> to vector<32xbf16>
        %mul3A_1176 = arith.mulf %mul3A_1167, %get3A_1175 : vector<32xbf16>
        %add3A_1177 = arith.addf %scan3A_1025, %mul3A_1176 : vector<32xbf16>
        %get3A_1178 = arith.constant 0 : i32
        %get3A_1179 = arith.index_cast %get3A_1178 : i32 to index
        %get3A_1180 = arith.index_cast %scan3A_1019 : i32 to index
        %get3A_1181 = arith.constant 1984 : index
        %get3A_1182 = tpu.vector_load %arg8[%get3A_1179, %get3A_1180, %get3A_1181] {strides = array<i32>} : memref<2x20x2080xbf16, #tpu.memory_space<vmem>>, vector<1x1x32xbf16>,
        %get3A_1183 = vector.shape_cast %get3A_1182 : vector<1x1x32xbf16> to vector<32xbf16>
        %add3A_1184 = arith.constant 1 : i32
        %add3A_1185 = arith.addi %scan3A_1019, %add3A_1184 : i32
        %get3A_1186 = arith.constant 0 : i32
        %get3A_1187 = arith.index_cast %get3A_1186 : i32 to index
        %get3A_1188 = arith.index_cast %add3A_1185 : i32 to index
        %get3A_1189 = arith.constant 1984 : index
        %get3A_1190 = tpu.vector_load %arg9[%get3A_1187, %get3A_1188, %get3A_1189] {strides = array<i32>} : memref<2x20x2080xbf16, #tpu.memory_space<vmem>>, vector<1x1x32xbf16>,
        %get3A_1191 = vector.shape_cast %get3A_1190 : vector<1x1x32xbf16> to vector<32xbf16>
        %mul3A_1192 = arith.mulf %get3A_1183, %get3A_1191 : vector<32xbf16>
        %add3A_1193 = arith.constant 2 : i32
        %add3A_1194 = arith.addi %scan3A_1019, %add3A_1193 : i32
        %get3A_1195 = arith.constant 0 : i32
        %get3A_1196 = arith.index_cast %get3A_1195 : i32 to index
        %get3A_1197 = arith.index_cast %add3A_1194 : i32 to index
        %get3A_1198 = arith.constant 1986 : index
        %get3A_1199 = tpu.vector_load %arg8[%get3A_1196, %get3A_1197, %get3A_1198] {strides = array<i32>} : memref<2x20x2080xbf16, #tpu.memory_space<vmem>>, vector<1x1x32xbf16>,
        %get3A_1200 = vector.shape_cast %get3A_1199 : vector<1x1x32xbf16> to vector<32xbf16>
        %mul3A_1201 = arith.mulf %mul3A_1192, %get3A_1200 : vector<32xbf16>
        %add3A_1202 = arith.addf %scan3A_1026, %mul3A_1201 : vector<32xbf16>
        %get3A_1203 = arith.constant 0 : i32
        %get3A_1204 = arith.index_cast %get3A_1203 : i32 to index
        %get3A_1205 = arith.index_cast %scan3A_1019 : i32 to index
        %get3A_1206 = arith.constant 2016 : index
        %get3A_1207 = tpu.vector_load %arg8[%get3A_1204, %get3A_1205, %get3A_1206] {strides = array<i32>} : memref<2x20x2080xbf16, #tpu.memory_space<vmem>>, vector<1x1x32xbf16>,
        %get3A_1208 = vector.shape_cast %get3A_1207 : vector<1x1x32xbf16> to vector<32xbf16>
        %add3A_1209 = arith.constant 1 : i32
        %add3A_1210 = arith.addi %scan3A_1019, %add3A_1209 : i32
        %get3A_1211 = arith.constant 0 : i32
        %get3A_1212 = arith.index_cast %get3A_1211 : i32 to index
        %get3A_1213 = arith.index_cast %add3A_1210 : i32 to index
        %get3A_1214 = arith.constant 2016 : index
        %get3A_1215 = tpu.vector_load %arg9[%get3A_1212, %get3A_1213, %get3A_1214] {strides = array<i32>} : memref<2x20x2080xbf16, #tpu.memory_space<vmem>>, vector<1x1x32xbf16>,
        %get3A_1216 = vector.shape_cast %get3A_1215 : vector<1x1x32xbf16> to vector<32xbf16>
        %mul3A_1217 = arith.mulf %get3A_1208, %get3A_1216 : vector<32xbf16>
        %add3A_1218 = arith.constant 2 : i32
        %add3A_1219 = arith.addi %scan3A_1019, %add3A_1218 : i32
        %get3A_1220 = arith.constant 0 : i32
        %get3A_1221 = arith.index_cast %get3A_1220 : i32 to index
        %get3A_1222 = arith.index_cast %add3A_1219 : i32 to index
        %get3A_1223 = arith.constant 2018 : index
        %get3A_1224 = tpu.vector_load %arg8[%get3A_1221, %get3A_1222, %get3A_1223] {strides = array<i32>} : memref<2x20x2080xbf16, #tpu.memory_space<vmem>>, vector<1x1x32xbf16>,
        %get3A_1225 = vector.shape_cast %get3A_1224 : vector<1x1x32xbf16> to vector<32xbf16>
        %mul3A_1226 = arith.mulf %mul3A_1217, %get3A_1225 : vector<32xbf16>
        %add3A_1227 = arith.addf %scan3A_1027, %mul3A_1226 : vector<32xbf16>
        scf.yield %add3A_1052, %add3A_1077, %add3A_1102, %add3A_1127, %add3A_1152, %add3A_1177, %add3A_1202, %add3A_1227 : vector<32xbf16>, vector<32xbf16>, vector<32xbf16>, vector<32xbf16>, vector<32xbf16>, vector<32xbf16>, vector<32xbf16>, vector<32xbf16>
      }
      %scan3A_560 = arith.constant 18 : i32
      %swap3A_561 = arith.index_cast %mul3A_135 : i32 to index
      %swap3A_562 = arith.constant 1792 : index
      %swap3A_563 = tpu.vector_load %arg10[%swap3A_561, %swap3A_562] {strides = array<i32>} : memref<8x2048xbf16, #tpu.memory_space<vmem>>, vector<1x32xbf16>,
      %swap3A_564 = vector.shape_cast %swap3A_563 : vector<1x32xbf16> to vector<32xbf16>
      %swap3A_565 = vector.shape_cast %scan3A_559#0 : vector<32xbf16> to vector<1x32xbf16>
      tpu.vector_store %arg10[%swap3A_561, %swap3A_562], %swap3A_565 {strides = array<i32>} : memref<8x2048xbf16, #tpu.memory_space<vmem>>, vector<1x32xbf16>,
      %swap3A_566 = arith.index_cast %mul3A_135 : i32 to index
      %swap3A_567 = arith.constant 1824 : index
      %swap3A_568 = tpu.vector_load %arg10[%swap3A_566, %swap3A_567] {strides = array<i32>} : memref<8x2048xbf16, #tpu.memory_space<vmem>>, vector<1x32xbf16>,
      %swap3A_569 = vector.shape_cast %swap3A_568 : vector<1x32xbf16> to vector<32xbf16>
      %swap3A_570 = vector.shape_cast %scan3A_559#1 : vector<32xbf16> to vector<1x32xbf16>
      tpu.vector_store %arg10[%swap3A_566, %swap3A_567], %swap3A_570 {strides = array<i32>} : memref<8x2048xbf16, #tpu.memory_space<vmem>>, vector<1x32xbf16>,
      %swap3A_571 = arith.index_cast %mul3A_135 : i32 to index
      %swap3A_572 = arith.constant 1856 : index
      %swap3A_573 = tpu.vector_load %arg10[%swap3A_571, %swap3A_572] {strides = array<i32>} : memref<8x2048xbf16, #tpu.memory_space<vmem>>, vector<1x32xbf16>,
      %swap3A_574 = vector.shape_cast %swap3A_573 : vector<1x32xbf16> to vector<32xbf16>
      %swap3A_575 = vector.shape_cast %scan3A_559#2 : vector<32xbf16> to vector<1x32xbf16>
      tpu.vector_store %arg10[%swap3A_571, %swap3A_572], %swap3A_575 {strides = array<i32>} : memref<8x2048xbf16, #tpu.memory_space<vmem>>, vector<1x32xbf16>,
      %swap3A_576 = arith.index_cast %mul3A_135 : i32 to index
      %swap3A_577 = arith.constant 1888 : index
      %swap3A_578 = tpu.vector_load %arg10[%swap3A_576, %swap3A_577] {strides = array<i32>} : memref<8x2048xbf16, #tpu.memory_space<vmem>>, vector<1x32xbf16>,
      %swap3A_579 = vector.shape_cast %swap3A_578 : vector<1x32xbf16> to vector<32xbf16>
      %swap3A_580 = vector.shape_cast %scan3A_559#3 : vector<32xbf16> to vector<1x32xbf16>
      tpu.vector_store %arg10[%swap3A_576, %swap3A_577], %swap3A_580 {strides = array<i32>} : memref<8x2048xbf16, #tpu.memory_space<vmem>>, vector<1x32xbf16>,
      %swap3A_581 = arith.index_cast %mul3A_135 : i32 to index
      %swap3A_582 = arith.constant 1920 : index
      %swap3A_583 = tpu.vector_load %arg10[%swap3A_581, %swap3A_582] {strides = array<i32>} : memref<8x2048xbf16, #tpu.memory_space<vmem>>, vector<1x32xbf16>,
      %swap3A_584 = vector.shape_cast %swap3A_583 : vector<1x32xbf16> to vector<32xbf16>
      %swap3A_585 = vector.shape_cast %scan3A_559#4 : vector<32xbf16> to vector<1x32xbf16>
      tpu.vector_store %arg10[%swap3A_581, %swap3A_582], %swap3A_585 {strides = array<i32>} : memref<8x2048xbf16, #tpu.memory_space<vmem>>, vector<1x32xbf16>,
      %swap3A_586 = arith.index_cast %mul3A_135 : i32 to index
      %swap3A_587 = arith.constant 1952 : index
      %swap3A_588 = tpu.vector_load %arg10[%swap3A_586, %swap3A_587] {strides = array<i32>} : memref<8x2048xbf16, #tpu.memory_space<vmem>>, vector<1x32xbf16>,
      %swap3A_589 = vector.shape_cast %swap3A_588 : vector<1x32xbf16> to vector<32xbf16>
      %swap3A_590 = vector.shape_cast %scan3A_559#5 : vector<32xbf16> to vector<1x32xbf16>
      tpu.vector_store %arg10[%swap3A_586, %swap3A_587], %swap3A_590 {strides = array<i32>} : memref<8x2048xbf16, #tpu.memory_space<vmem>>, vector<1x32xbf16>,
      %swap3A_591 = arith.index_cast %mul3A_135 : i32 to index
      %swap3A_592 = arith.constant 1984 : index
      %swap3A_593 = tpu.vector_load %arg10[%swap3A_591, %swap3A_592] {strides = array<i32>} : memref<8x2048xbf16, #tpu.memory_space<vmem>>, vector<1x32xbf16>,
      %swap3A_594 = vector.shape_cast %swap3A_593 : vector<1x32xbf16> to vector<32xbf16>
      %swap3A_595 = vector.shape_cast %scan3A_559#6 : vector<32xbf16> to vector<1x32xbf16>
      tpu.vector_store %arg10[%swap3A_591, %swap3A_592], %swap3A_595 {strides = array<i32>} : memref<8x2048xbf16, #tpu.memory_space<vmem>>, vector<1x32xbf16>,
      %swap3A_596 = arith.index_cast %mul3A_135 : i32 to index
      %swap3A_597 = arith.constant 2016 : index
      %swap3A_598 = tpu.vector_load %arg10[%swap3A_596, %swap3A_597] {strides = array<i32>} : memref<8x2048xbf16, #tpu.memory_space<vmem>>, vector<1x32xbf16>,
      %swap3A_599 = vector.shape_cast %swap3A_598 : vector<1x32xbf16> to vector<32xbf16>
      %swap3A_600 = vector.shape_cast %scan3A_559#7 : vector<32xbf16> to vector<1x32xbf16>
      tpu.vector_store %arg10[%swap3A_596, %swap3A_597], %swap3A_600 {strides = array<i32>} : memref<8x2048xbf16, #tpu.memory_space<vmem>>, vector<1x32xbf16>,
      %lt3A_601 = arith.constant 79 : i32
      %lt3A_602 = arith.cmpi slt, %scan3A_63, %lt3A_601 : i32
      %convert_element_type3A = arith.extui %lt3A_602 : i1 to i32
      %cond3A = arith.constant 0 : i32
      %cond3A_603 = arith.cmpi ne, %convert_element_type3A, %cond3A : i32
      scf.if %cond3A_603 {
        %add3A_1019 = arith.constant 1 : i32
        %add3A_1020 = arith.addi %scan3A_63, %add3A_1019 : i32
        %jit3A_1021 = arith.constant 20 : i32
        %div3A_1022 = arith.divsi %add3A_1020, %jit3A_1021 : i32
        %sign3A_1023 = arith.constant 0 : i32
        %sign3A_1024 = arith.cmpi sgt, %add3A_1020, %sign3A_1023 : i32
        %sign3A_1025 = arith.extui %sign3A_1024 : i1 to i32
        %sign3A_1026 = arith.constant 0 : i32
        %sign3A_1027 = arith.cmpi slt, %add3A_1020, %sign3A_1026 : i32
        %sign3A_1028 = arith.extui %sign3A_1027 : i1 to i32
        %sign3A_1029 = arith.subi %sign3A_1025, %sign3A_1028 : i32
        %sign3A_1030 = arith.constant 0 : i32
        %sign3A_1031 = arith.cmpi sgt, %jit3A_1021, %sign3A_1030 : i32
        %sign3A_1032 = arith.extui %sign3A_1031 : i1 to i32
        %sign3A_1033 = arith.constant 0 : i32
        %sign3A_1034 = arith.cmpi slt, %jit3A_1021, %sign3A_1033 : i32
        %sign3A_1035 = arith.extui %sign3A_1034 : i1 to i32
        %sign3A_1036 = arith.subi %sign3A_1032, %sign3A_1035 : i32
        %ne3A_1037 = arith.cmpi ne, %sign3A_1029, %sign3A_1036 : i32
        %rem3A_1038 = arith.remsi %add3A_1020, %jit3A_1021 : i32
        %ne3A_1039 = arith.constant 0 : i32
        %ne3A_1040 = arith.cmpi ne, %rem3A_1038, %ne3A_1039 : i32
        %and3A_1041 = arith.andi %ne3A_1037, %ne3A_1040 : i1
        %sub3A_1042 = arith.constant 1 : i32
        %sub3A_1043 = arith.subi %div3A_1022, %sub3A_1042 : i32
        %select_n3A_1044 = arith.select %and3A_1041, %sub3A_1043, %div3A_1022 : i32
        %jit3A_1045 = arith.constant 20 : i32
        %eq3A_1046 = arith.constant 0 : i32
        %eq3A_1047 = arith.cmpi eq, %jit3A_1045, %eq3A_1046 : i32
        %jit3A_1048 = arith.constant 1 : i32
        %select_n3A_1049 = arith.select %eq3A_1047, %jit3A_1048, %jit3A_1045 : i32
        %rem3A_1050 = arith.remsi %add3A_1020, %select_n3A_1049 : i32
        %ne3A_1051 = arith.constant 0 : i32
        %ne3A_1052 = arith.cmpi ne, %rem3A_1050, %ne3A_1051 : i32
        %lt3A_1053 = arith.constant 0 : i32
        %lt3A_1054 = arith.cmpi slt, %rem3A_1050, %lt3A_1053 : i32
        %lt3A_1055 = arith.constant 0 : i32
        %lt3A_1056 = arith.cmpi slt, %select_n3A_1049, %lt3A_1055 : i32
        %ne3A_1057 = arith.xori %lt3A_1054, %lt3A_1056 : i1
        %and3A_1058 = arith.andi %ne3A_1057, %ne3A_1052 : i1
        %add3A_1059 = arith.addi %rem3A_1050, %select_n3A_1049 : i32
        %select_n3A_1060 = arith.select %and3A_1058, %add3A_1059, %rem3A_1050 : i32
        %jit3A_1061 = arith.constant 4 : i32
        %div3A_1062 = arith.divsi %select_n3A_1060, %jit3A_1061 : i32
        %sign3A_1063 = arith.constant 0 : i32
        %sign3A_1064 = arith.cmpi sgt, %select_n3A_1060, %sign3A_1063 : i32
        %sign3A_1065 = arith.extui %sign3A_1064 : i1 to i32
        %sign3A_1066 = arith.constant 0 : i32
        %sign3A_1067 = arith.cmpi slt, %select_n3A_1060, %sign3A_1066 : i32
        %sign3A_1068 = arith.extui %sign3A_1067 : i1 to i32
        %sign3A_1069 = arith.subi %sign3A_1065, %sign3A_1068 : i32
        %sign3A_1070 = arith.constant 0 : i32
        %sign3A_1071 = arith.cmpi sgt, %jit3A_1061, %sign3A_1070 : i32
        %sign3A_1072 = arith.extui %sign3A_1071 : i1 to i32
        %sign3A_1073 = arith.constant 0 : i32
        %sign3A_1074 = arith.cmpi slt, %jit3A_1061, %sign3A_1073 : i32
        %sign3A_1075 = arith.extui %sign3A_1074 : i1 to i32
        %sign3A_1076 = arith.subi %sign3A_1072, %sign3A_1075 : i32
        %ne3A_1077 = arith.cmpi ne, %sign3A_1069, %sign3A_1076 : i32
        %rem3A_1078 = arith.remsi %select_n3A_1060, %jit3A_1061 : i32
        %ne3A_1079 = arith.constant 0 : i32
        %ne3A_1080 = arith.cmpi ne, %rem3A_1078, %ne3A_1079 : i32
        %and3A_1081 = arith.andi %ne3A_1077, %ne3A_1080 : i1
        %sub3A_1082 = arith.constant 1 : i32
        %sub3A_1083 = arith.subi %div3A_1062, %sub3A_1082 : i32
        %select_n3A_1084 = arith.select %and3A_1081, %sub3A_1083, %div3A_1062 : i32
        %jit3A_1085 = arith.constant 4 : i32
        %eq3A_1086 = arith.constant 0 : i32
        %eq3A_1087 = arith.cmpi eq, %jit3A_1085, %eq3A_1086 : i32
        %jit3A_1088 = arith.constant 1 : i32
        %select_n3A_1089 = arith.select %eq3A_1087, %jit3A_1088, %jit3A_1085 : i32
        %rem3A_1090 = arith.remsi %select_n3A_1060, %select_n3A_1089 : i32
        %ne3A_1091 = arith.constant 0 : i32
        %ne3A_1092 = arith.cmpi ne, %rem3A_1090, %ne3A_1091 : i32
        %lt3A_1093 = arith.constant 0 : i32
        %lt3A_1094 = arith.cmpi slt, %rem3A_1090, %lt3A_1093 : i32
        %lt3A_1095 = arith.constant 0 : i32
        %lt3A_1096 = arith.cmpi slt, %select_n3A_1089, %lt3A_1095 : i32
        %ne3A_1097 = arith.xori %lt3A_1094, %lt3A_1096 : i1
        %and3A_1098 = arith.andi %ne3A_1097, %ne3A_1092 : i1
        %add3A_1099 = arith.addi %rem3A_1090, %select_n3A_1089 : i32
        %select_n3A_1100 = arith.select %and3A_1098, %add3A_1099, %rem3A_1090 : i32
        %mul3A_1101 = arith.constant 2 : i32
        %mul3A_1102 = arith.muli %select_n3A_1100, %mul3A_1101 : i32
        %mul3A_1103 = arith.constant 8 : i32
        %mul3A_1104 = arith.muli %select_n3A_1044, %mul3A_1103 : i32
        %add3A_1105 = arith.addi %mul3A_1104, %mul3A_1102 : i32
        %get3A_1106 = arith.index_cast %add3A_1105 : i32 to index
        %get3A_1107 = arith.constant 0 : index
        %get3A_1108 = tpu.vector_load %arg6[%get3A_1106, %get3A_1107] {strides = array<i32>} : memref<32x20xi32, #tpu.memory_space<vmem>>, vector<1x16xi32>,
        %get3A_1109 = vector.shape_cast %get3A_1108 : vector<1x16xi32> to vector<16xi32>
        %mul3A_1110 = arith.constant 5 : i32
        %mul3A_1111 = vector.broadcast %mul3A_1110 : i32 to vector<16xi32>
        %mul3A_1112 = arith.muli %get3A_1109, %mul3A_1111 : vector<16xi32>
        %add3A_1113 = vector.broadcast %select_n3A_1084 : i32 to vector<16xi32>
        %add3A_1114 = arith.addi %mul3A_1112, %add3A_1113 : vector<16xi32>
        %swap3A_1115 = arith.constant 0 : i32
        %swap3A_1116 = arith.index_cast %swap3A_1115 : i32 to index
        %swap3A_1117 = arith.constant 0 : index
        %swap3A_1118 = tpu.vector_load %arg7[%swap3A_1116, %swap3A_1117] {strides = array<i32>} : memref<2x20xi32, #tpu.memory_space<vmem>>, vector<1x16xi32>,
        %swap3A_1119 = vector.shape_cast %swap3A_1118 : vector<1x16xi32> to vector<16xi32>
        %swap3A_1120 = vector.shape_cast %add3A_1114 : vector<16xi32> to vector<1x16xi32>
        tpu.vector_store %arg7[%swap3A_1116, %swap3A_1117], %swap3A_1120 {strides = array<i32>} : memref<2x20xi32, #tpu.memory_space<vmem>>, vector<1x16xi32>,
        %get3A_1121 = arith.index_cast %add3A_1105 : i32 to index
        %get3A_1122 = arith.constant 4 : index
        %get3A_1123 = tpu.vector_load %arg6[%get3A_1121, %get3A_1122] {strides = array<i32>} : memref<32x20xi32, #tpu.memory_space<vmem>>, vector<1x16xi32>,
        %get3A_1124 = vector.shape_cast %get3A_1123 : vector<1x16xi32> to vector<16xi32>
        %mul3A_1125 = arith.constant 5 : i32
        %mul3A_1126 = vector.broadcast %mul3A_1125 : i32 to vector<16xi32>
        %mul3A_1127 = arith.muli %get3A_1124, %mul3A_1126 : vector<16xi32>
        %add3A_1128 = vector.broadcast %select_n3A_1084 : i32 to vector<16xi32>
        %add3A_1129 = arith.addi %mul3A_1127, %add3A_1128 : vector<16xi32>
        %swap3A_1130 = arith.constant 0 : i32
        %swap3A_1131 = arith.index_cast %swap3A_1130 : i32 to index
        %swap3A_1132 = arith.constant 4 : index
        %swap3A_1133 = tpu.vector_load %arg7[%swap3A_1131, %swap3A_1132] {strides = array<i32>} : memref<2x20xi32, #tpu.memory_space<vmem>>, vector<1x16xi32>,
        %swap3A_1134 = vector.shape_cast %swap3A_1133 : vector<1x16xi32> to vector<16xi32>
        %swap3A_1135 = vector.shape_cast %add3A_1129 : vector<16xi32> to vector<1x16xi32>
        tpu.vector_store %arg7[%swap3A_1131, %swap3A_1132], %swap3A_1135 {strides = array<i32>} : memref<2x20xi32, #tpu.memory_space<vmem>>, vector<1x16xi32>,
        %dma_start3A_1136 = arith.constant 0 : i32
        %dma_start3A_1137 = arith.constant 0 : i32
        %dma_start3A_1138 = arith.constant 0 : i32
        %dma_start3A_1139 = arith.constant 0 : i32
        %dma_start3A_1140 = tpu.memref_slice %arg8[%dma_start3A_1137, %dma_start3A_1138, %dma_start3A_1139] : memref<2x20x2080xbf16, #tpu.memory_space<vmem>> -> memref<1x20x2080xbf16, #tpu.memory_space<vmem>>
        %dma_start3A_1141 = tpu.memref_squeeze %dma_start3A_1140 : memref<1x20x2080xbf16, #tpu.memory_space<vmem>> -> memref<20x2080xbf16, #tpu.memory_space<vmem>>
        %dma_start3A_1142 = arith.constant 0 : i32
        %dma_start3A_1143 = tpu.memref_slice %arg7[%dma_start3A_1136, %dma_start3A_1142] : memref<2x20xi32, #tpu.memory_space<vmem>> -> memref<1x20xi32, #tpu.memory_space<vmem>>
        %dma_start3A_1144 = tpu.memref_squeeze %dma_start3A_1143 : memref<1x20xi32, #tpu.memory_space<vmem>> -> memref<20xi32, #tpu.memory_space<vmem>>
        %dma_start3A_1145 = arith.constant 0 : i32
        %dma_start3A_1146 = arith.constant 0 : i32
        %dma_start3A_1147 = tpu.memref_slice %arg2[%dma_start3A_1145, %dma_start3A_1146] : memref<5000x2080xbf16, #tpu.memory_space<hbm>> -> memref<5000x2080xbf16, #tpu.memory_space<hbm>>
        tpu.enqueue_indirect_dma source(%dma_start3A_1147 : memref<5000x2080xbf16, #tpu.memory_space<hbm>>) target(%dma_start3A_1141 : memref<20x2080xbf16, #tpu.memory_space<vmem>>) offsets(%dma_start3A_1144 : memref<20xi32, #tpu.memory_space<vmem>>) semaphore(%arg11 : memref<!tpu.dma_semaphore, #tpu.memory_space<semaphore_mem>>)
        %dma_start3A_1148 = arith.constant 0 : i32
        %dma_start3A_1149 = arith.constant 0 : i32
        %dma_start3A_1150 = arith.constant 0 : i32
        %dma_start3A_1151 = arith.constant 0 : i32
        %dma_start3A_1152 = tpu.memref_slice %arg9[%dma_start3A_1149, %dma_start3A_1150, %dma_start3A_1151] : memref<2x20x2080xbf16, #tpu.memory_space<vmem>> -> memref<1x20x2080xbf16, #tpu.memory_space<vmem>>
        %dma_start3A_1153 = tpu.memref_squeeze %dma_start3A_1152 : memref<1x20x2080xbf16, #tpu.memory_space<vmem>> -> memref<20x2080xbf16, #tpu.memory_space<vmem>>
        %dma_start3A_1154 = arith.constant 0 : i32
        %dma_start3A_1155 = tpu.memref_slice %arg7[%dma_start3A_1148, %dma_start3A_1154] : memref<2x20xi32, #tpu.memory_space<vmem>> -> memref<1x20xi32, #tpu.memory_space<vmem>>
        %dma_start3A_1156 = tpu.memref_squeeze %dma_start3A_1155 : memref<1x20xi32, #tpu.memory_space<vmem>> -> memref<20xi32, #tpu.memory_space<vmem>>
        %dma_start3A_1157 = arith.constant 0 : i32
        %dma_start3A_1158 = arith.constant 0 : i32
        %dma_start3A_1159 = tpu.memref_slice %arg3[%dma_start3A_1157, %dma_start3A_1158] : memref<5000x2080xbf16, #tpu.memory_space<hbm>> -> memref<5000x2080xbf16, #tpu.memory_space<hbm>>
        tpu.enqueue_indirect_dma source(%dma_start3A_1159 : memref<5000x2080xbf16, #tpu.memory_space<hbm>>) target(%dma_start3A_1153 : memref<20x2080xbf16, #tpu.memory_space<vmem>>) offsets(%dma_start3A_1156 : memref<20xi32, #tpu.memory_space<vmem>>) semaphore(%arg11 : memref<!tpu.dma_semaphore, #tpu.memory_space<semaphore_mem>>)
      } else {
      }
      %dma_wait3A_604 = arith.constant 1 : i32
      %dma_wait3A_605 = arith.constant 1 : i32
      %dma_wait3A_606 = arith.constant 0 : i32
      %dma_wait3A_607 = arith.constant 0 : i32
      %dma_wait3A_608 = tpu.memref_slice %arg8[%dma_wait3A_605, %dma_wait3A_606, %dma_wait3A_607] : memref<2x20x2080xbf16, #tpu.memory_space<vmem>> -> memref<1x20x2080xbf16, #tpu.memory_space<vmem>>
      %dma_wait3A_609 = tpu.memref_squeeze %dma_wait3A_608 : memref<1x20x2080xbf16, #tpu.memory_space<vmem>> -> memref<20x2080xbf16, #tpu.memory_space<vmem>>
      %dma_wait3A_610 = arith.constant 0 : i32
      %dma_wait3A_611 = tpu.memref_slice %arg7[%dma_wait3A_604, %dma_wait3A_610] : memref<2x20xi32, #tpu.memory_space<vmem>> -> memref<1x20xi32, #tpu.memory_space<vmem>>
      %dma_wait3A_612 = tpu.memref_squeeze %dma_wait3A_611 : memref<1x20xi32, #tpu.memory_space<vmem>> -> memref<20xi32, #tpu.memory_space<vmem>>
      %dma_wait3A_613 = arith.constant 0 : i32
      %dma_wait3A_614 = arith.constant 0 : i32
      %dma_wait3A_615 = tpu.memref_slice %arg2[%dma_wait3A_613, %dma_wait3A_614] : memref<5000x2080xbf16, #tpu.memory_space<hbm>> -> memref<5000x2080xbf16, #tpu.memory_space<hbm>>
      tpu.wait_indirect_dma semaphore(%arg12 : memref<!tpu.dma_semaphore, #tpu.memory_space<semaphore_mem>>) src(%dma_wait3A_615 : memref<5000x2080xbf16, #tpu.memory_space<hbm>>) dst(%dma_wait3A_609 : memref<20x2080xbf16, #tpu.memory_space<vmem>>)
      %dma_wait3A_616 = arith.constant 1 : i32
      %dma_wait3A_617 = arith.constant 1 : i32
      %dma_wait3A_618 = arith.constant 0 : i32
      %dma_wait3A_619 = arith.constant 0 : i32
      %dma_wait3A_620 = tpu.memref_slice %arg9[%dma_wait3A_617, %dma_wait3A_618, %dma_wait3A_619] : memref<2x20x2080xbf16, #tpu.memory_space<vmem>> -> memref<1x20x2080xbf16, #tpu.memory_space<vmem>>
      %dma_wait3A_621 = tpu.memref_squeeze %dma_wait3A_620 : memref<1x20x2080xbf16, #tpu.memory_space<vmem>> -> memref<20x2080xbf16, #tpu.memory_space<vmem>>
      %dma_wait3A_622 = arith.constant 0 : i32
      %dma_wait3A_623 = tpu.memref_slice %arg7[%dma_wait3A_616, %dma_wait3A_622] : memref<2x20xi32, #tpu.memory_space<vmem>> -> memref<1x20xi32, #tpu.memory_space<vmem>>
      %dma_wait3A_624 = tpu.memref_squeeze %dma_wait3A_623 : memref<1x20xi32, #tpu.memory_space<vmem>> -> memref<20xi32, #tpu.memory_space<vmem>>
      %dma_wait3A_625 = arith.constant 0 : i32
      %dma_wait3A_626 = arith.constant 0 : i32
      %dma_wait3A_627 = tpu.memref_slice %arg3[%dma_wait3A_625, %dma_wait3A_626] : memref<5000x2080xbf16, #tpu.memory_space<hbm>> -> memref<5000x2080xbf16, #tpu.memory_space<hbm>>
      tpu.wait_indirect_dma semaphore(%arg12 : memref<!tpu.dma_semaphore, #tpu.memory_space<semaphore_mem>>) src(%dma_wait3A_627 : memref<5000x2080xbf16, #tpu.memory_space<hbm>>) dst(%dma_wait3A_621 : memref<20x2080xbf16, #tpu.memory_space<vmem>>)
      %add3A_628 = arith.constant 1 : i32
      %add3A_629 = arith.addi %mul3A_135, %add3A_628 : i32
      %broadcast_in_dim3A_630 = arith.constant 0.000000e+00 : bf16
      %broadcast_in_dim3A_631 = vector.broadcast %broadcast_in_dim3A_630 : bf16 to vector<32xbf16>
      %scan3A_632 = arith.constant 0 : i32
      %scan3A_633 = arith.constant 18 : i32
      %scan3A_634 = arith.addi %scan3A_632, %scan3A_633 : i32
      %scan3A_635 = arith.constant 1 : i32
      %scan3A_636:8 = scf.for %scan3A_1019 = %scan3A_632 to %scan3A_634 step %scan3A_635 iter_args(%scan3A_1020 = %broadcast_in_dim3A_631, %scan3A_1021 = %broadcast_in_dim3A_631, %scan3A_1022 = %broadcast_in_dim3A_631, %scan3A_1023 = %broadcast_in_dim3A_631, %scan3A_1024 = %broadcast_in_dim3A_631, %scan3A_1025 = %broadcast_in_dim3A_631, %scan3A_1026 = %broadcast_in_dim3A_631, %scan3A_1027 = %broadcast_in_dim3A_631) -> (vector<32xbf16>, vector<32xbf16>, vector<32xbf16>, vector<32xbf16>, vector<32xbf16>, vector<32xbf16>, vector<32xbf16>, vector<32xbf16>)  : i32 {
        %get3A_1028 = arith.constant 1 : i32
        %get3A_1029 = arith.index_cast %get3A_1028 : i32 to index
        %get3A_1030 = arith.index_cast %scan3A_1019 : i32 to index
        %get3A_1031 = arith.constant 0 : index
        %get3A_1032 = tpu.vector_load %arg8[%get3A_1029, %get3A_1030, %get3A_1031] {strides = array<i32>} : memref<2x20x2080xbf16, #tpu.memory_space<vmem>>, vector<1x1x32xbf16>,
        %get3A_1033 = vector.shape_cast %get3A_1032 : vector<1x1x32xbf16> to vector<32xbf16>
        %add3A_1034 = arith.constant 1 : i32
        %add3A_1035 = arith.addi %scan3A_1019, %add3A_1034 : i32
        %get3A_1036 = arith.constant 1 : i32
        %get3A_1037 = arith.index_cast %get3A_1036 : i32 to index
        %get3A_1038 = arith.index_cast %add3A_1035 : i32 to index
        %get3A_1039 = arith.constant 0 : index
        %get3A_1040 = tpu.vector_load %arg9[%get3A_1037, %get3A_1038, %get3A_1039] {strides = array<i32>} : memref<2x20x2080xbf16, #tpu.memory_space<vmem>>, vector<1x1x32xbf16>,
        %get3A_1041 = vector.shape_cast %get3A_1040 : vector<1x1x32xbf16> to vector<32xbf16>
        %mul3A_1042 = arith.mulf %get3A_1033, %get3A_1041 : vector<32xbf16>
        %add3A_1043 = arith.constant 2 : i32
        %add3A_1044 = arith.addi %scan3A_1019, %add3A_1043 : i32
        %get3A_1045 = arith.constant 1 : i32
        %get3A_1046 = arith.index_cast %get3A_1045 : i32 to index
        %get3A_1047 = arith.index_cast %add3A_1044 : i32 to index
        %get3A_1048 = arith.constant 2 : index
        %get3A_1049 = tpu.vector_load %arg8[%get3A_1046, %get3A_1047, %get3A_1048] {strides = array<i32>} : memref<2x20x2080xbf16, #tpu.memory_space<vmem>>, vector<1x1x32xbf16>,
        %get3A_1050 = vector.shape_cast %get3A_1049 : vector<1x1x32xbf16> to vector<32xbf16>
        %mul3A_1051 = arith.mulf %mul3A_1042, %get3A_1050 : vector<32xbf16>
        %add3A_1052 = arith.addf %scan3A_1020, %mul3A_1051 : vector<32xbf16>
        %get3A_1053 = arith.constant 1 : i32
        %get3A_1054 = arith.index_cast %get3A_1053 : i32 to index
        %get3A_1055 = arith.index_cast %scan3A_1019 : i32 to index
        %get3A_1056 = arith.constant 32 : index
        %get3A_1057 = tpu.vector_load %arg8[%get3A_1054, %get3A_1055, %get3A_1056] {strides = array<i32>} : memref<2x20x2080xbf16, #tpu.memory_space<vmem>>, vector<1x1x32xbf16>,
        %get3A_1058 = vector.shape_cast %get3A_1057 : vector<1x1x32xbf16> to vector<32xbf16>
        %add3A_1059 = arith.constant 1 : i32
        %add3A_1060 = arith.addi %scan3A_1019, %add3A_1059 : i32
        %get3A_1061 = arith.constant 1 : i32
        %get3A_1062 = arith.index_cast %get3A_1061 : i32 to index
        %get3A_1063 = arith.index_cast %add3A_1060 : i32 to index
        %get3A_1064 = arith.constant 32 : index
        %get3A_1065 = tpu.vector_load %arg9[%get3A_1062, %get3A_1063, %get3A_1064] {strides = array<i32>} : memref<2x20x2080xbf16, #tpu.memory_space<vmem>>, vector<1x1x32xbf16>,
        %get3A_1066 = vector.shape_cast %get3A_1065 : vector<1x1x32xbf16> to vector<32xbf16>
        %mul3A_1067 = arith.mulf %get3A_1058, %get3A_1066 : vector<32xbf16>
        %add3A_1068 = arith.constant 2 : i32
        %add3A_1069 = arith.addi %scan3A_1019, %add3A_1068 : i32
        %get3A_1070 = arith.constant 1 : i32
        %get3A_1071 = arith.index_cast %get3A_1070 : i32 to index
        %get3A_1072 = arith.index_cast %add3A_1069 : i32 to index
        %get3A_1073 = arith.constant 34 : index
        %get3A_1074 = tpu.vector_load %arg8[%get3A_1071, %get3A_1072, %get3A_1073] {strides = array<i32>} : memref<2x20x2080xbf16, #tpu.memory_space<vmem>>, vector<1x1x32xbf16>,
        %get3A_1075 = vector.shape_cast %get3A_1074 : vector<1x1x32xbf16> to vector<32xbf16>
        %mul3A_1076 = arith.mulf %mul3A_1067, %get3A_1075 : vector<32xbf16>
        %add3A_1077 = arith.addf %scan3A_1021, %mul3A_1076 : vector<32xbf16>
        %get3A_1078 = arith.constant 1 : i32
        %get3A_1079 = arith.index_cast %get3A_1078 : i32 to index
        %get3A_1080 = arith.index_cast %scan3A_1019 : i32 to index
        %get3A_1081 = arith.constant 64 : index
        %get3A_1082 = tpu.vector_load %arg8[%get3A_1079, %get3A_1080, %get3A_1081] {strides = array<i32>} : memref<2x20x2080xbf16, #tpu.memory_space<vmem>>, vector<1x1x32xbf16>,
        %get3A_1083 = vector.shape_cast %get3A_1082 : vector<1x1x32xbf16> to vector<32xbf16>
        %add3A_1084 = arith.constant 1 : i32
        %add3A_1085 = arith.addi %scan3A_1019, %add3A_1084 : i32
        %get3A_1086 = arith.constant 1 : i32
        %get3A_1087 = arith.index_cast %get3A_1086 : i32 to index
        %get3A_1088 = arith.index_cast %add3A_1085 : i32 to index
        %get3A_1089 = arith.constant 64 : index
        %get3A_1090 = tpu.vector_load %arg9[%get3A_1087, %get3A_1088, %get3A_1089] {strides = array<i32>} : memref<2x20x2080xbf16, #tpu.memory_space<vmem>>, vector<1x1x32xbf16>,
        %get3A_1091 = vector.shape_cast %get3A_1090 : vector<1x1x32xbf16> to vector<32xbf16>
        %mul3A_1092 = arith.mulf %get3A_1083, %get3A_1091 : vector<32xbf16>
        %add3A_1093 = arith.constant 2 : i32
        %add3A_1094 = arith.addi %scan3A_1019, %add3A_1093 : i32
        %get3A_1095 = arith.constant 1 : i32
        %get3A_1096 = arith.index_cast %get3A_1095 : i32 to index
        %get3A_1097 = arith.index_cast %add3A_1094 : i32 to index
        %get3A_1098 = arith.constant 66 : index
        %get3A_1099 = tpu.vector_load %arg8[%get3A_1096, %get3A_1097, %get3A_1098] {strides = array<i32>} : memref<2x20x2080xbf16, #tpu.memory_space<vmem>>, vector<1x1x32xbf16>,
        %get3A_1100 = vector.shape_cast %get3A_1099 : vector<1x1x32xbf16> to vector<32xbf16>
        %mul3A_1101 = arith.mulf %mul3A_1092, %get3A_1100 : vector<32xbf16>
        %add3A_1102 = arith.addf %scan3A_1022, %mul3A_1101 : vector<32xbf16>
        %get3A_1103 = arith.constant 1 : i32
        %get3A_1104 = arith.index_cast %get3A_1103 : i32 to index
        %get3A_1105 = arith.index_cast %scan3A_1019 : i32 to index
        %get3A_1106 = arith.constant 96 : index
        %get3A_1107 = tpu.vector_load %arg8[%get3A_1104, %get3A_1105, %get3A_1106] {strides = array<i32>} : memref<2x20x2080xbf16, #tpu.memory_space<vmem>>, vector<1x1x32xbf16>,
        %get3A_1108 = vector.shape_cast %get3A_1107 : vector<1x1x32xbf16> to vector<32xbf16>
        %add3A_1109 = arith.constant 1 : i32
        %add3A_1110 = arith.addi %scan3A_1019, %add3A_1109 : i32
        %get3A_1111 = arith.constant 1 : i32
        %get3A_1112 = arith.index_cast %get3A_1111 : i32 to index
        %get3A_1113 = arith.index_cast %add3A_1110 : i32 to index
        %get3A_1114 = arith.constant 96 : index
        %get3A_1115 = tpu.vector_load %arg9[%get3A_1112, %get3A_1113, %get3A_1114] {strides = array<i32>} : memref<2x20x2080xbf16, #tpu.memory_space<vmem>>, vector<1x1x32xbf16>,
        %get3A_1116 = vector.shape_cast %get3A_1115 : vector<1x1x32xbf16> to vector<32xbf16>
        %mul3A_1117 = arith.mulf %get3A_1108, %get3A_1116 : vector<32xbf16>
        %add3A_1118 = arith.constant 2 : i32
        %add3A_1119 = arith.addi %scan3A_1019, %add3A_1118 : i32
        %get3A_1120 = arith.constant 1 : i32
        %get3A_1121 = arith.index_cast %get3A_1120 : i32 to index
        %get3A_1122 = arith.index_cast %add3A_1119 : i32 to index
        %get3A_1123 = arith.constant 98 : index
        %get3A_1124 = tpu.vector_load %arg8[%get3A_1121, %get3A_1122, %get3A_1123] {strides = array<i32>} : memref<2x20x2080xbf16, #tpu.memory_space<vmem>>, vector<1x1x32xbf16>,
        %get3A_1125 = vector.shape_cast %get3A_1124 : vector<1x1x32xbf16> to vector<32xbf16>
        %mul3A_1126 = arith.mulf %mul3A_1117, %get3A_1125 : vector<32xbf16>
        %add3A_1127 = arith.addf %scan3A_1023, %mul3A_1126 : vector<32xbf16>
        %get3A_1128 = arith.constant 1 : i32
        %get3A_1129 = arith.index_cast %get3A_1128 : i32 to index
        %get3A_1130 = arith.index_cast %scan3A_1019 : i32 to index
        %get3A_1131 = arith.constant 128 : index
        %get3A_1132 = tpu.vector_load %arg8[%get3A_1129, %get3A_1130, %get3A_1131] {strides = array<i32>} : memref<2x20x2080xbf16, #tpu.memory_space<vmem>>, vector<1x1x32xbf16>,
        %get3A_1133 = vector.shape_cast %get3A_1132 : vector<1x1x32xbf16> to vector<32xbf16>
        %add3A_1134 = arith.constant 1 : i32
        %add3A_1135 = arith.addi %scan3A_1019, %add3A_1134 : i32
        %get3A_1136 = arith.constant 1 : i32
        %get3A_1137 = arith.index_cast %get3A_1136 : i32 to index
        %get3A_1138 = arith.index_cast %add3A_1135 : i32 to index
        %get3A_1139 = arith.constant 128 : index
        %get3A_1140 = tpu.vector_load %arg9[%get3A_1137, %get3A_1138, %get3A_1139] {strides = array<i32>} : memref<2x20x2080xbf16, #tpu.memory_space<vmem>>, vector<1x1x32xbf16>,
        %get3A_1141 = vector.shape_cast %get3A_1140 : vector<1x1x32xbf16> to vector<32xbf16>
        %mul3A_1142 = arith.mulf %get3A_1133, %get3A_1141 : vector<32xbf16>
        %add3A_1143 = arith.constant 2 : i32
        %add3A_1144 = arith.addi %scan3A_1019, %add3A_1143 : i32
        %get3A_1145 = arith.constant 1 : i32
        %get3A_1146 = arith.index_cast %get3A_1145 : i32 to index
        %get3A_1147 = arith.index_cast %add3A_1144 : i32 to index
        %get3A_1148 = arith.constant 130 : index
        %get3A_1149 = tpu.vector_load %arg8[%get3A_1146, %get3A_1147, %get3A_1148] {strides = array<i32>} : memref<2x20x2080xbf16, #tpu.memory_space<vmem>>, vector<1x1x32xbf16>,
        %get3A_1150 = vector.shape_cast %get3A_1149 : vector<1x1x32xbf16> to vector<32xbf16>
        %mul3A_1151 = arith.mulf %mul3A_1142, %get3A_1150 : vector<32xbf16>
        %add3A_1152 = arith.addf %scan3A_1024, %mul3A_1151 : vector<32xbf16>
        %get3A_1153 = arith.constant 1 : i32
        %get3A_1154 = arith.index_cast %get3A_1153 : i32 to index
        %get3A_1155 = arith.index_cast %scan3A_1019 : i32 to index
        %get3A_1156 = arith.constant 160 : index
        %get3A_1157 = tpu.vector_load %arg8[%get3A_1154, %get3A_1155, %get3A_1156] {strides = array<i32>} : memref<2x20x2080xbf16, #tpu.memory_space<vmem>>, vector<1x1x32xbf16>,
        %get3A_1158 = vector.shape_cast %get3A_1157 : vector<1x1x32xbf16> to vector<32xbf16>
        %add3A_1159 = arith.constant 1 : i32
        %add3A_1160 = arith.addi %scan3A_1019, %add3A_1159 : i32
        %get3A_1161 = arith.constant 1 : i32
        %get3A_1162 = arith.index_cast %get3A_1161 : i32 to index
        %get3A_1163 = arith.index_cast %add3A_1160 : i32 to index
        %get3A_1164 = arith.constant 160 : index
        %get3A_1165 = tpu.vector_load %arg9[%get3A_1162, %get3A_1163, %get3A_1164] {strides = array<i32>} : memref<2x20x2080xbf16, #tpu.memory_space<vmem>>, vector<1x1x32xbf16>,
        %get3A_1166 = vector.shape_cast %get3A_1165 : vector<1x1x32xbf16> to vector<32xbf16>
        %mul3A_1167 = arith.mulf %get3A_1158, %get3A_1166 : vector<32xbf16>
        %add3A_1168 = arith.constant 2 : i32
        %add3A_1169 = arith.addi %scan3A_1019, %add3A_1168 : i32
        %get3A_1170 = arith.constant 1 : i32
        %get3A_1171 = arith.index_cast %get3A_1170 : i32 to index
        %get3A_1172 = arith.index_cast %add3A_1169 : i32 to index
        %get3A_1173 = arith.constant 162 : index
        %get3A_1174 = tpu.vector_load %arg8[%get3A_1171, %get3A_1172, %get3A_1173] {strides = array<i32>} : memref<2x20x2080xbf16, #tpu.memory_space<vmem>>, vector<1x1x32xbf16>,
        %get3A_1175 = vector.shape_cast %get3A_1174 : vector<1x1x32xbf16> to vector<32xbf16>
        %mul3A_1176 = arith.mulf %mul3A_1167, %get3A_1175 : vector<32xbf16>
        %add3A_1177 = arith.addf %scan3A_1025, %mul3A_1176 : vector<32xbf16>
        %get3A_1178 = arith.constant 1 : i32
        %get3A_1179 = arith.index_cast %get3A_1178 : i32 to index
        %get3A_1180 = arith.index_cast %scan3A_1019 : i32 to index
        %get3A_1181 = arith.constant 192 : index
        %get3A_1182 = tpu.vector_load %arg8[%get3A_1179, %get3A_1180, %get3A_1181] {strides = array<i32>} : memref<2x20x2080xbf16, #tpu.memory_space<vmem>>, vector<1x1x32xbf16>,
        %get3A_1183 = vector.shape_cast %get3A_1182 : vector<1x1x32xbf16> to vector<32xbf16>
        %add3A_1184 = arith.constant 1 : i32
        %add3A_1185 = arith.addi %scan3A_1019, %add3A_1184 : i32
        %get3A_1186 = arith.constant 1 : i32
        %get3A_1187 = arith.index_cast %get3A_1186 : i32 to index
        %get3A_1188 = arith.index_cast %add3A_1185 : i32 to index
        %get3A_1189 = arith.constant 192 : index
        %get3A_1190 = tpu.vector_load %arg9[%get3A_1187, %get3A_1188, %get3A_1189] {strides = array<i32>} : memref<2x20x2080xbf16, #tpu.memory_space<vmem>>, vector<1x1x32xbf16>,
        %get3A_1191 = vector.shape_cast %get3A_1190 : vector<1x1x32xbf16> to vector<32xbf16>
        %mul3A_1192 = arith.mulf %get3A_1183, %get3A_1191 : vector<32xbf16>
        %add3A_1193 = arith.constant 2 : i32
        %add3A_1194 = arith.addi %scan3A_1019, %add3A_1193 : i32
        %get3A_1195 = arith.constant 1 : i32
        %get3A_1196 = arith.index_cast %get3A_1195 : i32 to index
        %get3A_1197 = arith.index_cast %add3A_1194 : i32 to index
        %get3A_1198 = arith.constant 194 : index
        %get3A_1199 = tpu.vector_load %arg8[%get3A_1196, %get3A_1197, %get3A_1198] {strides = array<i32>} : memref<2x20x2080xbf16, #tpu.memory_space<vmem>>, vector<1x1x32xbf16>,
        %get3A_1200 = vector.shape_cast %get3A_1199 : vector<1x1x32xbf16> to vector<32xbf16>
        %mul3A_1201 = arith.mulf %mul3A_1192, %get3A_1200 : vector<32xbf16>
        %add3A_1202 = arith.addf %scan3A_1026, %mul3A_1201 : vector<32xbf16>
        %get3A_1203 = arith.constant 1 : i32
        %get3A_1204 = arith.index_cast %get3A_1203 : i32 to index
        %get3A_1205 = arith.index_cast %scan3A_1019 : i32 to index
        %get3A_1206 = arith.constant 224 : index
        %get3A_1207 = tpu.vector_load %arg8[%get3A_1204, %get3A_1205, %get3A_1206] {strides = array<i32>} : memref<2x20x2080xbf16, #tpu.memory_space<vmem>>, vector<1x1x32xbf16>,
        %get3A_1208 = vector.shape_cast %get3A_1207 : vector<1x1x32xbf16> to vector<32xbf16>
        %add3A_1209 = arith.constant 1 : i32
        %add3A_1210 = arith.addi %scan3A_1019, %add3A_1209 : i32
        %get3A_1211 = arith.constant 1 : i32
        %get3A_1212 = arith.index_cast %get3A_1211 : i32 to index
        %get3A_1213 = arith.index_cast %add3A_1210 : i32 to index
        %get3A_1214 = arith.constant 224 : index
        %get3A_1215 = tpu.vector_load %arg9[%get3A_1212, %get3A_1213, %get3A_1214] {strides = array<i32>} : memref<2x20x2080xbf16, #tpu.memory_space<vmem>>, vector<1x1x32xbf16>,
        %get3A_1216 = vector.shape_cast %get3A_1215 : vector<1x1x32xbf16> to vector<32xbf16>
        %mul3A_1217 = arith.mulf %get3A_1208, %get3A_1216 : vector<32xbf16>
        %add3A_1218 = arith.constant 2 : i32
        %add3A_1219 = arith.addi %scan3A_1019, %add3A_1218 : i32
        %get3A_1220 = arith.constant 1 : i32
        %get3A_1221 = arith.index_cast %get3A_1220 : i32 to index
        %get3A_1222 = arith.index_cast %add3A_1219 : i32 to index
        %get3A_1223 = arith.constant 226 : index
        %get3A_1224 = tpu.vector_load %arg8[%get3A_1221, %get3A_1222, %get3A_1223] {strides = array<i32>} : memref<2x20x2080xbf16, #tpu.memory_space<vmem>>, vector<1x1x32xbf16>,
        %get3A_1225 = vector.shape_cast %get3A_1224 : vector<1x1x32xbf16> to vector<32xbf16>
        %mul3A_1226 = arith.mulf %mul3A_1217, %get3A_1225 : vector<32xbf16>
        %add3A_1227 = arith.addf %scan3A_1027, %mul3A_1226 : vector<32xbf16>
        scf.yield %add3A_1052, %add3A_1077, %add3A_1102, %add3A_1127, %add3A_1152, %add3A_1177, %add3A_1202, %add3A_1227 : vector<32xbf16>, vector<32xbf16>, vector<32xbf16>, vector<32xbf16>, vector<32xbf16>, vector<32xbf16>, vector<32xbf16>, vector<32xbf16>
      }
      %scan3A_637 = arith.constant 18 : i32
      %swap3A_638 = arith.index_cast %add3A_629 : i32 to index
      %swap3A_639 = arith.constant 0 : index
      %swap3A_640 = tpu.vector_load %arg10[%swap3A_638, %swap3A_639] {strides = array<i32>} : memref<8x2048xbf16, #tpu.memory_space<vmem>>, vector<1x32xbf16>,
      %swap3A_641 = vector.shape_cast %swap3A_640 : vector<1x32xbf16> to vector<32xbf16>
      %swap3A_642 = vector.shape_cast %scan3A_636#0 : vector<32xbf16> to vector<1x32xbf16>
      tpu.vector_store %arg10[%swap3A_638, %swap3A_639], %swap3A_642 {strides = array<i32>} : memref<8x2048xbf16, #tpu.memory_space<vmem>>, vector<1x32xbf16>,
      %swap3A_643 = arith.index_cast %add3A_629 : i32 to index
      %swap3A_644 = arith.constant 32 : index
      %swap3A_645 = tpu.vector_load %arg10[%swap3A_643, %swap3A_644] {strides = array<i32>} : memref<8x2048xbf16, #tpu.memory_space<vmem>>, vector<1x32xbf16>,
      %swap3A_646 = vector.shape_cast %swap3A_645 : vector<1x32xbf16> to vector<32xbf16>
      %swap3A_647 = vector.shape_cast %scan3A_636#1 : vector<32xbf16> to vector<1x32xbf16>
      tpu.vector_store %arg10[%swap3A_643, %swap3A_644], %swap3A_647 {strides = array<i32>} : memref<8x2048xbf16, #tpu.memory_space<vmem>>, vector<1x32xbf16>,
      %swap3A_648 = arith.index_cast %add3A_629 : i32 to index
      %swap3A_649 = arith.constant 64 : index
      %swap3A_650 = tpu.vector_load %arg10[%swap3A_648, %swap3A_649] {strides = array<i32>} : memref<8x2048xbf16, #tpu.memory_space<vmem>>, vector<1x32xbf16>,
      %swap3A_651 = vector.shape_cast %swap3A_650 : vector<1x32xbf16> to vector<32xbf16>
      %swap3A_652 = vector.shape_cast %scan3A_636#2 : vector<32xbf16> to vector<1x32xbf16>
      tpu.vector_store %arg10[%swap3A_648, %swap3A_649], %swap3A_652 {strides = array<i32>} : memref<8x2048xbf16, #tpu.memory_space<vmem>>, vector<1x32xbf16>,
      %swap3A_653 = arith.index_cast %add3A_629 : i32 to index
      %swap3A_654 = arith.constant 96 : index
      %swap3A_655 = tpu.vector_load %arg10[%swap3A_653, %swap3A_654] {strides = array<i32>} : memref<8x2048xbf16, #tpu.memory_space<vmem>>, vector<1x32xbf16>,
      %swap3A_656 = vector.shape_cast %swap3A_655 : vector<1x32xbf16> to vector<32xbf16>
      %swap3A_657 = vector.shape_cast %scan3A_636#3 : vector<32xbf16> to vector<1x32xbf16>
      tpu.vector_store %arg10[%swap3A_653, %swap3A_654], %swap3A_657 {strides = array<i32>} : memref<8x2048xbf16, #tpu.memory_space<vmem>>, vector<1x32xbf16>,
      %swap3A_658 = arith.index_cast %add3A_629 : i32 to index
      %swap3A_659 = arith.constant 128 : index
      %swap3A_660 = tpu.vector_load %arg10[%swap3A_658, %swap3A_659] {strides = array<i32>} : memref<8x2048xbf16, #tpu.memory_space<vmem>>, vector<1x32xbf16>,
      %swap3A_661 = vector.shape_cast %swap3A_660 : vector<1x32xbf16> to vector<32xbf16>
      %swap3A_662 = vector.shape_cast %scan3A_636#4 : vector<32xbf16> to vector<1x32xbf16>
      tpu.vector_store %arg10[%swap3A_658, %swap3A_659], %swap3A_662 {strides = array<i32>} : memref<8x2048xbf16, #tpu.memory_space<vmem>>, vector<1x32xbf16>,
      %swap3A_663 = arith.index_cast %add3A_629 : i32 to index
      %swap3A_664 = arith.constant 160 : index
      %swap3A_665 = tpu.vector_load %arg10[%swap3A_663, %swap3A_664] {strides = array<i32>} : memref<8x2048xbf16, #tpu.memory_space<vmem>>, vector<1x32xbf16>,
      %swap3A_666 = vector.shape_cast %swap3A_665 : vector<1x32xbf16> to vector<32xbf16>
      %swap3A_667 = vector.shape_cast %scan3A_636#5 : vector<32xbf16> to vector<1x32xbf16>
      tpu.vector_store %arg10[%swap3A_663, %swap3A_664], %swap3A_667 {strides = array<i32>} : memref<8x2048xbf16, #tpu.memory_space<vmem>>, vector<1x32xbf16>,
      %swap3A_668 = arith.index_cast %add3A_629 : i32 to index
      %swap3A_669 = arith.constant 192 : index
      %swap3A_670 = tpu.vector_load %arg10[%swap3A_668, %swap3A_669] {strides = array<i32>} : memref<8x2048xbf16, #tpu.memory_space<vmem>>, vector<1x32xbf16>,
      %swap3A_671 = vector.shape_cast %swap3A_670 : vector<1x32xbf16> to vector<32xbf16>
      %swap3A_672 = vector.shape_cast %scan3A_636#6 : vector<32xbf16> to vector<1x32xbf16>
      tpu.vector_store %arg10[%swap3A_668, %swap3A_669], %swap3A_672 {strides = array<i32>} : memref<8x2048xbf16, #tpu.memory_space<vmem>>, vector<1x32xbf16>,
      %swap3A_673 = arith.index_cast %add3A_629 : i32 to index
      %swap3A_674 = arith.constant 224 : index
      %swap3A_675 = tpu.vector_load %arg10[%swap3A_673, %swap3A_674] {strides = array<i32>} : memref<8x2048xbf16, #tpu.memory_space<vmem>>, vector<1x32xbf16>,
      %swap3A_676 = vector.shape_cast %swap3A_675 : vector<1x32xbf16> to vector<32xbf16>
      %swap3A_677 = vector.shape_cast %scan3A_636#7 : vector<32xbf16> to vector<1x32xbf16>
      tpu.vector_store %arg10[%swap3A_673, %swap3A_674], %swap3A_677 {strides = array<i32>} : memref<8x2048xbf16, #tpu.memory_space<vmem>>, vector<1x32xbf16>,
      %broadcast_in_dim3A_678 = arith.constant 0.000000e+00 : bf16
      %broadcast_in_dim3A_679 = vector.broadcast %broadcast_in_dim3A_678 : bf16 to vector<32xbf16>
      %scan3A_680 = arith.constant 0 : i32
      %scan3A_681 = arith.constant 18 : i32
      %scan3A_682 = arith.addi %scan3A_680, %scan3A_681 : i32
      %scan3A_683 = arith.constant 1 : i32
      %scan3A_684:8 = scf.for %scan3A_1019 = %scan3A_680 to %scan3A_682 step %scan3A_683 iter_args(%scan3A_1020 = %broadcast_in_dim3A_679, %scan3A_1021 = %broadcast_in_dim3A_679, %scan3A_1022 = %broadcast_in_dim3A_679, %scan3A_1023 = %broadcast_in_dim3A_679, %scan3A_1024 = %broadcast_in_dim3A_679, %scan3A_1025 = %broadcast_in_dim3A_679, %scan3A_1026 = %broadcast_in_dim3A_679, %scan3A_1027 = %broadcast_in_dim3A_679) -> (vector<32xbf16>, vector<32xbf16>, vector<32xbf16>, vector<32xbf16>, vector<32xbf16>, vector<32xbf16>, vector<32xbf16>, vector<32xbf16>)  : i32 {
        %get3A_1028 = arith.constant 1 : i32
        %get3A_1029 = arith.index_cast %get3A_1028 : i32 to index
        %get3A_1030 = arith.index_cast %scan3A_1019 : i32 to index
        %get3A_1031 = arith.constant 256 : index
        %get3A_1032 = tpu.vector_load %arg8[%get3A_1029, %get3A_1030, %get3A_1031] {strides = array<i32>} : memref<2x20x2080xbf16, #tpu.memory_space<vmem>>, vector<1x1x32xbf16>,
        %get3A_1033 = vector.shape_cast %get3A_1032 : vector<1x1x32xbf16> to vector<32xbf16>
        %add3A_1034 = arith.constant 1 : i32
        %add3A_1035 = arith.addi %scan3A_1019, %add3A_1034 : i32
        %get3A_1036 = arith.constant 1 : i32
        %get3A_1037 = arith.index_cast %get3A_1036 : i32 to index
        %get3A_1038 = arith.index_cast %add3A_1035 : i32 to index
        %get3A_1039 = arith.constant 256 : index
        %get3A_1040 = tpu.vector_load %arg9[%get3A_1037, %get3A_1038, %get3A_1039] {strides = array<i32>} : memref<2x20x2080xbf16, #tpu.memory_space<vmem>>, vector<1x1x32xbf16>,
        %get3A_1041 = vector.shape_cast %get3A_1040 : vector<1x1x32xbf16> to vector<32xbf16>
        %mul3A_1042 = arith.mulf %get3A_1033, %get3A_1041 : vector<32xbf16>
        %add3A_1043 = arith.constant 2 : i32
        %add3A_1044 = arith.addi %scan3A_1019, %add3A_1043 : i32
        %get3A_1045 = arith.constant 1 : i32
        %get3A_1046 = arith.index_cast %get3A_1045 : i32 to index
        %get3A_1047 = arith.index_cast %add3A_1044 : i32 to index
        %get3A_1048 = arith.constant 258 : index
        %get3A_1049 = tpu.vector_load %arg8[%get3A_1046, %get3A_1047, %get3A_1048] {strides = array<i32>} : memref<2x20x2080xbf16, #tpu.memory_space<vmem>>, vector<1x1x32xbf16>,
        %get3A_1050 = vector.shape_cast %get3A_1049 : vector<1x1x32xbf16> to vector<32xbf16>
        %mul3A_1051 = arith.mulf %mul3A_1042, %get3A_1050 : vector<32xbf16>
        %add3A_1052 = arith.addf %scan3A_1020, %mul3A_1051 : vector<32xbf16>
        %get3A_1053 = arith.constant 1 : i32
        %get3A_1054 = arith.index_cast %get3A_1053 : i32 to index
        %get3A_1055 = arith.index_cast %scan3A_1019 : i32 to index
        %get3A_1056 = arith.constant 288 : index
        %get3A_1057 = tpu.vector_load %arg8[%get3A_1054, %get3A_1055, %get3A_1056] {strides = array<i32>} : memref<2x20x2080xbf16, #tpu.memory_space<vmem>>, vector<1x1x32xbf16>,
        %get3A_1058 = vector.shape_cast %get3A_1057 : vector<1x1x32xbf16> to vector<32xbf16>
        %add3A_1059 = arith.constant 1 : i32
        %add3A_1060 = arith.addi %scan3A_1019, %add3A_1059 : i32
        %get3A_1061 = arith.constant 1 : i32
        %get3A_1062 = arith.index_cast %get3A_1061 : i32 to index
        %get3A_1063 = arith.index_cast %add3A_1060 : i32 to index
        %get3A_1064 = arith.constant 288 : index
        %get3A_1065 = tpu.vector_load %arg9[%get3A_1062, %get3A_1063, %get3A_1064] {strides = array<i32>} : memref<2x20x2080xbf16, #tpu.memory_space<vmem>>, vector<1x1x32xbf16>,
        %get3A_1066 = vector.shape_cast %get3A_1065 : vector<1x1x32xbf16> to vector<32xbf16>
        %mul3A_1067 = arith.mulf %get3A_1058, %get3A_1066 : vector<32xbf16>
        %add3A_1068 = arith.constant 2 : i32
        %add3A_1069 = arith.addi %scan3A_1019, %add3A_1068 : i32
        %get3A_1070 = arith.constant 1 : i32
        %get3A_1071 = arith.index_cast %get3A_1070 : i32 to index
        %get3A_1072 = arith.index_cast %add3A_1069 : i32 to index
        %get3A_1073 = arith.constant 290 : index
        %get3A_1074 = tpu.vector_load %arg8[%get3A_1071, %get3A_1072, %get3A_1073] {strides = array<i32>} : memref<2x20x2080xbf16, #tpu.memory_space<vmem>>, vector<1x1x32xbf16>,
        %get3A_1075 = vector.shape_cast %get3A_1074 : vector<1x1x32xbf16> to vector<32xbf16>
        %mul3A_1076 = arith.mulf %mul3A_1067, %get3A_1075 : vector<32xbf16>
        %add3A_1077 = arith.addf %scan3A_1021, %mul3A_1076 : vector<32xbf16>
        %get3A_1078 = arith.constant 1 : i32
        %get3A_1079 = arith.index_cast %get3A_1078 : i32 to index
        %get3A_1080 = arith.index_cast %scan3A_1019 : i32 to index
        %get3A_1081 = arith.constant 320 : index
        %get3A_1082 = tpu.vector_load %arg8[%get3A_1079, %get3A_1080, %get3A_1081] {strides = array<i32>} : memref<2x20x2080xbf16, #tpu.memory_space<vmem>>, vector<1x1x32xbf16>,
        %get3A_1083 = vector.shape_cast %get3A_1082 : vector<1x1x32xbf16> to vector<32xbf16>
        %add3A_1084 = arith.constant 1 : i32
        %add3A_1085 = arith.addi %scan3A_1019, %add3A_1084 : i32
        %get3A_1086 = arith.constant 1 : i32
        %get3A_1087 = arith.index_cast %get3A_1086 : i32 to index
        %get3A_1088 = arith.index_cast %add3A_1085 : i32 to index
        %get3A_1089 = arith.constant 320 : index
        %get3A_1090 = tpu.vector_load %arg9[%get3A_1087, %get3A_1088, %get3A_1089] {strides = array<i32>} : memref<2x20x2080xbf16, #tpu.memory_space<vmem>>, vector<1x1x32xbf16>,
        %get3A_1091 = vector.shape_cast %get3A_1090 : vector<1x1x32xbf16> to vector<32xbf16>
        %mul3A_1092 = arith.mulf %get3A_1083, %get3A_1091 : vector<32xbf16>
        %add3A_1093 = arith.constant 2 : i32
        %add3A_1094 = arith.addi %scan3A_1019, %add3A_1093 : i32
        %get3A_1095 = arith.constant 1 : i32
        %get3A_1096 = arith.index_cast %get3A_1095 : i32 to index
        %get3A_1097 = arith.index_cast %add3A_1094 : i32 to index
        %get3A_1098 = arith.constant 322 : index
        %get3A_1099 = tpu.vector_load %arg8[%get3A_1096, %get3A_1097, %get3A_1098] {strides = array<i32>} : memref<2x20x2080xbf16, #tpu.memory_space<vmem>>, vector<1x1x32xbf16>,
        %get3A_1100 = vector.shape_cast %get3A_1099 : vector<1x1x32xbf16> to vector<32xbf16>
        %mul3A_1101 = arith.mulf %mul3A_1092, %get3A_1100 : vector<32xbf16>
        %add3A_1102 = arith.addf %scan3A_1022, %mul3A_1101 : vector<32xbf16>
        %get3A_1103 = arith.constant 1 : i32
        %get3A_1104 = arith.index_cast %get3A_1103 : i32 to index
        %get3A_1105 = arith.index_cast %scan3A_1019 : i32 to index
        %get3A_1106 = arith.constant 352 : index
        %get3A_1107 = tpu.vector_load %arg8[%get3A_1104, %get3A_1105, %get3A_1106] {strides = array<i32>} : memref<2x20x2080xbf16, #tpu.memory_space<vmem>>, vector<1x1x32xbf16>,
        %get3A_1108 = vector.shape_cast %get3A_1107 : vector<1x1x32xbf16> to vector<32xbf16>
        %add3A_1109 = arith.constant 1 : i32
        %add3A_1110 = arith.addi %scan3A_1019, %add3A_1109 : i32
        %get3A_1111 = arith.constant 1 : i32
        %get3A_1112 = arith.index_cast %get3A_1111 : i32 to index
        %get3A_1113 = arith.index_cast %add3A_1110 : i32 to index
        %get3A_1114 = arith.constant 352 : index
        %get3A_1115 = tpu.vector_load %arg9[%get3A_1112, %get3A_1113, %get3A_1114] {strides = array<i32>} : memref<2x20x2080xbf16, #tpu.memory_space<vmem>>, vector<1x1x32xbf16>,
        %get3A_1116 = vector.shape_cast %get3A_1115 : vector<1x1x32xbf16> to vector<32xbf16>
        %mul3A_1117 = arith.mulf %get3A_1108, %get3A_1116 : vector<32xbf16>
        %add3A_1118 = arith.constant 2 : i32
        %add3A_1119 = arith.addi %scan3A_1019, %add3A_1118 : i32
        %get3A_1120 = arith.constant 1 : i32
        %get3A_1121 = arith.index_cast %get3A_1120 : i32 to index
        %get3A_1122 = arith.index_cast %add3A_1119 : i32 to index
        %get3A_1123 = arith.constant 354 : index
        %get3A_1124 = tpu.vector_load %arg8[%get3A_1121, %get3A_1122, %get3A_1123] {strides = array<i32>} : memref<2x20x2080xbf16, #tpu.memory_space<vmem>>, vector<1x1x32xbf16>,
        %get3A_1125 = vector.shape_cast %get3A_1124 : vector<1x1x32xbf16> to vector<32xbf16>
        %mul3A_1126 = arith.mulf %mul3A_1117, %get3A_1125 : vector<32xbf16>
        %add3A_1127 = arith.addf %scan3A_1023, %mul3A_1126 : vector<32xbf16>
        %get3A_1128 = arith.constant 1 : i32
        %get3A_1129 = arith.index_cast %get3A_1128 : i32 to index
        %get3A_1130 = arith.index_cast %scan3A_1019 : i32 to index
        %get3A_1131 = arith.constant 384 : index
        %get3A_1132 = tpu.vector_load %arg8[%get3A_1129, %get3A_1130, %get3A_1131] {strides = array<i32>} : memref<2x20x2080xbf16, #tpu.memory_space<vmem>>, vector<1x1x32xbf16>,
        %get3A_1133 = vector.shape_cast %get3A_1132 : vector<1x1x32xbf16> to vector<32xbf16>
        %add3A_1134 = arith.constant 1 : i32
        %add3A_1135 = arith.addi %scan3A_1019, %add3A_1134 : i32
        %get3A_1136 = arith.constant 1 : i32
        %get3A_1137 = arith.index_cast %get3A_1136 : i32 to index
        %get3A_1138 = arith.index_cast %add3A_1135 : i32 to index
        %get3A_1139 = arith.constant 384 : index
        %get3A_1140 = tpu.vector_load %arg9[%get3A_1137, %get3A_1138, %get3A_1139] {strides = array<i32>} : memref<2x20x2080xbf16, #tpu.memory_space<vmem>>, vector<1x1x32xbf16>,
        %get3A_1141 = vector.shape_cast %get3A_1140 : vector<1x1x32xbf16> to vector<32xbf16>
        %mul3A_1142 = arith.mulf %get3A_1133, %get3A_1141 : vector<32xbf16>
        %add3A_1143 = arith.constant 2 : i32
        %add3A_1144 = arith.addi %scan3A_1019, %add3A_1143 : i32
        %get3A_1145 = arith.constant 1 : i32
        %get3A_1146 = arith.index_cast %get3A_1145 : i32 to index
        %get3A_1147 = arith.index_cast %add3A_1144 : i32 to index
        %get3A_1148 = arith.constant 386 : index
        %get3A_1149 = tpu.vector_load %arg8[%get3A_1146, %get3A_1147, %get3A_1148] {strides = array<i32>} : memref<2x20x2080xbf16, #tpu.memory_space<vmem>>, vector<1x1x32xbf16>,
        %get3A_1150 = vector.shape_cast %get3A_1149 : vector<1x1x32xbf16> to vector<32xbf16>
        %mul3A_1151 = arith.mulf %mul3A_1142, %get3A_1150 : vector<32xbf16>
        %add3A_1152 = arith.addf %scan3A_1024, %mul3A_1151 : vector<32xbf16>
        %get3A_1153 = arith.constant 1 : i32
        %get3A_1154 = arith.index_cast %get3A_1153 : i32 to index
        %get3A_1155 = arith.index_cast %scan3A_1019 : i32 to index
        %get3A_1156 = arith.constant 416 : index
        %get3A_1157 = tpu.vector_load %arg8[%get3A_1154, %get3A_1155, %get3A_1156] {strides = array<i32>} : memref<2x20x2080xbf16, #tpu.memory_space<vmem>>, vector<1x1x32xbf16>,
        %get3A_1158 = vector.shape_cast %get3A_1157 : vector<1x1x32xbf16> to vector<32xbf16>
        %add3A_1159 = arith.constant 1 : i32
        %add3A_1160 = arith.addi %scan3A_1019, %add3A_1159 : i32
        %get3A_1161 = arith.constant 1 : i32
        %get3A_1162 = arith.index_cast %get3A_1161 : i32 to index
        %get3A_1163 = arith.index_cast %add3A_1160 : i32 to index
        %get3A_1164 = arith.constant 416 : index
        %get3A_1165 = tpu.vector_load %arg9[%get3A_1162, %get3A_1163, %get3A_1164] {strides = array<i32>} : memref<2x20x2080xbf16, #tpu.memory_space<vmem>>, vector<1x1x32xbf16>,
        %get3A_1166 = vector.shape_cast %get3A_1165 : vector<1x1x32xbf16> to vector<32xbf16>
        %mul3A_1167 = arith.mulf %get3A_1158, %get3A_1166 : vector<32xbf16>
        %add3A_1168 = arith.constant 2 : i32
        %add3A_1169 = arith.addi %scan3A_1019, %add3A_1168 : i32
        %get3A_1170 = arith.constant 1 : i32
        %get3A_1171 = arith.index_cast %get3A_1170 : i32 to index
        %get3A_1172 = arith.index_cast %add3A_1169 : i32 to index
        %get3A_1173 = arith.constant 418 : index
        %get3A_1174 = tpu.vector_load %arg8[%get3A_1171, %get3A_1172, %get3A_1173] {strides = array<i32>} : memref<2x20x2080xbf16, #tpu.memory_space<vmem>>, vector<1x1x32xbf16>,
        %get3A_1175 = vector.shape_cast %get3A_1174 : vector<1x1x32xbf16> to vector<32xbf16>
        %mul3A_1176 = arith.mulf %mul3A_1167, %get3A_1175 : vector<32xbf16>
        %add3A_1177 = arith.addf %scan3A_1025, %mul3A_1176 : vector<32xbf16>
        %get3A_1178 = arith.constant 1 : i32
        %get3A_1179 = arith.index_cast %get3A_1178 : i32 to index
        %get3A_1180 = arith.index_cast %scan3A_1019 : i32 to index
        %get3A_1181 = arith.constant 448 : index
        %get3A_1182 = tpu.vector_load %arg8[%get3A_1179, %get3A_1180, %get3A_1181] {strides = array<i32>} : memref<2x20x2080xbf16, #tpu.memory_space<vmem>>, vector<1x1x32xbf16>,
        %get3A_1183 = vector.shape_cast %get3A_1182 : vector<1x1x32xbf16> to vector<32xbf16>
        %add3A_1184 = arith.constant 1 : i32
        %add3A_1185 = arith.addi %scan3A_1019, %add3A_1184 : i32
        %get3A_1186 = arith.constant 1 : i32
        %get3A_1187 = arith.index_cast %get3A_1186 : i32 to index
        %get3A_1188 = arith.index_cast %add3A_1185 : i32 to index
        %get3A_1189 = arith.constant 448 : index
        %get3A_1190 = tpu.vector_load %arg9[%get3A_1187, %get3A_1188, %get3A_1189] {strides = array<i32>} : memref<2x20x2080xbf16, #tpu.memory_space<vmem>>, vector<1x1x32xbf16>,
        %get3A_1191 = vector.shape_cast %get3A_1190 : vector<1x1x32xbf16> to vector<32xbf16>
        %mul3A_1192 = arith.mulf %get3A_1183, %get3A_1191 : vector<32xbf16>
        %add3A_1193 = arith.constant 2 : i32
        %add3A_1194 = arith.addi %scan3A_1019, %add3A_1193 : i32
        %get3A_1195 = arith.constant 1 : i32
        %get3A_1196 = arith.index_cast %get3A_1195 : i32 to index
        %get3A_1197 = arith.index_cast %add3A_1194 : i32 to index
        %get3A_1198 = arith.constant 450 : index
        %get3A_1199 = tpu.vector_load %arg8[%get3A_1196, %get3A_1197, %get3A_1198] {strides = array<i32>} : memref<2x20x2080xbf16, #tpu.memory_space<vmem>>, vector<1x1x32xbf16>,
        %get3A_1200 = vector.shape_cast %get3A_1199 : vector<1x1x32xbf16> to vector<32xbf16>
        %mul3A_1201 = arith.mulf %mul3A_1192, %get3A_1200 : vector<32xbf16>
        %add3A_1202 = arith.addf %scan3A_1026, %mul3A_1201 : vector<32xbf16>
        %get3A_1203 = arith.constant 1 : i32
        %get3A_1204 = arith.index_cast %get3A_1203 : i32 to index
        %get3A_1205 = arith.index_cast %scan3A_1019 : i32 to index
        %get3A_1206 = arith.constant 480 : index
        %get3A_1207 = tpu.vector_load %arg8[%get3A_1204, %get3A_1205, %get3A_1206] {strides = array<i32>} : memref<2x20x2080xbf16, #tpu.memory_space<vmem>>, vector<1x1x32xbf16>,
        %get3A_1208 = vector.shape_cast %get3A_1207 : vector<1x1x32xbf16> to vector<32xbf16>
        %add3A_1209 = arith.constant 1 : i32
        %add3A_1210 = arith.addi %scan3A_1019, %add3A_1209 : i32
        %get3A_1211 = arith.constant 1 : i32
        %get3A_1212 = arith.index_cast %get3A_1211 : i32 to index
        %get3A_1213 = arith.index_cast %add3A_1210 : i32 to index
        %get3A_1214 = arith.constant 480 : index
        %get3A_1215 = tpu.vector_load %arg9[%get3A_1212, %get3A_1213, %get3A_1214] {strides = array<i32>} : memref<2x20x2080xbf16, #tpu.memory_space<vmem>>, vector<1x1x32xbf16>,
        %get3A_1216 = vector.shape_cast %get3A_1215 : vector<1x1x32xbf16> to vector<32xbf16>
        %mul3A_1217 = arith.mulf %get3A_1208, %get3A_1216 : vector<32xbf16>
        %add3A_1218 = arith.constant 2 : i32
        %add3A_1219 = arith.addi %scan3A_1019, %add3A_1218 : i32
        %get3A_1220 = arith.constant 1 : i32
        %get3A_1221 = arith.index_cast %get3A_1220 : i32 to index
        %get3A_1222 = arith.index_cast %add3A_1219 : i32 to index
        %get3A_1223 = arith.constant 482 : index
        %get3A_1224 = tpu.vector_load %arg8[%get3A_1221, %get3A_1222, %get3A_1223] {strides = array<i32>} : memref<2x20x2080xbf16, #tpu.memory_space<vmem>>, vector<1x1x32xbf16>,
        %get3A_1225 = vector.shape_cast %get3A_1224 : vector<1x1x32xbf16> to vector<32xbf16>
        %mul3A_1226 = arith.mulf %mul3A_1217, %get3A_1225 : vector<32xbf16>
        %add3A_1227 = arith.addf %scan3A_1027, %mul3A_1226 : vector<32xbf16>
        scf.yield %add3A_1052, %add3A_1077, %add3A_1102, %add3A_1127, %add3A_1152, %add3A_1177, %add3A_1202, %add3A_1227 : vector<32xbf16>, vector<32xbf16>, vector<32xbf16>, vector<32xbf16>, vector<32xbf16>, vector<32xbf16>, vector<32xbf16>, vector<32xbf16>
      }
      %scan3A_685 = arith.constant 18 : i32
      %swap3A_686 = arith.index_cast %add3A_629 : i32 to index
      %swap3A_687 = arith.constant 256 : index
      %swap3A_688 = tpu.vector_load %arg10[%swap3A_686, %swap3A_687] {strides = array<i32>} : memref<8x2048xbf16, #tpu.memory_space<vmem>>, vector<1x32xbf16>,
      %swap3A_689 = vector.shape_cast %swap3A_688 : vector<1x32xbf16> to vector<32xbf16>
      %swap3A_690 = vector.shape_cast %scan3A_684#0 : vector<32xbf16> to vector<1x32xbf16>
      tpu.vector_store %arg10[%swap3A_686, %swap3A_687], %swap3A_690 {strides = array<i32>} : memref<8x2048xbf16, #tpu.memory_space<vmem>>, vector<1x32xbf16>,
      %swap3A_691 = arith.index_cast %add3A_629 : i32 to index
      %swap3A_692 = arith.constant 288 : index
      %swap3A_693 = tpu.vector_load %arg10[%swap3A_691, %swap3A_692] {strides = array<i32>} : memref<8x2048xbf16, #tpu.memory_space<vmem>>, vector<1x32xbf16>,
      %swap3A_694 = vector.shape_cast %swap3A_693 : vector<1x32xbf16> to vector<32xbf16>
      %swap3A_695 = vector.shape_cast %scan3A_684#1 : vector<32xbf16> to vector<1x32xbf16>
      tpu.vector_store %arg10[%swap3A_691, %swap3A_692], %swap3A_695 {strides = array<i32>} : memref<8x2048xbf16, #tpu.memory_space<vmem>>, vector<1x32xbf16>,
      %swap3A_696 = arith.index_cast %add3A_629 : i32 to index
      %swap3A_697 = arith.constant 320 : index
      %swap3A_698 = tpu.vector_load %arg10[%swap3A_696, %swap3A_697] {strides = array<i32>} : memref<8x2048xbf16, #tpu.memory_space<vmem>>, vector<1x32xbf16>,
      %swap3A_699 = vector.shape_cast %swap3A_698 : vector<1x32xbf16> to vector<32xbf16>
      %swap3A_700 = vector.shape_cast %scan3A_684#2 : vector<32xbf16> to vector<1x32xbf16>
      tpu.vector_store %arg10[%swap3A_696, %swap3A_697], %swap3A_700 {strides = array<i32>} : memref<8x2048xbf16, #tpu.memory_space<vmem>>, vector<1x32xbf16>,
      %swap3A_701 = arith.index_cast %add3A_629 : i32 to index
      %swap3A_702 = arith.constant 352 : index
      %swap3A_703 = tpu.vector_load %arg10[%swap3A_701, %swap3A_702] {strides = array<i32>} : memref<8x2048xbf16, #tpu.memory_space<vmem>>, vector<1x32xbf16>,
      %swap3A_704 = vector.shape_cast %swap3A_703 : vector<1x32xbf16> to vector<32xbf16>
      %swap3A_705 = vector.shape_cast %scan3A_684#3 : vector<32xbf16> to vector<1x32xbf16>
      tpu.vector_store %arg10[%swap3A_701, %swap3A_702], %swap3A_705 {strides = array<i32>} : memref<8x2048xbf16, #tpu.memory_space<vmem>>, vector<1x32xbf16>,
      %swap3A_706 = arith.index_cast %add3A_629 : i32 to index
      %swap3A_707 = arith.constant 384 : index
      %swap3A_708 = tpu.vector_load %arg10[%swap3A_706, %swap3A_707] {strides = array<i32>} : memref<8x2048xbf16, #tpu.memory_space<vmem>>, vector<1x32xbf16>,
      %swap3A_709 = vector.shape_cast %swap3A_708 : vector<1x32xbf16> to vector<32xbf16>
      %swap3A_710 = vector.shape_cast %scan3A_684#4 : vector<32xbf16> to vector<1x32xbf16>
      tpu.vector_store %arg10[%swap3A_706, %swap3A_707], %swap3A_710 {strides = array<i32>} : memref<8x2048xbf16, #tpu.memory_space<vmem>>, vector<1x32xbf16>,
      %swap3A_711 = arith.index_cast %add3A_629 : i32 to index
      %swap3A_712 = arith.constant 416 : index
      %swap3A_713 = tpu.vector_load %arg10[%swap3A_711, %swap3A_712] {strides = array<i32>} : memref<8x2048xbf16, #tpu.memory_space<vmem>>, vector<1x32xbf16>,
      %swap3A_714 = vector.shape_cast %swap3A_713 : vector<1x32xbf16> to vector<32xbf16>
      %swap3A_715 = vector.shape_cast %scan3A_684#5 : vector<32xbf16> to vector<1x32xbf16>
      tpu.vector_store %arg10[%swap3A_711, %swap3A_712], %swap3A_715 {strides = array<i32>} : memref<8x2048xbf16, #tpu.memory_space<vmem>>, vector<1x32xbf16>,
      %swap3A_716 = arith.index_cast %add3A_629 : i32 to index
      %swap3A_717 = arith.constant 448 : index
      %swap3A_718 = tpu.vector_load %arg10[%swap3A_716, %swap3A_717] {strides = array<i32>} : memref<8x2048xbf16, #tpu.memory_space<vmem>>, vector<1x32xbf16>,
      %swap3A_719 = vector.shape_cast %swap3A_718 : vector<1x32xbf16> to vector<32xbf16>
      %swap3A_720 = vector.shape_cast %scan3A_684#6 : vector<32xbf16> to vector<1x32xbf16>
      tpu.vector_store %arg10[%swap3A_716, %swap3A_717], %swap3A_720 {strides = array<i32>} : memref<8x2048xbf16, #tpu.memory_space<vmem>>, vector<1x32xbf16>,
      %swap3A_721 = arith.index_cast %add3A_629 : i32 to index
      %swap3A_722 = arith.constant 480 : index
      %swap3A_723 = tpu.vector_load %arg10[%swap3A_721, %swap3A_722] {strides = array<i32>} : memref<8x2048xbf16, #tpu.memory_space<vmem>>, vector<1x32xbf16>,
      %swap3A_724 = vector.shape_cast %swap3A_723 : vector<1x32xbf16> to vector<32xbf16>
      %swap3A_725 = vector.shape_cast %scan3A_684#7 : vector<32xbf16> to vector<1x32xbf16>
      tpu.vector_store %arg10[%swap3A_721, %swap3A_722], %swap3A_725 {strides = array<i32>} : memref<8x2048xbf16, #tpu.memory_space<vmem>>, vector<1x32xbf16>,
      %broadcast_in_dim3A_726 = arith.constant 0.000000e+00 : bf16
      %broadcast_in_dim3A_727 = vector.broadcast %broadcast_in_dim3A_726 : bf16 to vector<32xbf16>
      %scan3A_728 = arith.constant 0 : i32
      %scan3A_729 = arith.constant 18 : i32
      %scan3A_730 = arith.addi %scan3A_728, %scan3A_729 : i32
      %scan3A_731 = arith.constant 1 : i32
      %scan3A_732:8 = scf.for %scan3A_1019 = %scan3A_728 to %scan3A_730 step %scan3A_731 iter_args(%scan3A_1020 = %broadcast_in_dim3A_727, %scan3A_1021 = %broadcast_in_dim3A_727, %scan3A_1022 = %broadcast_in_dim3A_727, %scan3A_1023 = %broadcast_in_dim3A_727, %scan3A_1024 = %broadcast_in_dim3A_727, %scan3A_1025 = %broadcast_in_dim3A_727, %scan3A_1026 = %broadcast_in_dim3A_727, %scan3A_1027 = %broadcast_in_dim3A_727) -> (vector<32xbf16>, vector<32xbf16>, vector<32xbf16>, vector<32xbf16>, vector<32xbf16>, vector<32xbf16>, vector<32xbf16>, vector<32xbf16>)  : i32 {
        %get3A_1028 = arith.constant 1 : i32
        %get3A_1029 = arith.index_cast %get3A_1028 : i32 to index
        %get3A_1030 = arith.index_cast %scan3A_1019 : i32 to index
        %get3A_1031 = arith.constant 512 : index
        %get3A_1032 = tpu.vector_load %arg8[%get3A_1029, %get3A_1030, %get3A_1031] {strides = array<i32>} : memref<2x20x2080xbf16, #tpu.memory_space<vmem>>, vector<1x1x32xbf16>,
        %get3A_1033 = vector.shape_cast %get3A_1032 : vector<1x1x32xbf16> to vector<32xbf16>
        %add3A_1034 = arith.constant 1 : i32
        %add3A_1035 = arith.addi %scan3A_1019, %add3A_1034 : i32
        %get3A_1036 = arith.constant 1 : i32
        %get3A_1037 = arith.index_cast %get3A_1036 : i32 to index
        %get3A_1038 = arith.index_cast %add3A_1035 : i32 to index
        %get3A_1039 = arith.constant 512 : index
        %get3A_1040 = tpu.vector_load %arg9[%get3A_1037, %get3A_1038, %get3A_1039] {strides = array<i32>} : memref<2x20x2080xbf16, #tpu.memory_space<vmem>>, vector<1x1x32xbf16>,
        %get3A_1041 = vector.shape_cast %get3A_1040 : vector<1x1x32xbf16> to vector<32xbf16>
        %mul3A_1042 = arith.mulf %get3A_1033, %get3A_1041 : vector<32xbf16>
        %add3A_1043 = arith.constant 2 : i32
        %add3A_1044 = arith.addi %scan3A_1019, %add3A_1043 : i32
        %get3A_1045 = arith.constant 1 : i32
        %get3A_1046 = arith.index_cast %get3A_1045 : i32 to index
        %get3A_1047 = arith.index_cast %add3A_1044 : i32 to index
        %get3A_1048 = arith.constant 514 : index
        %get3A_1049 = tpu.vector_load %arg8[%get3A_1046, %get3A_1047, %get3A_1048] {strides = array<i32>} : memref<2x20x2080xbf16, #tpu.memory_space<vmem>>, vector<1x1x32xbf16>,
        %get3A_1050 = vector.shape_cast %get3A_1049 : vector<1x1x32xbf16> to vector<32xbf16>
        %mul3A_1051 = arith.mulf %mul3A_1042, %get3A_1050 : vector<32xbf16>
        %add3A_1052 = arith.addf %scan3A_1020, %mul3A_1051 : vector<32xbf16>
        %get3A_1053 = arith.constant 1 : i32
        %get3A_1054 = arith.index_cast %get3A_1053 : i32 to index
        %get3A_1055 = arith.index_cast %scan3A_1019 : i32 to index
        %get3A_1056 = arith.constant 544 : index
        %get3A_1057 = tpu.vector_load %arg8[%get3A_1054, %get3A_1055, %get3A_1056] {strides = array<i32>} : memref<2x20x2080xbf16, #tpu.memory_space<vmem>>, vector<1x1x32xbf16>,
        %get3A_1058 = vector.shape_cast %get3A_1057 : vector<1x1x32xbf16> to vector<32xbf16>
        %add3A_1059 = arith.constant 1 : i32
        %add3A_1060 = arith.addi %scan3A_1019, %add3A_1059 : i32
        %get3A_1061 = arith.constant 1 : i32
        %get3A_1062 = arith.index_cast %get3A_1061 : i32 to index
        %get3A_1063 = arith.index_cast %add3A_1060 : i32 to index
        %get3A_1064 = arith.constant 544 : index
        %get3A_1065 = tpu.vector_load %arg9[%get3A_1062, %get3A_1063, %get3A_1064] {strides = array<i32>} : memref<2x20x2080xbf16, #tpu.memory_space<vmem>>, vector<1x1x32xbf16>,
        %get3A_1066 = vector.shape_cast %get3A_1065 : vector<1x1x32xbf16> to vector<32xbf16>
        %mul3A_1067 = arith.mulf %get3A_1058, %get3A_1066 : vector<32xbf16>
        %add3A_1068 = arith.constant 2 : i32
        %add3A_1069 = arith.addi %scan3A_1019, %add3A_1068 : i32
        %get3A_1070 = arith.constant 1 : i32
        %get3A_1071 = arith.index_cast %get3A_1070 : i32 to index
        %get3A_1072 = arith.index_cast %add3A_1069 : i32 to index
        %get3A_1073 = arith.constant 546 : index
        %get3A_1074 = tpu.vector_load %arg8[%get3A_1071, %get3A_1072, %get3A_1073] {strides = array<i32>} : memref<2x20x2080xbf16, #tpu.memory_space<vmem>>, vector<1x1x32xbf16>,
        %get3A_1075 = vector.shape_cast %get3A_1074 : vector<1x1x32xbf16> to vector<32xbf16>
        %mul3A_1076 = arith.mulf %mul3A_1067, %get3A_1075 : vector<32xbf16>
        %add3A_1077 = arith.addf %scan3A_1021, %mul3A_1076 : vector<32xbf16>
        %get3A_1078 = arith.constant 1 : i32
        %get3A_1079 = arith.index_cast %get3A_1078 : i32 to index
        %get3A_1080 = arith.index_cast %scan3A_1019 : i32 to index
        %get3A_1081 = arith.constant 576 : index
        %get3A_1082 = tpu.vector_load %arg8[%get3A_1079, %get3A_1080, %get3A_1081] {strides = array<i32>} : memref<2x20x2080xbf16, #tpu.memory_space<vmem>>, vector<1x1x32xbf16>,
        %get3A_1083 = vector.shape_cast %get3A_1082 : vector<1x1x32xbf16> to vector<32xbf16>
        %add3A_1084 = arith.constant 1 : i32
        %add3A_1085 = arith.addi %scan3A_1019, %add3A_1084 : i32
        %get3A_1086 = arith.constant 1 : i32
        %get3A_1087 = arith.index_cast %get3A_1086 : i32 to index
        %get3A_1088 = arith.index_cast %add3A_1085 : i32 to index
        %get3A_1089 = arith.constant 576 : index
        %get3A_1090 = tpu.vector_load %arg9[%get3A_1087, %get3A_1088, %get3A_1089] {strides = array<i32>} : memref<2x20x2080xbf16, #tpu.memory_space<vmem>>, vector<1x1x32xbf16>,
        %get3A_1091 = vector.shape_cast %get3A_1090 : vector<1x1x32xbf16> to vector<32xbf16>
        %mul3A_1092 = arith.mulf %get3A_1083, %get3A_1091 : vector<32xbf16>
        %add3A_1093 = arith.constant 2 : i32
        %add3A_1094 = arith.addi %scan3A_1019, %add3A_1093 : i32
        %get3A_1095 = arith.constant 1 : i32
        %get3A_1096 = arith.index_cast %get3A_1095 : i32 to index
        %get3A_1097 = arith.index_cast %add3A_1094 : i32 to index
        %get3A_1098 = arith.constant 578 : index
        %get3A_1099 = tpu.vector_load %arg8[%get3A_1096, %get3A_1097, %get3A_1098] {strides = array<i32>} : memref<2x20x2080xbf16, #tpu.memory_space<vmem>>, vector<1x1x32xbf16>,
        %get3A_1100 = vector.shape_cast %get3A_1099 : vector<1x1x32xbf16> to vector<32xbf16>
        %mul3A_1101 = arith.mulf %mul3A_1092, %get3A_1100 : vector<32xbf16>
        %add3A_1102 = arith.addf %scan3A_1022, %mul3A_1101 : vector<32xbf16>
        %get3A_1103 = arith.constant 1 : i32
        %get3A_1104 = arith.index_cast %get3A_1103 : i32 to index
        %get3A_1105 = arith.index_cast %scan3A_1019 : i32 to index
        %get3A_1106 = arith.constant 608 : index
        %get3A_1107 = tpu.vector_load %arg8[%get3A_1104, %get3A_1105, %get3A_1106] {strides = array<i32>} : memref<2x20x2080xbf16, #tpu.memory_space<vmem>>, vector<1x1x32xbf16>,
        %get3A_1108 = vector.shape_cast %get3A_1107 : vector<1x1x32xbf16> to vector<32xbf16>
        %add3A_1109 = arith.constant 1 : i32
        %add3A_1110 = arith.addi %scan3A_1019, %add3A_1109 : i32
        %get3A_1111 = arith.constant 1 : i32
        %get3A_1112 = arith.index_cast %get3A_1111 : i32 to index
        %get3A_1113 = arith.index_cast %add3A_1110 : i32 to index
        %get3A_1114 = arith.constant 608 : index
        %get3A_1115 = tpu.vector_load %arg9[%get3A_1112, %get3A_1113, %get3A_1114] {strides = array<i32>} : memref<2x20x2080xbf16, #tpu.memory_space<vmem>>, vector<1x1x32xbf16>,
        %get3A_1116 = vector.shape_cast %get3A_1115 : vector<1x1x32xbf16> to vector<32xbf16>
        %mul3A_1117 = arith.mulf %get3A_1108, %get3A_1116 : vector<32xbf16>
        %add3A_1118 = arith.constant 2 : i32
        %add3A_1119 = arith.addi %scan3A_1019, %add3A_1118 : i32
        %get3A_1120 = arith.constant 1 : i32
        %get3A_1121 = arith.index_cast %get3A_1120 : i32 to index
        %get3A_1122 = arith.index_cast %add3A_1119 : i32 to index
        %get3A_1123 = arith.constant 610 : index
        %get3A_1124 = tpu.vector_load %arg8[%get3A_1121, %get3A_1122, %get3A_1123] {strides = array<i32>} : memref<2x20x2080xbf16, #tpu.memory_space<vmem>>, vector<1x1x32xbf16>,
        %get3A_1125 = vector.shape_cast %get3A_1124 : vector<1x1x32xbf16> to vector<32xbf16>
        %mul3A_1126 = arith.mulf %mul3A_1117, %get3A_1125 : vector<32xbf16>
        %add3A_1127 = arith.addf %scan3A_1023, %mul3A_1126 : vector<32xbf16>
        %get3A_1128 = arith.constant 1 : i32
        %get3A_1129 = arith.index_cast %get3A_1128 : i32 to index
        %get3A_1130 = arith.index_cast %scan3A_1019 : i32 to index
        %get3A_1131 = arith.constant 640 : index
        %get3A_1132 = tpu.vector_load %arg8[%get3A_1129, %get3A_1130, %get3A_1131] {strides = array<i32>} : memref<2x20x2080xbf16, #tpu.memory_space<vmem>>, vector<1x1x32xbf16>,
        %get3A_1133 = vector.shape_cast %get3A_1132 : vector<1x1x32xbf16> to vector<32xbf16>
        %add3A_1134 = arith.constant 1 : i32
        %add3A_1135 = arith.addi %scan3A_1019, %add3A_1134 : i32
        %get3A_1136 = arith.constant 1 : i32
        %get3A_1137 = arith.index_cast %get3A_1136 : i32 to index
        %get3A_1138 = arith.index_cast %add3A_1135 : i32 to index
        %get3A_1139 = arith.constant 640 : index
        %get3A_1140 = tpu.vector_load %arg9[%get3A_1137, %get3A_1138, %get3A_1139] {strides = array<i32>} : memref<2x20x2080xbf16, #tpu.memory_space<vmem>>, vector<1x1x32xbf16>,
        %get3A_1141 = vector.shape_cast %get3A_1140 : vector<1x1x32xbf16> to vector<32xbf16>
        %mul3A_1142 = arith.mulf %get3A_1133, %get3A_1141 : vector<32xbf16>
        %add3A_1143 = arith.constant 2 : i32
        %add3A_1144 = arith.addi %scan3A_1019, %add3A_1143 : i32
        %get3A_1145 = arith.constant 1 : i32
        %get3A_1146 = arith.index_cast %get3A_1145 : i32 to index
        %get3A_1147 = arith.index_cast %add3A_1144 : i32 to index
        %get3A_1148 = arith.constant 642 : index
        %get3A_1149 = tpu.vector_load %arg8[%get3A_1146, %get3A_1147, %get3A_1148] {strides = array<i32>} : memref<2x20x2080xbf16, #tpu.memory_space<vmem>>, vector<1x1x32xbf16>,
        %get3A_1150 = vector.shape_cast %get3A_1149 : vector<1x1x32xbf16> to vector<32xbf16>
        %mul3A_1151 = arith.mulf %mul3A_1142, %get3A_1150 : vector<32xbf16>
        %add3A_1152 = arith.addf %scan3A_1024, %mul3A_1151 : vector<32xbf16>
        %get3A_1153 = arith.constant 1 : i32
        %get3A_1154 = arith.index_cast %get3A_1153 : i32 to index
        %get3A_1155 = arith.index_cast %scan3A_1019 : i32 to index
        %get3A_1156 = arith.constant 672 : index
        %get3A_1157 = tpu.vector_load %arg8[%get3A_1154, %get3A_1155, %get3A_1156] {strides = array<i32>} : memref<2x20x2080xbf16, #tpu.memory_space<vmem>>, vector<1x1x32xbf16>,
        %get3A_1158 = vector.shape_cast %get3A_1157 : vector<1x1x32xbf16> to vector<32xbf16>
        %add3A_1159 = arith.constant 1 : i32
        %add3A_1160 = arith.addi %scan3A_1019, %add3A_1159 : i32
        %get3A_1161 = arith.constant 1 : i32
        %get3A_1162 = arith.index_cast %get3A_1161 : i32 to index
        %get3A_1163 = arith.index_cast %add3A_1160 : i32 to index
        %get3A_1164 = arith.constant 672 : index
        %get3A_1165 = tpu.vector_load %arg9[%get3A_1162, %get3A_1163, %get3A_1164] {strides = array<i32>} : memref<2x20x2080xbf16, #tpu.memory_space<vmem>>, vector<1x1x32xbf16>,
        %get3A_1166 = vector.shape_cast %get3A_1165 : vector<1x1x32xbf16> to vector<32xbf16>
        %mul3A_1167 = arith.mulf %get3A_1158, %get3A_1166 : vector<32xbf16>
        %add3A_1168 = arith.constant 2 : i32
        %add3A_1169 = arith.addi %scan3A_1019, %add3A_1168 : i32
        %get3A_1170 = arith.constant 1 : i32
        %get3A_1171 = arith.index_cast %get3A_1170 : i32 to index
        %get3A_1172 = arith.index_cast %add3A_1169 : i32 to index
        %get3A_1173 = arith.constant 674 : index
        %get3A_1174 = tpu.vector_load %arg8[%get3A_1171, %get3A_1172, %get3A_1173] {strides = array<i32>} : memref<2x20x2080xbf16, #tpu.memory_space<vmem>>, vector<1x1x32xbf16>,
        %get3A_1175 = vector.shape_cast %get3A_1174 : vector<1x1x32xbf16> to vector<32xbf16>
        %mul3A_1176 = arith.mulf %mul3A_1167, %get3A_1175 : vector<32xbf16>
        %add3A_1177 = arith.addf %scan3A_1025, %mul3A_1176 : vector<32xbf16>
        %get3A_1178 = arith.constant 1 : i32
        %get3A_1179 = arith.index_cast %get3A_1178 : i32 to index
        %get3A_1180 = arith.index_cast %scan3A_1019 : i32 to index
        %get3A_1181 = arith.constant 704 : index
        %get3A_1182 = tpu.vector_load %arg8[%get3A_1179, %get3A_1180, %get3A_1181] {strides = array<i32>} : memref<2x20x2080xbf16, #tpu.memory_space<vmem>>, vector<1x1x32xbf16>,
        %get3A_1183 = vector.shape_cast %get3A_1182 : vector<1x1x32xbf16> to vector<32xbf16>
        %add3A_1184 = arith.constant 1 : i32
        %add3A_1185 = arith.addi %scan3A_1019, %add3A_1184 : i32
        %get3A_1186 = arith.constant 1 : i32
        %get3A_1187 = arith.index_cast %get3A_1186 : i32 to index
        %get3A_1188 = arith.index_cast %add3A_1185 : i32 to index
        %get3A_1189 = arith.constant 704 : index
        %get3A_1190 = tpu.vector_load %arg9[%get3A_1187, %get3A_1188, %get3A_1189] {strides = array<i32>} : memref<2x20x2080xbf16, #tpu.memory_space<vmem>>, vector<1x1x32xbf16>,
        %get3A_1191 = vector.shape_cast %get3A_1190 : vector<1x1x32xbf16> to vector<32xbf16>
        %mul3A_1192 = arith.mulf %get3A_1183, %get3A_1191 : vector<32xbf16>
        %add3A_1193 = arith.constant 2 : i32
        %add3A_1194 = arith.addi %scan3A_1019, %add3A_1193 : i32
        %get3A_1195 = arith.constant 1 : i32
        %get3A_1196 = arith.index_cast %get3A_1195 : i32 to index
        %get3A_1197 = arith.index_cast %add3A_1194 : i32 to index
        %get3A_1198 = arith.constant 706 : index
        %get3A_1199 = tpu.vector_load %arg8[%get3A_1196, %get3A_1197, %get3A_1198] {strides = array<i32>} : memref<2x20x2080xbf16, #tpu.memory_space<vmem>>, vector<1x1x32xbf16>,
        %get3A_1200 = vector.shape_cast %get3A_1199 : vector<1x1x32xbf16> to vector<32xbf16>
        %mul3A_1201 = arith.mulf %mul3A_1192, %get3A_1200 : vector<32xbf16>
        %add3A_1202 = arith.addf %scan3A_1026, %mul3A_1201 : vector<32xbf16>
        %get3A_1203 = arith.constant 1 : i32
        %get3A_1204 = arith.index_cast %get3A_1203 : i32 to index
        %get3A_1205 = arith.index_cast %scan3A_1019 : i32 to index
        %get3A_1206 = arith.constant 736 : index
        %get3A_1207 = tpu.vector_load %arg8[%get3A_1204, %get3A_1205, %get3A_1206] {strides = array<i32>} : memref<2x20x2080xbf16, #tpu.memory_space<vmem>>, vector<1x1x32xbf16>,
        %get3A_1208 = vector.shape_cast %get3A_1207 : vector<1x1x32xbf16> to vector<32xbf16>
        %add3A_1209 = arith.constant 1 : i32
        %add3A_1210 = arith.addi %scan3A_1019, %add3A_1209 : i32
        %get3A_1211 = arith.constant 1 : i32
        %get3A_1212 = arith.index_cast %get3A_1211 : i32 to index
        %get3A_1213 = arith.index_cast %add3A_1210 : i32 to index
        %get3A_1214 = arith.constant 736 : index
        %get3A_1215 = tpu.vector_load %arg9[%get3A_1212, %get3A_1213, %get3A_1214] {strides = array<i32>} : memref<2x20x2080xbf16, #tpu.memory_space<vmem>>, vector<1x1x32xbf16>,
        %get3A_1216 = vector.shape_cast %get3A_1215 : vector<1x1x32xbf16> to vector<32xbf16>
        %mul3A_1217 = arith.mulf %get3A_1208, %get3A_1216 : vector<32xbf16>
        %add3A_1218 = arith.constant 2 : i32
        %add3A_1219 = arith.addi %scan3A_1019, %add3A_1218 : i32
        %get3A_1220 = arith.constant 1 : i32
        %get3A_1221 = arith.index_cast %get3A_1220 : i32 to index
        %get3A_1222 = arith.index_cast %add3A_1219 : i32 to index
        %get3A_1223 = arith.constant 738 : index
        %get3A_1224 = tpu.vector_load %arg8[%get3A_1221, %get3A_1222, %get3A_1223] {strides = array<i32>} : memref<2x20x2080xbf16, #tpu.memory_space<vmem>>, vector<1x1x32xbf16>,
        %get3A_1225 = vector.shape_cast %get3A_1224 : vector<1x1x32xbf16> to vector<32xbf16>
        %mul3A_1226 = arith.mulf %mul3A_1217, %get3A_1225 : vector<32xbf16>
        %add3A_1227 = arith.addf %scan3A_1027, %mul3A_1226 : vector<32xbf16>
        scf.yield %add3A_1052, %add3A_1077, %add3A_1102, %add3A_1127, %add3A_1152, %add3A_1177, %add3A_1202, %add3A_1227 : vector<32xbf16>, vector<32xbf16>, vector<32xbf16>, vector<32xbf16>, vector<32xbf16>, vector<32xbf16>, vector<32xbf16>, vector<32xbf16>
      }
      %scan3A_733 = arith.constant 18 : i32
      %swap3A_734 = arith.index_cast %add3A_629 : i32 to index
      %swap3A_735 = arith.constant 512 : index
      %swap3A_736 = tpu.vector_load %arg10[%swap3A_734, %swap3A_735] {strides = array<i32>} : memref<8x2048xbf16, #tpu.memory_space<vmem>>, vector<1x32xbf16>,
      %swap3A_737 = vector.shape_cast %swap3A_736 : vector<1x32xbf16> to vector<32xbf16>
      %swap3A_738 = vector.shape_cast %scan3A_732#0 : vector<32xbf16> to vector<1x32xbf16>
      tpu.vector_store %arg10[%swap3A_734, %swap3A_735], %swap3A_738 {strides = array<i32>} : memref<8x2048xbf16, #tpu.memory_space<vmem>>, vector<1x32xbf16>,
      %swap3A_739 = arith.index_cast %add3A_629 : i32 to index
      %swap3A_740 = arith.constant 544 : index
      %swap3A_741 = tpu.vector_load %arg10[%swap3A_739, %swap3A_740] {strides = array<i32>} : memref<8x2048xbf16, #tpu.memory_space<vmem>>, vector<1x32xbf16>,
      %swap3A_742 = vector.shape_cast %swap3A_741 : vector<1x32xbf16> to vector<32xbf16>
      %swap3A_743 = vector.shape_cast %scan3A_732#1 : vector<32xbf16> to vector<1x32xbf16>
      tpu.vector_store %arg10[%swap3A_739, %swap3A_740], %swap3A_743 {strides = array<i32>} : memref<8x2048xbf16, #tpu.memory_space<vmem>>, vector<1x32xbf16>,
      %swap3A_744 = arith.index_cast %add3A_629 : i32 to index
      %swap3A_745 = arith.constant 576 : index
      %swap3A_746 = tpu.vector_load %arg10[%swap3A_744, %swap3A_745] {strides = array<i32>} : memref<8x2048xbf16, #tpu.memory_space<vmem>>, vector<1x32xbf16>,
      %swap3A_747 = vector.shape_cast %swap3A_746 : vector<1x32xbf16> to vector<32xbf16>
      %swap3A_748 = vector.shape_cast %scan3A_732#2 : vector<32xbf16> to vector<1x32xbf16>
      tpu.vector_store %arg10[%swap3A_744, %swap3A_745], %swap3A_748 {strides = array<i32>} : memref<8x2048xbf16, #tpu.memory_space<vmem>>, vector<1x32xbf16>,
      %swap3A_749 = arith.index_cast %add3A_629 : i32 to index
      %swap3A_750 = arith.constant 608 : index
      %swap3A_751 = tpu.vector_load %arg10[%swap3A_749, %swap3A_750] {strides = array<i32>} : memref<8x2048xbf16, #tpu.memory_space<vmem>>, vector<1x32xbf16>,
      %swap3A_752 = vector.shape_cast %swap3A_751 : vector<1x32xbf16> to vector<32xbf16>
      %swap3A_753 = vector.shape_cast %scan3A_732#3 : vector<32xbf16> to vector<1x32xbf16>
      tpu.vector_store %arg10[%swap3A_749, %swap3A_750], %swap3A_753 {strides = array<i32>} : memref<8x2048xbf16, #tpu.memory_space<vmem>>, vector<1x32xbf16>,
      %swap3A_754 = arith.index_cast %add3A_629 : i32 to index
      %swap3A_755 = arith.constant 640 : index
      %swap3A_756 = tpu.vector_load %arg10[%swap3A_754, %swap3A_755] {strides = array<i32>} : memref<8x2048xbf16, #tpu.memory_space<vmem>>, vector<1x32xbf16>,
      %swap3A_757 = vector.shape_cast %swap3A_756 : vector<1x32xbf16> to vector<32xbf16>
      %swap3A_758 = vector.shape_cast %scan3A_732#4 : vector<32xbf16> to vector<1x32xbf16>
      tpu.vector_store %arg10[%swap3A_754, %swap3A_755], %swap3A_758 {strides = array<i32>} : memref<8x2048xbf16, #tpu.memory_space<vmem>>, vector<1x32xbf16>,
      %swap3A_759 = arith.index_cast %add3A_629 : i32 to index
      %swap3A_760 = arith.constant 672 : index
      %swap3A_761 = tpu.vector_load %arg10[%swap3A_759, %swap3A_760] {strides = array<i32>} : memref<8x2048xbf16, #tpu.memory_space<vmem>>, vector<1x32xbf16>,
      %swap3A_762 = vector.shape_cast %swap3A_761 : vector<1x32xbf16> to vector<32xbf16>
      %swap3A_763 = vector.shape_cast %scan3A_732#5 : vector<32xbf16> to vector<1x32xbf16>
      tpu.vector_store %arg10[%swap3A_759, %swap3A_760], %swap3A_763 {strides = array<i32>} : memref<8x2048xbf16, #tpu.memory_space<vmem>>, vector<1x32xbf16>,
      %swap3A_764 = arith.index_cast %add3A_629 : i32 to index
      %swap3A_765 = arith.constant 704 : index
      %swap3A_766 = tpu.vector_load %arg10[%swap3A_764, %swap3A_765] {strides = array<i32>} : memref<8x2048xbf16, #tpu.memory_space<vmem>>, vector<1x32xbf16>,
      %swap3A_767 = vector.shape_cast %swap3A_766 : vector<1x32xbf16> to vector<32xbf16>
      %swap3A_768 = vector.shape_cast %scan3A_732#6 : vector<32xbf16> to vector<1x32xbf16>
      tpu.vector_store %arg10[%swap3A_764, %swap3A_765], %swap3A_768 {strides = array<i32>} : memref<8x2048xbf16, #tpu.memory_space<vmem>>, vector<1x32xbf16>,
      %swap3A_769 = arith.index_cast %add3A_629 : i32 to index
      %swap3A_770 = arith.constant 736 : index
      %swap3A_771 = tpu.vector_load %arg10[%swap3A_769, %swap3A_770] {strides = array<i32>} : memref<8x2048xbf16, #tpu.memory_space<vmem>>, vector<1x32xbf16>,
      %swap3A_772 = vector.shape_cast %swap3A_771 : vector<1x32xbf16> to vector<32xbf16>
      %swap3A_773 = vector.shape_cast %scan3A_732#7 : vector<32xbf16> to vector<1x32xbf16>
      tpu.vector_store %arg10[%swap3A_769, %swap3A_770], %swap3A_773 {strides = array<i32>} : memref<8x2048xbf16, #tpu.memory_space<vmem>>, vector<1x32xbf16>,
      %broadcast_in_dim3A_774 = arith.constant 0.000000e+00 : bf16
      %broadcast_in_dim3A_775 = vector.broadcast %broadcast_in_dim3A_774 : bf16 to vector<32xbf16>
      %scan3A_776 = arith.constant 0 : i32
      %scan3A_777 = arith.constant 18 : i32
      %scan3A_778 = arith.addi %scan3A_776, %scan3A_777 : i32
      %scan3A_779 = arith.constant 1 : i32
      %scan3A_780:8 = scf.for %scan3A_1019 = %scan3A_776 to %scan3A_778 step %scan3A_779 iter_args(%scan3A_1020 = %broadcast_in_dim3A_775, %scan3A_1021 = %broadcast_in_dim3A_775, %scan3A_1022 = %broadcast_in_dim3A_775, %scan3A_1023 = %broadcast_in_dim3A_775, %scan3A_1024 = %broadcast_in_dim3A_775, %scan3A_1025 = %broadcast_in_dim3A_775, %scan3A_1026 = %broadcast_in_dim3A_775, %scan3A_1027 = %broadcast_in_dim3A_775) -> (vector<32xbf16>, vector<32xbf16>, vector<32xbf16>, vector<32xbf16>, vector<32xbf16>, vector<32xbf16>, vector<32xbf16>, vector<32xbf16>)  : i32 {
        %get3A_1028 = arith.constant 1 : i32
        %get3A_1029 = arith.index_cast %get3A_1028 : i32 to index
        %get3A_1030 = arith.index_cast %scan3A_1019 : i32 to index
        %get3A_1031 = arith.constant 768 : index
        %get3A_1032 = tpu.vector_load %arg8[%get3A_1029, %get3A_1030, %get3A_1031] {strides = array<i32>} : memref<2x20x2080xbf16, #tpu.memory_space<vmem>>, vector<1x1x32xbf16>,
        %get3A_1033 = vector.shape_cast %get3A_1032 : vector<1x1x32xbf16> to vector<32xbf16>
        %add3A_1034 = arith.constant 1 : i32
        %add3A_1035 = arith.addi %scan3A_1019, %add3A_1034 : i32
        %get3A_1036 = arith.constant 1 : i32
        %get3A_1037 = arith.index_cast %get3A_1036 : i32 to index
        %get3A_1038 = arith.index_cast %add3A_1035 : i32 to index
        %get3A_1039 = arith.constant 768 : index
        %get3A_1040 = tpu.vector_load %arg9[%get3A_1037, %get3A_1038, %get3A_1039] {strides = array<i32>} : memref<2x20x2080xbf16, #tpu.memory_space<vmem>>, vector<1x1x32xbf16>,
        %get3A_1041 = vector.shape_cast %get3A_1040 : vector<1x1x32xbf16> to vector<32xbf16>
        %mul3A_1042 = arith.mulf %get3A_1033, %get3A_1041 : vector<32xbf16>
        %add3A_1043 = arith.constant 2 : i32
        %add3A_1044 = arith.addi %scan3A_1019, %add3A_1043 : i32
        %get3A_1045 = arith.constant 1 : i32
        %get3A_1046 = arith.index_cast %get3A_1045 : i32 to index
        %get3A_1047 = arith.index_cast %add3A_1044 : i32 to index
        %get3A_1048 = arith.constant 770 : index
        %get3A_1049 = tpu.vector_load %arg8[%get3A_1046, %get3A_1047, %get3A_1048] {strides = array<i32>} : memref<2x20x2080xbf16, #tpu.memory_space<vmem>>, vector<1x1x32xbf16>,
        %get3A_1050 = vector.shape_cast %get3A_1049 : vector<1x1x32xbf16> to vector<32xbf16>
        %mul3A_1051 = arith.mulf %mul3A_1042, %get3A_1050 : vector<32xbf16>
        %add3A_1052 = arith.addf %scan3A_1020, %mul3A_1051 : vector<32xbf16>
        %get3A_1053 = arith.constant 1 : i32
        %get3A_1054 = arith.index_cast %get3A_1053 : i32 to index
        %get3A_1055 = arith.index_cast %scan3A_1019 : i32 to index
        %get3A_1056 = arith.constant 800 : index
        %get3A_1057 = tpu.vector_load %arg8[%get3A_1054, %get3A_1055, %get3A_1056] {strides = array<i32>} : memref<2x20x2080xbf16, #tpu.memory_space<vmem>>, vector<1x1x32xbf16>,
        %get3A_1058 = vector.shape_cast %get3A_1057 : vector<1x1x32xbf16> to vector<32xbf16>
        %add3A_1059 = arith.constant 1 : i32
        %add3A_1060 = arith.addi %scan3A_1019, %add3A_1059 : i32
        %get3A_1061 = arith.constant 1 : i32
        %get3A_1062 = arith.index_cast %get3A_1061 : i32 to index
        %get3A_1063 = arith.index_cast %add3A_1060 : i32 to index
        %get3A_1064 = arith.constant 800 : index
        %get3A_1065 = tpu.vector_load %arg9[%get3A_1062, %get3A_1063, %get3A_1064] {strides = array<i32>} : memref<2x20x2080xbf16, #tpu.memory_space<vmem>>, vector<1x1x32xbf16>,
        %get3A_1066 = vector.shape_cast %get3A_1065 : vector<1x1x32xbf16> to vector<32xbf16>
        %mul3A_1067 = arith.mulf %get3A_1058, %get3A_1066 : vector<32xbf16>
        %add3A_1068 = arith.constant 2 : i32
        %add3A_1069 = arith.addi %scan3A_1019, %add3A_1068 : i32
        %get3A_1070 = arith.constant 1 : i32
        %get3A_1071 = arith.index_cast %get3A_1070 : i32 to index
        %get3A_1072 = arith.index_cast %add3A_1069 : i32 to index
        %get3A_1073 = arith.constant 802 : index
        %get3A_1074 = tpu.vector_load %arg8[%get3A_1071, %get3A_1072, %get3A_1073] {strides = array<i32>} : memref<2x20x2080xbf16, #tpu.memory_space<vmem>>, vector<1x1x32xbf16>,
        %get3A_1075 = vector.shape_cast %get3A_1074 : vector<1x1x32xbf16> to vector<32xbf16>
        %mul3A_1076 = arith.mulf %mul3A_1067, %get3A_1075 : vector<32xbf16>
        %add3A_1077 = arith.addf %scan3A_1021, %mul3A_1076 : vector<32xbf16>
        %get3A_1078 = arith.constant 1 : i32
        %get3A_1079 = arith.index_cast %get3A_1078 : i32 to index
        %get3A_1080 = arith.index_cast %scan3A_1019 : i32 to index
        %get3A_1081 = arith.constant 832 : index
        %get3A_1082 = tpu.vector_load %arg8[%get3A_1079, %get3A_1080, %get3A_1081] {strides = array<i32>} : memref<2x20x2080xbf16, #tpu.memory_space<vmem>>, vector<1x1x32xbf16>,
        %get3A_1083 = vector.shape_cast %get3A_1082 : vector<1x1x32xbf16> to vector<32xbf16>
        %add3A_1084 = arith.constant 1 : i32
        %add3A_1085 = arith.addi %scan3A_1019, %add3A_1084 : i32
        %get3A_1086 = arith.constant 1 : i32
        %get3A_1087 = arith.index_cast %get3A_1086 : i32 to index
        %get3A_1088 = arith.index_cast %add3A_1085 : i32 to index
        %get3A_1089 = arith.constant 832 : index
        %get3A_1090 = tpu.vector_load %arg9[%get3A_1087, %get3A_1088, %get3A_1089] {strides = array<i32>} : memref<2x20x2080xbf16, #tpu.memory_space<vmem>>, vector<1x1x32xbf16>,
        %get3A_1091 = vector.shape_cast %get3A_1090 : vector<1x1x32xbf16> to vector<32xbf16>
        %mul3A_1092 = arith.mulf %get3A_1083, %get3A_1091 : vector<32xbf16>
        %add3A_1093 = arith.constant 2 : i32
        %add3A_1094 = arith.addi %scan3A_1019, %add3A_1093 : i32
        %get3A_1095 = arith.constant 1 : i32
        %get3A_1096 = arith.index_cast %get3A_1095 : i32 to index
        %get3A_1097 = arith.index_cast %add3A_1094 : i32 to index
        %get3A_1098 = arith.constant 834 : index
        %get3A_1099 = tpu.vector_load %arg8[%get3A_1096, %get3A_1097, %get3A_1098] {strides = array<i32>} : memref<2x20x2080xbf16, #tpu.memory_space<vmem>>, vector<1x1x32xbf16>,
        %get3A_1100 = vector.shape_cast %get3A_1099 : vector<1x1x32xbf16> to vector<32xbf16>
        %mul3A_1101 = arith.mulf %mul3A_1092, %get3A_1100 : vector<32xbf16>
        %add3A_1102 = arith.addf %scan3A_1022, %mul3A_1101 : vector<32xbf16>
        %get3A_1103 = arith.constant 1 : i32
        %get3A_1104 = arith.index_cast %get3A_1103 : i32 to index
        %get3A_1105 = arith.index_cast %scan3A_1019 : i32 to index
        %get3A_1106 = arith.constant 864 : index
        %get3A_1107 = tpu.vector_load %arg8[%get3A_1104, %get3A_1105, %get3A_1106] {strides = array<i32>} : memref<2x20x2080xbf16, #tpu.memory_space<vmem>>, vector<1x1x32xbf16>,
        %get3A_1108 = vector.shape_cast %get3A_1107 : vector<1x1x32xbf16> to vector<32xbf16>
        %add3A_1109 = arith.constant 1 : i32
        %add3A_1110 = arith.addi %scan3A_1019, %add3A_1109 : i32
        %get3A_1111 = arith.constant 1 : i32
        %get3A_1112 = arith.index_cast %get3A_1111 : i32 to index
        %get3A_1113 = arith.index_cast %add3A_1110 : i32 to index
        %get3A_1114 = arith.constant 864 : index
        %get3A_1115 = tpu.vector_load %arg9[%get3A_1112, %get3A_1113, %get3A_1114] {strides = array<i32>} : memref<2x20x2080xbf16, #tpu.memory_space<vmem>>, vector<1x1x32xbf16>,
        %get3A_1116 = vector.shape_cast %get3A_1115 : vector<1x1x32xbf16> to vector<32xbf16>
        %mul3A_1117 = arith.mulf %get3A_1108, %get3A_1116 : vector<32xbf16>
        %add3A_1118 = arith.constant 2 : i32
        %add3A_1119 = arith.addi %scan3A_1019, %add3A_1118 : i32
        %get3A_1120 = arith.constant 1 : i32
        %get3A_1121 = arith.index_cast %get3A_1120 : i32 to index
        %get3A_1122 = arith.index_cast %add3A_1119 : i32 to index
        %get3A_1123 = arith.constant 866 : index
        %get3A_1124 = tpu.vector_load %arg8[%get3A_1121, %get3A_1122, %get3A_1123] {strides = array<i32>} : memref<2x20x2080xbf16, #tpu.memory_space<vmem>>, vector<1x1x32xbf16>,
        %get3A_1125 = vector.shape_cast %get3A_1124 : vector<1x1x32xbf16> to vector<32xbf16>
        %mul3A_1126 = arith.mulf %mul3A_1117, %get3A_1125 : vector<32xbf16>
        %add3A_1127 = arith.addf %scan3A_1023, %mul3A_1126 : vector<32xbf16>
        %get3A_1128 = arith.constant 1 : i32
        %get3A_1129 = arith.index_cast %get3A_1128 : i32 to index
        %get3A_1130 = arith.index_cast %scan3A_1019 : i32 to index
        %get3A_1131 = arith.constant 896 : index
        %get3A_1132 = tpu.vector_load %arg8[%get3A_1129, %get3A_1130, %get3A_1131] {strides = array<i32>} : memref<2x20x2080xbf16, #tpu.memory_space<vmem>>, vector<1x1x32xbf16>,
        %get3A_1133 = vector.shape_cast %get3A_1132 : vector<1x1x32xbf16> to vector<32xbf16>
        %add3A_1134 = arith.constant 1 : i32
        %add3A_1135 = arith.addi %scan3A_1019, %add3A_1134 : i32
        %get3A_1136 = arith.constant 1 : i32
        %get3A_1137 = arith.index_cast %get3A_1136 : i32 to index
        %get3A_1138 = arith.index_cast %add3A_1135 : i32 to index
        %get3A_1139 = arith.constant 896 : index
        %get3A_1140 = tpu.vector_load %arg9[%get3A_1137, %get3A_1138, %get3A_1139] {strides = array<i32>} : memref<2x20x2080xbf16, #tpu.memory_space<vmem>>, vector<1x1x32xbf16>,
        %get3A_1141 = vector.shape_cast %get3A_1140 : vector<1x1x32xbf16> to vector<32xbf16>
        %mul3A_1142 = arith.mulf %get3A_1133, %get3A_1141 : vector<32xbf16>
        %add3A_1143 = arith.constant 2 : i32
        %add3A_1144 = arith.addi %scan3A_1019, %add3A_1143 : i32
        %get3A_1145 = arith.constant 1 : i32
        %get3A_1146 = arith.index_cast %get3A_1145 : i32 to index
        %get3A_1147 = arith.index_cast %add3A_1144 : i32 to index
        %get3A_1148 = arith.constant 898 : index
        %get3A_1149 = tpu.vector_load %arg8[%get3A_1146, %get3A_1147, %get3A_1148] {strides = array<i32>} : memref<2x20x2080xbf16, #tpu.memory_space<vmem>>, vector<1x1x32xbf16>,
        %get3A_1150 = vector.shape_cast %get3A_1149 : vector<1x1x32xbf16> to vector<32xbf16>
        %mul3A_1151 = arith.mulf %mul3A_1142, %get3A_1150 : vector<32xbf16>
        %add3A_1152 = arith.addf %scan3A_1024, %mul3A_1151 : vector<32xbf16>
        %get3A_1153 = arith.constant 1 : i32
        %get3A_1154 = arith.index_cast %get3A_1153 : i32 to index
        %get3A_1155 = arith.index_cast %scan3A_1019 : i32 to index
        %get3A_1156 = arith.constant 928 : index
        %get3A_1157 = tpu.vector_load %arg8[%get3A_1154, %get3A_1155, %get3A_1156] {strides = array<i32>} : memref<2x20x2080xbf16, #tpu.memory_space<vmem>>, vector<1x1x32xbf16>,
        %get3A_1158 = vector.shape_cast %get3A_1157 : vector<1x1x32xbf16> to vector<32xbf16>
        %add3A_1159 = arith.constant 1 : i32
        %add3A_1160 = arith.addi %scan3A_1019, %add3A_1159 : i32
        %get3A_1161 = arith.constant 1 : i32
        %get3A_1162 = arith.index_cast %get3A_1161 : i32 to index
        %get3A_1163 = arith.index_cast %add3A_1160 : i32 to index
        %get3A_1164 = arith.constant 928 : index
        %get3A_1165 = tpu.vector_load %arg9[%get3A_1162, %get3A_1163, %get3A_1164] {strides = array<i32>} : memref<2x20x2080xbf16, #tpu.memory_space<vmem>>, vector<1x1x32xbf16>,
        %get3A_1166 = vector.shape_cast %get3A_1165 : vector<1x1x32xbf16> to vector<32xbf16>
        %mul3A_1167 = arith.mulf %get3A_1158, %get3A_1166 : vector<32xbf16>
        %add3A_1168 = arith.constant 2 : i32
        %add3A_1169 = arith.addi %scan3A_1019, %add3A_1168 : i32
        %get3A_1170 = arith.constant 1 : i32
        %get3A_1171 = arith.index_cast %get3A_1170 : i32 to index
        %get3A_1172 = arith.index_cast %add3A_1169 : i32 to index
        %get3A_1173 = arith.constant 930 : index
        %get3A_1174 = tpu.vector_load %arg8[%get3A_1171, %get3A_1172, %get3A_1173] {strides = array<i32>} : memref<2x20x2080xbf16, #tpu.memory_space<vmem>>, vector<1x1x32xbf16>,
        %get3A_1175 = vector.shape_cast %get3A_1174 : vector<1x1x32xbf16> to vector<32xbf16>
        %mul3A_1176 = arith.mulf %mul3A_1167, %get3A_1175 : vector<32xbf16>
        %add3A_1177 = arith.addf %scan3A_1025, %mul3A_1176 : vector<32xbf16>
        %get3A_1178 = arith.constant 1 : i32
        %get3A_1179 = arith.index_cast %get3A_1178 : i32 to index
        %get3A_1180 = arith.index_cast %scan3A_1019 : i32 to index
        %get3A_1181 = arith.constant 960 : index
        %get3A_1182 = tpu.vector_load %arg8[%get3A_1179, %get3A_1180, %get3A_1181] {strides = array<i32>} : memref<2x20x2080xbf16, #tpu.memory_space<vmem>>, vector<1x1x32xbf16>,
        %get3A_1183 = vector.shape_cast %get3A_1182 : vector<1x1x32xbf16> to vector<32xbf16>
        %add3A_1184 = arith.constant 1 : i32
        %add3A_1185 = arith.addi %scan3A_1019, %add3A_1184 : i32
        %get3A_1186 = arith.constant 1 : i32
        %get3A_1187 = arith.index_cast %get3A_1186 : i32 to index
        %get3A_1188 = arith.index_cast %add3A_1185 : i32 to index
        %get3A_1189 = arith.constant 960 : index
        %get3A_1190 = tpu.vector_load %arg9[%get3A_1187, %get3A_1188, %get3A_1189] {strides = array<i32>} : memref<2x20x2080xbf16, #tpu.memory_space<vmem>>, vector<1x1x32xbf16>,
        %get3A_1191 = vector.shape_cast %get3A_1190 : vector<1x1x32xbf16> to vector<32xbf16>
        %mul3A_1192 = arith.mulf %get3A_1183, %get3A_1191 : vector<32xbf16>
        %add3A_1193 = arith.constant 2 : i32
        %add3A_1194 = arith.addi %scan3A_1019, %add3A_1193 : i32
        %get3A_1195 = arith.constant 1 : i32
        %get3A_1196 = arith.index_cast %get3A_1195 : i32 to index
        %get3A_1197 = arith.index_cast %add3A_1194 : i32 to index
        %get3A_1198 = arith.constant 962 : index
        %get3A_1199 = tpu.vector_load %arg8[%get3A_1196, %get3A_1197, %get3A_1198] {strides = array<i32>} : memref<2x20x2080xbf16, #tpu.memory_space<vmem>>, vector<1x1x32xbf16>,
        %get3A_1200 = vector.shape_cast %get3A_1199 : vector<1x1x32xbf16> to vector<32xbf16>
        %mul3A_1201 = arith.mulf %mul3A_1192, %get3A_1200 : vector<32xbf16>
        %add3A_1202 = arith.addf %scan3A_1026, %mul3A_1201 : vector<32xbf16>
        %get3A_1203 = arith.constant 1 : i32
        %get3A_1204 = arith.index_cast %get3A_1203 : i32 to index
        %get3A_1205 = arith.index_cast %scan3A_1019 : i32 to index
        %get3A_1206 = arith.constant 992 : index
        %get3A_1207 = tpu.vector_load %arg8[%get3A_1204, %get3A_1205, %get3A_1206] {strides = array<i32>} : memref<2x20x2080xbf16, #tpu.memory_space<vmem>>, vector<1x1x32xbf16>,
        %get3A_1208 = vector.shape_cast %get3A_1207 : vector<1x1x32xbf16> to vector<32xbf16>
        %add3A_1209 = arith.constant 1 : i32
        %add3A_1210 = arith.addi %scan3A_1019, %add3A_1209 : i32
        %get3A_1211 = arith.constant 1 : i32
        %get3A_1212 = arith.index_cast %get3A_1211 : i32 to index
        %get3A_1213 = arith.index_cast %add3A_1210 : i32 to index
        %get3A_1214 = arith.constant 992 : index
        %get3A_1215 = tpu.vector_load %arg9[%get3A_1212, %get3A_1213, %get3A_1214] {strides = array<i32>} : memref<2x20x2080xbf16, #tpu.memory_space<vmem>>, vector<1x1x32xbf16>,
        %get3A_1216 = vector.shape_cast %get3A_1215 : vector<1x1x32xbf16> to vector<32xbf16>
        %mul3A_1217 = arith.mulf %get3A_1208, %get3A_1216 : vector<32xbf16>
        %add3A_1218 = arith.constant 2 : i32
        %add3A_1219 = arith.addi %scan3A_1019, %add3A_1218 : i32
        %get3A_1220 = arith.constant 1 : i32
        %get3A_1221 = arith.index_cast %get3A_1220 : i32 to index
        %get3A_1222 = arith.index_cast %add3A_1219 : i32 to index
        %get3A_1223 = arith.constant 994 : index
        %get3A_1224 = tpu.vector_load %arg8[%get3A_1221, %get3A_1222, %get3A_1223] {strides = array<i32>} : memref<2x20x2080xbf16, #tpu.memory_space<vmem>>, vector<1x1x32xbf16>,
        %get3A_1225 = vector.shape_cast %get3A_1224 : vector<1x1x32xbf16> to vector<32xbf16>
        %mul3A_1226 = arith.mulf %mul3A_1217, %get3A_1225 : vector<32xbf16>
        %add3A_1227 = arith.addf %scan3A_1027, %mul3A_1226 : vector<32xbf16>
        scf.yield %add3A_1052, %add3A_1077, %add3A_1102, %add3A_1127, %add3A_1152, %add3A_1177, %add3A_1202, %add3A_1227 : vector<32xbf16>, vector<32xbf16>, vector<32xbf16>, vector<32xbf16>, vector<32xbf16>, vector<32xbf16>, vector<32xbf16>, vector<32xbf16>
      }
      %scan3A_781 = arith.constant 18 : i32
      %swap3A_782 = arith.index_cast %add3A_629 : i32 to index
      %swap3A_783 = arith.constant 768 : index
      %swap3A_784 = tpu.vector_load %arg10[%swap3A_782, %swap3A_783] {strides = array<i32>} : memref<8x2048xbf16, #tpu.memory_space<vmem>>, vector<1x32xbf16>,
      %swap3A_785 = vector.shape_cast %swap3A_784 : vector<1x32xbf16> to vector<32xbf16>
      %swap3A_786 = vector.shape_cast %scan3A_780#0 : vector<32xbf16> to vector<1x32xbf16>
      tpu.vector_store %arg10[%swap3A_782, %swap3A_783], %swap3A_786 {strides = array<i32>} : memref<8x2048xbf16, #tpu.memory_space<vmem>>, vector<1x32xbf16>,
      %swap3A_787 = arith.index_cast %add3A_629 : i32 to index
      %swap3A_788 = arith.constant 800 : index
      %swap3A_789 = tpu.vector_load %arg10[%swap3A_787, %swap3A_788] {strides = array<i32>} : memref<8x2048xbf16, #tpu.memory_space<vmem>>, vector<1x32xbf16>,
      %swap3A_790 = vector.shape_cast %swap3A_789 : vector<1x32xbf16> to vector<32xbf16>
      %swap3A_791 = vector.shape_cast %scan3A_780#1 : vector<32xbf16> to vector<1x32xbf16>
      tpu.vector_store %arg10[%swap3A_787, %swap3A_788], %swap3A_791 {strides = array<i32>} : memref<8x2048xbf16, #tpu.memory_space<vmem>>, vector<1x32xbf16>,
      %swap3A_792 = arith.index_cast %add3A_629 : i32 to index
      %swap3A_793 = arith.constant 832 : index
      %swap3A_794 = tpu.vector_load %arg10[%swap3A_792, %swap3A_793] {strides = array<i32>} : memref<8x2048xbf16, #tpu.memory_space<vmem>>, vector<1x32xbf16>,
      %swap3A_795 = vector.shape_cast %swap3A_794 : vector<1x32xbf16> to vector<32xbf16>
      %swap3A_796 = vector.shape_cast %scan3A_780#2 : vector<32xbf16> to vector<1x32xbf16>
      tpu.vector_store %arg10[%swap3A_792, %swap3A_793], %swap3A_796 {strides = array<i32>} : memref<8x2048xbf16, #tpu.memory_space<vmem>>, vector<1x32xbf16>,
      %swap3A_797 = arith.index_cast %add3A_629 : i32 to index
      %swap3A_798 = arith.constant 864 : index
      %swap3A_799 = tpu.vector_load %arg10[%swap3A_797, %swap3A_798] {strides = array<i32>} : memref<8x2048xbf16, #tpu.memory_space<vmem>>, vector<1x32xbf16>,
      %swap3A_800 = vector.shape_cast %swap3A_799 : vector<1x32xbf16> to vector<32xbf16>
      %swap3A_801 = vector.shape_cast %scan3A_780#3 : vector<32xbf16> to vector<1x32xbf16>
      tpu.vector_store %arg10[%swap3A_797, %swap3A_798], %swap3A_801 {strides = array<i32>} : memref<8x2048xbf16, #tpu.memory_space<vmem>>, vector<1x32xbf16>,
      %swap3A_802 = arith.index_cast %add3A_629 : i32 to index
      %swap3A_803 = arith.constant 896 : index
      %swap3A_804 = tpu.vector_load %arg10[%swap3A_802, %swap3A_803] {strides = array<i32>} : memref<8x2048xbf16, #tpu.memory_space<vmem>>, vector<1x32xbf16>,
      %swap3A_805 = vector.shape_cast %swap3A_804 : vector<1x32xbf16> to vector<32xbf16>
      %swap3A_806 = vector.shape_cast %scan3A_780#4 : vector<32xbf16> to vector<1x32xbf16>
      tpu.vector_store %arg10[%swap3A_802, %swap3A_803], %swap3A_806 {strides = array<i32>} : memref<8x2048xbf16, #tpu.memory_space<vmem>>, vector<1x32xbf16>,
      %swap3A_807 = arith.index_cast %add3A_629 : i32 to index
      %swap3A_808 = arith.constant 928 : index
      %swap3A_809 = tpu.vector_load %arg10[%swap3A_807, %swap3A_808] {strides = array<i32>} : memref<8x2048xbf16, #tpu.memory_space<vmem>>, vector<1x32xbf16>,
      %swap3A_810 = vector.shape_cast %swap3A_809 : vector<1x32xbf16> to vector<32xbf16>
      %swap3A_811 = vector.shape_cast %scan3A_780#5 : vector<32xbf16> to vector<1x32xbf16>
      tpu.vector_store %arg10[%swap3A_807, %swap3A_808], %swap3A_811 {strides = array<i32>} : memref<8x2048xbf16, #tpu.memory_space<vmem>>, vector<1x32xbf16>,
      %swap3A_812 = arith.index_cast %add3A_629 : i32 to index
      %swap3A_813 = arith.constant 960 : index
      %swap3A_814 = tpu.vector_load %arg10[%swap3A_812, %swap3A_813] {strides = array<i32>} : memref<8x2048xbf16, #tpu.memory_space<vmem>>, vector<1x32xbf16>,
      %swap3A_815 = vector.shape_cast %swap3A_814 : vector<1x32xbf16> to vector<32xbf16>
      %swap3A_816 = vector.shape_cast %scan3A_780#6 : vector<32xbf16> to vector<1x32xbf16>
      tpu.vector_store %arg10[%swap3A_812, %swap3A_813], %swap3A_816 {strides = array<i32>} : memref<8x2048xbf16, #tpu.memory_space<vmem>>, vector<1x32xbf16>,
      %swap3A_817 = arith.index_cast %add3A_629 : i32 to index
      %swap3A_818 = arith.constant 992 : index
      %swap3A_819 = tpu.vector_load %arg10[%swap3A_817, %swap3A_818] {strides = array<i32>} : memref<8x2048xbf16, #tpu.memory_space<vmem>>, vector<1x32xbf16>,
      %swap3A_820 = vector.shape_cast %swap3A_819 : vector<1x32xbf16> to vector<32xbf16>
      %swap3A_821 = vector.shape_cast %scan3A_780#7 : vector<32xbf16> to vector<1x32xbf16>
      tpu.vector_store %arg10[%swap3A_817, %swap3A_818], %swap3A_821 {strides = array<i32>} : memref<8x2048xbf16, #tpu.memory_space<vmem>>, vector<1x32xbf16>,
      %broadcast_in_dim3A_822 = arith.constant 0.000000e+00 : bf16
      %broadcast_in_dim3A_823 = vector.broadcast %broadcast_in_dim3A_822 : bf16 to vector<32xbf16>
      %scan3A_824 = arith.constant 0 : i32
      %scan3A_825 = arith.constant 18 : i32
      %scan3A_826 = arith.addi %scan3A_824, %scan3A_825 : i32
      %scan3A_827 = arith.constant 1 : i32
      %scan3A_828:8 = scf.for %scan3A_1019 = %scan3A_824 to %scan3A_826 step %scan3A_827 iter_args(%scan3A_1020 = %broadcast_in_dim3A_823, %scan3A_1021 = %broadcast_in_dim3A_823, %scan3A_1022 = %broadcast_in_dim3A_823, %scan3A_1023 = %broadcast_in_dim3A_823, %scan3A_1024 = %broadcast_in_dim3A_823, %scan3A_1025 = %broadcast_in_dim3A_823, %scan3A_1026 = %broadcast_in_dim3A_823, %scan3A_1027 = %broadcast_in_dim3A_823) -> (vector<32xbf16>, vector<32xbf16>, vector<32xbf16>, vector<32xbf16>, vector<32xbf16>, vector<32xbf16>, vector<32xbf16>, vector<32xbf16>)  : i32 {
        %get3A_1028 = arith.constant 1 : i32
        %get3A_1029 = arith.index_cast %get3A_1028 : i32 to index
        %get3A_1030 = arith.index_cast %scan3A_1019 : i32 to index
        %get3A_1031 = arith.constant 1024 : index
        %get3A_1032 = tpu.vector_load %arg8[%get3A_1029, %get3A_1030, %get3A_1031] {strides = array<i32>} : memref<2x20x2080xbf16, #tpu.memory_space<vmem>>, vector<1x1x32xbf16>,
        %get3A_1033 = vector.shape_cast %get3A_1032 : vector<1x1x32xbf16> to vector<32xbf16>
        %add3A_1034 = arith.constant 1 : i32
        %add3A_1035 = arith.addi %scan3A_1019, %add3A_1034 : i32
        %get3A_1036 = arith.constant 1 : i32
        %get3A_1037 = arith.index_cast %get3A_1036 : i32 to index
        %get3A_1038 = arith.index_cast %add3A_1035 : i32 to index
        %get3A_1039 = arith.constant 1024 : index
        %get3A_1040 = tpu.vector_load %arg9[%get3A_1037, %get3A_1038, %get3A_1039] {strides = array<i32>} : memref<2x20x2080xbf16, #tpu.memory_space<vmem>>, vector<1x1x32xbf16>,
        %get3A_1041 = vector.shape_cast %get3A_1040 : vector<1x1x32xbf16> to vector<32xbf16>
        %mul3A_1042 = arith.mulf %get3A_1033, %get3A_1041 : vector<32xbf16>
        %add3A_1043 = arith.constant 2 : i32
        %add3A_1044 = arith.addi %scan3A_1019, %add3A_1043 : i32
        %get3A_1045 = arith.constant 1 : i32
        %get3A_1046 = arith.index_cast %get3A_1045 : i32 to index
        %get3A_1047 = arith.index_cast %add3A_1044 : i32 to index
        %get3A_1048 = arith.constant 1026 : index
        %get3A_1049 = tpu.vector_load %arg8[%get3A_1046, %get3A_1047, %get3A_1048] {strides = array<i32>} : memref<2x20x2080xbf16, #tpu.memory_space<vmem>>, vector<1x1x32xbf16>,
        %get3A_1050 = vector.shape_cast %get3A_1049 : vector<1x1x32xbf16> to vector<32xbf16>
        %mul3A_1051 = arith.mulf %mul3A_1042, %get3A_1050 : vector<32xbf16>
        %add3A_1052 = arith.addf %scan3A_1020, %mul3A_1051 : vector<32xbf16>
        %get3A_1053 = arith.constant 1 : i32
        %get3A_1054 = arith.index_cast %get3A_1053 : i32 to index
        %get3A_1055 = arith.index_cast %scan3A_1019 : i32 to index
        %get3A_1056 = arith.constant 1056 : index
        %get3A_1057 = tpu.vector_load %arg8[%get3A_1054, %get3A_1055, %get3A_1056] {strides = array<i32>} : memref<2x20x2080xbf16, #tpu.memory_space<vmem>>, vector<1x1x32xbf16>,
        %get3A_1058 = vector.shape_cast %get3A_1057 : vector<1x1x32xbf16> to vector<32xbf16>
        %add3A_1059 = arith.constant 1 : i32
        %add3A_1060 = arith.addi %scan3A_1019, %add3A_1059 : i32
        %get3A_1061 = arith.constant 1 : i32
        %get3A_1062 = arith.index_cast %get3A_1061 : i32 to index
        %get3A_1063 = arith.index_cast %add3A_1060 : i32 to index
        %get3A_1064 = arith.constant 1056 : index
        %get3A_1065 = tpu.vector_load %arg9[%get3A_1062, %get3A_1063, %get3A_1064] {strides = array<i32>} : memref<2x20x2080xbf16, #tpu.memory_space<vmem>>, vector<1x1x32xbf16>,
        %get3A_1066 = vector.shape_cast %get3A_1065 : vector<1x1x32xbf16> to vector<32xbf16>
        %mul3A_1067 = arith.mulf %get3A_1058, %get3A_1066 : vector<32xbf16>
        %add3A_1068 = arith.constant 2 : i32
        %add3A_1069 = arith.addi %scan3A_1019, %add3A_1068 : i32
        %get3A_1070 = arith.constant 1 : i32
        %get3A_1071 = arith.index_cast %get3A_1070 : i32 to index
        %get3A_1072 = arith.index_cast %add3A_1069 : i32 to index
        %get3A_1073 = arith.constant 1058 : index
        %get3A_1074 = tpu.vector_load %arg8[%get3A_1071, %get3A_1072, %get3A_1073] {strides = array<i32>} : memref<2x20x2080xbf16, #tpu.memory_space<vmem>>, vector<1x1x32xbf16>,
        %get3A_1075 = vector.shape_cast %get3A_1074 : vector<1x1x32xbf16> to vector<32xbf16>
        %mul3A_1076 = arith.mulf %mul3A_1067, %get3A_1075 : vector<32xbf16>
        %add3A_1077 = arith.addf %scan3A_1021, %mul3A_1076 : vector<32xbf16>
        %get3A_1078 = arith.constant 1 : i32
        %get3A_1079 = arith.index_cast %get3A_1078 : i32 to index
        %get3A_1080 = arith.index_cast %scan3A_1019 : i32 to index
        %get3A_1081 = arith.constant 1088 : index
        %get3A_1082 = tpu.vector_load %arg8[%get3A_1079, %get3A_1080, %get3A_1081] {strides = array<i32>} : memref<2x20x2080xbf16, #tpu.memory_space<vmem>>, vector<1x1x32xbf16>,
        %get3A_1083 = vector.shape_cast %get3A_1082 : vector<1x1x32xbf16> to vector<32xbf16>
        %add3A_1084 = arith.constant 1 : i32
        %add3A_1085 = arith.addi %scan3A_1019, %add3A_1084 : i32
        %get3A_1086 = arith.constant 1 : i32
        %get3A_1087 = arith.index_cast %get3A_1086 : i32 to index
        %get3A_1088 = arith.index_cast %add3A_1085 : i32 to index
        %get3A_1089 = arith.constant 1088 : index
        %get3A_1090 = tpu.vector_load %arg9[%get3A_1087, %get3A_1088, %get3A_1089] {strides = array<i32>} : memref<2x20x2080xbf16, #tpu.memory_space<vmem>>, vector<1x1x32xbf16>,
        %get3A_1091 = vector.shape_cast %get3A_1090 : vector<1x1x32xbf16> to vector<32xbf16>
        %mul3A_1092 = arith.mulf %get3A_1083, %get3A_1091 : vector<32xbf16>
        %add3A_1093 = arith.constant 2 : i32
        %add3A_1094 = arith.addi %scan3A_1019, %add3A_1093 : i32
        %get3A_1095 = arith.constant 1 : i32
        %get3A_1096 = arith.index_cast %get3A_1095 : i32 to index
        %get3A_1097 = arith.index_cast %add3A_1094 : i32 to index
        %get3A_1098 = arith.constant 1090 : index
        %get3A_1099 = tpu.vector_load %arg8[%get3A_1096, %get3A_1097, %get3A_1098] {strides = array<i32>} : memref<2x20x2080xbf16, #tpu.memory_space<vmem>>, vector<1x1x32xbf16>,
        %get3A_1100 = vector.shape_cast %get3A_1099 : vector<1x1x32xbf16> to vector<32xbf16>
        %mul3A_1101 = arith.mulf %mul3A_1092, %get3A_1100 : vector<32xbf16>
        %add3A_1102 = arith.addf %scan3A_1022, %mul3A_1101 : vector<32xbf16>
        %get3A_1103 = arith.constant 1 : i32
        %get3A_1104 = arith.index_cast %get3A_1103 : i32 to index
        %get3A_1105 = arith.index_cast %scan3A_1019 : i32 to index
        %get3A_1106 = arith.constant 1120 : index
        %get3A_1107 = tpu.vector_load %arg8[%get3A_1104, %get3A_1105, %get3A_1106] {strides = array<i32>} : memref<2x20x2080xbf16, #tpu.memory_space<vmem>>, vector<1x1x32xbf16>,
        %get3A_1108 = vector.shape_cast %get3A_1107 : vector<1x1x32xbf16> to vector<32xbf16>
        %add3A_1109 = arith.constant 1 : i32
        %add3A_1110 = arith.addi %scan3A_1019, %add3A_1109 : i32
        %get3A_1111 = arith.constant 1 : i32
        %get3A_1112 = arith.index_cast %get3A_1111 : i32 to index
        %get3A_1113 = arith.index_cast %add3A_1110 : i32 to index
        %get3A_1114 = arith.constant 1120 : index
        %get3A_1115 = tpu.vector_load %arg9[%get3A_1112, %get3A_1113, %get3A_1114] {strides = array<i32>} : memref<2x20x2080xbf16, #tpu.memory_space<vmem>>, vector<1x1x32xbf16>,
        %get3A_1116 = vector.shape_cast %get3A_1115 : vector<1x1x32xbf16> to vector<32xbf16>
        %mul3A_1117 = arith.mulf %get3A_1108, %get3A_1116 : vector<32xbf16>
        %add3A_1118 = arith.constant 2 : i32
        %add3A_1119 = arith.addi %scan3A_1019, %add3A_1118 : i32
        %get3A_1120 = arith.constant 1 : i32
        %get3A_1121 = arith.index_cast %get3A_1120 : i32 to index
        %get3A_1122 = arith.index_cast %add3A_1119 : i32 to index
        %get3A_1123 = arith.constant 1122 : index
        %get3A_1124 = tpu.vector_load %arg8[%get3A_1121, %get3A_1122, %get3A_1123] {strides = array<i32>} : memref<2x20x2080xbf16, #tpu.memory_space<vmem>>, vector<1x1x32xbf16>,
        %get3A_1125 = vector.shape_cast %get3A_1124 : vector<1x1x32xbf16> to vector<32xbf16>
        %mul3A_1126 = arith.mulf %mul3A_1117, %get3A_1125 : vector<32xbf16>
        %add3A_1127 = arith.addf %scan3A_1023, %mul3A_1126 : vector<32xbf16>
        %get3A_1128 = arith.constant 1 : i32
        %get3A_1129 = arith.index_cast %get3A_1128 : i32 to index
        %get3A_1130 = arith.index_cast %scan3A_1019 : i32 to index
        %get3A_1131 = arith.constant 1152 : index
        %get3A_1132 = tpu.vector_load %arg8[%get3A_1129, %get3A_1130, %get3A_1131] {strides = array<i32>} : memref<2x20x2080xbf16, #tpu.memory_space<vmem>>, vector<1x1x32xbf16>,
        %get3A_1133 = vector.shape_cast %get3A_1132 : vector<1x1x32xbf16> to vector<32xbf16>
        %add3A_1134 = arith.constant 1 : i32
        %add3A_1135 = arith.addi %scan3A_1019, %add3A_1134 : i32
        %get3A_1136 = arith.constant 1 : i32
        %get3A_1137 = arith.index_cast %get3A_1136 : i32 to index
        %get3A_1138 = arith.index_cast %add3A_1135 : i32 to index
        %get3A_1139 = arith.constant 1152 : index
        %get3A_1140 = tpu.vector_load %arg9[%get3A_1137, %get3A_1138, %get3A_1139] {strides = array<i32>} : memref<2x20x2080xbf16, #tpu.memory_space<vmem>>, vector<1x1x32xbf16>,
        %get3A_1141 = vector.shape_cast %get3A_1140 : vector<1x1x32xbf16> to vector<32xbf16>
        %mul3A_1142 = arith.mulf %get3A_1133, %get3A_1141 : vector<32xbf16>
        %add3A_1143 = arith.constant 2 : i32
        %add3A_1144 = arith.addi %scan3A_1019, %add3A_1143 : i32
        %get3A_1145 = arith.constant 1 : i32
        %get3A_1146 = arith.index_cast %get3A_1145 : i32 to index
        %get3A_1147 = arith.index_cast %add3A_1144 : i32 to index
        %get3A_1148 = arith.constant 1154 : index
        %get3A_1149 = tpu.vector_load %arg8[%get3A_1146, %get3A_1147, %get3A_1148] {strides = array<i32>} : memref<2x20x2080xbf16, #tpu.memory_space<vmem>>, vector<1x1x32xbf16>,
        %get3A_1150 = vector.shape_cast %get3A_1149 : vector<1x1x32xbf16> to vector<32xbf16>
        %mul3A_1151 = arith.mulf %mul3A_1142, %get3A_1150 : vector<32xbf16>
        %add3A_1152 = arith.addf %scan3A_1024, %mul3A_1151 : vector<32xbf16>
        %get3A_1153 = arith.constant 1 : i32
        %get3A_1154 = arith.index_cast %get3A_1153 : i32 to index
        %get3A_1155 = arith.index_cast %scan3A_1019 : i32 to index
        %get3A_1156 = arith.constant 1184 : index
        %get3A_1157 = tpu.vector_load %arg8[%get3A_1154, %get3A_1155, %get3A_1156] {strides = array<i32>} : memref<2x20x2080xbf16, #tpu.memory_space<vmem>>, vector<1x1x32xbf16>,
        %get3A_1158 = vector.shape_cast %get3A_1157 : vector<1x1x32xbf16> to vector<32xbf16>
        %add3A_1159 = arith.constant 1 : i32
        %add3A_1160 = arith.addi %scan3A_1019, %add3A_1159 : i32
        %get3A_1161 = arith.constant 1 : i32
        %get3A_1162 = arith.index_cast %get3A_1161 : i32 to index
        %get3A_1163 = arith.index_cast %add3A_1160 : i32 to index
        %get3A_1164 = arith.constant 1184 : index
        %get3A_1165 = tpu.vector_load %arg9[%get3A_1162, %get3A_1163, %get3A_1164] {strides = array<i32>} : memref<2x20x2080xbf16, #tpu.memory_space<vmem>>, vector<1x1x32xbf16>,
        %get3A_1166 = vector.shape_cast %get3A_1165 : vector<1x1x32xbf16> to vector<32xbf16>
        %mul3A_1167 = arith.mulf %get3A_1158, %get3A_1166 : vector<32xbf16>
        %add3A_1168 = arith.constant 2 : i32
        %add3A_1169 = arith.addi %scan3A_1019, %add3A_1168 : i32
        %get3A_1170 = arith.constant 1 : i32
        %get3A_1171 = arith.index_cast %get3A_1170 : i32 to index
        %get3A_1172 = arith.index_cast %add3A_1169 : i32 to index
        %get3A_1173 = arith.constant 1186 : index
        %get3A_1174 = tpu.vector_load %arg8[%get3A_1171, %get3A_1172, %get3A_1173] {strides = array<i32>} : memref<2x20x2080xbf16, #tpu.memory_space<vmem>>, vector<1x1x32xbf16>,
        %get3A_1175 = vector.shape_cast %get3A_1174 : vector<1x1x32xbf16> to vector<32xbf16>
        %mul3A_1176 = arith.mulf %mul3A_1167, %get3A_1175 : vector<32xbf16>
        %add3A_1177 = arith.addf %scan3A_1025, %mul3A_1176 : vector<32xbf16>
        %get3A_1178 = arith.constant 1 : i32
        %get3A_1179 = arith.index_cast %get3A_1178 : i32 to index
        %get3A_1180 = arith.index_cast %scan3A_1019 : i32 to index
        %get3A_1181 = arith.constant 1216 : index
        %get3A_1182 = tpu.vector_load %arg8[%get3A_1179, %get3A_1180, %get3A_1181] {strides = array<i32>} : memref<2x20x2080xbf16, #tpu.memory_space<vmem>>, vector<1x1x32xbf16>,
        %get3A_1183 = vector.shape_cast %get3A_1182 : vector<1x1x32xbf16> to vector<32xbf16>
        %add3A_1184 = arith.constant 1 : i32
        %add3A_1185 = arith.addi %scan3A_1019, %add3A_1184 : i32
        %get3A_1186 = arith.constant 1 : i32
        %get3A_1187 = arith.index_cast %get3A_1186 : i32 to index
        %get3A_1188 = arith.index_cast %add3A_1185 : i32 to index
        %get3A_1189 = arith.constant 1216 : index
        %get3A_1190 = tpu.vector_load %arg9[%get3A_1187, %get3A_1188, %get3A_1189] {strides = array<i32>} : memref<2x20x2080xbf16, #tpu.memory_space<vmem>>, vector<1x1x32xbf16>,
        %get3A_1191 = vector.shape_cast %get3A_1190 : vector<1x1x32xbf16> to vector<32xbf16>
        %mul3A_1192 = arith.mulf %get3A_1183, %get3A_1191 : vector<32xbf16>
        %add3A_1193 = arith.constant 2 : i32
        %add3A_1194 = arith.addi %scan3A_1019, %add3A_1193 : i32
        %get3A_1195 = arith.constant 1 : i32
        %get3A_1196 = arith.index_cast %get3A_1195 : i32 to index
        %get3A_1197 = arith.index_cast %add3A_1194 : i32 to index
        %get3A_1198 = arith.constant 1218 : index
        %get3A_1199 = tpu.vector_load %arg8[%get3A_1196, %get3A_1197, %get3A_1198] {strides = array<i32>} : memref<2x20x2080xbf16, #tpu.memory_space<vmem>>, vector<1x1x32xbf16>,
        %get3A_1200 = vector.shape_cast %get3A_1199 : vector<1x1x32xbf16> to vector<32xbf16>
        %mul3A_1201 = arith.mulf %mul3A_1192, %get3A_1200 : vector<32xbf16>
        %add3A_1202 = arith.addf %scan3A_1026, %mul3A_1201 : vector<32xbf16>
        %get3A_1203 = arith.constant 1 : i32
        %get3A_1204 = arith.index_cast %get3A_1203 : i32 to index
        %get3A_1205 = arith.index_cast %scan3A_1019 : i32 to index
        %get3A_1206 = arith.constant 1248 : index
        %get3A_1207 = tpu.vector_load %arg8[%get3A_1204, %get3A_1205, %get3A_1206] {strides = array<i32>} : memref<2x20x2080xbf16, #tpu.memory_space<vmem>>, vector<1x1x32xbf16>,
        %get3A_1208 = vector.shape_cast %get3A_1207 : vector<1x1x32xbf16> to vector<32xbf16>
        %add3A_1209 = arith.constant 1 : i32
        %add3A_1210 = arith.addi %scan3A_1019, %add3A_1209 : i32
        %get3A_1211 = arith.constant 1 : i32
        %get3A_1212 = arith.index_cast %get3A_1211 : i32 to index
        %get3A_1213 = arith.index_cast %add3A_1210 : i32 to index
        %get3A_1214 = arith.constant 1248 : index
        %get3A_1215 = tpu.vector_load %arg9[%get3A_1212, %get3A_1213, %get3A_1214] {strides = array<i32>} : memref<2x20x2080xbf16, #tpu.memory_space<vmem>>, vector<1x1x32xbf16>,
        %get3A_1216 = vector.shape_cast %get3A_1215 : vector<1x1x32xbf16> to vector<32xbf16>
        %mul3A_1217 = arith.mulf %get3A_1208, %get3A_1216 : vector<32xbf16>
        %add3A_1218 = arith.constant 2 : i32
        %add3A_1219 = arith.addi %scan3A_1019, %add3A_1218 : i32
        %get3A_1220 = arith.constant 1 : i32
        %get3A_1221 = arith.index_cast %get3A_1220 : i32 to index
        %get3A_1222 = arith.index_cast %add3A_1219 : i32 to index
        %get3A_1223 = arith.constant 1250 : index
        %get3A_1224 = tpu.vector_load %arg8[%get3A_1221, %get3A_1222, %get3A_1223] {strides = array<i32>} : memref<2x20x2080xbf16, #tpu.memory_space<vmem>>, vector<1x1x32xbf16>,
        %get3A_1225 = vector.shape_cast %get3A_1224 : vector<1x1x32xbf16> to vector<32xbf16>
        %mul3A_1226 = arith.mulf %mul3A_1217, %get3A_1225 : vector<32xbf16>
        %add3A_1227 = arith.addf %scan3A_1027, %mul3A_1226 : vector<32xbf16>
        scf.yield %add3A_1052, %add3A_1077, %add3A_1102, %add3A_1127, %add3A_1152, %add3A_1177, %add3A_1202, %add3A_1227 : vector<32xbf16>, vector<32xbf16>, vector<32xbf16>, vector<32xbf16>, vector<32xbf16>, vector<32xbf16>, vector<32xbf16>, vector<32xbf16>
      }
      %scan3A_829 = arith.constant 18 : i32
      %swap3A_830 = arith.index_cast %add3A_629 : i32 to index
      %swap3A_831 = arith.constant 1024 : index
      %swap3A_832 = tpu.vector_load %arg10[%swap3A_830, %swap3A_831] {strides = array<i32>} : memref<8x2048xbf16, #tpu.memory_space<vmem>>, vector<1x32xbf16>,
      %swap3A_833 = vector.shape_cast %swap3A_832 : vector<1x32xbf16> to vector<32xbf16>
      %swap3A_834 = vector.shape_cast %scan3A_828#0 : vector<32xbf16> to vector<1x32xbf16>
      tpu.vector_store %arg10[%swap3A_830, %swap3A_831], %swap3A_834 {strides = array<i32>} : memref<8x2048xbf16, #tpu.memory_space<vmem>>, vector<1x32xbf16>,
      %swap3A_835 = arith.index_cast %add3A_629 : i32 to index
      %swap3A_836 = arith.constant 1056 : index
      %swap3A_837 = tpu.vector_load %arg10[%swap3A_835, %swap3A_836] {strides = array<i32>} : memref<8x2048xbf16, #tpu.memory_space<vmem>>, vector<1x32xbf16>,
      %swap3A_838 = vector.shape_cast %swap3A_837 : vector<1x32xbf16> to vector<32xbf16>
      %swap3A_839 = vector.shape_cast %scan3A_828#1 : vector<32xbf16> to vector<1x32xbf16>
      tpu.vector_store %arg10[%swap3A_835, %swap3A_836], %swap3A_839 {strides = array<i32>} : memref<8x2048xbf16, #tpu.memory_space<vmem>>, vector<1x32xbf16>,
      %swap3A_840 = arith.index_cast %add3A_629 : i32 to index
      %swap3A_841 = arith.constant 1088 : index
      %swap3A_842 = tpu.vector_load %arg10[%swap3A_840, %swap3A_841] {strides = array<i32>} : memref<8x2048xbf16, #tpu.memory_space<vmem>>, vector<1x32xbf16>,
      %swap3A_843 = vector.shape_cast %swap3A_842 : vector<1x32xbf16> to vector<32xbf16>
      %swap3A_844 = vector.shape_cast %scan3A_828#2 : vector<32xbf16> to vector<1x32xbf16>
      tpu.vector_store %arg10[%swap3A_840, %swap3A_841], %swap3A_844 {strides = array<i32>} : memref<8x2048xbf16, #tpu.memory_space<vmem>>, vector<1x32xbf16>,
      %swap3A_845 = arith.index_cast %add3A_629 : i32 to index
      %swap3A_846 = arith.constant 1120 : index
      %swap3A_847 = tpu.vector_load %arg10[%swap3A_845, %swap3A_846] {strides = array<i32>} : memref<8x2048xbf16, #tpu.memory_space<vmem>>, vector<1x32xbf16>,
      %swap3A_848 = vector.shape_cast %swap3A_847 : vector<1x32xbf16> to vector<32xbf16>
      %swap3A_849 = vector.shape_cast %scan3A_828#3 : vector<32xbf16> to vector<1x32xbf16>
      tpu.vector_store %arg10[%swap3A_845, %swap3A_846], %swap3A_849 {strides = array<i32>} : memref<8x2048xbf16, #tpu.memory_space<vmem>>, vector<1x32xbf16>,
      %swap3A_850 = arith.index_cast %add3A_629 : i32 to index
      %swap3A_851 = arith.constant 1152 : index
      %swap3A_852 = tpu.vector_load %arg10[%swap3A_850, %swap3A_851] {strides = array<i32>} : memref<8x2048xbf16, #tpu.memory_space<vmem>>, vector<1x32xbf16>,
      %swap3A_853 = vector.shape_cast %swap3A_852 : vector<1x32xbf16> to vector<32xbf16>
      %swap3A_854 = vector.shape_cast %scan3A_828#4 : vector<32xbf16> to vector<1x32xbf16>
      tpu.vector_store %arg10[%swap3A_850, %swap3A_851], %swap3A_854 {strides = array<i32>} : memref<8x2048xbf16, #tpu.memory_space<vmem>>, vector<1x32xbf16>,
      %swap3A_855 = arith.index_cast %add3A_629 : i32 to index
      %swap3A_856 = arith.constant 1184 : index
      %swap3A_857 = tpu.vector_load %arg10[%swap3A_855, %swap3A_856] {strides = array<i32>} : memref<8x2048xbf16, #tpu.memory_space<vmem>>, vector<1x32xbf16>,
      %swap3A_858 = vector.shape_cast %swap3A_857 : vector<1x32xbf16> to vector<32xbf16>
      %swap3A_859 = vector.shape_cast %scan3A_828#5 : vector<32xbf16> to vector<1x32xbf16>
      tpu.vector_store %arg10[%swap3A_855, %swap3A_856], %swap3A_859 {strides = array<i32>} : memref<8x2048xbf16, #tpu.memory_space<vmem>>, vector<1x32xbf16>,
      %swap3A_860 = arith.index_cast %add3A_629 : i32 to index
      %swap3A_861 = arith.constant 1216 : index
      %swap3A_862 = tpu.vector_load %arg10[%swap3A_860, %swap3A_861] {strides = array<i32>} : memref<8x2048xbf16, #tpu.memory_space<vmem>>, vector<1x32xbf16>,
      %swap3A_863 = vector.shape_cast %swap3A_862 : vector<1x32xbf16> to vector<32xbf16>
      %swap3A_864 = vector.shape_cast %scan3A_828#6 : vector<32xbf16> to vector<1x32xbf16>
      tpu.vector_store %arg10[%swap3A_860, %swap3A_861], %swap3A_864 {strides = array<i32>} : memref<8x2048xbf16, #tpu.memory_space<vmem>>, vector<1x32xbf16>,
      %swap3A_865 = arith.index_cast %add3A_629 : i32 to index
      %swap3A_866 = arith.constant 1248 : index
      %swap3A_867 = tpu.vector_load %arg10[%swap3A_865, %swap3A_866] {strides = array<i32>} : memref<8x2048xbf16, #tpu.memory_space<vmem>>, vector<1x32xbf16>,
      %swap3A_868 = vector.shape_cast %swap3A_867 : vector<1x32xbf16> to vector<32xbf16>
      %swap3A_869 = vector.shape_cast %scan3A_828#7 : vector<32xbf16> to vector<1x32xbf16>
      tpu.vector_store %arg10[%swap3A_865, %swap3A_866], %swap3A_869 {strides = array<i32>} : memref<8x2048xbf16, #tpu.memory_space<vmem>>, vector<1x32xbf16>,
      %broadcast_in_dim3A_870 = arith.constant 0.000000e+00 : bf16
      %broadcast_in_dim3A_871 = vector.broadcast %broadcast_in_dim3A_870 : bf16 to vector<32xbf16>
      %scan3A_872 = arith.constant 0 : i32
      %scan3A_873 = arith.constant 18 : i32
      %scan3A_874 = arith.addi %scan3A_872, %scan3A_873 : i32
      %scan3A_875 = arith.constant 1 : i32
      %scan3A_876:8 = scf.for %scan3A_1019 = %scan3A_872 to %scan3A_874 step %scan3A_875 iter_args(%scan3A_1020 = %broadcast_in_dim3A_871, %scan3A_1021 = %broadcast_in_dim3A_871, %scan3A_1022 = %broadcast_in_dim3A_871, %scan3A_1023 = %broadcast_in_dim3A_871, %scan3A_1024 = %broadcast_in_dim3A_871, %scan3A_1025 = %broadcast_in_dim3A_871, %scan3A_1026 = %broadcast_in_dim3A_871, %scan3A_1027 = %broadcast_in_dim3A_871) -> (vector<32xbf16>, vector<32xbf16>, vector<32xbf16>, vector<32xbf16>, vector<32xbf16>, vector<32xbf16>, vector<32xbf16>, vector<32xbf16>)  : i32 {
        %get3A_1028 = arith.constant 1 : i32
        %get3A_1029 = arith.index_cast %get3A_1028 : i32 to index
        %get3A_1030 = arith.index_cast %scan3A_1019 : i32 to index
        %get3A_1031 = arith.constant 1280 : index
        %get3A_1032 = tpu.vector_load %arg8[%get3A_1029, %get3A_1030, %get3A_1031] {strides = array<i32>} : memref<2x20x2080xbf16, #tpu.memory_space<vmem>>, vector<1x1x32xbf16>,
        %get3A_1033 = vector.shape_cast %get3A_1032 : vector<1x1x32xbf16> to vector<32xbf16>
        %add3A_1034 = arith.constant 1 : i32
        %add3A_1035 = arith.addi %scan3A_1019, %add3A_1034 : i32
        %get3A_1036 = arith.constant 1 : i32
        %get3A_1037 = arith.index_cast %get3A_1036 : i32 to index
        %get3A_1038 = arith.index_cast %add3A_1035 : i32 to index
        %get3A_1039 = arith.constant 1280 : index
        %get3A_1040 = tpu.vector_load %arg9[%get3A_1037, %get3A_1038, %get3A_1039] {strides = array<i32>} : memref<2x20x2080xbf16, #tpu.memory_space<vmem>>, vector<1x1x32xbf16>,
        %get3A_1041 = vector.shape_cast %get3A_1040 : vector<1x1x32xbf16> to vector<32xbf16>
        %mul3A_1042 = arith.mulf %get3A_1033, %get3A_1041 : vector<32xbf16>
        %add3A_1043 = arith.constant 2 : i32
        %add3A_1044 = arith.addi %scan3A_1019, %add3A_1043 : i32
        %get3A_1045 = arith.constant 1 : i32
        %get3A_1046 = arith.index_cast %get3A_1045 : i32 to index
        %get3A_1047 = arith.index_cast %add3A_1044 : i32 to index
        %get3A_1048 = arith.constant 1282 : index
        %get3A_1049 = tpu.vector_load %arg8[%get3A_1046, %get3A_1047, %get3A_1048] {strides = array<i32>} : memref<2x20x2080xbf16, #tpu.memory_space<vmem>>, vector<1x1x32xbf16>,
        %get3A_1050 = vector.shape_cast %get3A_1049 : vector<1x1x32xbf16> to vector<32xbf16>
        %mul3A_1051 = arith.mulf %mul3A_1042, %get3A_1050 : vector<32xbf16>
        %add3A_1052 = arith.addf %scan3A_1020, %mul3A_1051 : vector<32xbf16>
        %get3A_1053 = arith.constant 1 : i32
        %get3A_1054 = arith.index_cast %get3A_1053 : i32 to index
        %get3A_1055 = arith.index_cast %scan3A_1019 : i32 to index
        %get3A_1056 = arith.constant 1312 : index
        %get3A_1057 = tpu.vector_load %arg8[%get3A_1054, %get3A_1055, %get3A_1056] {strides = array<i32>} : memref<2x20x2080xbf16, #tpu.memory_space<vmem>>, vector<1x1x32xbf16>,
        %get3A_1058 = vector.shape_cast %get3A_1057 : vector<1x1x32xbf16> to vector<32xbf16>
        %add3A_1059 = arith.constant 1 : i32
        %add3A_1060 = arith.addi %scan3A_1019, %add3A_1059 : i32
        %get3A_1061 = arith.constant 1 : i32
        %get3A_1062 = arith.index_cast %get3A_1061 : i32 to index
        %get3A_1063 = arith.index_cast %add3A_1060 : i32 to index
        %get3A_1064 = arith.constant 1312 : index
        %get3A_1065 = tpu.vector_load %arg9[%get3A_1062, %get3A_1063, %get3A_1064] {strides = array<i32>} : memref<2x20x2080xbf16, #tpu.memory_space<vmem>>, vector<1x1x32xbf16>,
        %get3A_1066 = vector.shape_cast %get3A_1065 : vector<1x1x32xbf16> to vector<32xbf16>
        %mul3A_1067 = arith.mulf %get3A_1058, %get3A_1066 : vector<32xbf16>
        %add3A_1068 = arith.constant 2 : i32
        %add3A_1069 = arith.addi %scan3A_1019, %add3A_1068 : i32
        %get3A_1070 = arith.constant 1 : i32
        %get3A_1071 = arith.index_cast %get3A_1070 : i32 to index
        %get3A_1072 = arith.index_cast %add3A_1069 : i32 to index
        %get3A_1073 = arith.constant 1314 : index
        %get3A_1074 = tpu.vector_load %arg8[%get3A_1071, %get3A_1072, %get3A_1073] {strides = array<i32>} : memref<2x20x2080xbf16, #tpu.memory_space<vmem>>, vector<1x1x32xbf16>,
        %get3A_1075 = vector.shape_cast %get3A_1074 : vector<1x1x32xbf16> to vector<32xbf16>
        %mul3A_1076 = arith.mulf %mul3A_1067, %get3A_1075 : vector<32xbf16>
        %add3A_1077 = arith.addf %scan3A_1021, %mul3A_1076 : vector<32xbf16>
        %get3A_1078 = arith.constant 1 : i32
        %get3A_1079 = arith.index_cast %get3A_1078 : i32 to index
        %get3A_1080 = arith.index_cast %scan3A_1019 : i32 to index
        %get3A_1081 = arith.constant 1344 : index
        %get3A_1082 = tpu.vector_load %arg8[%get3A_1079, %get3A_1080, %get3A_1081] {strides = array<i32>} : memref<2x20x2080xbf16, #tpu.memory_space<vmem>>, vector<1x1x32xbf16>,
        %get3A_1083 = vector.shape_cast %get3A_1082 : vector<1x1x32xbf16> to vector<32xbf16>
        %add3A_1084 = arith.constant 1 : i32
        %add3A_1085 = arith.addi %scan3A_1019, %add3A_1084 : i32
        %get3A_1086 = arith.constant 1 : i32
        %get3A_1087 = arith.index_cast %get3A_1086 : i32 to index
        %get3A_1088 = arith.index_cast %add3A_1085 : i32 to index
        %get3A_1089 = arith.constant 1344 : index
        %get3A_1090 = tpu.vector_load %arg9[%get3A_1087, %get3A_1088, %get3A_1089] {strides = array<i32>} : memref<2x20x2080xbf16, #tpu.memory_space<vmem>>, vector<1x1x32xbf16>,
        %get3A_1091 = vector.shape_cast %get3A_1090 : vector<1x1x32xbf16> to vector<32xbf16>
        %mul3A_1092 = arith.mulf %get3A_1083, %get3A_1091 : vector<32xbf16>
        %add3A_1093 = arith.constant 2 : i32
        %add3A_1094 = arith.addi %scan3A_1019, %add3A_1093 : i32
        %get3A_1095 = arith.constant 1 : i32
        %get3A_1096 = arith.index_cast %get3A_1095 : i32 to index
        %get3A_1097 = arith.index_cast %add3A_1094 : i32 to index
        %get3A_1098 = arith.constant 1346 : index
        %get3A_1099 = tpu.vector_load %arg8[%get3A_1096, %get3A_1097, %get3A_1098] {strides = array<i32>} : memref<2x20x2080xbf16, #tpu.memory_space<vmem>>, vector<1x1x32xbf16>,
        %get3A_1100 = vector.shape_cast %get3A_1099 : vector<1x1x32xbf16> to vector<32xbf16>
        %mul3A_1101 = arith.mulf %mul3A_1092, %get3A_1100 : vector<32xbf16>
        %add3A_1102 = arith.addf %scan3A_1022, %mul3A_1101 : vector<32xbf16>
        %get3A_1103 = arith.constant 1 : i32
        %get3A_1104 = arith.index_cast %get3A_1103 : i32 to index
        %get3A_1105 = arith.index_cast %scan3A_1019 : i32 to index
        %get3A_1106 = arith.constant 1376 : index
        %get3A_1107 = tpu.vector_load %arg8[%get3A_1104, %get3A_1105, %get3A_1106] {strides = array<i32>} : memref<2x20x2080xbf16, #tpu.memory_space<vmem>>, vector<1x1x32xbf16>,
        %get3A_1108 = vector.shape_cast %get3A_1107 : vector<1x1x32xbf16> to vector<32xbf16>
        %add3A_1109 = arith.constant 1 : i32
        %add3A_1110 = arith.addi %scan3A_1019, %add3A_1109 : i32
        %get3A_1111 = arith.constant 1 : i32
        %get3A_1112 = arith.index_cast %get3A_1111 : i32 to index
        %get3A_1113 = arith.index_cast %add3A_1110 : i32 to index
        %get3A_1114 = arith.constant 1376 : index
        %get3A_1115 = tpu.vector_load %arg9[%get3A_1112, %get3A_1113, %get3A_1114] {strides = array<i32>} : memref<2x20x2080xbf16, #tpu.memory_space<vmem>>, vector<1x1x32xbf16>,
        %get3A_1116 = vector.shape_cast %get3A_1115 : vector<1x1x32xbf16> to vector<32xbf16>
        %mul3A_1117 = arith.mulf %get3A_1108, %get3A_1116 : vector<32xbf16>
        %add3A_1118 = arith.constant 2 : i32
        %add3A_1119 = arith.addi %scan3A_1019, %add3A_1118 : i32
        %get3A_1120 = arith.constant 1 : i32
        %get3A_1121 = arith.index_cast %get3A_1120 : i32 to index
        %get3A_1122 = arith.index_cast %add3A_1119 : i32 to index
        %get3A_1123 = arith.constant 1378 : index
        %get3A_1124 = tpu.vector_load %arg8[%get3A_1121, %get3A_1122, %get3A_1123] {strides = array<i32>} : memref<2x20x2080xbf16, #tpu.memory_space<vmem>>, vector<1x1x32xbf16>,
        %get3A_1125 = vector.shape_cast %get3A_1124 : vector<1x1x32xbf16> to vector<32xbf16>
        %mul3A_1126 = arith.mulf %mul3A_1117, %get3A_1125 : vector<32xbf16>
        %add3A_1127 = arith.addf %scan3A_1023, %mul3A_1126 : vector<32xbf16>
        %get3A_1128 = arith.constant 1 : i32
        %get3A_1129 = arith.index_cast %get3A_1128 : i32 to index
        %get3A_1130 = arith.index_cast %scan3A_1019 : i32 to index
        %get3A_1131 = arith.constant 1408 : index
        %get3A_1132 = tpu.vector_load %arg8[%get3A_1129, %get3A_1130, %get3A_1131] {strides = array<i32>} : memref<2x20x2080xbf16, #tpu.memory_space<vmem>>, vector<1x1x32xbf16>,
        %get3A_1133 = vector.shape_cast %get3A_1132 : vector<1x1x32xbf16> to vector<32xbf16>
        %add3A_1134 = arith.constant 1 : i32
        %add3A_1135 = arith.addi %scan3A_1019, %add3A_1134 : i32
        %get3A_1136 = arith.constant 1 : i32
        %get3A_1137 = arith.index_cast %get3A_1136 : i32 to index
        %get3A_1138 = arith.index_cast %add3A_1135 : i32 to index
        %get3A_1139 = arith.constant 1408 : index
        %get3A_1140 = tpu.vector_load %arg9[%get3A_1137, %get3A_1138, %get3A_1139] {strides = array<i32>} : memref<2x20x2080xbf16, #tpu.memory_space<vmem>>, vector<1x1x32xbf16>,
        %get3A_1141 = vector.shape_cast %get3A_1140 : vector<1x1x32xbf16> to vector<32xbf16>
        %mul3A_1142 = arith.mulf %get3A_1133, %get3A_1141 : vector<32xbf16>
        %add3A_1143 = arith.constant 2 : i32
        %add3A_1144 = arith.addi %scan3A_1019, %add3A_1143 : i32
        %get3A_1145 = arith.constant 1 : i32
        %get3A_1146 = arith.index_cast %get3A_1145 : i32 to index
        %get3A_1147 = arith.index_cast %add3A_1144 : i32 to index
        %get3A_1148 = arith.constant 1410 : index
        %get3A_1149 = tpu.vector_load %arg8[%get3A_1146, %get3A_1147, %get3A_1148] {strides = array<i32>} : memref<2x20x2080xbf16, #tpu.memory_space<vmem>>, vector<1x1x32xbf16>,
        %get3A_1150 = vector.shape_cast %get3A_1149 : vector<1x1x32xbf16> to vector<32xbf16>
        %mul3A_1151 = arith.mulf %mul3A_1142, %get3A_1150 : vector<32xbf16>
        %add3A_1152 = arith.addf %scan3A_1024, %mul3A_1151 : vector<32xbf16>
        %get3A_1153 = arith.constant 1 : i32
        %get3A_1154 = arith.index_cast %get3A_1153 : i32 to index
        %get3A_1155 = arith.index_cast %scan3A_1019 : i32 to index
        %get3A_1156 = arith.constant 1440 : index
        %get3A_1157 = tpu.vector_load %arg8[%get3A_1154, %get3A_1155, %get3A_1156] {strides = array<i32>} : memref<2x20x2080xbf16, #tpu.memory_space<vmem>>, vector<1x1x32xbf16>,
        %get3A_1158 = vector.shape_cast %get3A_1157 : vector<1x1x32xbf16> to vector<32xbf16>
        %add3A_1159 = arith.constant 1 : i32
        %add3A_1160 = arith.addi %scan3A_1019, %add3A_1159 : i32
        %get3A_1161 = arith.constant 1 : i32
        %get3A_1162 = arith.index_cast %get3A_1161 : i32 to index
        %get3A_1163 = arith.index_cast %add3A_1160 : i32 to index
        %get3A_1164 = arith.constant 1440 : index
        %get3A_1165 = tpu.vector_load %arg9[%get3A_1162, %get3A_1163, %get3A_1164] {strides = array<i32>} : memref<2x20x2080xbf16, #tpu.memory_space<vmem>>, vector<1x1x32xbf16>,
        %get3A_1166 = vector.shape_cast %get3A_1165 : vector<1x1x32xbf16> to vector<32xbf16>
        %mul3A_1167 = arith.mulf %get3A_1158, %get3A_1166 : vector<32xbf16>
        %add3A_1168 = arith.constant 2 : i32
        %add3A_1169 = arith.addi %scan3A_1019, %add3A_1168 : i32
        %get3A_1170 = arith.constant 1 : i32
        %get3A_1171 = arith.index_cast %get3A_1170 : i32 to index
        %get3A_1172 = arith.index_cast %add3A_1169 : i32 to index
        %get3A_1173 = arith.constant 1442 : index
        %get3A_1174 = tpu.vector_load %arg8[%get3A_1171, %get3A_1172, %get3A_1173] {strides = array<i32>} : memref<2x20x2080xbf16, #tpu.memory_space<vmem>>, vector<1x1x32xbf16>,
        %get3A_1175 = vector.shape_cast %get3A_1174 : vector<1x1x32xbf16> to vector<32xbf16>
        %mul3A_1176 = arith.mulf %mul3A_1167, %get3A_1175 : vector<32xbf16>
        %add3A_1177 = arith.addf %scan3A_1025, %mul3A_1176 : vector<32xbf16>
        %get3A_1178 = arith.constant 1 : i32
        %get3A_1179 = arith.index_cast %get3A_1178 : i32 to index
        %get3A_1180 = arith.index_cast %scan3A_1019 : i32 to index
        %get3A_1181 = arith.constant 1472 : index
        %get3A_1182 = tpu.vector_load %arg8[%get3A_1179, %get3A_1180, %get3A_1181] {strides = array<i32>} : memref<2x20x2080xbf16, #tpu.memory_space<vmem>>, vector<1x1x32xbf16>,
        %get3A_1183 = vector.shape_cast %get3A_1182 : vector<1x1x32xbf16> to vector<32xbf16>
        %add3A_1184 = arith.constant 1 : i32
        %add3A_1185 = arith.addi %scan3A_1019, %add3A_1184 : i32
        %get3A_1186 = arith.constant 1 : i32
        %get3A_1187 = arith.index_cast %get3A_1186 : i32 to index
        %get3A_1188 = arith.index_cast %add3A_1185 : i32 to index
        %get3A_1189 = arith.constant 1472 : index
        %get3A_1190 = tpu.vector_load %arg9[%get3A_1187, %get3A_1188, %get3A_1189] {strides = array<i32>} : memref<2x20x2080xbf16, #tpu.memory_space<vmem>>, vector<1x1x32xbf16>,
        %get3A_1191 = vector.shape_cast %get3A_1190 : vector<1x1x32xbf16> to vector<32xbf16>
        %mul3A_1192 = arith.mulf %get3A_1183, %get3A_1191 : vector<32xbf16>
        %add3A_1193 = arith.constant 2 : i32
        %add3A_1194 = arith.addi %scan3A_1019, %add3A_1193 : i32
        %get3A_1195 = arith.constant 1 : i32
        %get3A_1196 = arith.index_cast %get3A_1195 : i32 to index
        %get3A_1197 = arith.index_cast %add3A_1194 : i32 to index
        %get3A_1198 = arith.constant 1474 : index
        %get3A_1199 = tpu.vector_load %arg8[%get3A_1196, %get3A_1197, %get3A_1198] {strides = array<i32>} : memref<2x20x2080xbf16, #tpu.memory_space<vmem>>, vector<1x1x32xbf16>,
        %get3A_1200 = vector.shape_cast %get3A_1199 : vector<1x1x32xbf16> to vector<32xbf16>
        %mul3A_1201 = arith.mulf %mul3A_1192, %get3A_1200 : vector<32xbf16>
        %add3A_1202 = arith.addf %scan3A_1026, %mul3A_1201 : vector<32xbf16>
        %get3A_1203 = arith.constant 1 : i32
        %get3A_1204 = arith.index_cast %get3A_1203 : i32 to index
        %get3A_1205 = arith.index_cast %scan3A_1019 : i32 to index
        %get3A_1206 = arith.constant 1504 : index
        %get3A_1207 = tpu.vector_load %arg8[%get3A_1204, %get3A_1205, %get3A_1206] {strides = array<i32>} : memref<2x20x2080xbf16, #tpu.memory_space<vmem>>, vector<1x1x32xbf16>,
        %get3A_1208 = vector.shape_cast %get3A_1207 : vector<1x1x32xbf16> to vector<32xbf16>
        %add3A_1209 = arith.constant 1 : i32
        %add3A_1210 = arith.addi %scan3A_1019, %add3A_1209 : i32
        %get3A_1211 = arith.constant 1 : i32
        %get3A_1212 = arith.index_cast %get3A_1211 : i32 to index
        %get3A_1213 = arith.index_cast %add3A_1210 : i32 to index
        %get3A_1214 = arith.constant 1504 : index
        %get3A_1215 = tpu.vector_load %arg9[%get3A_1212, %get3A_1213, %get3A_1214] {strides = array<i32>} : memref<2x20x2080xbf16, #tpu.memory_space<vmem>>, vector<1x1x32xbf16>,
        %get3A_1216 = vector.shape_cast %get3A_1215 : vector<1x1x32xbf16> to vector<32xbf16>
        %mul3A_1217 = arith.mulf %get3A_1208, %get3A_1216 : vector<32xbf16>
        %add3A_1218 = arith.constant 2 : i32
        %add3A_1219 = arith.addi %scan3A_1019, %add3A_1218 : i32
        %get3A_1220 = arith.constant 1 : i32
        %get3A_1221 = arith.index_cast %get3A_1220 : i32 to index
        %get3A_1222 = arith.index_cast %add3A_1219 : i32 to index
        %get3A_1223 = arith.constant 1506 : index
        %get3A_1224 = tpu.vector_load %arg8[%get3A_1221, %get3A_1222, %get3A_1223] {strides = array<i32>} : memref<2x20x2080xbf16, #tpu.memory_space<vmem>>, vector<1x1x32xbf16>,
        %get3A_1225 = vector.shape_cast %get3A_1224 : vector<1x1x32xbf16> to vector<32xbf16>
        %mul3A_1226 = arith.mulf %mul3A_1217, %get3A_1225 : vector<32xbf16>
        %add3A_1227 = arith.addf %scan3A_1027, %mul3A_1226 : vector<32xbf16>
        scf.yield %add3A_1052, %add3A_1077, %add3A_1102, %add3A_1127, %add3A_1152, %add3A_1177, %add3A_1202, %add3A_1227 : vector<32xbf16>, vector<32xbf16>, vector<32xbf16>, vector<32xbf16>, vector<32xbf16>, vector<32xbf16>, vector<32xbf16>, vector<32xbf16>
      }
      %scan3A_877 = arith.constant 18 : i32
      %swap3A_878 = arith.index_cast %add3A_629 : i32 to index
      %swap3A_879 = arith.constant 1280 : index
      %swap3A_880 = tpu.vector_load %arg10[%swap3A_878, %swap3A_879] {strides = array<i32>} : memref<8x2048xbf16, #tpu.memory_space<vmem>>, vector<1x32xbf16>,
      %swap3A_881 = vector.shape_cast %swap3A_880 : vector<1x32xbf16> to vector<32xbf16>
      %swap3A_882 = vector.shape_cast %scan3A_876#0 : vector<32xbf16> to vector<1x32xbf16>
      tpu.vector_store %arg10[%swap3A_878, %swap3A_879], %swap3A_882 {strides = array<i32>} : memref<8x2048xbf16, #tpu.memory_space<vmem>>, vector<1x32xbf16>,
      %swap3A_883 = arith.index_cast %add3A_629 : i32 to index
      %swap3A_884 = arith.constant 1312 : index
      %swap3A_885 = tpu.vector_load %arg10[%swap3A_883, %swap3A_884] {strides = array<i32>} : memref<8x2048xbf16, #tpu.memory_space<vmem>>, vector<1x32xbf16>,
      %swap3A_886 = vector.shape_cast %swap3A_885 : vector<1x32xbf16> to vector<32xbf16>
      %swap3A_887 = vector.shape_cast %scan3A_876#1 : vector<32xbf16> to vector<1x32xbf16>
      tpu.vector_store %arg10[%swap3A_883, %swap3A_884], %swap3A_887 {strides = array<i32>} : memref<8x2048xbf16, #tpu.memory_space<vmem>>, vector<1x32xbf16>,
      %swap3A_888 = arith.index_cast %add3A_629 : i32 to index
      %swap3A_889 = arith.constant 1344 : index
      %swap3A_890 = tpu.vector_load %arg10[%swap3A_888, %swap3A_889] {strides = array<i32>} : memref<8x2048xbf16, #tpu.memory_space<vmem>>, vector<1x32xbf16>,
      %swap3A_891 = vector.shape_cast %swap3A_890 : vector<1x32xbf16> to vector<32xbf16>
      %swap3A_892 = vector.shape_cast %scan3A_876#2 : vector<32xbf16> to vector<1x32xbf16>
      tpu.vector_store %arg10[%swap3A_888, %swap3A_889], %swap3A_892 {strides = array<i32>} : memref<8x2048xbf16, #tpu.memory_space<vmem>>, vector<1x32xbf16>,
      %swap3A_893 = arith.index_cast %add3A_629 : i32 to index
      %swap3A_894 = arith.constant 1376 : index
      %swap3A_895 = tpu.vector_load %arg10[%swap3A_893, %swap3A_894] {strides = array<i32>} : memref<8x2048xbf16, #tpu.memory_space<vmem>>, vector<1x32xbf16>,
      %swap3A_896 = vector.shape_cast %swap3A_895 : vector<1x32xbf16> to vector<32xbf16>
      %swap3A_897 = vector.shape_cast %scan3A_876#3 : vector<32xbf16> to vector<1x32xbf16>
      tpu.vector_store %arg10[%swap3A_893, %swap3A_894], %swap3A_897 {strides = array<i32>} : memref<8x2048xbf16, #tpu.memory_space<vmem>>, vector<1x32xbf16>,
      %swap3A_898 = arith.index_cast %add3A_629 : i32 to index
      %swap3A_899 = arith.constant 1408 : index
      %swap3A_900 = tpu.vector_load %arg10[%swap3A_898, %swap3A_899] {strides = array<i32>} : memref<8x2048xbf16, #tpu.memory_space<vmem>>, vector<1x32xbf16>,
      %swap3A_901 = vector.shape_cast %swap3A_900 : vector<1x32xbf16> to vector<32xbf16>
      %swap3A_902 = vector.shape_cast %scan3A_876#4 : vector<32xbf16> to vector<1x32xbf16>
      tpu.vector_store %arg10[%swap3A_898, %swap3A_899], %swap3A_902 {strides = array<i32>} : memref<8x2048xbf16, #tpu.memory_space<vmem>>, vector<1x32xbf16>,
      %swap3A_903 = arith.index_cast %add3A_629 : i32 to index
      %swap3A_904 = arith.constant 1440 : index
      %swap3A_905 = tpu.vector_load %arg10[%swap3A_903, %swap3A_904] {strides = array<i32>} : memref<8x2048xbf16, #tpu.memory_space<vmem>>, vector<1x32xbf16>,
      %swap3A_906 = vector.shape_cast %swap3A_905 : vector<1x32xbf16> to vector<32xbf16>
      %swap3A_907 = vector.shape_cast %scan3A_876#5 : vector<32xbf16> to vector<1x32xbf16>
      tpu.vector_store %arg10[%swap3A_903, %swap3A_904], %swap3A_907 {strides = array<i32>} : memref<8x2048xbf16, #tpu.memory_space<vmem>>, vector<1x32xbf16>,
      %swap3A_908 = arith.index_cast %add3A_629 : i32 to index
      %swap3A_909 = arith.constant 1472 : index
      %swap3A_910 = tpu.vector_load %arg10[%swap3A_908, %swap3A_909] {strides = array<i32>} : memref<8x2048xbf16, #tpu.memory_space<vmem>>, vector<1x32xbf16>,
      %swap3A_911 = vector.shape_cast %swap3A_910 : vector<1x32xbf16> to vector<32xbf16>
      %swap3A_912 = vector.shape_cast %scan3A_876#6 : vector<32xbf16> to vector<1x32xbf16>
      tpu.vector_store %arg10[%swap3A_908, %swap3A_909], %swap3A_912 {strides = array<i32>} : memref<8x2048xbf16, #tpu.memory_space<vmem>>, vector<1x32xbf16>,
      %swap3A_913 = arith.index_cast %add3A_629 : i32 to index
      %swap3A_914 = arith.constant 1504 : index
      %swap3A_915 = tpu.vector_load %arg10[%swap3A_913, %swap3A_914] {strides = array<i32>} : memref<8x2048xbf16, #tpu.memory_space<vmem>>, vector<1x32xbf16>,
      %swap3A_916 = vector.shape_cast %swap3A_915 : vector<1x32xbf16> to vector<32xbf16>
      %swap3A_917 = vector.shape_cast %scan3A_876#7 : vector<32xbf16> to vector<1x32xbf16>
      tpu.vector_store %arg10[%swap3A_913, %swap3A_914], %swap3A_917 {strides = array<i32>} : memref<8x2048xbf16, #tpu.memory_space<vmem>>, vector<1x32xbf16>,
      %broadcast_in_dim3A_918 = arith.constant 0.000000e+00 : bf16
      %broadcast_in_dim3A_919 = vector.broadcast %broadcast_in_dim3A_918 : bf16 to vector<32xbf16>
      %scan3A_920 = arith.constant 0 : i32
      %scan3A_921 = arith.constant 18 : i32
      %scan3A_922 = arith.addi %scan3A_920, %scan3A_921 : i32
      %scan3A_923 = arith.constant 1 : i32
      %scan3A_924:8 = scf.for %scan3A_1019 = %scan3A_920 to %scan3A_922 step %scan3A_923 iter_args(%scan3A_1020 = %broadcast_in_dim3A_919, %scan3A_1021 = %broadcast_in_dim3A_919, %scan3A_1022 = %broadcast_in_dim3A_919, %scan3A_1023 = %broadcast_in_dim3A_919, %scan3A_1024 = %broadcast_in_dim3A_919, %scan3A_1025 = %broadcast_in_dim3A_919, %scan3A_1026 = %broadcast_in_dim3A_919, %scan3A_1027 = %broadcast_in_dim3A_919) -> (vector<32xbf16>, vector<32xbf16>, vector<32xbf16>, vector<32xbf16>, vector<32xbf16>, vector<32xbf16>, vector<32xbf16>, vector<32xbf16>)  : i32 {
        %get3A_1028 = arith.constant 1 : i32
        %get3A_1029 = arith.index_cast %get3A_1028 : i32 to index
        %get3A_1030 = arith.index_cast %scan3A_1019 : i32 to index
        %get3A_1031 = arith.constant 1536 : index
        %get3A_1032 = tpu.vector_load %arg8[%get3A_1029, %get3A_1030, %get3A_1031] {strides = array<i32>} : memref<2x20x2080xbf16, #tpu.memory_space<vmem>>, vector<1x1x32xbf16>,
        %get3A_1033 = vector.shape_cast %get3A_1032 : vector<1x1x32xbf16> to vector<32xbf16>
        %add3A_1034 = arith.constant 1 : i32
        %add3A_1035 = arith.addi %scan3A_1019, %add3A_1034 : i32
        %get3A_1036 = arith.constant 1 : i32
        %get3A_1037 = arith.index_cast %get3A_1036 : i32 to index
        %get3A_1038 = arith.index_cast %add3A_1035 : i32 to index
        %get3A_1039 = arith.constant 1536 : index
        %get3A_1040 = tpu.vector_load %arg9[%get3A_1037, %get3A_1038, %get3A_1039] {strides = array<i32>} : memref<2x20x2080xbf16, #tpu.memory_space<vmem>>, vector<1x1x32xbf16>,
        %get3A_1041 = vector.shape_cast %get3A_1040 : vector<1x1x32xbf16> to vector<32xbf16>
        %mul3A_1042 = arith.mulf %get3A_1033, %get3A_1041 : vector<32xbf16>
        %add3A_1043 = arith.constant 2 : i32
        %add3A_1044 = arith.addi %scan3A_1019, %add3A_1043 : i32
        %get3A_1045 = arith.constant 1 : i32
        %get3A_1046 = arith.index_cast %get3A_1045 : i32 to index
        %get3A_1047 = arith.index_cast %add3A_1044 : i32 to index
        %get3A_1048 = arith.constant 1538 : index
        %get3A_1049 = tpu.vector_load %arg8[%get3A_1046, %get3A_1047, %get3A_1048] {strides = array<i32>} : memref<2x20x2080xbf16, #tpu.memory_space<vmem>>, vector<1x1x32xbf16>,
        %get3A_1050 = vector.shape_cast %get3A_1049 : vector<1x1x32xbf16> to vector<32xbf16>
        %mul3A_1051 = arith.mulf %mul3A_1042, %get3A_1050 : vector<32xbf16>
        %add3A_1052 = arith.addf %scan3A_1020, %mul3A_1051 : vector<32xbf16>
        %get3A_1053 = arith.constant 1 : i32
        %get3A_1054 = arith.index_cast %get3A_1053 : i32 to index
        %get3A_1055 = arith.index_cast %scan3A_1019 : i32 to index
        %get3A_1056 = arith.constant 1568 : index
        %get3A_1057 = tpu.vector_load %arg8[%get3A_1054, %get3A_1055, %get3A_1056] {strides = array<i32>} : memref<2x20x2080xbf16, #tpu.memory_space<vmem>>, vector<1x1x32xbf16>,
        %get3A_1058 = vector.shape_cast %get3A_1057 : vector<1x1x32xbf16> to vector<32xbf16>
        %add3A_1059 = arith.constant 1 : i32
        %add3A_1060 = arith.addi %scan3A_1019, %add3A_1059 : i32
        %get3A_1061 = arith.constant 1 : i32
        %get3A_1062 = arith.index_cast %get3A_1061 : i32 to index
        %get3A_1063 = arith.index_cast %add3A_1060 : i32 to index
        %get3A_1064 = arith.constant 1568 : index
        %get3A_1065 = tpu.vector_load %arg9[%get3A_1062, %get3A_1063, %get3A_1064] {strides = array<i32>} : memref<2x20x2080xbf16, #tpu.memory_space<vmem>>, vector<1x1x32xbf16>,
        %get3A_1066 = vector.shape_cast %get3A_1065 : vector<1x1x32xbf16> to vector<32xbf16>
        %mul3A_1067 = arith.mulf %get3A_1058, %get3A_1066 : vector<32xbf16>
        %add3A_1068 = arith.constant 2 : i32
        %add3A_1069 = arith.addi %scan3A_1019, %add3A_1068 : i32
        %get3A_1070 = arith.constant 1 : i32
        %get3A_1071 = arith.index_cast %get3A_1070 : i32 to index
        %get3A_1072 = arith.index_cast %add3A_1069 : i32 to index
        %get3A_1073 = arith.constant 1570 : index
        %get3A_1074 = tpu.vector_load %arg8[%get3A_1071, %get3A_1072, %get3A_1073] {strides = array<i32>} : memref<2x20x2080xbf16, #tpu.memory_space<vmem>>, vector<1x1x32xbf16>,
        %get3A_1075 = vector.shape_cast %get3A_1074 : vector<1x1x32xbf16> to vector<32xbf16>
        %mul3A_1076 = arith.mulf %mul3A_1067, %get3A_1075 : vector<32xbf16>
        %add3A_1077 = arith.addf %scan3A_1021, %mul3A_1076 : vector<32xbf16>
        %get3A_1078 = arith.constant 1 : i32
        %get3A_1079 = arith.index_cast %get3A_1078 : i32 to index
        %get3A_1080 = arith.index_cast %scan3A_1019 : i32 to index
        %get3A_1081 = arith.constant 1600 : index
        %get3A_1082 = tpu.vector_load %arg8[%get3A_1079, %get3A_1080, %get3A_1081] {strides = array<i32>} : memref<2x20x2080xbf16, #tpu.memory_space<vmem>>, vector<1x1x32xbf16>,
        %get3A_1083 = vector.shape_cast %get3A_1082 : vector<1x1x32xbf16> to vector<32xbf16>
        %add3A_1084 = arith.constant 1 : i32
        %add3A_1085 = arith.addi %scan3A_1019, %add3A_1084 : i32
        %get3A_1086 = arith.constant 1 : i32
        %get3A_1087 = arith.index_cast %get3A_1086 : i32 to index
        %get3A_1088 = arith.index_cast %add3A_1085 : i32 to index
        %get3A_1089 = arith.constant 1600 : index
        %get3A_1090 = tpu.vector_load %arg9[%get3A_1087, %get3A_1088, %get3A_1089] {strides = array<i32>} : memref<2x20x2080xbf16, #tpu.memory_space<vmem>>, vector<1x1x32xbf16>,
        %get3A_1091 = vector.shape_cast %get3A_1090 : vector<1x1x32xbf16> to vector<32xbf16>
        %mul3A_1092 = arith.mulf %get3A_1083, %get3A_1091 : vector<32xbf16>
        %add3A_1093 = arith.constant 2 : i32
        %add3A_1094 = arith.addi %scan3A_1019, %add3A_1093 : i32
        %get3A_1095 = arith.constant 1 : i32
        %get3A_1096 = arith.index_cast %get3A_1095 : i32 to index
        %get3A_1097 = arith.index_cast %add3A_1094 : i32 to index
        %get3A_1098 = arith.constant 1602 : index
        %get3A_1099 = tpu.vector_load %arg8[%get3A_1096, %get3A_1097, %get3A_1098] {strides = array<i32>} : memref<2x20x2080xbf16, #tpu.memory_space<vmem>>, vector<1x1x32xbf16>,
        %get3A_1100 = vector.shape_cast %get3A_1099 : vector<1x1x32xbf16> to vector<32xbf16>
        %mul3A_1101 = arith.mulf %mul3A_1092, %get3A_1100 : vector<32xbf16>
        %add3A_1102 = arith.addf %scan3A_1022, %mul3A_1101 : vector<32xbf16>
        %get3A_1103 = arith.constant 1 : i32
        %get3A_1104 = arith.index_cast %get3A_1103 : i32 to index
        %get3A_1105 = arith.index_cast %scan3A_1019 : i32 to index
        %get3A_1106 = arith.constant 1632 : index
        %get3A_1107 = tpu.vector_load %arg8[%get3A_1104, %get3A_1105, %get3A_1106] {strides = array<i32>} : memref<2x20x2080xbf16, #tpu.memory_space<vmem>>, vector<1x1x32xbf16>,
        %get3A_1108 = vector.shape_cast %get3A_1107 : vector<1x1x32xbf16> to vector<32xbf16>
        %add3A_1109 = arith.constant 1 : i32
        %add3A_1110 = arith.addi %scan3A_1019, %add3A_1109 : i32
        %get3A_1111 = arith.constant 1 : i32
        %get3A_1112 = arith.index_cast %get3A_1111 : i32 to index
        %get3A_1113 = arith.index_cast %add3A_1110 : i32 to index
        %get3A_1114 = arith.constant 1632 : index
        %get3A_1115 = tpu.vector_load %arg9[%get3A_1112, %get3A_1113, %get3A_1114] {strides = array<i32>} : memref<2x20x2080xbf16, #tpu.memory_space<vmem>>, vector<1x1x32xbf16>,
        %get3A_1116 = vector.shape_cast %get3A_1115 : vector<1x1x32xbf16> to vector<32xbf16>
        %mul3A_1117 = arith.mulf %get3A_1108, %get3A_1116 : vector<32xbf16>
        %add3A_1118 = arith.constant 2 : i32
        %add3A_1119 = arith.addi %scan3A_1019, %add3A_1118 : i32
        %get3A_1120 = arith.constant 1 : i32
        %get3A_1121 = arith.index_cast %get3A_1120 : i32 to index
        %get3A_1122 = arith.index_cast %add3A_1119 : i32 to index
        %get3A_1123 = arith.constant 1634 : index
        %get3A_1124 = tpu.vector_load %arg8[%get3A_1121, %get3A_1122, %get3A_1123] {strides = array<i32>} : memref<2x20x2080xbf16, #tpu.memory_space<vmem>>, vector<1x1x32xbf16>,
        %get3A_1125 = vector.shape_cast %get3A_1124 : vector<1x1x32xbf16> to vector<32xbf16>
        %mul3A_1126 = arith.mulf %mul3A_1117, %get3A_1125 : vector<32xbf16>
        %add3A_1127 = arith.addf %scan3A_1023, %mul3A_1126 : vector<32xbf16>
        %get3A_1128 = arith.constant 1 : i32
        %get3A_1129 = arith.index_cast %get3A_1128 : i32 to index
        %get3A_1130 = arith.index_cast %scan3A_1019 : i32 to index
        %get3A_1131 = arith.constant 1664 : index
        %get3A_1132 = tpu.vector_load %arg8[%get3A_1129, %get3A_1130, %get3A_1131] {strides = array<i32>} : memref<2x20x2080xbf16, #tpu.memory_space<vmem>>, vector<1x1x32xbf16>,
        %get3A_1133 = vector.shape_cast %get3A_1132 : vector<1x1x32xbf16> to vector<32xbf16>
        %add3A_1134 = arith.constant 1 : i32
        %add3A_1135 = arith.addi %scan3A_1019, %add3A_1134 : i32
        %get3A_1136 = arith.constant 1 : i32
        %get3A_1137 = arith.index_cast %get3A_1136 : i32 to index
        %get3A_1138 = arith.index_cast %add3A_1135 : i32 to index
        %get3A_1139 = arith.constant 1664 : index
        %get3A_1140 = tpu.vector_load %arg9[%get3A_1137, %get3A_1138, %get3A_1139] {strides = array<i32>} : memref<2x20x2080xbf16, #tpu.memory_space<vmem>>, vector<1x1x32xbf16>,
        %get3A_1141 = vector.shape_cast %get3A_1140 : vector<1x1x32xbf16> to vector<32xbf16>
        %mul3A_1142 = arith.mulf %get3A_1133, %get3A_1141 : vector<32xbf16>
        %add3A_1143 = arith.constant 2 : i32
        %add3A_1144 = arith.addi %scan3A_1019, %add3A_1143 : i32
        %get3A_1145 = arith.constant 1 : i32
        %get3A_1146 = arith.index_cast %get3A_1145 : i32 to index
        %get3A_1147 = arith.index_cast %add3A_1144 : i32 to index
        %get3A_1148 = arith.constant 1666 : index
        %get3A_1149 = tpu.vector_load %arg8[%get3A_1146, %get3A_1147, %get3A_1148] {strides = array<i32>} : memref<2x20x2080xbf16, #tpu.memory_space<vmem>>, vector<1x1x32xbf16>,
        %get3A_1150 = vector.shape_cast %get3A_1149 : vector<1x1x32xbf16> to vector<32xbf16>
        %mul3A_1151 = arith.mulf %mul3A_1142, %get3A_1150 : vector<32xbf16>
        %add3A_1152 = arith.addf %scan3A_1024, %mul3A_1151 : vector<32xbf16>
        %get3A_1153 = arith.constant 1 : i32
        %get3A_1154 = arith.index_cast %get3A_1153 : i32 to index
        %get3A_1155 = arith.index_cast %scan3A_1019 : i32 to index
        %get3A_1156 = arith.constant 1696 : index
        %get3A_1157 = tpu.vector_load %arg8[%get3A_1154, %get3A_1155, %get3A_1156] {strides = array<i32>} : memref<2x20x2080xbf16, #tpu.memory_space<vmem>>, vector<1x1x32xbf16>,
        %get3A_1158 = vector.shape_cast %get3A_1157 : vector<1x1x32xbf16> to vector<32xbf16>
        %add3A_1159 = arith.constant 1 : i32
        %add3A_1160 = arith.addi %scan3A_1019, %add3A_1159 : i32
        %get3A_1161 = arith.constant 1 : i32
        %get3A_1162 = arith.index_cast %get3A_1161 : i32 to index
        %get3A_1163 = arith.index_cast %add3A_1160 : i32 to index
        %get3A_1164 = arith.constant 1696 : index
        %get3A_1165 = tpu.vector_load %arg9[%get3A_1162, %get3A_1163, %get3A_1164] {strides = array<i32>} : memref<2x20x2080xbf16, #tpu.memory_space<vmem>>, vector<1x1x32xbf16>,
        %get3A_1166 = vector.shape_cast %get3A_1165 : vector<1x1x32xbf16> to vector<32xbf16>
        %mul3A_1167 = arith.mulf %get3A_1158, %get3A_1166 : vector<32xbf16>
        %add3A_1168 = arith.constant 2 : i32
        %add3A_1169 = arith.addi %scan3A_1019, %add3A_1168 : i32
        %get3A_1170 = arith.constant 1 : i32
        %get3A_1171 = arith.index_cast %get3A_1170 : i32 to index
        %get3A_1172 = arith.index_cast %add3A_1169 : i32 to index
        %get3A_1173 = arith.constant 1698 : index
        %get3A_1174 = tpu.vector_load %arg8[%get3A_1171, %get3A_1172, %get3A_1173] {strides = array<i32>} : memref<2x20x2080xbf16, #tpu.memory_space<vmem>>, vector<1x1x32xbf16>,
        %get3A_1175 = vector.shape_cast %get3A_1174 : vector<1x1x32xbf16> to vector<32xbf16>
        %mul3A_1176 = arith.mulf %mul3A_1167, %get3A_1175 : vector<32xbf16>
        %add3A_1177 = arith.addf %scan3A_1025, %mul3A_1176 : vector<32xbf16>
        %get3A_1178 = arith.constant 1 : i32
        %get3A_1179 = arith.index_cast %get3A_1178 : i32 to index
        %get3A_1180 = arith.index_cast %scan3A_1019 : i32 to index
        %get3A_1181 = arith.constant 1728 : index
        %get3A_1182 = tpu.vector_load %arg8[%get3A_1179, %get3A_1180, %get3A_1181] {strides = array<i32>} : memref<2x20x2080xbf16, #tpu.memory_space<vmem>>, vector<1x1x32xbf16>,
        %get3A_1183 = vector.shape_cast %get3A_1182 : vector<1x1x32xbf16> to vector<32xbf16>
        %add3A_1184 = arith.constant 1 : i32
        %add3A_1185 = arith.addi %scan3A_1019, %add3A_1184 : i32
        %get3A_1186 = arith.constant 1 : i32
        %get3A_1187 = arith.index_cast %get3A_1186 : i32 to index
        %get3A_1188 = arith.index_cast %add3A_1185 : i32 to index
        %get3A_1189 = arith.constant 1728 : index
        %get3A_1190 = tpu.vector_load %arg9[%get3A_1187, %get3A_1188, %get3A_1189] {strides = array<i32>} : memref<2x20x2080xbf16, #tpu.memory_space<vmem>>, vector<1x1x32xbf16>,
        %get3A_1191 = vector.shape_cast %get3A_1190 : vector<1x1x32xbf16> to vector<32xbf16>
        %mul3A_1192 = arith.mulf %get3A_1183, %get3A_1191 : vector<32xbf16>
        %add3A_1193 = arith.constant 2 : i32
        %add3A_1194 = arith.addi %scan3A_1019, %add3A_1193 : i32
        %get3A_1195 = arith.constant 1 : i32
        %get3A_1196 = arith.index_cast %get3A_1195 : i32 to index
        %get3A_1197 = arith.index_cast %add3A_1194 : i32 to index
        %get3A_1198 = arith.constant 1730 : index
        %get3A_1199 = tpu.vector_load %arg8[%get3A_1196, %get3A_1197, %get3A_1198] {strides = array<i32>} : memref<2x20x2080xbf16, #tpu.memory_space<vmem>>, vector<1x1x32xbf16>,
        %get3A_1200 = vector.shape_cast %get3A_1199 : vector<1x1x32xbf16> to vector<32xbf16>
        %mul3A_1201 = arith.mulf %mul3A_1192, %get3A_1200 : vector<32xbf16>
        %add3A_1202 = arith.addf %scan3A_1026, %mul3A_1201 : vector<32xbf16>
        %get3A_1203 = arith.constant 1 : i32
        %get3A_1204 = arith.index_cast %get3A_1203 : i32 to index
        %get3A_1205 = arith.index_cast %scan3A_1019 : i32 to index
        %get3A_1206 = arith.constant 1760 : index
        %get3A_1207 = tpu.vector_load %arg8[%get3A_1204, %get3A_1205, %get3A_1206] {strides = array<i32>} : memref<2x20x2080xbf16, #tpu.memory_space<vmem>>, vector<1x1x32xbf16>,
        %get3A_1208 = vector.shape_cast %get3A_1207 : vector<1x1x32xbf16> to vector<32xbf16>
        %add3A_1209 = arith.constant 1 : i32
        %add3A_1210 = arith.addi %scan3A_1019, %add3A_1209 : i32
        %get3A_1211 = arith.constant 1 : i32
        %get3A_1212 = arith.index_cast %get3A_1211 : i32 to index
        %get3A_1213 = arith.index_cast %add3A_1210 : i32 to index
        %get3A_1214 = arith.constant 1760 : index
        %get3A_1215 = tpu.vector_load %arg9[%get3A_1212, %get3A_1213, %get3A_1214] {strides = array<i32>} : memref<2x20x2080xbf16, #tpu.memory_space<vmem>>, vector<1x1x32xbf16>,
        %get3A_1216 = vector.shape_cast %get3A_1215 : vector<1x1x32xbf16> to vector<32xbf16>
        %mul3A_1217 = arith.mulf %get3A_1208, %get3A_1216 : vector<32xbf16>
        %add3A_1218 = arith.constant 2 : i32
        %add3A_1219 = arith.addi %scan3A_1019, %add3A_1218 : i32
        %get3A_1220 = arith.constant 1 : i32
        %get3A_1221 = arith.index_cast %get3A_1220 : i32 to index
        %get3A_1222 = arith.index_cast %add3A_1219 : i32 to index
        %get3A_1223 = arith.constant 1762 : index
        %get3A_1224 = tpu.vector_load %arg8[%get3A_1221, %get3A_1222, %get3A_1223] {strides = array<i32>} : memref<2x20x2080xbf16, #tpu.memory_space<vmem>>, vector<1x1x32xbf16>,
        %get3A_1225 = vector.shape_cast %get3A_1224 : vector<1x1x32xbf16> to vector<32xbf16>
        %mul3A_1226 = arith.mulf %mul3A_1217, %get3A_1225 : vector<32xbf16>
        %add3A_1227 = arith.addf %scan3A_1027, %mul3A_1226 : vector<32xbf16>
        scf.yield %add3A_1052, %add3A_1077, %add3A_1102, %add3A_1127, %add3A_1152, %add3A_1177, %add3A_1202, %add3A_1227 : vector<32xbf16>, vector<32xbf16>, vector<32xbf16>, vector<32xbf16>, vector<32xbf16>, vector<32xbf16>, vector<32xbf16>, vector<32xbf16>
      }
      %scan3A_925 = arith.constant 18 : i32
      %swap3A_926 = arith.index_cast %add3A_629 : i32 to index
      %swap3A_927 = arith.constant 1536 : index
      %swap3A_928 = tpu.vector_load %arg10[%swap3A_926, %swap3A_927] {strides = array<i32>} : memref<8x2048xbf16, #tpu.memory_space<vmem>>, vector<1x32xbf16>,
      %swap3A_929 = vector.shape_cast %swap3A_928 : vector<1x32xbf16> to vector<32xbf16>
      %swap3A_930 = vector.shape_cast %scan3A_924#0 : vector<32xbf16> to vector<1x32xbf16>
      tpu.vector_store %arg10[%swap3A_926, %swap3A_927], %swap3A_930 {strides = array<i32>} : memref<8x2048xbf16, #tpu.memory_space<vmem>>, vector<1x32xbf16>,
      %swap3A_931 = arith.index_cast %add3A_629 : i32 to index
      %swap3A_932 = arith.constant 1568 : index
      %swap3A_933 = tpu.vector_load %arg10[%swap3A_931, %swap3A_932] {strides = array<i32>} : memref<8x2048xbf16, #tpu.memory_space<vmem>>, vector<1x32xbf16>,
      %swap3A_934 = vector.shape_cast %swap3A_933 : vector<1x32xbf16> to vector<32xbf16>
      %swap3A_935 = vector.shape_cast %scan3A_924#1 : vector<32xbf16> to vector<1x32xbf16>
      tpu.vector_store %arg10[%swap3A_931, %swap3A_932], %swap3A_935 {strides = array<i32>} : memref<8x2048xbf16, #tpu.memory_space<vmem>>, vector<1x32xbf16>,
      %swap3A_936 = arith.index_cast %add3A_629 : i32 to index
      %swap3A_937 = arith.constant 1600 : index
      %swap3A_938 = tpu.vector_load %arg10[%swap3A_936, %swap3A_937] {strides = array<i32>} : memref<8x2048xbf16, #tpu.memory_space<vmem>>, vector<1x32xbf16>,
      %swap3A_939 = vector.shape_cast %swap3A_938 : vector<1x32xbf16> to vector<32xbf16>
      %swap3A_940 = vector.shape_cast %scan3A_924#2 : vector<32xbf16> to vector<1x32xbf16>
      tpu.vector_store %arg10[%swap3A_936, %swap3A_937], %swap3A_940 {strides = array<i32>} : memref<8x2048xbf16, #tpu.memory_space<vmem>>, vector<1x32xbf16>,
      %swap3A_941 = arith.index_cast %add3A_629 : i32 to index
      %swap3A_942 = arith.constant 1632 : index
      %swap3A_943 = tpu.vector_load %arg10[%swap3A_941, %swap3A_942] {strides = array<i32>} : memref<8x2048xbf16, #tpu.memory_space<vmem>>, vector<1x32xbf16>,
      %swap3A_944 = vector.shape_cast %swap3A_943 : vector<1x32xbf16> to vector<32xbf16>
      %swap3A_945 = vector.shape_cast %scan3A_924#3 : vector<32xbf16> to vector<1x32xbf16>
      tpu.vector_store %arg10[%swap3A_941, %swap3A_942], %swap3A_945 {strides = array<i32>} : memref<8x2048xbf16, #tpu.memory_space<vmem>>, vector<1x32xbf16>,
      %swap3A_946 = arith.index_cast %add3A_629 : i32 to index
      %swap3A_947 = arith.constant 1664 : index
      %swap3A_948 = tpu.vector_load %arg10[%swap3A_946, %swap3A_947] {strides = array<i32>} : memref<8x2048xbf16, #tpu.memory_space<vmem>>, vector<1x32xbf16>,
      %swap3A_949 = vector.shape_cast %swap3A_948 : vector<1x32xbf16> to vector<32xbf16>
      %swap3A_950 = vector.shape_cast %scan3A_924#4 : vector<32xbf16> to vector<1x32xbf16>
      tpu.vector_store %arg10[%swap3A_946, %swap3A_947], %swap3A_950 {strides = array<i32>} : memref<8x2048xbf16, #tpu.memory_space<vmem>>, vector<1x32xbf16>,
      %swap3A_951 = arith.index_cast %add3A_629 : i32 to index
      %swap3A_952 = arith.constant 1696 : index
      %swap3A_953 = tpu.vector_load %arg10[%swap3A_951, %swap3A_952] {strides = array<i32>} : memref<8x2048xbf16, #tpu.memory_space<vmem>>, vector<1x32xbf16>,
      %swap3A_954 = vector.shape_cast %swap3A_953 : vector<1x32xbf16> to vector<32xbf16>
      %swap3A_955 = vector.shape_cast %scan3A_924#5 : vector<32xbf16> to vector<1x32xbf16>
      tpu.vector_store %arg10[%swap3A_951, %swap3A_952], %swap3A_955 {strides = array<i32>} : memref<8x2048xbf16, #tpu.memory_space<vmem>>, vector<1x32xbf16>,
      %swap3A_956 = arith.index_cast %add3A_629 : i32 to index
      %swap3A_957 = arith.constant 1728 : index
      %swap3A_958 = tpu.vector_load %arg10[%swap3A_956, %swap3A_957] {strides = array<i32>} : memref<8x2048xbf16, #tpu.memory_space<vmem>>, vector<1x32xbf16>,
      %swap3A_959 = vector.shape_cast %swap3A_958 : vector<1x32xbf16> to vector<32xbf16>
      %swap3A_960 = vector.shape_cast %scan3A_924#6 : vector<32xbf16> to vector<1x32xbf16>
      tpu.vector_store %arg10[%swap3A_956, %swap3A_957], %swap3A_960 {strides = array<i32>} : memref<8x2048xbf16, #tpu.memory_space<vmem>>, vector<1x32xbf16>,
      %swap3A_961 = arith.index_cast %add3A_629 : i32 to index
      %swap3A_962 = arith.constant 1760 : index
      %swap3A_963 = tpu.vector_load %arg10[%swap3A_961, %swap3A_962] {strides = array<i32>} : memref<8x2048xbf16, #tpu.memory_space<vmem>>, vector<1x32xbf16>,
      %swap3A_964 = vector.shape_cast %swap3A_963 : vector<1x32xbf16> to vector<32xbf16>
      %swap3A_965 = vector.shape_cast %scan3A_924#7 : vector<32xbf16> to vector<1x32xbf16>
      tpu.vector_store %arg10[%swap3A_961, %swap3A_962], %swap3A_965 {strides = array<i32>} : memref<8x2048xbf16, #tpu.memory_space<vmem>>, vector<1x32xbf16>,
      %broadcast_in_dim3A_966 = arith.constant 0.000000e+00 : bf16
      %broadcast_in_dim3A_967 = vector.broadcast %broadcast_in_dim3A_966 : bf16 to vector<32xbf16>
      %scan3A_968 = arith.constant 0 : i32
      %scan3A_969 = arith.constant 18 : i32
      %scan3A_970 = arith.addi %scan3A_968, %scan3A_969 : i32
      %scan3A_971 = arith.constant 1 : i32
      %scan3A_972:8 = scf.for %scan3A_1019 = %scan3A_968 to %scan3A_970 step %scan3A_971 iter_args(%scan3A_1020 = %broadcast_in_dim3A_967, %scan3A_1021 = %broadcast_in_dim3A_967, %scan3A_1022 = %broadcast_in_dim3A_967, %scan3A_1023 = %broadcast_in_dim3A_967, %scan3A_1024 = %broadcast_in_dim3A_967, %scan3A_1025 = %broadcast_in_dim3A_967, %scan3A_1026 = %broadcast_in_dim3A_967, %scan3A_1027 = %broadcast_in_dim3A_967) -> (vector<32xbf16>, vector<32xbf16>, vector<32xbf16>, vector<32xbf16>, vector<32xbf16>, vector<32xbf16>, vector<32xbf16>, vector<32xbf16>)  : i32 {
        %get3A_1028 = arith.constant 1 : i32
        %get3A_1029 = arith.index_cast %get3A_1028 : i32 to index
        %get3A_1030 = arith.index_cast %scan3A_1019 : i32 to index
        %get3A_1031 = arith.constant 1792 : index
        %get3A_1032 = tpu.vector_load %arg8[%get3A_1029, %get3A_1030, %get3A_1031] {strides = array<i32>} : memref<2x20x2080xbf16, #tpu.memory_space<vmem>>, vector<1x1x32xbf16>,
        %get3A_1033 = vector.shape_cast %get3A_1032 : vector<1x1x32xbf16> to vector<32xbf16>
        %add3A_1034 = arith.constant 1 : i32
        %add3A_1035 = arith.addi %scan3A_1019, %add3A_1034 : i32
        %get3A_1036 = arith.constant 1 : i32
        %get3A_1037 = arith.index_cast %get3A_1036 : i32 to index
        %get3A_1038 = arith.index_cast %add3A_1035 : i32 to index
        %get3A_1039 = arith.constant 1792 : index
        %get3A_1040 = tpu.vector_load %arg9[%get3A_1037, %get3A_1038, %get3A_1039] {strides = array<i32>} : memref<2x20x2080xbf16, #tpu.memory_space<vmem>>, vector<1x1x32xbf16>,
        %get3A_1041 = vector.shape_cast %get3A_1040 : vector<1x1x32xbf16> to vector<32xbf16>
        %mul3A_1042 = arith.mulf %get3A_1033, %get3A_1041 : vector<32xbf16>
        %add3A_1043 = arith.constant 2 : i32
        %add3A_1044 = arith.addi %scan3A_1019, %add3A_1043 : i32
        %get3A_1045 = arith.constant 1 : i32
        %get3A_1046 = arith.index_cast %get3A_1045 : i32 to index
        %get3A_1047 = arith.index_cast %add3A_1044 : i32 to index
        %get3A_1048 = arith.constant 1794 : index
        %get3A_1049 = tpu.vector_load %arg8[%get3A_1046, %get3A_1047, %get3A_1048] {strides = array<i32>} : memref<2x20x2080xbf16, #tpu.memory_space<vmem>>, vector<1x1x32xbf16>,
        %get3A_1050 = vector.shape_cast %get3A_1049 : vector<1x1x32xbf16> to vector<32xbf16>
        %mul3A_1051 = arith.mulf %mul3A_1042, %get3A_1050 : vector<32xbf16>
        %add3A_1052 = arith.addf %scan3A_1020, %mul3A_1051 : vector<32xbf16>
        %get3A_1053 = arith.constant 1 : i32
        %get3A_1054 = arith.index_cast %get3A_1053 : i32 to index
        %get3A_1055 = arith.index_cast %scan3A_1019 : i32 to index
        %get3A_1056 = arith.constant 1824 : index
        %get3A_1057 = tpu.vector_load %arg8[%get3A_1054, %get3A_1055, %get3A_1056] {strides = array<i32>} : memref<2x20x2080xbf16, #tpu.memory_space<vmem>>, vector<1x1x32xbf16>,
        %get3A_1058 = vector.shape_cast %get3A_1057 : vector<1x1x32xbf16> to vector<32xbf16>
        %add3A_1059 = arith.constant 1 : i32
        %add3A_1060 = arith.addi %scan3A_1019, %add3A_1059 : i32
        %get3A_1061 = arith.constant 1 : i32
        %get3A_1062 = arith.index_cast %get3A_1061 : i32 to index
        %get3A_1063 = arith.index_cast %add3A_1060 : i32 to index
        %get3A_1064 = arith.constant 1824 : index
        %get3A_1065 = tpu.vector_load %arg9[%get3A_1062, %get3A_1063, %get3A_1064] {strides = array<i32>} : memref<2x20x2080xbf16, #tpu.memory_space<vmem>>, vector<1x1x32xbf16>,
        %get3A_1066 = vector.shape_cast %get3A_1065 : vector<1x1x32xbf16> to vector<32xbf16>
        %mul3A_1067 = arith.mulf %get3A_1058, %get3A_1066 : vector<32xbf16>
        %add3A_1068 = arith.constant 2 : i32
        %add3A_1069 = arith.addi %scan3A_1019, %add3A_1068 : i32
        %get3A_1070 = arith.constant 1 : i32
        %get3A_1071 = arith.index_cast %get3A_1070 : i32 to index
        %get3A_1072 = arith.index_cast %add3A_1069 : i32 to index
        %get3A_1073 = arith.constant 1826 : index
        %get3A_1074 = tpu.vector_load %arg8[%get3A_1071, %get3A_1072, %get3A_1073] {strides = array<i32>} : memref<2x20x2080xbf16, #tpu.memory_space<vmem>>, vector<1x1x32xbf16>,
        %get3A_1075 = vector.shape_cast %get3A_1074 : vector<1x1x32xbf16> to vector<32xbf16>
        %mul3A_1076 = arith.mulf %mul3A_1067, %get3A_1075 : vector<32xbf16>
        %add3A_1077 = arith.addf %scan3A_1021, %mul3A_1076 : vector<32xbf16>
        %get3A_1078 = arith.constant 1 : i32
        %get3A_1079 = arith.index_cast %get3A_1078 : i32 to index
        %get3A_1080 = arith.index_cast %scan3A_1019 : i32 to index
        %get3A_1081 = arith.constant 1856 : index
        %get3A_1082 = tpu.vector_load %arg8[%get3A_1079, %get3A_1080, %get3A_1081] {strides = array<i32>} : memref<2x20x2080xbf16, #tpu.memory_space<vmem>>, vector<1x1x32xbf16>,
        %get3A_1083 = vector.shape_cast %get3A_1082 : vector<1x1x32xbf16> to vector<32xbf16>
        %add3A_1084 = arith.constant 1 : i32
        %add3A_1085 = arith.addi %scan3A_1019, %add3A_1084 : i32
        %get3A_1086 = arith.constant 1 : i32
        %get3A_1087 = arith.index_cast %get3A_1086 : i32 to index
        %get3A_1088 = arith.index_cast %add3A_1085 : i32 to index
        %get3A_1089 = arith.constant 1856 : index
        %get3A_1090 = tpu.vector_load %arg9[%get3A_1087, %get3A_1088, %get3A_1089] {strides = array<i32>} : memref<2x20x2080xbf16, #tpu.memory_space<vmem>>, vector<1x1x32xbf16>,
        %get3A_1091 = vector.shape_cast %get3A_1090 : vector<1x1x32xbf16> to vector<32xbf16>
        %mul3A_1092 = arith.mulf %get3A_1083, %get3A_1091 : vector<32xbf16>
        %add3A_1093 = arith.constant 2 : i32
        %add3A_1094 = arith.addi %scan3A_1019, %add3A_1093 : i32
        %get3A_1095 = arith.constant 1 : i32
        %get3A_1096 = arith.index_cast %get3A_1095 : i32 to index
        %get3A_1097 = arith.index_cast %add3A_1094 : i32 to index
        %get3A_1098 = arith.constant 1858 : index
        %get3A_1099 = tpu.vector_load %arg8[%get3A_1096, %get3A_1097, %get3A_1098] {strides = array<i32>} : memref<2x20x2080xbf16, #tpu.memory_space<vmem>>, vector<1x1x32xbf16>,
        %get3A_1100 = vector.shape_cast %get3A_1099 : vector<1x1x32xbf16> to vector<32xbf16>
        %mul3A_1101 = arith.mulf %mul3A_1092, %get3A_1100 : vector<32xbf16>
        %add3A_1102 = arith.addf %scan3A_1022, %mul3A_1101 : vector<32xbf16>
        %get3A_1103 = arith.constant 1 : i32
        %get3A_1104 = arith.index_cast %get3A_1103 : i32 to index
        %get3A_1105 = arith.index_cast %scan3A_1019 : i32 to index
        %get3A_1106 = arith.constant 1888 : index
        %get3A_1107 = tpu.vector_load %arg8[%get3A_1104, %get3A_1105, %get3A_1106] {strides = array<i32>} : memref<2x20x2080xbf16, #tpu.memory_space<vmem>>, vector<1x1x32xbf16>,
        %get3A_1108 = vector.shape_cast %get3A_1107 : vector<1x1x32xbf16> to vector<32xbf16>
        %add3A_1109 = arith.constant 1 : i32
        %add3A_1110 = arith.addi %scan3A_1019, %add3A_1109 : i32
        %get3A_1111 = arith.constant 1 : i32
        %get3A_1112 = arith.index_cast %get3A_1111 : i32 to index
        %get3A_1113 = arith.index_cast %add3A_1110 : i32 to index
        %get3A_1114 = arith.constant 1888 : index
        %get3A_1115 = tpu.vector_load %arg9[%get3A_1112, %get3A_1113, %get3A_1114] {strides = array<i32>} : memref<2x20x2080xbf16, #tpu.memory_space<vmem>>, vector<1x1x32xbf16>,
        %get3A_1116 = vector.shape_cast %get3A_1115 : vector<1x1x32xbf16> to vector<32xbf16>
        %mul3A_1117 = arith.mulf %get3A_1108, %get3A_1116 : vector<32xbf16>
        %add3A_1118 = arith.constant 2 : i32
        %add3A_1119 = arith.addi %scan3A_1019, %add3A_1118 : i32
        %get3A_1120 = arith.constant 1 : i32
        %get3A_1121 = arith.index_cast %get3A_1120 : i32 to index
        %get3A_1122 = arith.index_cast %add3A_1119 : i32 to index
        %get3A_1123 = arith.constant 1890 : index
        %get3A_1124 = tpu.vector_load %arg8[%get3A_1121, %get3A_1122, %get3A_1123] {strides = array<i32>} : memref<2x20x2080xbf16, #tpu.memory_space<vmem>>, vector<1x1x32xbf16>,
        %get3A_1125 = vector.shape_cast %get3A_1124 : vector<1x1x32xbf16> to vector<32xbf16>
        %mul3A_1126 = arith.mulf %mul3A_1117, %get3A_1125 : vector<32xbf16>
        %add3A_1127 = arith.addf %scan3A_1023, %mul3A_1126 : vector<32xbf16>
        %get3A_1128 = arith.constant 1 : i32
        %get3A_1129 = arith.index_cast %get3A_1128 : i32 to index
        %get3A_1130 = arith.index_cast %scan3A_1019 : i32 to index
        %get3A_1131 = arith.constant 1920 : index
        %get3A_1132 = tpu.vector_load %arg8[%get3A_1129, %get3A_1130, %get3A_1131] {strides = array<i32>} : memref<2x20x2080xbf16, #tpu.memory_space<vmem>>, vector<1x1x32xbf16>,
        %get3A_1133 = vector.shape_cast %get3A_1132 : vector<1x1x32xbf16> to vector<32xbf16>
        %add3A_1134 = arith.constant 1 : i32
        %add3A_1135 = arith.addi %scan3A_1019, %add3A_1134 : i32
        %get3A_1136 = arith.constant 1 : i32
        %get3A_1137 = arith.index_cast %get3A_1136 : i32 to index
        %get3A_1138 = arith.index_cast %add3A_1135 : i32 to index
        %get3A_1139 = arith.constant 1920 : index
        %get3A_1140 = tpu.vector_load %arg9[%get3A_1137, %get3A_1138, %get3A_1139] {strides = array<i32>} : memref<2x20x2080xbf16, #tpu.memory_space<vmem>>, vector<1x1x32xbf16>,
        %get3A_1141 = vector.shape_cast %get3A_1140 : vector<1x1x32xbf16> to vector<32xbf16>
        %mul3A_1142 = arith.mulf %get3A_1133, %get3A_1141 : vector<32xbf16>
        %add3A_1143 = arith.constant 2 : i32
        %add3A_1144 = arith.addi %scan3A_1019, %add3A_1143 : i32
        %get3A_1145 = arith.constant 1 : i32
        %get3A_1146 = arith.index_cast %get3A_1145 : i32 to index
        %get3A_1147 = arith.index_cast %add3A_1144 : i32 to index
        %get3A_1148 = arith.constant 1922 : index
        %get3A_1149 = tpu.vector_load %arg8[%get3A_1146, %get3A_1147, %get3A_1148] {strides = array<i32>} : memref<2x20x2080xbf16, #tpu.memory_space<vmem>>, vector<1x1x32xbf16>,
        %get3A_1150 = vector.shape_cast %get3A_1149 : vector<1x1x32xbf16> to vector<32xbf16>
        %mul3A_1151 = arith.mulf %mul3A_1142, %get3A_1150 : vector<32xbf16>
        %add3A_1152 = arith.addf %scan3A_1024, %mul3A_1151 : vector<32xbf16>
        %get3A_1153 = arith.constant 1 : i32
        %get3A_1154 = arith.index_cast %get3A_1153 : i32 to index
        %get3A_1155 = arith.index_cast %scan3A_1019 : i32 to index
        %get3A_1156 = arith.constant 1952 : index
        %get3A_1157 = tpu.vector_load %arg8[%get3A_1154, %get3A_1155, %get3A_1156] {strides = array<i32>} : memref<2x20x2080xbf16, #tpu.memory_space<vmem>>, vector<1x1x32xbf16>,
        %get3A_1158 = vector.shape_cast %get3A_1157 : vector<1x1x32xbf16> to vector<32xbf16>
        %add3A_1159 = arith.constant 1 : i32
        %add3A_1160 = arith.addi %scan3A_1019, %add3A_1159 : i32
        %get3A_1161 = arith.constant 1 : i32
        %get3A_1162 = arith.index_cast %get3A_1161 : i32 to index
        %get3A_1163 = arith.index_cast %add3A_1160 : i32 to index
        %get3A_1164 = arith.constant 1952 : index
        %get3A_1165 = tpu.vector_load %arg9[%get3A_1162, %get3A_1163, %get3A_1164] {strides = array<i32>} : memref<2x20x2080xbf16, #tpu.memory_space<vmem>>, vector<1x1x32xbf16>,
        %get3A_1166 = vector.shape_cast %get3A_1165 : vector<1x1x32xbf16> to vector<32xbf16>
        %mul3A_1167 = arith.mulf %get3A_1158, %get3A_1166 : vector<32xbf16>
        %add3A_1168 = arith.constant 2 : i32
        %add3A_1169 = arith.addi %scan3A_1019, %add3A_1168 : i32
        %get3A_1170 = arith.constant 1 : i32
        %get3A_1171 = arith.index_cast %get3A_1170 : i32 to index
        %get3A_1172 = arith.index_cast %add3A_1169 : i32 to index
        %get3A_1173 = arith.constant 1954 : index
        %get3A_1174 = tpu.vector_load %arg8[%get3A_1171, %get3A_1172, %get3A_1173] {strides = array<i32>} : memref<2x20x2080xbf16, #tpu.memory_space<vmem>>, vector<1x1x32xbf16>,
        %get3A_1175 = vector.shape_cast %get3A_1174 : vector<1x1x32xbf16> to vector<32xbf16>
        %mul3A_1176 = arith.mulf %mul3A_1167, %get3A_1175 : vector<32xbf16>
        %add3A_1177 = arith.addf %scan3A_1025, %mul3A_1176 : vector<32xbf16>
        %get3A_1178 = arith.constant 1 : i32
        %get3A_1179 = arith.index_cast %get3A_1178 : i32 to index
        %get3A_1180 = arith.index_cast %scan3A_1019 : i32 to index
        %get3A_1181 = arith.constant 1984 : index
        %get3A_1182 = tpu.vector_load %arg8[%get3A_1179, %get3A_1180, %get3A_1181] {strides = array<i32>} : memref<2x20x2080xbf16, #tpu.memory_space<vmem>>, vector<1x1x32xbf16>,
        %get3A_1183 = vector.shape_cast %get3A_1182 : vector<1x1x32xbf16> to vector<32xbf16>
        %add3A_1184 = arith.constant 1 : i32
        %add3A_1185 = arith.addi %scan3A_1019, %add3A_1184 : i32
        %get3A_1186 = arith.constant 1 : i32
        %get3A_1187 = arith.index_cast %get3A_1186 : i32 to index
        %get3A_1188 = arith.index_cast %add3A_1185 : i32 to index
        %get3A_1189 = arith.constant 1984 : index
        %get3A_1190 = tpu.vector_load %arg9[%get3A_1187, %get3A_1188, %get3A_1189] {strides = array<i32>} : memref<2x20x2080xbf16, #tpu.memory_space<vmem>>, vector<1x1x32xbf16>,
        %get3A_1191 = vector.shape_cast %get3A_1190 : vector<1x1x32xbf16> to vector<32xbf16>
        %mul3A_1192 = arith.mulf %get3A_1183, %get3A_1191 : vector<32xbf16>
        %add3A_1193 = arith.constant 2 : i32
        %add3A_1194 = arith.addi %scan3A_1019, %add3A_1193 : i32
        %get3A_1195 = arith.constant 1 : i32
        %get3A_1196 = arith.index_cast %get3A_1195 : i32 to index
        %get3A_1197 = arith.index_cast %add3A_1194 : i32 to index
        %get3A_1198 = arith.constant 1986 : index
        %get3A_1199 = tpu.vector_load %arg8[%get3A_1196, %get3A_1197, %get3A_1198] {strides = array<i32>} : memref<2x20x2080xbf16, #tpu.memory_space<vmem>>, vector<1x1x32xbf16>,
        %get3A_1200 = vector.shape_cast %get3A_1199 : vector<1x1x32xbf16> to vector<32xbf16>
        %mul3A_1201 = arith.mulf %mul3A_1192, %get3A_1200 : vector<32xbf16>
        %add3A_1202 = arith.addf %scan3A_1026, %mul3A_1201 : vector<32xbf16>
        %get3A_1203 = arith.constant 1 : i32
        %get3A_1204 = arith.index_cast %get3A_1203 : i32 to index
        %get3A_1205 = arith.index_cast %scan3A_1019 : i32 to index
        %get3A_1206 = arith.constant 2016 : index
        %get3A_1207 = tpu.vector_load %arg8[%get3A_1204, %get3A_1205, %get3A_1206] {strides = array<i32>} : memref<2x20x2080xbf16, #tpu.memory_space<vmem>>, vector<1x1x32xbf16>,
        %get3A_1208 = vector.shape_cast %get3A_1207 : vector<1x1x32xbf16> to vector<32xbf16>
        %add3A_1209 = arith.constant 1 : i32
        %add3A_1210 = arith.addi %scan3A_1019, %add3A_1209 : i32
        %get3A_1211 = arith.constant 1 : i32
        %get3A_1212 = arith.index_cast %get3A_1211 : i32 to index
        %get3A_1213 = arith.index_cast %add3A_1210 : i32 to index
        %get3A_1214 = arith.constant 2016 : index
        %get3A_1215 = tpu.vector_load %arg9[%get3A_1212, %get3A_1213, %get3A_1214] {strides = array<i32>} : memref<2x20x2080xbf16, #tpu.memory_space<vmem>>, vector<1x1x32xbf16>,
        %get3A_1216 = vector.shape_cast %get3A_1215 : vector<1x1x32xbf16> to vector<32xbf16>
        %mul3A_1217 = arith.mulf %get3A_1208, %get3A_1216 : vector<32xbf16>
        %add3A_1218 = arith.constant 2 : i32
        %add3A_1219 = arith.addi %scan3A_1019, %add3A_1218 : i32
        %get3A_1220 = arith.constant 1 : i32
        %get3A_1221 = arith.index_cast %get3A_1220 : i32 to index
        %get3A_1222 = arith.index_cast %add3A_1219 : i32 to index
        %get3A_1223 = arith.constant 2018 : index
        %get3A_1224 = tpu.vector_load %arg8[%get3A_1221, %get3A_1222, %get3A_1223] {strides = array<i32>} : memref<2x20x2080xbf16, #tpu.memory_space<vmem>>, vector<1x1x32xbf16>,
        %get3A_1225 = vector.shape_cast %get3A_1224 : vector<1x1x32xbf16> to vector<32xbf16>
        %mul3A_1226 = arith.mulf %mul3A_1217, %get3A_1225 : vector<32xbf16>
        %add3A_1227 = arith.addf %scan3A_1027, %mul3A_1226 : vector<32xbf16>
        scf.yield %add3A_1052, %add3A_1077, %add3A_1102, %add3A_1127, %add3A_1152, %add3A_1177, %add3A_1202, %add3A_1227 : vector<32xbf16>, vector<32xbf16>, vector<32xbf16>, vector<32xbf16>, vector<32xbf16>, vector<32xbf16>, vector<32xbf16>, vector<32xbf16>
      }
      %scan3A_973 = arith.constant 18 : i32
      %swap3A_974 = arith.index_cast %add3A_629 : i32 to index
      %swap3A_975 = arith.constant 1792 : index
      %swap3A_976 = tpu.vector_load %arg10[%swap3A_974, %swap3A_975] {strides = array<i32>} : memref<8x2048xbf16, #tpu.memory_space<vmem>>, vector<1x32xbf16>,
      %swap3A_977 = vector.shape_cast %swap3A_976 : vector<1x32xbf16> to vector<32xbf16>
      %swap3A_978 = vector.shape_cast %scan3A_972#0 : vector<32xbf16> to vector<1x32xbf16>
      tpu.vector_store %arg10[%swap3A_974, %swap3A_975], %swap3A_978 {strides = array<i32>} : memref<8x2048xbf16, #tpu.memory_space<vmem>>, vector<1x32xbf16>,
      %swap3A_979 = arith.index_cast %add3A_629 : i32 to index
      %swap3A_980 = arith.constant 1824 : index
      %swap3A_981 = tpu.vector_load %arg10[%swap3A_979, %swap3A_980] {strides = array<i32>} : memref<8x2048xbf16, #tpu.memory_space<vmem>>, vector<1x32xbf16>,
      %swap3A_982 = vector.shape_cast %swap3A_981 : vector<1x32xbf16> to vector<32xbf16>
      %swap3A_983 = vector.shape_cast %scan3A_972#1 : vector<32xbf16> to vector<1x32xbf16>
      tpu.vector_store %arg10[%swap3A_979, %swap3A_980], %swap3A_983 {strides = array<i32>} : memref<8x2048xbf16, #tpu.memory_space<vmem>>, vector<1x32xbf16>,
      %swap3A_984 = arith.index_cast %add3A_629 : i32 to index
      %swap3A_985 = arith.constant 1856 : index
      %swap3A_986 = tpu.vector_load %arg10[%swap3A_984, %swap3A_985] {strides = array<i32>} : memref<8x2048xbf16, #tpu.memory_space<vmem>>, vector<1x32xbf16>,
      %swap3A_987 = vector.shape_cast %swap3A_986 : vector<1x32xbf16> to vector<32xbf16>
      %swap3A_988 = vector.shape_cast %scan3A_972#2 : vector<32xbf16> to vector<1x32xbf16>
      tpu.vector_store %arg10[%swap3A_984, %swap3A_985], %swap3A_988 {strides = array<i32>} : memref<8x2048xbf16, #tpu.memory_space<vmem>>, vector<1x32xbf16>,
      %swap3A_989 = arith.index_cast %add3A_629 : i32 to index
      %swap3A_990 = arith.constant 1888 : index
      %swap3A_991 = tpu.vector_load %arg10[%swap3A_989, %swap3A_990] {strides = array<i32>} : memref<8x2048xbf16, #tpu.memory_space<vmem>>, vector<1x32xbf16>,
      %swap3A_992 = vector.shape_cast %swap3A_991 : vector<1x32xbf16> to vector<32xbf16>
      %swap3A_993 = vector.shape_cast %scan3A_972#3 : vector<32xbf16> to vector<1x32xbf16>
      tpu.vector_store %arg10[%swap3A_989, %swap3A_990], %swap3A_993 {strides = array<i32>} : memref<8x2048xbf16, #tpu.memory_space<vmem>>, vector<1x32xbf16>,
      %swap3A_994 = arith.index_cast %add3A_629 : i32 to index
      %swap3A_995 = arith.constant 1920 : index
      %swap3A_996 = tpu.vector_load %arg10[%swap3A_994, %swap3A_995] {strides = array<i32>} : memref<8x2048xbf16, #tpu.memory_space<vmem>>, vector<1x32xbf16>,
      %swap3A_997 = vector.shape_cast %swap3A_996 : vector<1x32xbf16> to vector<32xbf16>
      %swap3A_998 = vector.shape_cast %scan3A_972#4 : vector<32xbf16> to vector<1x32xbf16>
      tpu.vector_store %arg10[%swap3A_994, %swap3A_995], %swap3A_998 {strides = array<i32>} : memref<8x2048xbf16, #tpu.memory_space<vmem>>, vector<1x32xbf16>,
      %swap3A_999 = arith.index_cast %add3A_629 : i32 to index
      %swap3A_1000 = arith.constant 1952 : index
      %swap3A_1001 = tpu.vector_load %arg10[%swap3A_999, %swap3A_1000] {strides = array<i32>} : memref<8x2048xbf16, #tpu.memory_space<vmem>>, vector<1x32xbf16>,
      %swap3A_1002 = vector.shape_cast %swap3A_1001 : vector<1x32xbf16> to vector<32xbf16>
      %swap3A_1003 = vector.shape_cast %scan3A_972#5 : vector<32xbf16> to vector<1x32xbf16>
      tpu.vector_store %arg10[%swap3A_999, %swap3A_1000], %swap3A_1003 {strides = array<i32>} : memref<8x2048xbf16, #tpu.memory_space<vmem>>, vector<1x32xbf16>,
      %swap3A_1004 = arith.index_cast %add3A_629 : i32 to index
      %swap3A_1005 = arith.constant 1984 : index
      %swap3A_1006 = tpu.vector_load %arg10[%swap3A_1004, %swap3A_1005] {strides = array<i32>} : memref<8x2048xbf16, #tpu.memory_space<vmem>>, vector<1x32xbf16>,
      %swap3A_1007 = vector.shape_cast %swap3A_1006 : vector<1x32xbf16> to vector<32xbf16>
      %swap3A_1008 = vector.shape_cast %scan3A_972#6 : vector<32xbf16> to vector<1x32xbf16>
      tpu.vector_store %arg10[%swap3A_1004, %swap3A_1005], %swap3A_1008 {strides = array<i32>} : memref<8x2048xbf16, #tpu.memory_space<vmem>>, vector<1x32xbf16>,
      %swap3A_1009 = arith.index_cast %add3A_629 : i32 to index
      %swap3A_1010 = arith.constant 2016 : index
      %swap3A_1011 = tpu.vector_load %arg10[%swap3A_1009, %swap3A_1010] {strides = array<i32>} : memref<8x2048xbf16, #tpu.memory_space<vmem>>, vector<1x32xbf16>,
      %swap3A_1012 = vector.shape_cast %swap3A_1011 : vector<1x32xbf16> to vector<32xbf16>
      %swap3A_1013 = vector.shape_cast %scan3A_972#7 : vector<32xbf16> to vector<1x32xbf16>
      tpu.vector_store %arg10[%swap3A_1009, %swap3A_1010], %swap3A_1013 {strides = array<i32>} : memref<8x2048xbf16, #tpu.memory_space<vmem>>, vector<1x32xbf16>,
      %eq3A_1014 = arith.constant 6 : i32
      %eq3A_1015 = arith.cmpi eq, %mul3A_135, %eq3A_1014 : i32
      %convert_element_type3A_1016 = arith.extui %eq3A_1015 : i1 to i32
      %cond3A_1017 = arith.constant 0 : i32
      %cond3A_1018 = arith.cmpi ne, %convert_element_type3A_1016, %cond3A_1017 : i32
      scf.if %cond3A_1018 {
        %mul3A_1019 = arith.constant 8 : i32
        %mul3A_1020 = arith.muli %select_n3A, %mul3A_1019 : i32
        %add3A_1021 = arith.addi %mul3A_2, %mul3A_1020 : i32
        %multiple_of3A = tpu.assume_multiple %add3A_1021, 8 : i32
        %mul3A_1022 = arith.constant 2048 : i32
        %mul3A_1023 = arith.muli %select_n3A_117, %mul3A_1022 : i32
        %multiple_of3A_1024 = tpu.assume_multiple %mul3A_1023, 256 : i32
        "tpu.region"() ({
          %run_scoped3A = tpu.sem_alloc : memref<!tpu.dma_semaphore, #tpu.memory_space<semaphore_mem>>
          %dma_start3A_1025 = tpu.memref_slice %arg5[%multiple_of3A, %multiple_of3A_1024] : memref<1024x10240xbf16, #tpu.memory_space<hbm>> -> memref<8x2048xbf16, #tpu.memory_space<hbm>>
          %dma_start3A_1026 = tpu.memref_slice %arg5[%multiple_of3A, %multiple_of3A_1024] : memref<1024x10240xbf16, #tpu.memory_space<hbm>> -> memref<8x2048xbf16, #tpu.memory_space<hbm>>
          tpu.enqueue_dma source(%arg10 : memref<8x2048xbf16, #tpu.memory_space<vmem>>) target(%dma_start3A_1026 : memref<8x2048xbf16, #tpu.memory_space<hbm>>) target_semaphore(%run_scoped3A : memref<!tpu.dma_semaphore, #tpu.memory_space<semaphore_mem>>)
          %dma_wait3A_1027 = tpu.memref_slice %arg5[%multiple_of3A, %multiple_of3A_1024] : memref<1024x10240xbf16, #tpu.memory_space<hbm>> -> memref<8x2048xbf16, #tpu.memory_space<hbm>>
          %dma_wait3A_1028 = tpu.memref_slice %arg5[%multiple_of3A, %multiple_of3A_1024] : memref<1024x10240xbf16, #tpu.memory_space<hbm>> -> memref<8x2048xbf16, #tpu.memory_space<hbm>>
          tpu.wait_dma2 semaphore(%run_scoped3A : memref<!tpu.dma_semaphore, #tpu.memory_space<semaphore_mem>>) src(%arg10 : memref<8x2048xbf16, #tpu.memory_space<vmem>>) dst(%dma_wait3A_1028 : memref<8x2048xbf16, #tpu.memory_space<hbm>>)
          tpu.yield
        }) : () -> ()
      } else {
      }
    }
    %scan3A_62 = arith.constant 80 : i32
    return
  }
}

module attributes {stable_mosaic.version = 14 : i64} {
  func.func @body(%arg0: i32, %arg1: memref<128x10240xbf16, #tpu.memory_space<vmem>>, %arg2: memref<100x10240xf32, #tpu.memory_space<vmem>>, %arg3: memref<128x100xf32, #tpu.memory_space<vmem>>) attributes {dimension_semantics = [#tpu.dimension_semantics<arbitrary>], iteration_bounds = array<i64: 8>, scalar_prefetch = 0 : i64, scratch_operands = 0 : i64, tpu.core_type = #tpu.core_type<tc>, window_params = [{transform_indices = @transform_0, window_bounds = array<i64: 128, 10240>}, {pipeline_mode = #tpu.pipeline_mode<synchronous>, transform_indices = @transform_1, window_bounds = array<i64: 100, 10240>}, {transform_indices = @transform_2, window_bounds = array<i64: 128, 100>}]} {
    %get3A = arith.constant 0 : index
    %get3A_0 = arith.constant 0 : index
    %get3A_1 = vector.load %arg2[%get3A, %get3A_0] : memref<100x10240xf32, #tpu.memory_space<vmem>>, vector<100x10240xf32>
    %mul3A = arith.mulf %get3A_1, %get3A_1 : vector<100x10240xf32>
    %reduce_sum3A = arith.constant dense<0.000000e+00> : vector<100xf32>
    %reduce_sum3A_2 = vector.multi_reduction <add>, %mul3A, %reduce_sum3A [1] : vector<100x10240xf32> to vector<100xf32>
    %broadcast_in_dim3A = vector.shape_cast %reduce_sum3A_2 : vector<100xf32> to vector<100x1xf32>
    %sqrt3A = math.sqrt %broadcast_in_dim3A : vector<100x1xf32>
    %add3A = arith.constant 9.99999996E-13 : f32
    %add3A_3 = vector.broadcast %add3A : f32 to vector<100x1xf32>
    %add3A_4 = arith.addf %sqrt3A, %add3A_3 : vector<100x1xf32>
    %div3A = vector.broadcast %add3A_4 : vector<100x1xf32> to vector<100x10240xf32>
    %div3A_5 = arith.divf %get3A_1, %div3A : vector<100x10240xf32>
    %get3A_6 = arith.constant 0 : index
    %get3A_7 = arith.constant 0 : index
    %get3A_8 = vector.load %arg1[%get3A_6, %get3A_7] : memref<128x10240xbf16, #tpu.memory_space<vmem>>, vector<128x10240xbf16>
    %convert_element_type3A = arith.extf %get3A_8 : vector<128x10240xbf16> to vector<128x10240xf32>
    %mul3A_9 = arith.mulf %convert_element_type3A, %convert_element_type3A : vector<128x10240xf32>
    %reduce_sum3A_10 = arith.constant dense<0.000000e+00> : vector<128xf32>
    %reduce_sum3A_11 = vector.multi_reduction <add>, %mul3A_9, %reduce_sum3A_10 [1] : vector<128x10240xf32> to vector<128xf32>
    %broadcast_in_dim3A_12 = vector.shape_cast %reduce_sum3A_11 : vector<128xf32> to vector<128x1xf32>
    %sqrt3A_13 = math.sqrt %broadcast_in_dim3A_12 : vector<128x1xf32>
    %add3A_14 = arith.constant 9.99999996E-13 : f32
    %add3A_15 = vector.broadcast %add3A_14 : f32 to vector<128x1xf32>
    %add3A_16 = arith.addf %sqrt3A_13, %add3A_15 : vector<128x1xf32>
    %dot_general3A = arith.constant dense<0.000000e+00> : vector<128x100xf32>
    %dot_general3A_17 = tpu.matmul %convert_element_type3A, %div3A_5, %dot_general3A {dimension_numbers = #tpu.dot_dimension_numbers<[1], [1], [0], [0], [0, 0, 1, 0], [], []>, transpose_lhs_hint = false} : vector<128x10240xf32>, vector<100x10240xf32>, vector<128x100xf32> -> vector<128x100xf32>
    %div3A_18 = vector.broadcast %add3A_16 : vector<128x1xf32> to vector<128x100xf32>
    %div3A_19 = arith.divf %dot_general3A_17, %div3A_18 : vector<128x100xf32>
    %swap3A = arith.constant 0 : index
    %swap3A_20 = arith.constant 0 : index
    %swap3A_21 = vector.load %arg3[%swap3A, %swap3A_20] : memref<128x100xf32, #tpu.memory_space<vmem>>, vector<128x100xf32>
    tpu.vector_store %arg3[%swap3A, %swap3A_20], %div3A_19 {strides = array<i32>} : memref<128x100xf32, #tpu.memory_space<vmem>>, vector<128x100xf32>,
    return
  }
  func.func @transform_0(%arg0: i32) -> (i32, i32) {
    %c0_i32 = arith.constant 0 : i32
    %c0_i32_0 = arith.constant 0 : i32
    return %arg0, %c0_i32 : i32, i32
  }
  func.func @transform_1(%arg0: i32) -> (i32, i32) {
    %c0_i32 = arith.constant 0 : i32
    %c0_i32_0 = arith.constant 0 : i32
    %c0_i32_1 = arith.constant 0 : i32
    return %c0_i32, %c0_i32_0 : i32, i32
  }
  func.func @transform_2(%arg0: i32) -> (i32, i32) {
    %c0_i32 = arith.constant 0 : i32
    %c0_i32_0 = arith.constant 0 : i32
    return %arg0, %c0_i32 : i32, i32
  }
}

</mosaic_0001>

<sc_bundles>
// kernel: kernel.4.cloned.1.call-start
scs
__scs_entry_jumppad:
0x0: {  	(pc) =	sbr.rel $0x88, $3  }
0x1: {  	(tag) =	ssettag $0x0;
	lr =	simm.s32 $0x1  }
0x2: {  	[smem:$0x3F9E] =	sst lr;
	_ =	strace $0xD0000000  }
0x3: {  	_ = 	snop  }
0x4: {  	_ = 	snop  }
0x5: {  	_ = 	snop  }
0x6: {  	_ = 	snop  }
0x7: {  	_ = 	snop  }
__scs_overlays_trampoline_lowered:
0x8: {  	[smem:$0x3FAD] =	sst s0  }
0x9: {  	[smem:$0x3FAE] =	sst s1  }
0xa: {  	[smem:$0x3FAF] =	sst s2  }
0xb: {  	[smem:$0x3FB0] =	sst s3  }
0xc: {  	[smem:$0x3FB1] =	sst s4  }
0xd: {  	[smem:$0x3FB2] =	sst s5  }
0xe: {  	[smem:$0x3FB3] =	sst s6  }
0xf: {  	[smem:$0x3FB4] =	sst s7  }
0x10: {  	[smem:$0x3FB5] =	sst s8  }
0x11: {  	[smem:$0x3FB6] =	sst s9;
	s0 =	simm.s32 @!p0 $0x0  }
0x12: {  	s1 =	sld [smem:$0x3F9C];
	s0 =	simm.s32 @p0 $0x1  }
0x13: {  	[smem:$0x3FB7] =	sst s0;
	s0 =	simm.s32 @!p1 $0x0  }
0x14: {  	s2 =	sld [smem:$0x3F9B];
	s0 =	simm.s32 @p1 $0x1  }
0x15: {  	[smem:$0x3FB8] =	sst s0;
	s0 =	simm.s32 @!p2 $0x0  }
0x16: {  	s3 =	sld [smem:$0x3FDB];
	s0 =	simm.s32 @p2 $0x1  }
0x17: {  	s4 =	simm.s32 $0x1BF5;
	[smem:$0x3FBA] =	sst s0  }
0x18: {  	s0 =	sld [smem:$0x3F9D];
	_ =	swait.ge [sflag:s4], $0x0  }
0x19: {  	s7 =	sld [smem:$0x3F9E]  }
0x1a: {  	s8 =	sadd.s32 $0xFFFFE003, lr  }
0x1b: {  	s9 =	sadd.s32 $0xFFFFFEF7, lr;
	s5 =	simm.s32 $0xFFFFFFFF;
	p2 =	slt.u32 s8, $0xFFFFF086  }
0x1c: {  	p1 =	slt.u32 s9, $0xF7A;
	s5 =	simm.s32 @!p2 $0x0  }
0x1d: {  	s5 =	simm.s32 @p1 $0x1;
	p0 =	seq.s32 s7, s2  }
0x1e: {  	s7 =	smul.u32 @!p0 $0xF7A, s2;
	p2 =	seq.s32 @!p0 s5, $0x0  }
0x1f: {  	s9 =	smul.u32 $0xF7A, s1;
	s8 =	simm.s32 @!p0 $0x1BF5;
	p2 =	por !p2, p0  }
0x20: {  	[sflag:s8] =	ssyncset.s32 @!p0 $0xFFFFF086;
	s6 =	sadd.s32 @!p0 s3, s7;
	s7 =	simm.s32 @!p0 $0x108  }
0x21: {  	s3 =	sadd.s32 s3, s9;
	s6 =	sadd.s32 @!p0 $0x88, s6;
	s7 =	simm.s32 @p2 $0x1082  }
0x22: {  	[simem:s7], [sflag:s8] =	dma.local @!p0 [hbm:s6], $0xF7A  }
0x23: {  	s9 =	sor.u32 $0xD0000000, s2;
	s6 =	simm.s32 $0x108;
	_ =	swait.ge @!p0 [sflag:s8], $0x0  }
0x24: {  	s3 =	sadd.s32 $0x88, s3;
	s6 =	simm.s32 @!p1 $0x1082;
	[sflag:s4] =	ssyncset.s32 $0xFFFFF086  }
0x25: {  	[simem:s6], [sflag:s4] =	dma.local [hbm:s3], $0xF7A  }
0x26: {  	[smem:$0x3F9E] =	sst s1;
	(tag) =	ssettag s2;
	_ =	strace s9  }
0x27: {  	s1 =	sld [smem:$0x3FAE]  }
0x28: {  	s2 =	sld [smem:$0x3FAF]  }
0x29: {  	s4 =	sld [smem:$0x3FB1]  }
0x2a: {  	p0 =	seq.s32 s5, $0x0;
	s5 =	sld [smem:$0x3FB2]  }
0x2b: {  	s6 =	sld [smem:$0x3FB3]  }
0x2c: {  	s7 =	sld [smem:$0x3FB4]  }
0x2d: {  	s3 =	simm.s32 $0x108;
	s8 =	sld [smem:$0x3FB5]  }
0x2e: {  	s3 =	simm.s32 @!p0 $0x1082;
	s9 =	sld [smem:$0x3FB6]  }
0x2f: {  	lr =	sadd.s32 s0, s3;
	s0 =	sld [smem:$0x3FAD]  }
0x30: {  	s3 =	sld [smem:$0x3FB0]  }
0x31: {  	[smem:$0x3FB9] =	sst s10  }
0x32: {  	s10 =	sld [smem:$0x3FB7];
	_ =	sdelay $0x3  }
0x33: {  	p0 =	seq.s32 s10, $0x1;
	s10 =	sld [smem:$0x3FB9];
	_ =	sdelay $0x3  }
0x34: {  	[smem:$0x3FB9] =	sst s10  }
0x35: {  	s10 =	sld [smem:$0x3FB8];
	_ =	sdelay $0x3  }
0x36: {  	p1 =	seq.s32 s10, $0x1;
	s10 =	sld [smem:$0x3FB9];
	_ =	sdelay $0x3  }
0x37: {  	[smem:$0x3FB9] =	sst s10  }
0x38: {  	s10 =	sld [smem:$0x3FBA]  }
0x39: {  	_ = 	snop;
	(pc) =	sbr.ind lr, $3  }
0x3a: {  	_ = 	snop  }
0x3b: {  	_ = 	snop  }
0x3c: {  	p2 =	seq.s32 s10, $0x1;
	s10 =	sld [smem:$0x3FB9]  }
0x3d: {  	_ =	shalt  }
0x3e: {  	_ =	shalt  }
0x3f: {  	_ =	shalt  }
0x40: {  	_ =	shalt  }
0x41: {  	_ =	shalt  }
0x42: {  	_ =	shalt  }
0x43: {  	_ =	shalt  }
0x44: {  	_ =	shalt  }
0x45: {  	_ =	shalt  }
0x46: {  	_ =	shalt  }
0x47: {  	_ =	shalt  }
0x48: {  	_ =	shalt  }
0x49: {  	_ =	shalt  }
0x4a: {  	_ =	shalt  }
0x4b: {  	_ =	shalt  }
0x4c: {  	_ =	shalt  }
0x4d: {  	_ =	shalt  }
0x4e: {  	_ =	shalt  }
0x4f: {  	_ =	shalt  }
0x50: {  	_ =	shalt  }
0x51: {  	_ =	shalt  }
0x52: {  	_ =	shalt  }
0x53: {  	_ =	shalt  }
0x54: {  	_ =	shalt  }
0x55: {  	_ =	shalt  }
0x56: {  	_ =	shalt  }
0x57: {  	_ =	shalt  }
0x58: {  	_ =	shalt  }
0x59: {  	_ =	shalt  }
0x5a: {  	_ =	shalt  }
0x5b: {  	_ =	shalt  }
0x5c: {  	_ =	shalt  }
0x5d: {  	_ =	shalt  }
0x5e: {  	_ =	shalt  }
0x5f: {  	_ =	shalt  }
0x60: {  	_ =	shalt  }
0x61: {  	_ =	shalt  }
0x62: {  	_ =	shalt  }
0x63: {  	_ =	shalt  }
0x64: {  	_ =	shalt  }
0x65: {  	_ =	shalt  }
0x66: {  	_ =	shalt  }
0x67: {  	_ =	shalt  }
0x68: {  	_ =	shalt  }
0x69: {  	_ =	shalt  }
0x6a: {  	_ =	shalt  }
0x6b: {  	_ =	shalt  }
0x6c: {  	_ =	shalt  }
0x6d: {  	_ =	shalt  }
0x6e: {  	_ =	shalt  }
0x6f: {  	_ =	shalt  }
0x70: {  	_ =	shalt  }
0x71: {  	_ =	shalt  }
0x72: {  	_ =	shalt  }
0x73: {  	_ =	shalt  }
0x74: {  	_ =	shalt  }
0x75: {  	_ =	shalt  }
0x76: {  	_ =	shalt  }
0x77: {  	_ =	shalt  }
0x78: {  	_ =	shalt  }
0x79: {  	_ =	shalt  }
0x7a: {  	_ =	shalt  }
0x7b: {  	_ =	shalt  }
0x7c: {  	_ =	shalt  }
0x7d: {  	_ =	shalt  }
0x7e: {  	_ =	shalt  }
0x7f: {  	_ =	shalt  }
0x80: {  	_ =	shalt  }
0x81: {  	_ =	shalt  }
0x82: {  	_ =	shalt  }
0x83: {  	_ =	shalt  }
0x84: {  	_ =	shalt  }
0x85: {  	_ =	shalt  }
0x86: {  	_ =	shalt  }
0x87: {  	_ =	shalt  }
.Lfunc_end0:
.L_simem_size_0:
called_computation_lowered:
.L_overlay_start_0:
0x88: {  	s2 =	sld [smem:$0x3FD9]  }
0x89: {  	s3 =	sld [smem:$0x3FFE];
	_ =	sdelay $0x1  }
0x8a: {  	s1 =	srdreg.scid  }
0x8b: {  	s0 =	sand.u32 $0x1, s1  }
0x8c: {  	s17 =	sshll.u32 s0, $0xA;
	s2 =	sadd.s32 s3, s2  }
0x8d: {  	s2 =	sadd.s32 s2, s17  }
0x8e: {  	[smem:$0x3FC5] =	sst s2  }
0x8f: {  	_ = 	snop  }
0x90: {  	s2 =	sld [smem:$0x3FD0];
	(tm) =	ssettm $0x1  }
0x91: {  	s18 =	sld [smem:$0x3FFB];
	_ =	sdelay $0x3  }
0x92: {  	_ =	strace s18  }
0x93: {  	s3 =	sld [smem:$0x3FFC];
	_ =	sdelay $0x3  }
0x94: {  	_ =	strace s3  }
0x95: {  	s3 =	sld [smem:$0x3FFD];
	_ =	sdelay $0x3  }
0x96: {  	_ =	strace s3  }
0x97: {  	_ =	strace $0x8FFFFFFF  }
0x98: {  	s19 =	sld [smem:$0x3FDB];
	_ =	sdelay $0x1  }
0x99: {  	s4 =	simm.s32 $_scs_section_size  }
0x9a: {  	s5 =	simm.s32 $_size__tile_overlayer_lowered;
	s6 =	simm.s32 $_tile_overlayer_lowered  }
0x9b: {  	s22 =	simm.s32 $0x1BFF;
	s21 =	sshll.u32 s6, $0x1;
	s3 =	sadd.s32 s4, s19  }
0x9c: {  	s7 =	simm.s32 $0x0;
	s20 =	sshll.u32 s5, $0x1;
	s5 =	sadd.s32 s21, s3  }
0x9d: {  	[timem:s7], [sflag:s22] =	dma.local [hbm:s5], s20  }
0x9e: {  	_ =	swait.ge [sflag:s22], s20  }
0x9f: {  	s4 =	ssub.s32 $0x0, s20;
	[sflag:s22] =	ssyncset.done $0x0  }
0xa0: {  	[sflag:s22] =	ssyncadd.s32 s4;
	_ =	sdelay $0x1  }
0xa1: {  	s23 =	simm.s32 $0x1B8B  }
0xa2: {  	_ =	swait.ge [sflag:s23], $0x1  }
0xa3: {  	[sflag:s23] =	ssyncset.done $0x0  }
0xa4: {  	s25 =	simm.s32 $0x1B8E;
	s24 =	sld [smem:$0x3FFE];
	[sflag:s23] =	ssyncadd.s32 $0xFFFFFFFF  }
0xa5: {  	s26 =	simm.s32 $execute0_lowered;
	[smem:$0x3FD2] =	sst s25  }
0xa6: {  	s5 =	sshll.u32 s26, $0x1;
	_ =	strace $0x80000046;
	[dreg:$0x1] =	wrdreg $0xFFFFFFFF  }
0xa7: {  	s28 =	simm.s32 $_size_execute0_lowered;
	s3 =	sadd.s32 s3, s5;
	[dreg:$0x0] =	wrdreg $0x0  }
0xa8: {  	s5 =	sshll.u32 s28, $0x1;
	[dreg:$0x2] =	wrdreg s3  }
0xa9: {  	[dreg:$0x3] =	wrdreg s5  }
0xaa: {  	[dreg:$0x4] =	wrdreg $0xC0  }
0xab: {  	_ =	task [dreg:s7], $0x5FFFF  }
0xac: {  	[dreg:$0x1] =	wrdreg $0xFFFFFFFF  }
0xad: {  	[dreg:$0x0] =	wrdreg $0x60  }
0xae: {  	[dreg:$0x2] =	wrdreg s24  }
0xaf: {  	[dreg:$0x3] =	wrdreg s2  }
0xb0: {  	[dreg:$0x4] =	wrdreg $0x9  }
0xb1: {  	_ =	task.clear_ibuf [dreg:s7], $0x5FFFF;
	_ =	strace $0x90000046  }
0xb2: {  	s29 =	simm.s32 $0x9;
	_ =	strace $0x80000048  }
0xb3: {  	_ =	swait.ge [sflag:s29], $0x1  }
0xb4: {  	[sflag:s29] =	ssyncadd.s32 $0xFFFFFFFF  }
0xb5: {  	_ =	strace $0x90000048  }
0xb6: {  	_ =	sfence  }
0xb7: {  	s30 =	sld [smem:$0x0];
	_ =	sdelay $0x2  }
0xb8: {  	s31 =	sshll.u32 s1, $0xD;
	s1 =	sshrl.u32 s1, $0x2  }
0xb9: {  	s3 =	sand.u32 $0x4000, s31;
	s1 =	sadd.s32 s1, s30  }
0xba: {  	s0 =	sor.u32 s3, s0;
	s1 =	sshll.u32 s1, $0x11  }
0xbb: {  	s0 =	sor.u32 s1, s0  }
0xbc: {  	s0 =	sadd.s32 $0x8F2B, s0  }
0xbd: {  	[sflag:s0] =	ssyncadd.remote.s32 $0x1  }
0xbe: {  	_ =	sfence.sel $0xFFFF  }
0xbf: {  	[dreg:$0x0] =	wrdreg $0xFFFFFFFF;
	(pc) =	sbr.abs _section_cstart, $3  }
0xc0: {  	[dreg:$0x1] =	wrdreg $0xFFFFFFFF  }
0xc1: {  	_ =	task.clear_ibuf [dreg:s7], $0x2FFFF;
	_ =	strace $0x9FFFFFFF  }
0xc2: {  	(tm) =	ssettm $0x7FFFFFFF  }
0xc3: {  	_ =	shalt  }
tec
execute0_lowered:
.L_overlay_start_1:
0x0: {  	(tag) =	ssettag $0x1  }
0x1: {  	s6 =	rddreg [dreg:$0x0]  }
0x2: {  	s7 =	rddreg [dreg:$0x1];
	s2 =	srdreg.scid  }
0x3: {  	s0 =	rddreg [dreg:$0x2];
	s1 =	stileid.u32  }
0x4: {  	s11 =	simm.s32 $0x300;
	s12 =	simm.s32 $0x330;
	s13 =	simm.s32 $0xA5B0  }
0x5: {  	s14 =	simm.s32 $0x318;
	s15 =	simm.s32 $0x5470;
	s16 =	simm.s32 $0xF6F0  }
0x6: {  	s17 =	simm.s32 $0x1;
	s18 =	simm.s32 $0x2;
	s19 =	simm.s32 $0x0  }
0x7: {  	s4 =	sand.u32 $0x1, s2;
	s2 =	simm.s32 $0x0;
	s3 =	sshll.u32 s1, $0x6  }
0x8: {  	s5 =	sshll.u32 s4, $0x5;
	[smem:$0x7FF] =	sst s2;
	s8 =	ssub.s32 $0x2, s4  }
0x9: {  	s4 =	sadd.s32 $0xA9000, s6;
	s3 =	sor.u32 s5, s3;
	_ =	strace $0x80000047  }
0xa: {  	s5 =	sadd.s32 $0x147C00, s6;
	s10 =	sshrl.u32 s8, $0x1;
	s9 =	smul.u32 $0x3, s3  }
0xb: {  	s6 =	sadd.s32 $0x2E00, s6;
	s8 =	ssub.s32 s8, s10;
	s10 =	simm.s32 $0x14  }
0xc: {  	s8 =	smax.u32 s8, $0x1;
	s7 =	sadd.s32 s7, s9;
	s9 =	simm.s32 $0x3  }
.LBB2_1:
0xd: {  	[tilespmem:s2], [sflag:$0x3] =	stream.linear.gather [hbm4b:s7+s2], $0x300, $0x38;
	[tilespmem:$0x16830] =	vst v63  }
0xe: {  	_ =	swait.ge [sflag:s9], $0x300  }
0xf: {  	[sflag:s9] =	ssyncset.done $0x0  }
0x10: {  	[sflag:s9] =	ssyncadd.s32 $0xFFFFFD00  }
0x11: {  	v0 =	vld [tilespmem:$0x0]  }
0x12: {  	v1 =	vld [tilespmem:$0x4];
	_ =	sdelay $0x3  }
0x13: {  	v0 =	vmul.u32 $0x5, v0  }
0x14: {  	v1 =	vmul.u32 $0x5, v1  }
0x15: {  	[tilespmem:$0x300] =	vst v0  }
0x16: {  	[tilespmem:$0x304] =	vst v1  }
0x17: {  	[tilespmem:s12], [sflag:$0x1] =	stream.indirect.gather [hbm4b:s4+s10], $0x410, s11, s10, $0xb8;
	[tilespmem:$0x16830] =	vst v63  }
0x18: {  	s20 =	simm.s32 $0x0  }
0x19: {  	[tilespmem:s13], [sflag:$0x1] =	stream.indirect.gather [hbm4b:s5+s10], $0x410, s11, s10, $0xb8;
	[tilespmem:$0x16830] =	vst v63  }
.LBB2_2:
0x1a: {  	s21 =	smul.u32 $0xCD, s20;
	_ =	sdelay $0x1  }
0x1b: {  	s21 =	sshrl.u32 s21, $0xC  }
0x1c: {  	s21 =	sand.u32 $0xF, s21  }
0x1d: {  	s22 =	smul.u32 $0x14, s21;
	_ =	sdelay $0x1  }
0x1e: {  	s24 =	ssub.s32 s20, s22  }
0x1f: {  	s22 =	sshll.u32 s24, $0x1  }
0x20: {  	s23 =	sand.u32 $0x6, s22;
	s22 =	sshll.u32 s21, $0x3  }
0x21: {  	s21 =	sor.u32 s22, s23  }
0x22: {  	s21 =	smul.u32 $0x60, s21;
	_ =	sdelay $0x1  }
0x23: {  	s25 =	sshrl.u32 s21, $0x2  }
0x24: {  	v0 =	vld [tilespmem:s25+$0x18];
	_ =	sdelay $0x4  }
0x25: {  	s30 =	sand.u32 $0xFC, s24;
	v0 =	vmul.u32 $0x5, v0  }
0x26: {  	s21 =	sshrl.u32 s30, $0x2  }
0x27: {  	v0 =	vadd.s32 s21, v0  }
0x28: {  	[tilespmem:$0x318] =	vst v0  }
0x29: {  	v0 =	vld [tilespmem:s25+$0x1C];
	_ =	sdelay $0x4  }
0x2a: {  	v0 =	vmul.u32 $0x5, v0;
	_ =	sdelay $0x1  }
0x2b: {  	v0 =	vadd.s32 s21, v0  }
0x2c: {  	[tilespmem:$0x31C] =	vst v0  }
0x2d: {  	[tilespmem:s15], [sflag:$0x2] =	stream.indirect.gather [hbm4b:s4+s10], $0x410, s14, s10, $0xb8;
	[tilespmem:$0x16830] =	vst v63  }
0x2e: {  	_ = 	snop  }
0x2f: {  	[tilespmem:s16], [sflag:$0x2] =	stream.indirect.gather [hbm4b:s5+s10], $0x410, s14, s10, $0xb8;
	[tilespmem:$0x16830] =	vst v63  }
0x30: {  	_ =	swait.ge [sflag:s17], $0x5140  }
0x31: {  	[sflag:s17] =	ssyncset.done $0x0  }
0x32: {  	[sflag:s17] =	ssyncadd.s32 $0xFFFFAEC0  }
0x33: {  	_ =	swait.ge [sflag:s17], $0x5140  }
0x34: {  	[sflag:s17] =	ssyncset.done $0x0  }
0x35: {  	s31 =	simm.s32 $0x0;
	[sflag:s17] =	ssyncadd.s32 $0xFFFFAEC0  }
0x36: {  	v0 =	vld [tilespmem:s31+$0x3A0]  }
0x37: {  	v1 =	vld [tilespmem:s31+$0xAA30]  }
0x38: {  	v2 =	vld [tilespmem:s31+$0x330]  }
0x39: {  	v3 =	vld [tilespmem:s31+$0xBC1]  }
0x3a: {  	v4 =	vld [tilespmem:s31+$0xA9C0]  }
0x3b: {  	v5 =	vld [tilespmem:s31+$0x340]  }
0x3c: {  	v6 =	vld [tilespmem:s31+$0xA9D0]  }
0x3d: {  	v7 =	vld [tilespmem:s31+$0x350]  }
0x3e: {  	v8 =	vld [tilespmem:s31+$0xA9E0]  }
0x3f: {  	v9 =	vld [tilespmem:s31+$0x360]  }
0x40: {  	v10 =	vld [tilespmem:s31+$0xA9F0]  }
0x41: {  	v11 =	vld [tilespmem:s31+$0x370]  }
0x42: {  	v12 =	vld [tilespmem:s31+$0xAA00]  }
0x43: {  	v14 =	vld [tilespmem:s31+$0x380]  }
0x44: {  	v15 =	vld [tilespmem:s31+$0xAA10]  }
0x45: {  	v17 =	vld [tilespmem:s31+$0x390]  }
0x46: {  	v16 =	vld [tilespmem:s31+$0xB51]  }
0x47: {  	v18 =	vld [tilespmem:s31+$0xB61]  }
0x48: {  	v0 =	vmul.bf16 v1, v0;
	v1 =	vld [tilespmem:s31+$0xAA20];
	v2 =	vmul.bf16 v4, v2  }
0x49: {  	v4 =	vld [tilespmem:s31+$0xB71];
	v5 =	vmul.bf16 v6, v5;
	v6 =	vmul.bf16 v8, v7  }
0x4a: {  	v9 =	vmul.bf16 v10, v9;
	v12 =	vmul.bf16 v12, v11  }
0x4b: {  	v13 =	vld [tilespmem:s31+$0xB81];
	v0 =	vmul.bf16 v3, v0;
	v2 =	vmul.bf16 v16, v2  }
0x4c: {  	v11 =	vmul.bf16 v15, v14;
	v7 =	vimm.bf16 $0.0e+00;
	v3 =	vimm.bf16 $0.0e+00;
	v16 =	vld [tilespmem:s31+$0xB91]  }
0x4d: {  	v15 =	vld [tilespmem:s31+$0xBA1];
	v0 =	vadd.bf16 v0, v3;
	v2 =	vadd.bf16 v2, v3;
	v10 =	vmul.bf16 v1, v17  }
0x4e: {  	s24 =	simm.s32 $0x410;
	v14 =	vld [tilespmem:s31+$0xBB1];
	v17 =	vmul.bf16 v18, v5;
	v18 =	vmul.bf16 v4, v6;
	v6 =	vimm.bf16 $0.0e+00  }
0x4f: {  	s25 =	simm.s32 $0x2080;
	v8 =	vld [tilespmem:s24+$0x3A0];
	v5 =	vimm.bf16 $0.0e+00;
	v4 =	vimm.bf16 $0.0e+00;
	v1 =	vimm.bf16 $0.0e+00  }
.LBB2_3:
0x50: {  	p0 =	sne.s32 s25, $0x11440;
	v19 =	vld [tilespmem:s24+$0xAA30];
	v3 =	vadd.bf16 v17, v3;
	v9 =	vmul.bf16 v13, v9  }
0x51: {  	v13 =	vld [tilespmem:s24+$0x330];
	v7 =	vadd.bf16 v18, v7;
	v12 =	vmul.bf16 v16, v12  }
0x52: {  	v16 =	vld [tilespmem:s24+$0xBC1];
	v6 =	vadd.bf16 v9, v6;
	v9 =	vmul.bf16 v15, v11  }
0x53: {  	v11 =	vld [tilespmem:s24+$0xA9C0];
	v5 =	vadd.bf16 v12, v5;
	v10 =	vmul.bf16 v14, v10  }
0x54: {  	v12 =	vld [tilespmem:s24+$0x340];
	v4 =	vadd.bf16 v9, v4  }
0x55: {  	v9 =	vld [tilespmem:s24+$0xA9D0];
	v8 =	vmul.bf16 v19, v8;
	v1 =	vadd.bf16 v10, v1  }
0x56: {  	v10 =	vld [tilespmem:s24+$0x350]  }
0x57: {  	v14 =	vld [tilespmem:s24+$0xA9E0];
	v8 =	vmul.bf16 v16, v8  }
0x58: {  	v15 =	vmul.bf16 v11, v13;
	v11 =	vld [tilespmem:s24+$0x360]  }
0x59: {  	v13 =	vld [tilespmem:s24+$0xA9F0];
	v0 =	vadd.bf16 v8, v0  }
0x5a: {  	v8 =	vmul.bf16 v9, v12;
	v12 =	vld [tilespmem:s24+$0x370]  }
0x5b: {  	v16 =	vld [tilespmem:s24+$0xAA00]  }
0x5c: {  	v18 =	vmul.bf16 v14, v10;
	v10 =	vld [tilespmem:s24+$0x380]  }
0x5d: {  	v14 =	vld [tilespmem:s24+$0xAA10]  }
0x5e: {  	v9 =	vmul.bf16 v13, v11;
	v17 =	vld [tilespmem:s24+$0x390]  }
0x5f: {  	v19 =	vld [tilespmem:s24+$0xAA20]  }
0x60: {  	v20 =	vld [tilespmem:s24+$0xB51];
	v12 =	vmul.bf16 v16, v12  }
0x61: {  	v21 =	vld [tilespmem:s24+$0xB61]  }
0x62: {  	v22 =	vld [tilespmem:s24+$0xB71];
	v11 =	vmul.bf16 v14, v10  }
.Ltmp0:
0x63: {  	v13 =	vld [tilespmem:s24+$0xB81];
	(pc) =	sbr.rel @p0 .LBB2_3-.Ltmp0, $4  }
0x64: {  	v16 =	vld [tilespmem:s24+$0xB91];
	v10 =	vmul.bf16 v19, v17  }
0x65: {  	v19 =	vmul.bf16 v20, v15;
	v15 =	vld [tilespmem:s24+$0xBA1]  }
0x66: {  	v17 =	vmul.bf16 v21, v8;
	v14 =	vld [tilespmem:s24+$0xBB1];
	s24 =	sshra.s32 s25, $0x2  }
0x67: {  	s25 =	sadd.s32 $0x1040, s25;
	v8 =	vld [tilespmem:s24+$0x3A0];
	v2 =	vadd.bf16 v19, v2;
	v18 =	vmul.bf16 v22, v18  }
0x68: {  	v19 =	vld [tilespmem:s24+$0xAA30]  }
0x69: {  	v20 =	vld [tilespmem:s24+$0x330]  }
0x6a: {  	v21 =	vld [tilespmem:s24+$0xA9C0]  }
0x6b: {  	v22 =	vld [tilespmem:s24+$0x340]  }
0x6c: {  	v23 =	vld [tilespmem:s24+$0xA9D0]  }
0x6d: {  	v24 =	vld [tilespmem:s24+$0x350]  }
0x6e: {  	v25 =	vld [tilespmem:s24+$0xA9E0]  }
0x6f: {  	v26 =	vld [tilespmem:s24+$0x360]  }
0x70: {  	v27 =	vld [tilespmem:s24+$0xA9F0]  }
0x71: {  	v28 =	vld [tilespmem:s24+$0x370]  }
0x72: {  	v29 =	vld [tilespmem:s24+$0xAA00]  }
0x73: {  	v30 =	vld [tilespmem:s24+$0x380]  }
0x74: {  	v31 =	vld [tilespmem:s24+$0xAA10]  }
0x75: {  	v32 =	vld [tilespmem:s24+$0x390]  }
0x76: {  	v33 =	vld [tilespmem:s24+$0xAA20]  }
0x77: {  	v34 =	vld [tilespmem:s24+$0xB51]  }
0x78: {  	v35 =	vld [tilespmem:s24+$0xB61]  }
0x79: {  	v3 =	vadd.bf16 v17, v3;
	v9 =	vmul.bf16 v13, v9;
	v13 =	vld [tilespmem:s24+$0xB71];
	v12 =	vmul.bf16 v16, v12  }
0x7a: {  	v7 =	vadd.bf16 v18, v7;
	v16 =	vld [tilespmem:s24+$0xB81];
	v11 =	vmul.bf16 v15, v11;
	v15 =	vmul.bf16 v21, v20  }
0x7b: {  	v6 =	vadd.bf16 v9, v6;
	v9 =	vmul.bf16 v14, v10;
	v14 =	vld [tilespmem:s24+$0xB91];
	v10 =	vmul.bf16 v23, v22  }
0x7c: {  	v17 =	vld [tilespmem:s24+$0xBA1];
	v5 =	vadd.bf16 v12, v5;
	v12 =	vmul.bf16 v25, v24;
	v15 =	vmul.bf16 v34, v15  }
0x7d: {  	v18 =	vld [tilespmem:s24+$0xBB1];
	v4 =	vadd.bf16 v11, v4;
	v11 =	vmul.bf16 v27, v26;
	v10 =	vmul.bf16 v35, v10  }
0x7e: {  	v20 =	vmul.bf16 v29, v28;
	v12 =	vmul.bf16 v13, v12;
	v13 =	vld [tilespmem:s24+$0xBC1];
	v2 =	vadd.bf16 v15, v2  }
0x7f: {  	s24 =	sshll.u32 s23, $0xA;
	v15 =	vmul.bf16 v31, v30;
	v3 =	vadd.bf16 v10, v3;
	v10 =	vmul.bf16 v16, v11  }
0x80: {  	v11 =	vmul.bf16 v33, v32;
	v7 =	vadd.bf16 v12, v7;
	v12 =	vmul.bf16 v14, v20;
	[tilespmem:s24+$0x14830] =	vst v2  }
0x81: {  	v2 =	vmul.bf16 v19, v8;
	v6 =	vadd.bf16 v10, v6;
	v8 =	vmul.bf16 v17, v15;
	[tilespmem:s24+$0x14840] =	vst v3  }
0x82: {  	v1 =	vadd.bf16 v9, v1;
	v3 =	vadd.bf16 v12, v5;
	v5 =	vmul.bf16 v18, v11;
	[tilespmem:s24+$0x14850] =	vst v7  }
0x83: {  	v2 =	vmul.bf16 v13, v2;
	v4 =	vadd.bf16 v8, v4;
	[tilespmem:s24+$0x14860] =	vst v6  }
0x84: {  	v1 =	vadd.bf16 v5, v1;
	[tilespmem:s24+$0x14870] =	vst v3  }
0x85: {  	v0 =	vadd.bf16 v2, v0;
	[tilespmem:s24+$0x14880] =	vst v4  }
0x86: {  	[tilespmem:s24+$0x14890] =	vst v1  }
0x87: {  	s26 =	simm.s32 $0x0;
	[tilespmem:s24+$0x148A0] =	vst v0  }
0x88: {  	v0 =	vld [tilespmem:s26+$0x420]  }
0x89: {  	v1 =	vld [tilespmem:s26+$0xAAB0]  }
0x8a: {  	v2 =	vld [tilespmem:s26+$0x3B0]  }
0x8b: {  	v3 =	vld [tilespmem:s26+$0xC41]  }
0x8c: {  	v4 =	vld [tilespmem:s26+$0xAA40]  }
0x8d: {  	v5 =	vld [tilespmem:s26+$0x3C0]  }
0x8e: {  	v6 =	vld [tilespmem:s26+$0xAA50]  }
0x8f: {  	v7 =	vld [tilespmem:s26+$0x3D0]  }
0x90: {  	v8 =	vld [tilespmem:s26+$0xAA60]  }
0x91: {  	v9 =	vld [tilespmem:s26+$0x3E0]  }
0x92: {  	v10 =	vld [tilespmem:s26+$0xAA70]  }
0x93: {  	v11 =	vld [tilespmem:s26+$0x3F0]  }
0x94: {  	v12 =	vld [tilespmem:s26+$0xAA80]  }
0x95: {  	v14 =	vld [tilespmem:s26+$0x400]  }
0x96: {  	v15 =	vld [tilespmem:s26+$0xAA90]  }
0x97: {  	v17 =	vld [tilespmem:s26+$0x410]  }
0x98: {  	v16 =	vld [tilespmem:s26+$0xBD1]  }
0x99: {  	v18 =	vld [tilespmem:s26+$0xBE1]  }
0x9a: {  	v0 =	vmul.bf16 v1, v0;
	v1 =	vld [tilespmem:s26+$0xAAA0];
	v2 =	vmul.bf16 v4, v2  }
0x9b: {  	v4 =	vld [tilespmem:s26+$0xBF1];
	v5 =	vmul.bf16 v6, v5;
	v6 =	vmul.bf16 v8, v7  }
0x9c: {  	v9 =	vmul.bf16 v10, v9;
	v12 =	vmul.bf16 v12, v11  }
0x9d: {  	v13 =	vld [tilespmem:s26+$0xC01];
	v0 =	vmul.bf16 v3, v0;
	v2 =	vmul.bf16 v16, v2  }
0x9e: {  	v11 =	vmul.bf16 v15, v14;
	v7 =	vimm.bf16 $0.0e+00;
	v3 =	vimm.bf16 $0.0e+00;
	v16 =	vld [tilespmem:s26+$0xC11]  }
0x9f: {  	v15 =	vld [tilespmem:s26+$0xC21];
	v0 =	vadd.bf16 v0, v3;
	v2 =	vadd.bf16 v2, v3;
	v10 =	vmul.bf16 v1, v17  }
0xa0: {  	s25 =	simm.s32 $0x410;
	v14 =	vld [tilespmem:s26+$0xC31];
	v17 =	vmul.bf16 v18, v5;
	v18 =	vmul.bf16 v4, v6;
	v6 =	vimm.bf16 $0.0e+00  }
0xa1: {  	v8 =	vld [tilespmem:s25+$0x420];
	s26 =	simm.s32 $0x2080;
	v5 =	vimm.bf16 $0.0e+00;
	v4 =	vimm.bf16 $0.0e+00;
	v1 =	vimm.bf16 $0.0e+00  }
.LBB2_5:
0xa2: {  	p0 =	sne.s32 s26, $0x11440;
	v19 =	vld [tilespmem:s25+$0xAAB0];
	v3 =	vadd.bf16 v17, v3;
	v9 =	vmul.bf16 v13, v9  }
0xa3: {  	v13 =	vld [tilespmem:s25+$0x3B0];
	v7 =	vadd.bf16 v18, v7;
	v12 =	vmul.bf16 v16, v12  }
0xa4: {  	v16 =	vld [tilespmem:s25+$0xC41];
	v6 =	vadd.bf16 v9, v6;
	v9 =	vmul.bf16 v15, v11  }
0xa5: {  	v11 =	vld [tilespmem:s25+$0xAA40];
	v5 =	vadd.bf16 v12, v5;
	v10 =	vmul.bf16 v14, v10  }
0xa6: {  	v12 =	vld [tilespmem:s25+$0x3C0];
	v4 =	vadd.bf16 v9, v4  }
0xa7: {  	v9 =	vld [tilespmem:s25+$0xAA50];
	v8 =	vmul.bf16 v19, v8;
	v1 =	vadd.bf16 v10, v1  }
0xa8: {  	v10 =	vld [tilespmem:s25+$0x3D0]  }
0xa9: {  	v14 =	vld [tilespmem:s25+$0xAA60];
	v8 =	vmul.bf16 v16, v8  }
0xaa: {  	v15 =	vmul.bf16 v11, v13;
	v11 =	vld [tilespmem:s25+$0x3E0]  }
0xab: {  	v13 =	vld [tilespmem:s25+$0xAA70];
	v0 =	vadd.bf16 v8, v0  }
0xac: {  	v8 =	vmul.bf16 v9, v12;
	v12 =	vld [tilespmem:s25+$0x3F0]  }
0xad: {  	v16 =	vld [tilespmem:s25+$0xAA80]  }
0xae: {  	v18 =	vmul.bf16 v14, v10;
	v10 =	vld [tilespmem:s25+$0x400]  }
0xaf: {  	v14 =	vld [tilespmem:s25+$0xAA90]  }
0xb0: {  	v9 =	vmul.bf16 v13, v11;
	v17 =	vld [tilespmem:s25+$0x410]  }
0xb1: {  	v19 =	vld [tilespmem:s25+$0xAAA0]  }
0xb2: {  	v20 =	vld [tilespmem:s25+$0xBD1];
	v12 =	vmul.bf16 v16, v12  }
0xb3: {  	v21 =	vld [tilespmem:s25+$0xBE1]  }
0xb4: {  	v22 =	vld [tilespmem:s25+$0xBF1];
	v11 =	vmul.bf16 v14, v10  }
.Ltmp1:
0xb5: {  	v13 =	vld [tilespmem:s25+$0xC01];
	(pc) =	sbr.rel @p0 .LBB2_5-.Ltmp1, $4  }
0xb6: {  	v16 =	vld [tilespmem:s25+$0xC11];
	v10 =	vmul.bf16 v19, v17  }
0xb7: {  	v19 =	vmul.bf16 v20, v15;
	v15 =	vld [tilespmem:s25+$0xC21]  }
0xb8: {  	v17 =	vmul.bf16 v21, v8;
	v14 =	vld [tilespmem:s25+$0xC31];
	s25 =	sshra.s32 s26, $0x2  }
0xb9: {  	s26 =	sadd.s32 $0x1040, s26;
	v8 =	vld [tilespmem:s25+$0x420];
	v2 =	vadd.bf16 v19, v2;
	v18 =	vmul.bf16 v22, v18  }
0xba: {  	v19 =	vld [tilespmem:s25+$0xAAB0]  }
0xbb: {  	v20 =	vld [tilespmem:s25+$0x3B0]  }
0xbc: {  	v21 =	vld [tilespmem:s25+$0xAA40]  }
0xbd: {  	v22 =	vld [tilespmem:s25+$0x3C0]  }
0xbe: {  	v23 =	vld [tilespmem:s25+$0xAA50]  }
0xbf: {  	v24 =	vld [tilespmem:s25+$0x3D0]  }
0xc0: {  	v25 =	vld [tilespmem:s25+$0xAA60]  }
0xc1: {  	v26 =	vld [tilespmem:s25+$0x3E0]  }
0xc2: {  	v27 =	vld [tilespmem:s25+$0xAA70]  }
0xc3: {  	v28 =	vld [tilespmem:s25+$0x3F0]  }
0xc4: {  	v29 =	vld [tilespmem:s25+$0xAA80]  }
0xc5: {  	v30 =	vld [tilespmem:s25+$0x400]  }
0xc6: {  	v31 =	vld [tilespmem:s25+$0xAA90]  }
0xc7: {  	v32 =	vld [tilespmem:s25+$0x410]  }
0xc8: {  	v33 =	vld [tilespmem:s25+$0xAAA0]  }
0xc9: {  	v34 =	vld [tilespmem:s25+$0xBD1]  }
0xca: {  	v35 =	vld [tilespmem:s25+$0xBE1]  }
0xcb: {  	v3 =	vadd.bf16 v17, v3;
	v9 =	vmul.bf16 v13, v9;
	v13 =	vld [tilespmem:s25+$0xBF1];
	v12 =	vmul.bf16 v16, v12  }
0xcc: {  	v7 =	vadd.bf16 v18, v7;
	v16 =	vld [tilespmem:s25+$0xC01];
	v11 =	vmul.bf16 v15, v11;
	v15 =	vmul.bf16 v21, v20  }
0xcd: {  	v6 =	vadd.bf16 v9, v6;
	v9 =	vmul.bf16 v14, v10;
	v14 =	vld [tilespmem:s25+$0xC11];
	v10 =	vmul.bf16 v23, v22  }
0xce: {  	v17 =	vld [tilespmem:s25+$0xC21];
	v5 =	vadd.bf16 v12, v5;
	v12 =	vmul.bf16 v25, v24;
	v15 =	vmul.bf16 v34, v15  }
0xcf: {  	v18 =	vld [tilespmem:s25+$0xC31];
	v4 =	vadd.bf16 v11, v4;
	v11 =	vmul.bf16 v27, v26;
	v10 =	vmul.bf16 v35, v10  }
0xd0: {  	v20 =	vmul.bf16 v29, v28;
	v12 =	vmul.bf16 v13, v12;
	v13 =	vld [tilespmem:s25+$0xC41];
	v2 =	vadd.bf16 v15, v2  }
0xd1: {  	v15 =	vmul.bf16 v31, v30;
	v3 =	vadd.bf16 v10, v3;
	v10 =	vmul.bf16 v16, v11  }
0xd2: {  	v11 =	vmul.bf16 v33, v32;
	v7 =	vadd.bf16 v12, v7;
	v12 =	vmul.bf16 v14, v20;
	[tilespmem:s24+$0x148B0] =	vst v2  }
0xd3: {  	v2 =	vmul.bf16 v19, v8;
	v6 =	vadd.bf16 v10, v6;
	v8 =	vmul.bf16 v17, v15;
	[tilespmem:s24+$0x148C0] =	vst v3  }
0xd4: {  	v1 =	vadd.bf16 v9, v1;
	v3 =	vadd.bf16 v12, v5;
	v5 =	vmul.bf16 v18, v11;
	[tilespmem:s24+$0x148D0] =	vst v7  }
0xd5: {  	v2 =	vmul.bf16 v13, v2;
	v4 =	vadd.bf16 v8, v4;
	[tilespmem:s24+$0x148E0] =	vst v6  }
0xd6: {  	v1 =	vadd.bf16 v5, v1;
	[tilespmem:s24+$0x148F0] =	vst v3  }
0xd7: {  	v0 =	vadd.bf16 v2, v0;
	[tilespmem:s24+$0x14900] =	vst v4  }
0xd8: {  	[tilespmem:s24+$0x14910] =	vst v1  }
0xd9: {  	s26 =	simm.s32 $0x0;
	[tilespmem:s24+$0x14920] =	vst v0  }
0xda: {  	v0 =	vld [tilespmem:s26+$0x4A0]  }
0xdb: {  	v1 =	vld [tilespmem:s26+$0xAB30]  }
0xdc: {  	v2 =	vld [tilespmem:s26+$0x430]  }
0xdd: {  	v3 =	vld [tilespmem:s26+$0xCC1]  }
0xde: {  	v4 =	vld [tilespmem:s26+$0xAAC0]  }
0xdf: {  	v5 =	vld [tilespmem:s26+$0x440]  }
0xe0: {  	v6 =	vld [tilespmem:s26+$0xAAD0]  }
0xe1: {  	v7 =	vld [tilespmem:s26+$0x450]  }
0xe2: {  	v8 =	vld [tilespmem:s26+$0xAAE0]  }
0xe3: {  	v9 =	vld [tilespmem:s26+$0x460]  }
0xe4: {  	v10 =	vld [tilespmem:s26+$0xAAF0]  }
0xe5: {  	v11 =	vld [tilespmem:s26+$0x470]  }
0xe6: {  	v12 =	vld [tilespmem:s26+$0xAB00]  }
0xe7: {  	v14 =	vld [tilespmem:s26+$0x480]  }
0xe8: {  	v15 =	vld [tilespmem:s26+$0xAB10]  }
0xe9: {  	v17 =	vld [tilespmem:s26+$0x490]  }
0xea: {  	v16 =	vld [tilespmem:s26+$0xC51]  }
0xeb: {  	v18 =	vld [tilespmem:s26+$0xC61]  }
0xec: {  	v0 =	vmul.bf16 v1, v0;
	v1 =	vld [tilespmem:s26+$0xAB20];
	v2 =	vmul.bf16 v4, v2  }
0xed: {  	v4 =	vld [tilespmem:s26+$0xC71];
	v5 =	vmul.bf16 v6, v5;
	v6 =	vmul.bf16 v8, v7  }
0xee: {  	v9 =	vmul.bf16 v10, v9;
	v12 =	vmul.bf16 v12, v11  }
0xef: {  	v13 =	vld [tilespmem:s26+$0xC81];
	v0 =	vmul.bf16 v3, v0;
	v2 =	vmul.bf16 v16, v2  }
0xf0: {  	v11 =	vmul.bf16 v15, v14;
	v7 =	vimm.bf16 $0.0e+00;
	v3 =	vimm.bf16 $0.0e+00;
	v16 =	vld [tilespmem:s26+$0xC91]  }
0xf1: {  	v15 =	vld [tilespmem:s26+$0xCA1];
	v0 =	vadd.bf16 v0, v3;
	v2 =	vadd.bf16 v2, v3;
	v10 =	vmul.bf16 v1, v17  }
0xf2: {  	s25 =	simm.s32 $0x410;
	v14 =	vld [tilespmem:s26+$0xCB1];
	v17 =	vmul.bf16 v18, v5;
	v18 =	vmul.bf16 v4, v6;
	v6 =	vimm.bf16 $0.0e+00  }
0xf3: {  	v8 =	vld [tilespmem:s25+$0x4A0];
	s26 =	simm.s32 $0x2080;
	v5 =	vimm.bf16 $0.0e+00;
	v4 =	vimm.bf16 $0.0e+00;
	v1 =	vimm.bf16 $0.0e+00  }
.LBB2_7:
0xf4: {  	p0 =	sne.s32 s26, $0x11440;
	v19 =	vld [tilespmem:s25+$0xAB30];
	v3 =	vadd.bf16 v17, v3;
	v9 =	vmul.bf16 v13, v9  }
0xf5: {  	v13 =	vld [tilespmem:s25+$0x430];
	v7 =	vadd.bf16 v18, v7;
	v12 =	vmul.bf16 v16, v12  }
0xf6: {  	v16 =	vld [tilespmem:s25+$0xCC1];
	v6 =	vadd.bf16 v9, v6;
	v9 =	vmul.bf16 v15, v11  }
0xf7: {  	v11 =	vld [tilespmem:s25+$0xAAC0];
	v5 =	vadd.bf16 v12, v5;
	v10 =	vmul.bf16 v14, v10  }
0xf8: {  	v12 =	vld [tilespmem:s25+$0x440];
	v4 =	vadd.bf16 v9, v4  }
0xf9: {  	v9 =	vld [tilespmem:s25+$0xAAD0];
	v8 =	vmul.bf16 v19, v8;
	v1 =	vadd.bf16 v10, v1  }
0xfa: {  	v10 =	vld [tilespmem:s25+$0x450]  }
0xfb: {  	v14 =	vld [tilespmem:s25+$0xAAE0];
	v8 =	vmul.bf16 v16, v8  }
0xfc: {  	v15 =	vmul.bf16 v11, v13;
	v11 =	vld [tilespmem:s25+$0x460]  }
0xfd: {  	v13 =	vld [tilespmem:s25+$0xAAF0];
	v0 =	vadd.bf16 v8, v0  }
0xfe: {  	v8 =	vmul.bf16 v9, v12;
	v12 =	vld [tilespmem:s25+$0x470]  }
0xff: {  	v16 =	vld [tilespmem:s25+$0xAB00]  }
0x100: {  	v18 =	vmul.bf16 v14, v10;
	v10 =	vld [tilespmem:s25+$0x480]  }
0x101: {  	v14 =	vld [tilespmem:s25+$0xAB10]  }
0x102: {  	v9 =	vmul.bf16 v13, v11;
	v17 =	vld [tilespmem:s25+$0x490]  }
0x103: {  	v19 =	vld [tilespmem:s25+$0xAB20]  }
0x104: {  	v20 =	vld [tilespmem:s25+$0xC51];
	v12 =	vmul.bf16 v16, v12  }
0x105: {  	v21 =	vld [tilespmem:s25+$0xC61]  }
0x106: {  	v22 =	vld [tilespmem:s25+$0xC71];
	v11 =	vmul.bf16 v14, v10  }
.Ltmp2:
0x107: {  	v13 =	vld [tilespmem:s25+$0xC81];
	(pc) =	sbr.rel @p0 .LBB2_7-.Ltmp2, $4  }
0x108: {  	v16 =	vld [tilespmem:s25+$0xC91];
	v10 =	vmul.bf16 v19, v17  }
0x109: {  	v19 =	vmul.bf16 v20, v15;
	v15 =	vld [tilespmem:s25+$0xCA1]  }
0x10a: {  	v17 =	vmul.bf16 v21, v8;
	v14 =	vld [tilespmem:s25+$0xCB1];
	s25 =	sshra.s32 s26, $0x2  }
0x10b: {  	s26 =	sadd.s32 $0x1040, s26;
	v8 =	vld [tilespmem:s25+$0x4A0];
	v2 =	vadd.bf16 v19, v2;
	v18 =	vmul.bf16 v22, v18  }
0x10c: {  	v19 =	vld [tilespmem:s25+$0xAB30]  }
0x10d: {  	v20 =	vld [tilespmem:s25+$0x430]  }
0x10e: {  	v21 =	vld [tilespmem:s25+$0xAAC0]  }
0x10f: {  	v22 =	vld [tilespmem:s25+$0x440]  }
0x110: {  	v23 =	vld [tilespmem:s25+$0xAAD0]  }
0x111: {  	v24 =	vld [tilespmem:s25+$0x450]  }
0x112: {  	v25 =	vld [tilespmem:s25+$0xAAE0]  }
0x113: {  	v26 =	vld [tilespmem:s25+$0x460]  }
0x114: {  	v27 =	vld [tilespmem:s25+$0xAAF0]  }
0x115: {  	v28 =	vld [tilespmem:s25+$0x470]  }
0x116: {  	v29 =	vld [tilespmem:s25+$0xAB00]  }
0x117: {  	v30 =	vld [tilespmem:s25+$0x480]  }
0x118: {  	v31 =	vld [tilespmem:s25+$0xAB10]  }
0x119: {  	v32 =	vld [tilespmem:s25+$0x490]  }
0x11a: {  	v33 =	vld [tilespmem:s25+$0xAB20]  }
0x11b: {  	v34 =	vld [tilespmem:s25+$0xC51]  }
0x11c: {  	v35 =	vld [tilespmem:s25+$0xC61]  }
0x11d: {  	v3 =	vadd.bf16 v17, v3;
	v9 =	vmul.bf16 v13, v9;
	v13 =	vld [tilespmem:s25+$0xC71];
	v12 =	vmul.bf16 v16, v12  }
0x11e: {  	v7 =	vadd.bf16 v18, v7;
	v16 =	vld [tilespmem:s25+$0xC81];
	v11 =	vmul.bf16 v15, v11;
	v15 =	vmul.bf16 v21, v20  }
0x11f: {  	v6 =	vadd.bf16 v9, v6;
	v9 =	vmul.bf16 v14, v10;
	v14 =	vld [tilespmem:s25+$0xC91];
	v10 =	vmul.bf16 v23, v22  }
0x120: {  	v17 =	vld [tilespmem:s25+$0xCA1];
	v5 =	vadd.bf16 v12, v5;
	v12 =	vmul.bf16 v25, v24;
	v15 =	vmul.bf16 v34, v15  }
0x121: {  	v18 =	vld [tilespmem:s25+$0xCB1];
	v4 =	vadd.bf16 v11, v4;
	v11 =	vmul.bf16 v27, v26;
	v10 =	vmul.bf16 v35, v10  }
0x122: {  	v20 =	vmul.bf16 v29, v28;
	v12 =	vmul.bf16 v13, v12;
	v13 =	vld [tilespmem:s25+$0xCC1];
	v2 =	vadd.bf16 v15, v2  }
0x123: {  	v15 =	vmul.bf16 v31, v30;
	v3 =	vadd.bf16 v10, v3;
	v10 =	vmul.bf16 v16, v11  }
0x124: {  	v11 =	vmul.bf16 v33, v32;
	v7 =	vadd.bf16 v12, v7;
	v12 =	vmul.bf16 v14, v20;
	[tilespmem:s24+$0x14930] =	vst v2  }
0x125: {  	v2 =	vmul.bf16 v19, v8;
	v6 =	vadd.bf16 v10, v6;
	v8 =	vmul.bf16 v17, v15;
	[tilespmem:s24+$0x14940] =	vst v3  }
0x126: {  	v1 =	vadd.bf16 v9, v1;
	v3 =	vadd.bf16 v12, v5;
	v5 =	vmul.bf16 v18, v11;
	[tilespmem:s24+$0x14950] =	vst v7  }
0x127: {  	v2 =	vmul.bf16 v13, v2;
	v4 =	vadd.bf16 v8, v4;
	[tilespmem:s24+$0x14960] =	vst v6  }
0x128: {  	v1 =	vadd.bf16 v5, v1;
	[tilespmem:s24+$0x14970] =	vst v3  }
0x129: {  	v0 =	vadd.bf16 v2, v0;
	[tilespmem:s24+$0x14980] =	vst v4  }
0x12a: {  	[tilespmem:s24+$0x14990] =	vst v1  }
0x12b: {  	s26 =	simm.s32 $0x0;
	[tilespmem:s24+$0x149A0] =	vst v0  }
0x12c: {  	v0 =	vld [tilespmem:s26+$0x520]  }
0x12d: {  	v1 =	vld [tilespmem:s26+$0xABB0]  }
0x12e: {  	v2 =	vld [tilespmem:s26+$0x4B0]  }
0x12f: {  	v3 =	vld [tilespmem:s26+$0xD41]  }
0x130: {  	v4 =	vld [tilespmem:s26+$0xAB40]  }
0x131: {  	v5 =	vld [tilespmem:s26+$0x4C0]  }
0x132: {  	v6 =	vld [tilespmem:s26+$0xAB50]  }
0x133: {  	v7 =	vld [tilespmem:s26+$0x4D0]  }
0x134: {  	v8 =	vld [tilespmem:s26+$0xAB60]  }
0x135: {  	v9 =	vld [tilespmem:s26+$0x4E0]  }
0x136: {  	v10 =	vld [tilespmem:s26+$0xAB70]  }
0x137: {  	v11 =	vld [tilespmem:s26+$0x4F0]  }
0x138: {  	v12 =	vld [tilespmem:s26+$0xAB80]  }
0x139: {  	v14 =	vld [tilespmem:s26+$0x500]  }
0x13a: {  	v15 =	vld [tilespmem:s26+$0xAB90]  }
0x13b: {  	v17 =	vld [tilespmem:s26+$0x510]  }
0x13c: {  	v16 =	vld [tilespmem:s26+$0xCD1]  }
0x13d: {  	v18 =	vld [tilespmem:s26+$0xCE1]  }
0x13e: {  	v0 =	vmul.bf16 v1, v0;
	v1 =	vld [tilespmem:s26+$0xABA0];
	v2 =	vmul.bf16 v4, v2  }
0x13f: {  	v4 =	vld [tilespmem:s26+$0xCF1];
	v5 =	vmul.bf16 v6, v5;
	v6 =	vmul.bf16 v8, v7  }
0x140: {  	v9 =	vmul.bf16 v10, v9;
	v12 =	vmul.bf16 v12, v11  }
0x141: {  	v13 =	vld [tilespmem:s26+$0xD01];
	v0 =	vmul.bf16 v3, v0;
	v2 =	vmul.bf16 v16, v2  }
0x142: {  	v11 =	vmul.bf16 v15, v14;
	v7 =	vimm.bf16 $0.0e+00;
	v3 =	vimm.bf16 $0.0e+00;
	v16 =	vld [tilespmem:s26+$0xD11]  }
0x143: {  	v15 =	vld [tilespmem:s26+$0xD21];
	v0 =	vadd.bf16 v0, v3;
	v2 =	vadd.bf16 v2, v3;
	v10 =	vmul.bf16 v1, v17  }
0x144: {  	s25 =	simm.s32 $0x410;
	v14 =	vld [tilespmem:s26+$0xD31];
	v17 =	vmul.bf16 v18, v5;
	v18 =	vmul.bf16 v4, v6;
	v6 =	vimm.bf16 $0.0e+00  }
0x145: {  	v8 =	vld [tilespmem:s25+$0x520];
	s26 =	simm.s32 $0x2080;
	v5 =	vimm.bf16 $0.0e+00;
	v4 =	vimm.bf16 $0.0e+00;
	v1 =	vimm.bf16 $0.0e+00  }
.LBB2_9:
0x146: {  	p0 =	sne.s32 s26, $0x11440;
	v19 =	vld [tilespmem:s25+$0xABB0];
	v3 =	vadd.bf16 v17, v3;
	v9 =	vmul.bf16 v13, v9  }
0x147: {  	v13 =	vld [tilespmem:s25+$0x4B0];
	v7 =	vadd.bf16 v18, v7;
	v12 =	vmul.bf16 v16, v12  }
0x148: {  	v16 =	vld [tilespmem:s25+$0xD41];
	v6 =	vadd.bf16 v9, v6;
	v9 =	vmul.bf16 v15, v11  }
0x149: {  	v11 =	vld [tilespmem:s25+$0xAB40];
	v5 =	vadd.bf16 v12, v5;
	v10 =	vmul.bf16 v14, v10  }
0x14a: {  	v12 =	vld [tilespmem:s25+$0x4C0];
	v4 =	vadd.bf16 v9, v4  }
0x14b: {  	v9 =	vld [tilespmem:s25+$0xAB50];
	v8 =	vmul.bf16 v19, v8;
	v1 =	vadd.bf16 v10, v1  }
0x14c: {  	v10 =	vld [tilespmem:s25+$0x4D0]  }
0x14d: {  	v14 =	vld [tilespmem:s25+$0xAB60];
	v8 =	vmul.bf16 v16, v8  }
0x14e: {  	v15 =	vmul.bf16 v11, v13;
	v11 =	vld [tilespmem:s25+$0x4E0]  }
0x14f: {  	v13 =	vld [tilespmem:s25+$0xAB70];
	v0 =	vadd.bf16 v8, v0  }
0x150: {  	v8 =	vmul.bf16 v9, v12;
	v12 =	vld [tilespmem:s25+$0x4F0]  }
0x151: {  	v16 =	vld [tilespmem:s25+$0xAB80]  }
0x152: {  	v18 =	vmul.bf16 v14, v10;
	v10 =	vld [tilespmem:s25+$0x500]  }
0x153: {  	v14 =	vld [tilespmem:s25+$0xAB90]  }
0x154: {  	v9 =	vmul.bf16 v13, v11;
	v17 =	vld [tilespmem:s25+$0x510]  }
0x155: {  	v19 =	vld [tilespmem:s25+$0xABA0]  }
0x156: {  	v20 =	vld [tilespmem:s25+$0xCD1];
	v12 =	vmul.bf16 v16, v12  }
0x157: {  	v21 =	vld [tilespmem:s25+$0xCE1]  }
0x158: {  	v22 =	vld [tilespmem:s25+$0xCF1];
	v11 =	vmul.bf16 v14, v10  }
.Ltmp3:
0x159: {  	v13 =	vld [tilespmem:s25+$0xD01];
	(pc) =	sbr.rel @p0 .LBB2_9-.Ltmp3, $4  }
0x15a: {  	v16 =	vld [tilespmem:s25+$0xD11];
	v10 =	vmul.bf16 v19, v17  }
0x15b: {  	v19 =	vmul.bf16 v20, v15;
	v15 =	vld [tilespmem:s25+$0xD21]  }
0x15c: {  	v17 =	vmul.bf16 v21, v8;
	v14 =	vld [tilespmem:s25+$0xD31];
	s25 =	sshra.s32 s26, $0x2  }
0x15d: {  	s26 =	sadd.s32 $0x1040, s26;
	v8 =	vld [tilespmem:s25+$0x520];
	v2 =	vadd.bf16 v19, v2;
	v18 =	vmul.bf16 v22, v18  }
0x15e: {  	v19 =	vld [tilespmem:s25+$0xABB0]  }
0x15f: {  	v20 =	vld [tilespmem:s25+$0x4B0]  }
0x160: {  	v21 =	vld [tilespmem:s25+$0xAB40]  }
0x161: {  	v22 =	vld [tilespmem:s25+$0x4C0]  }
0x162: {  	v23 =	vld [tilespmem:s25+$0xAB50]  }
0x163: {  	v24 =	vld [tilespmem:s25+$0x4D0]  }
0x164: {  	v25 =	vld [tilespmem:s25+$0xAB60]  }
0x165: {  	v26 =	vld [tilespmem:s25+$0x4E0]  }
0x166: {  	v27 =	vld [tilespmem:s25+$0xAB70]  }
0x167: {  	v28 =	vld [tilespmem:s25+$0x4F0]  }
0x168: {  	v29 =	vld [tilespmem:s25+$0xAB80]  }
0x169: {  	v30 =	vld [tilespmem:s25+$0x500]  }
0x16a: {  	v31 =	vld [tilespmem:s25+$0xAB90]  }
0x16b: {  	v32 =	vld [tilespmem:s25+$0x510]  }
0x16c: {  	v33 =	vld [tilespmem:s25+$0xABA0]  }
0x16d: {  	v34 =	vld [tilespmem:s25+$0xCD1]  }
0x16e: {  	v35 =	vld [tilespmem:s25+$0xCE1]  }
0x16f: {  	v3 =	vadd.bf16 v17, v3;
	v9 =	vmul.bf16 v13, v9;
	v13 =	vld [tilespmem:s25+$0xCF1];
	v12 =	vmul.bf16 v16, v12  }
0x170: {  	v7 =	vadd.bf16 v18, v7;
	v16 =	vld [tilespmem:s25+$0xD01];
	v11 =	vmul.bf16 v15, v11;
	v15 =	vmul.bf16 v21, v20  }
0x171: {  	v6 =	vadd.bf16 v9, v6;
	v9 =	vmul.bf16 v14, v10;
	v14 =	vld [tilespmem:s25+$0xD11];
	v10 =	vmul.bf16 v23, v22  }
0x172: {  	v17 =	vld [tilespmem:s25+$0xD21];
	v5 =	vadd.bf16 v12, v5;
	v12 =	vmul.bf16 v25, v24;
	v15 =	vmul.bf16 v34, v15  }
0x173: {  	v18 =	vld [tilespmem:s25+$0xD31];
	v4 =	vadd.bf16 v11, v4;
	v11 =	vmul.bf16 v27, v26;
	v10 =	vmul.bf16 v35, v10  }
0x174: {  	v20 =	vmul.bf16 v29, v28;
	v12 =	vmul.bf16 v13, v12;
	v13 =	vld [tilespmem:s25+$0xD41];
	v2 =	vadd.bf16 v15, v2  }
0x175: {  	v15 =	vmul.bf16 v31, v30;
	v3 =	vadd.bf16 v10, v3;
	v10 =	vmul.bf16 v16, v11  }
0x176: {  	v11 =	vmul.bf16 v33, v32;
	v7 =	vadd.bf16 v12, v7;
	v12 =	vmul.bf16 v14, v20;
	[tilespmem:s24+$0x149B0] =	vst v2  }
0x177: {  	v2 =	vmul.bf16 v19, v8;
	v6 =	vadd.bf16 v10, v6;
	v8 =	vmul.bf16 v17, v15;
	[tilespmem:s24+$0x149C0] =	vst v3  }
0x178: {  	v1 =	vadd.bf16 v9, v1;
	v3 =	vadd.bf16 v12, v5;
	v5 =	vmul.bf16 v18, v11;
	[tilespmem:s24+$0x149D0] =	vst v7  }
0x179: {  	v2 =	vmul.bf16 v13, v2;
	v4 =	vadd.bf16 v8, v4;
	[tilespmem:s24+$0x149E0] =	vst v6  }
0x17a: {  	v1 =	vadd.bf16 v5, v1;
	[tilespmem:s24+$0x149F0] =	vst v3  }
0x17b: {  	v0 =	vadd.bf16 v2, v0;
	[tilespmem:s24+$0x14A00] =	vst v4  }
0x17c: {  	[tilespmem:s24+$0x14A10] =	vst v1  }
0x17d: {  	s26 =	simm.s32 $0x0;
	[tilespmem:s24+$0x14A20] =	vst v0  }
0x17e: {  	v0 =	vld [tilespmem:s26+$0x5A0]  }
0x17f: {  	v1 =	vld [tilespmem:s26+$0xAC30]  }
0x180: {  	v2 =	vld [tilespmem:s26+$0x530]  }
0x181: {  	v3 =	vld [tilespmem:s26+$0xDC1]  }
0x182: {  	v4 =	vld [tilespmem:s26+$0xABC0]  }
0x183: {  	v5 =	vld [tilespmem:s26+$0x540]  }
0x184: {  	v6 =	vld [tilespmem:s26+$0xABD0]  }
0x185: {  	v7 =	vld [tilespmem:s26+$0x550]  }
0x186: {  	v8 =	vld [tilespmem:s26+$0xABE0]  }
0x187: {  	v9 =	vld [tilespmem:s26+$0x560]  }
0x188: {  	v10 =	vld [tilespmem:s26+$0xABF0]  }
0x189: {  	v11 =	vld [tilespmem:s26+$0x570]  }
0x18a: {  	v12 =	vld [tilespmem:s26+$0xAC00]  }
0x18b: {  	v14 =	vld [tilespmem:s26+$0x580]  }
0x18c: {  	v15 =	vld [tilespmem:s26+$0xAC10]  }
0x18d: {  	v17 =	vld [tilespmem:s26+$0x590]  }
0x18e: {  	v16 =	vld [tilespmem:s26+$0xD51]  }
0x18f: {  	v18 =	vld [tilespmem:s26+$0xD61]  }
0x190: {  	v0 =	vmul.bf16 v1, v0;
	v1 =	vld [tilespmem:s26+$0xAC20];
	v2 =	vmul.bf16 v4, v2  }
0x191: {  	v4 =	vld [tilespmem:s26+$0xD71];
	v5 =	vmul.bf16 v6, v5;
	v6 =	vmul.bf16 v8, v7  }
0x192: {  	v9 =	vmul.bf16 v10, v9;
	v12 =	vmul.bf16 v12, v11  }
0x193: {  	v13 =	vld [tilespmem:s26+$0xD81];
	v0 =	vmul.bf16 v3, v0;
	v2 =	vmul.bf16 v16, v2  }
0x194: {  	v11 =	vmul.bf16 v15, v14;
	v7 =	vimm.bf16 $0.0e+00;
	v3 =	vimm.bf16 $0.0e+00;
	v16 =	vld [tilespmem:s26+$0xD91]  }
0x195: {  	v15 =	vld [tilespmem:s26+$0xDA1];
	v0 =	vadd.bf16 v0, v3;
	v2 =	vadd.bf16 v2, v3;
	v10 =	vmul.bf16 v1, v17  }
0x196: {  	s25 =	simm.s32 $0x410;
	v14 =	vld [tilespmem:s26+$0xDB1];
	v17 =	vmul.bf16 v18, v5;
	v18 =	vmul.bf16 v4, v6;
	v6 =	vimm.bf16 $0.0e+00  }
0x197: {  	v8 =	vld [tilespmem:s25+$0x5A0];
	s26 =	simm.s32 $0x2080;
	v5 =	vimm.bf16 $0.0e+00;
	v4 =	vimm.bf16 $0.0e+00;
	v1 =	vimm.bf16 $0.0e+00  }
.LBB2_11:
0x198: {  	p0 =	sne.s32 s26, $0x11440;
	v19 =	vld [tilespmem:s25+$0xAC30];
	v3 =	vadd.bf16 v17, v3;
	v9 =	vmul.bf16 v13, v9  }
0x199: {  	v13 =	vld [tilespmem:s25+$0x530];
	v7 =	vadd.bf16 v18, v7;
	v12 =	vmul.bf16 v16, v12  }
0x19a: {  	v16 =	vld [tilespmem:s25+$0xDC1];
	v6 =	vadd.bf16 v9, v6;
	v9 =	vmul.bf16 v15, v11  }
0x19b: {  	v11 =	vld [tilespmem:s25+$0xABC0];
	v5 =	vadd.bf16 v12, v5;
	v10 =	vmul.bf16 v14, v10  }
0x19c: {  	v12 =	vld [tilespmem:s25+$0x540];
	v4 =	vadd.bf16 v9, v4  }
0x19d: {  	v9 =	vld [tilespmem:s25+$0xABD0];
	v8 =	vmul.bf16 v19, v8;
	v1 =	vadd.bf16 v10, v1  }
0x19e: {  	v10 =	vld [tilespmem:s25+$0x550]  }
0x19f: {  	v14 =	vld [tilespmem:s25+$0xABE0];
	v8 =	vmul.bf16 v16, v8  }
0x1a0: {  	v15 =	vmul.bf16 v11, v13;
	v11 =	vld [tilespmem:s25+$0x560]  }
0x1a1: {  	v13 =	vld [tilespmem:s25+$0xABF0];
	v0 =	vadd.bf16 v8, v0  }
0x1a2: {  	v8 =	vmul.bf16 v9, v12;
	v12 =	vld [tilespmem:s25+$0x570]  }
0x1a3: {  	v16 =	vld [tilespmem:s25+$0xAC00]  }
0x1a4: {  	v18 =	vmul.bf16 v14, v10;
	v10 =	vld [tilespmem:s25+$0x580]  }
0x1a5: {  	v14 =	vld [tilespmem:s25+$0xAC10]  }
0x1a6: {  	v9 =	vmul.bf16 v13, v11;
	v17 =	vld [tilespmem:s25+$0x590]  }
0x1a7: {  	v19 =	vld [tilespmem:s25+$0xAC20]  }
0x1a8: {  	v20 =	vld [tilespmem:s25+$0xD51];
	v12 =	vmul.bf16 v16, v12  }
0x1a9: {  	v21 =	vld [tilespmem:s25+$0xD61]  }
0x1aa: {  	v22 =	vld [tilespmem:s25+$0xD71];
	v11 =	vmul.bf16 v14, v10  }
.Ltmp4:
0x1ab: {  	v13 =	vld [tilespmem:s25+$0xD81];
	(pc) =	sbr.rel @p0 .LBB2_11-.Ltmp4, $4  }
0x1ac: {  	v16 =	vld [tilespmem:s25+$0xD91];
	v10 =	vmul.bf16 v19, v17  }
0x1ad: {  	v19 =	vmul.bf16 v20, v15;
	v15 =	vld [tilespmem:s25+$0xDA1]  }
0x1ae: {  	v17 =	vmul.bf16 v21, v8;
	v14 =	vld [tilespmem:s25+$0xDB1];
	s25 =	sshra.s32 s26, $0x2  }
0x1af: {  	s26 =	sadd.s32 $0x1040, s26;
	v8 =	vld [tilespmem:s25+$0x5A0];
	v2 =	vadd.bf16 v19, v2;
	v18 =	vmul.bf16 v22, v18  }
0x1b0: {  	v19 =	vld [tilespmem:s25+$0xAC30]  }
0x1b1: {  	v20 =	vld [tilespmem:s25+$0x530]  }
0x1b2: {  	v21 =	vld [tilespmem:s25+$0xABC0]  }
0x1b3: {  	v22 =	vld [tilespmem:s25+$0x540]  }
0x1b4: {  	v23 =	vld [tilespmem:s25+$0xABD0]  }
0x1b5: {  	v24 =	vld [tilespmem:s25+$0x550]  }
0x1b6: {  	v25 =	vld [tilespmem:s25+$0xABE0]  }
0x1b7: {  	v26 =	vld [tilespmem:s25+$0x560]  }
0x1b8: {  	v27 =	vld [tilespmem:s25+$0xABF0]  }
0x1b9: {  	v28 =	vld [tilespmem:s25+$0x570]  }
0x1ba: {  	v29 =	vld [tilespmem:s25+$0xAC00]  }
0x1bb: {  	v30 =	vld [tilespmem:s25+$0x580]  }
0x1bc: {  	v31 =	vld [tilespmem:s25+$0xAC10]  }
0x1bd: {  	v32 =	vld [tilespmem:s25+$0x590]  }
0x1be: {  	v33 =	vld [tilespmem:s25+$0xAC20]  }
0x1bf: {  	v34 =	vld [tilespmem:s25+$0xD51]  }
0x1c0: {  	v35 =	vld [tilespmem:s25+$0xD61]  }
0x1c1: {  	v3 =	vadd.bf16 v17, v3;
	v9 =	vmul.bf16 v13, v9;
	v13 =	vld [tilespmem:s25+$0xD71];
	v12 =	vmul.bf16 v16, v12  }
0x1c2: {  	v7 =	vadd.bf16 v18, v7;
	v16 =	vld [tilespmem:s25+$0xD81];
	v11 =	vmul.bf16 v15, v11;
	v15 =	vmul.bf16 v21, v20  }
0x1c3: {  	v6 =	vadd.bf16 v9, v6;
	v9 =	vmul.bf16 v14, v10;
	v14 =	vld [tilespmem:s25+$0xD91];
	v10 =	vmul.bf16 v23, v22  }
0x1c4: {  	v17 =	vld [tilespmem:s25+$0xDA1];
	v5 =	vadd.bf16 v12, v5;
	v12 =	vmul.bf16 v25, v24;
	v15 =	vmul.bf16 v34, v15  }
0x1c5: {  	v18 =	vld [tilespmem:s25+$0xDB1];
	v4 =	vadd.bf16 v11, v4;
	v11 =	vmul.bf16 v27, v26;
	v10 =	vmul.bf16 v35, v10  }
0x1c6: {  	v20 =	vmul.bf16 v29, v28;
	v12 =	vmul.bf16 v13, v12;
	v13 =	vld [tilespmem:s25+$0xDC1];
	v2 =	vadd.bf16 v15, v2  }
0x1c7: {  	v15 =	vmul.bf16 v31, v30;
	v3 =	vadd.bf16 v10, v3;
	v10 =	vmul.bf16 v16, v11  }
0x1c8: {  	v11 =	vmul.bf16 v33, v32;
	v7 =	vadd.bf16 v12, v7;
	v12 =	vmul.bf16 v14, v20;
	[tilespmem:s24+$0x14A30] =	vst v2  }
0x1c9: {  	v2 =	vmul.bf16 v19, v8;
	v6 =	vadd.bf16 v10, v6;
	v8 =	vmul.bf16 v17, v15;
	[tilespmem:s24+$0x14A40] =	vst v3  }
0x1ca: {  	v1 =	vadd.bf16 v9, v1;
	v3 =	vadd.bf16 v12, v5;
	v5 =	vmul.bf16 v18, v11;
	[tilespmem:s24+$0x14A50] =	vst v7  }
0x1cb: {  	v2 =	vmul.bf16 v13, v2;
	v4 =	vadd.bf16 v8, v4;
	[tilespmem:s24+$0x14A60] =	vst v6  }
0x1cc: {  	v1 =	vadd.bf16 v5, v1;
	[tilespmem:s24+$0x14A70] =	vst v3  }
0x1cd: {  	v0 =	vadd.bf16 v2, v0;
	[tilespmem:s24+$0x14A80] =	vst v4  }
0x1ce: {  	[tilespmem:s24+$0x14A90] =	vst v1  }
0x1cf: {  	s26 =	simm.s32 $0x0;
	[tilespmem:s24+$0x14AA0] =	vst v0  }
0x1d0: {  	v0 =	vld [tilespmem:s26+$0x620]  }
0x1d1: {  	v1 =	vld [tilespmem:s26+$0xACB0]  }
0x1d2: {  	v2 =	vld [tilespmem:s26+$0x5B0]  }
0x1d3: {  	v3 =	vld [tilespmem:s26+$0xE41]  }
0x1d4: {  	v4 =	vld [tilespmem:s26+$0xAC40]  }
0x1d5: {  	v5 =	vld [tilespmem:s26+$0x5C0]  }
0x1d6: {  	v6 =	vld [tilespmem:s26+$0xAC50]  }
0x1d7: {  	v7 =	vld [tilespmem:s26+$0x5D0]  }
0x1d8: {  	v8 =	vld [tilespmem:s26+$0xAC60]  }
0x1d9: {  	v9 =	vld [tilespmem:s26+$0x5E0]  }
0x1da: {  	v10 =	vld [tilespmem:s26+$0xAC70]  }
0x1db: {  	v11 =	vld [tilespmem:s26+$0x5F0]  }
0x1dc: {  	v12 =	vld [tilespmem:s26+$0xAC80]  }
0x1dd: {  	v14 =	vld [tilespmem:s26+$0x600]  }
0x1de: {  	v15 =	vld [tilespmem:s26+$0xAC90]  }
0x1df: {  	v17 =	vld [tilespmem:s26+$0x610]  }
0x1e0: {  	v16 =	vld [tilespmem:s26+$0xDD1]  }
0x1e1: {  	v18 =	vld [tilespmem:s26+$0xDE1]  }
0x1e2: {  	v0 =	vmul.bf16 v1, v0;
	v1 =	vld [tilespmem:s26+$0xACA0];
	v2 =	vmul.bf16 v4, v2  }
0x1e3: {  	v4 =	vld [tilespmem:s26+$0xDF1];
	v5 =	vmul.bf16 v6, v5;
	v6 =	vmul.bf16 v8, v7  }
0x1e4: {  	v9 =	vmul.bf16 v10, v9;
	v12 =	vmul.bf16 v12, v11  }
0x1e5: {  	v13 =	vld [tilespmem:s26+$0xE01];
	v0 =	vmul.bf16 v3, v0;
	v2 =	vmul.bf16 v16, v2  }
0x1e6: {  	v11 =	vmul.bf16 v15, v14;
	v7 =	vimm.bf16 $0.0e+00;
	v3 =	vimm.bf16 $0.0e+00;
	v16 =	vld [tilespmem:s26+$0xE11]  }
0x1e7: {  	v15 =	vld [tilespmem:s26+$0xE21];
	v0 =	vadd.bf16 v0, v3;
	v2 =	vadd.bf16 v2, v3;
	v10 =	vmul.bf16 v1, v17  }
0x1e8: {  	s25 =	simm.s32 $0x410;
	v14 =	vld [tilespmem:s26+$0xE31];
	v17 =	vmul.bf16 v18, v5;
	v18 =	vmul.bf16 v4, v6;
	v6 =	vimm.bf16 $0.0e+00  }
0x1e9: {  	v8 =	vld [tilespmem:s25+$0x620];
	s26 =	simm.s32 $0x2080;
	v5 =	vimm.bf16 $0.0e+00;
	v4 =	vimm.bf16 $0.0e+00;
	v1 =	vimm.bf16 $0.0e+00  }
.LBB2_13:
0x1ea: {  	p0 =	sne.s32 s26, $0x11440;
	v19 =	vld [tilespmem:s25+$0xACB0];
	v3 =	vadd.bf16 v17, v3;
	v9 =	vmul.bf16 v13, v9  }
0x1eb: {  	v13 =	vld [tilespmem:s25+$0x5B0];
	v7 =	vadd.bf16 v18, v7;
	v12 =	vmul.bf16 v16, v12  }
0x1ec: {  	v16 =	vld [tilespmem:s25+$0xE41];
	v6 =	vadd.bf16 v9, v6;
	v9 =	vmul.bf16 v15, v11  }
0x1ed: {  	v11 =	vld [tilespmem:s25+$0xAC40];
	v5 =	vadd.bf16 v12, v5;
	v10 =	vmul.bf16 v14, v10  }
0x1ee: {  	v12 =	vld [tilespmem:s25+$0x5C0];
	v4 =	vadd.bf16 v9, v4  }
0x1ef: {  	v9 =	vld [tilespmem:s25+$0xAC50];
	v8 =	vmul.bf16 v19, v8;
	v1 =	vadd.bf16 v10, v1  }
0x1f0: {  	v10 =	vld [tilespmem:s25+$0x5D0]  }
0x1f1: {  	v14 =	vld [tilespmem:s25+$0xAC60];
	v8 =	vmul.bf16 v16, v8  }
0x1f2: {  	v15 =	vmul.bf16 v11, v13;
	v11 =	vld [tilespmem:s25+$0x5E0]  }
0x1f3: {  	v13 =	vld [tilespmem:s25+$0xAC70];
	v0 =	vadd.bf16 v8, v0  }
0x1f4: {  	v8 =	vmul.bf16 v9, v12;
	v12 =	vld [tilespmem:s25+$0x5F0]  }
0x1f5: {  	v16 =	vld [tilespmem:s25+$0xAC80]  }
0x1f6: {  	v18 =	vmul.bf16 v14, v10;
	v10 =	vld [tilespmem:s25+$0x600]  }
0x1f7: {  	v14 =	vld [tilespmem:s25+$0xAC90]  }
0x1f8: {  	v9 =	vmul.bf16 v13, v11;
	v17 =	vld [tilespmem:s25+$0x610]  }
0x1f9: {  	v19 =	vld [tilespmem:s25+$0xACA0]  }
0x1fa: {  	v20 =	vld [tilespmem:s25+$0xDD1];
	v12 =	vmul.bf16 v16, v12  }
0x1fb: {  	v21 =	vld [tilespmem:s25+$0xDE1]  }
0x1fc: {  	v22 =	vld [tilespmem:s25+$0xDF1];
	v11 =	vmul.bf16 v14, v10  }
.Ltmp5:
0x1fd: {  	v13 =	vld [tilespmem:s25+$0xE01];
	(pc) =	sbr.rel @p0 .LBB2_13-.Ltmp5, $4  }
0x1fe: {  	v16 =	vld [tilespmem:s25+$0xE11];
	v10 =	vmul.bf16 v19, v17  }
0x1ff: {  	v19 =	vmul.bf16 v20, v15;
	v15 =	vld [tilespmem:s25+$0xE21]  }
0x200: {  	v17 =	vmul.bf16 v21, v8;
	v14 =	vld [tilespmem:s25+$0xE31];
	s25 =	sshra.s32 s26, $0x2  }
0x201: {  	s26 =	sadd.s32 $0x1040, s26;
	v8 =	vld [tilespmem:s25+$0x620];
	v2 =	vadd.bf16 v19, v2;
	v18 =	vmul.bf16 v22, v18  }
0x202: {  	v19 =	vld [tilespmem:s25+$0xACB0]  }
0x203: {  	v20 =	vld [tilespmem:s25+$0x5B0]  }
0x204: {  	v21 =	vld [tilespmem:s25+$0xAC40]  }
0x205: {  	v22 =	vld [tilespmem:s25+$0x5C0]  }
0x206: {  	v23 =	vld [tilespmem:s25+$0xAC50]  }
0x207: {  	v24 =	vld [tilespmem:s25+$0x5D0]  }
0x208: {  	v25 =	vld [tilespmem:s25+$0xAC60]  }
0x209: {  	v26 =	vld [tilespmem:s25+$0x5E0]  }
0x20a: {  	v27 =	vld [tilespmem:s25+$0xAC70]  }
0x20b: {  	v28 =	vld [tilespmem:s25+$0x5F0]  }
0x20c: {  	v29 =	vld [tilespmem:s25+$0xAC80]  }
0x20d: {  	v30 =	vld [tilespmem:s25+$0x600]  }
0x20e: {  	v31 =	vld [tilespmem:s25+$0xAC90]  }
0x20f: {  	v32 =	vld [tilespmem:s25+$0x610]  }
0x210: {  	v33 =	vld [tilespmem:s25+$0xACA0]  }
0x211: {  	v34 =	vld [tilespmem:s25+$0xDD1]  }
0x212: {  	v35 =	vld [tilespmem:s25+$0xDE1]  }
0x213: {  	v3 =	vadd.bf16 v17, v3;
	v9 =	vmul.bf16 v13, v9;
	v13 =	vld [tilespmem:s25+$0xDF1];
	v12 =	vmul.bf16 v16, v12  }
0x214: {  	v7 =	vadd.bf16 v18, v7;
	v16 =	vld [tilespmem:s25+$0xE01];
	v11 =	vmul.bf16 v15, v11;
	v15 =	vmul.bf16 v21, v20  }
0x215: {  	v6 =	vadd.bf16 v9, v6;
	v9 =	vmul.bf16 v14, v10;
	v14 =	vld [tilespmem:s25+$0xE11];
	v10 =	vmul.bf16 v23, v22  }
0x216: {  	v17 =	vld [tilespmem:s25+$0xE21];
	v5 =	vadd.bf16 v12, v5;
	v12 =	vmul.bf16 v25, v24;
	v15 =	vmul.bf16 v34, v15  }
0x217: {  	v18 =	vld [tilespmem:s25+$0xE31];
	v4 =	vadd.bf16 v11, v4;
	v11 =	vmul.bf16 v27, v26;
	v10 =	vmul.bf16 v35, v10  }
0x218: {  	v20 =	vmul.bf16 v29, v28;
	v12 =	vmul.bf16 v13, v12;
	v13 =	vld [tilespmem:s25+$0xE41];
	v2 =	vadd.bf16 v15, v2  }
0x219: {  	v15 =	vmul.bf16 v31, v30;
	v3 =	vadd.bf16 v10, v3;
	v10 =	vmul.bf16 v16, v11  }
0x21a: {  	v11 =	vmul.bf16 v33, v32;
	v7 =	vadd.bf16 v12, v7;
	v12 =	vmul.bf16 v14, v20;
	[tilespmem:s24+$0x14AB0] =	vst v2  }
0x21b: {  	v2 =	vmul.bf16 v19, v8;
	v6 =	vadd.bf16 v10, v6;
	v8 =	vmul.bf16 v17, v15;
	[tilespmem:s24+$0x14AC0] =	vst v3  }
0x21c: {  	v1 =	vadd.bf16 v9, v1;
	v3 =	vadd.bf16 v12, v5;
	v5 =	vmul.bf16 v18, v11;
	[tilespmem:s24+$0x14AD0] =	vst v7  }
0x21d: {  	v2 =	vmul.bf16 v13, v2;
	v4 =	vadd.bf16 v8, v4;
	[tilespmem:s24+$0x14AE0] =	vst v6  }
0x21e: {  	v1 =	vadd.bf16 v5, v1;
	[tilespmem:s24+$0x14AF0] =	vst v3  }
0x21f: {  	v0 =	vadd.bf16 v2, v0;
	[tilespmem:s24+$0x14B00] =	vst v4  }
0x220: {  	[tilespmem:s24+$0x14B10] =	vst v1  }
0x221: {  	s26 =	simm.s32 $0x0;
	[tilespmem:s24+$0x14B20] =	vst v0  }
0x222: {  	v0 =	vld [tilespmem:s26+$0x6A0]  }
0x223: {  	v1 =	vld [tilespmem:s26+$0xAD30]  }
0x224: {  	v2 =	vld [tilespmem:s26+$0x630]  }
0x225: {  	v3 =	vld [tilespmem:s26+$0xEC1]  }
0x226: {  	v4 =	vld [tilespmem:s26+$0xACC0]  }
0x227: {  	v5 =	vld [tilespmem:s26+$0x640]  }
0x228: {  	v6 =	vld [tilespmem:s26+$0xACD0]  }
0x229: {  	v7 =	vld [tilespmem:s26+$0x650]  }
0x22a: {  	v8 =	vld [tilespmem:s26+$0xACE0]  }
0x22b: {  	v9 =	vld [tilespmem:s26+$0x660]  }
0x22c: {  	v10 =	vld [tilespmem:s26+$0xACF0]  }
0x22d: {  	v11 =	vld [tilespmem:s26+$0x670]  }
0x22e: {  	v12 =	vld [tilespmem:s26+$0xAD00]  }
0x22f: {  	v14 =	vld [tilespmem:s26+$0x680]  }
0x230: {  	v15 =	vld [tilespmem:s26+$0xAD10]  }
0x231: {  	v17 =	vld [tilespmem:s26+$0x690]  }
0x232: {  	v16 =	vld [tilespmem:s26+$0xE51]  }
0x233: {  	v18 =	vld [tilespmem:s26+$0xE61]  }
0x234: {  	v0 =	vmul.bf16 v1, v0;
	v1 =	vld [tilespmem:s26+$0xAD20];
	v2 =	vmul.bf16 v4, v2  }
0x235: {  	v4 =	vld [tilespmem:s26+$0xE71];
	v5 =	vmul.bf16 v6, v5;
	v6 =	vmul.bf16 v8, v7  }
0x236: {  	v9 =	vmul.bf16 v10, v9;
	v12 =	vmul.bf16 v12, v11  }
0x237: {  	v13 =	vld [tilespmem:s26+$0xE81];
	v0 =	vmul.bf16 v3, v0;
	v2 =	vmul.bf16 v16, v2  }
0x238: {  	v11 =	vmul.bf16 v15, v14;
	v7 =	vimm.bf16 $0.0e+00;
	v3 =	vimm.bf16 $0.0e+00;
	v16 =	vld [tilespmem:s26+$0xE91]  }
0x239: {  	v15 =	vld [tilespmem:s26+$0xEA1];
	v0 =	vadd.bf16 v0, v3;
	v2 =	vadd.bf16 v2, v3;
	v10 =	vmul.bf16 v1, v17  }
0x23a: {  	s25 =	simm.s32 $0x410;
	v14 =	vld [tilespmem:s26+$0xEB1];
	v17 =	vmul.bf16 v18, v5;
	v18 =	vmul.bf16 v4, v6;
	v6 =	vimm.bf16 $0.0e+00  }
0x23b: {  	v8 =	vld [tilespmem:s25+$0x6A0];
	s26 =	simm.s32 $0x2080;
	v5 =	vimm.bf16 $0.0e+00;
	v4 =	vimm.bf16 $0.0e+00;
	v1 =	vimm.bf16 $0.0e+00  }
.LBB2_15:
0x23c: {  	p0 =	sne.s32 s26, $0x11440;
	v19 =	vld [tilespmem:s25+$0xAD30];
	v3 =	vadd.bf16 v17, v3;
	v9 =	vmul.bf16 v13, v9  }
0x23d: {  	v13 =	vld [tilespmem:s25+$0x630];
	v7 =	vadd.bf16 v18, v7;
	v12 =	vmul.bf16 v16, v12  }
0x23e: {  	v16 =	vld [tilespmem:s25+$0xEC1];
	v6 =	vadd.bf16 v9, v6;
	v9 =	vmul.bf16 v15, v11  }
0x23f: {  	v11 =	vld [tilespmem:s25+$0xACC0];
	v5 =	vadd.bf16 v12, v5;
	v10 =	vmul.bf16 v14, v10  }
0x240: {  	v12 =	vld [tilespmem:s25+$0x640];
	v4 =	vadd.bf16 v9, v4  }
0x241: {  	v9 =	vld [tilespmem:s25+$0xACD0];
	v8 =	vmul.bf16 v19, v8;
	v1 =	vadd.bf16 v10, v1  }
0x242: {  	v10 =	vld [tilespmem:s25+$0x650]  }
0x243: {  	v14 =	vld [tilespmem:s25+$0xACE0];
	v8 =	vmul.bf16 v16, v8  }
0x244: {  	v15 =	vmul.bf16 v11, v13;
	v11 =	vld [tilespmem:s25+$0x660]  }
0x245: {  	v13 =	vld [tilespmem:s25+$0xACF0];
	v0 =	vadd.bf16 v8, v0  }
0x246: {  	v8 =	vmul.bf16 v9, v12;
	v12 =	vld [tilespmem:s25+$0x670]  }
0x247: {  	v16 =	vld [tilespmem:s25+$0xAD00]  }
0x248: {  	v18 =	vmul.bf16 v14, v10;
	v10 =	vld [tilespmem:s25+$0x680]  }
0x249: {  	v14 =	vld [tilespmem:s25+$0xAD10]  }
0x24a: {  	v9 =	vmul.bf16 v13, v11;
	v17 =	vld [tilespmem:s25+$0x690]  }
0x24b: {  	v19 =	vld [tilespmem:s25+$0xAD20]  }
0x24c: {  	v20 =	vld [tilespmem:s25+$0xE51];
	v12 =	vmul.bf16 v16, v12  }
0x24d: {  	v21 =	vld [tilespmem:s25+$0xE61]  }
0x24e: {  	v22 =	vld [tilespmem:s25+$0xE71];
	v11 =	vmul.bf16 v14, v10  }
.Ltmp6:
0x24f: {  	v13 =	vld [tilespmem:s25+$0xE81];
	(pc) =	sbr.rel @p0 .LBB2_15-.Ltmp6, $4  }
0x250: {  	v16 =	vld [tilespmem:s25+$0xE91];
	v10 =	vmul.bf16 v19, v17  }
0x251: {  	v19 =	vmul.bf16 v20, v15;
	v15 =	vld [tilespmem:s25+$0xEA1]  }
0x252: {  	v17 =	vmul.bf16 v21, v8;
	v14 =	vld [tilespmem:s25+$0xEB1];
	s25 =	sshra.s32 s26, $0x2  }
0x253: {  	s26 =	sadd.s32 $0x1040, s26;
	v8 =	vld [tilespmem:s25+$0x6A0];
	v2 =	vadd.bf16 v19, v2;
	v18 =	vmul.bf16 v22, v18  }
0x254: {  	v19 =	vld [tilespmem:s25+$0xAD30]  }
0x255: {  	v20 =	vld [tilespmem:s25+$0x630]  }
0x256: {  	v21 =	vld [tilespmem:s25+$0xACC0]  }
0x257: {  	v22 =	vld [tilespmem:s25+$0x640]  }
0x258: {  	v23 =	vld [tilespmem:s25+$0xACD0]  }
0x259: {  	v24 =	vld [tilespmem:s25+$0x650]  }
0x25a: {  	v25 =	vld [tilespmem:s25+$0xACE0]  }
0x25b: {  	v26 =	vld [tilespmem:s25+$0x660]  }
0x25c: {  	v27 =	vld [tilespmem:s25+$0xACF0]  }
0x25d: {  	v28 =	vld [tilespmem:s25+$0x670]  }
0x25e: {  	v29 =	vld [tilespmem:s25+$0xAD00]  }
0x25f: {  	v30 =	vld [tilespmem:s25+$0x680]  }
0x260: {  	v31 =	vld [tilespmem:s25+$0xAD10]  }
0x261: {  	v32 =	vld [tilespmem:s25+$0x690]  }
0x262: {  	v33 =	vld [tilespmem:s25+$0xAD20]  }
0x263: {  	v34 =	vld [tilespmem:s25+$0xE51]  }
0x264: {  	v35 =	vld [tilespmem:s25+$0xE61]  }
0x265: {  	v3 =	vadd.bf16 v17, v3;
	v9 =	vmul.bf16 v13, v9;
	v13 =	vld [tilespmem:s25+$0xE71];
	v12 =	vmul.bf16 v16, v12  }
0x266: {  	v7 =	vadd.bf16 v18, v7;
	v16 =	vld [tilespmem:s25+$0xE81];
	v11 =	vmul.bf16 v15, v11;
	v15 =	vmul.bf16 v21, v20  }
0x267: {  	v6 =	vadd.bf16 v9, v6;
	v9 =	vmul.bf16 v14, v10;
	v14 =	vld [tilespmem:s25+$0xE91];
	v10 =	vmul.bf16 v23, v22  }
0x268: {  	v17 =	vld [tilespmem:s25+$0xEA1];
	v5 =	vadd.bf16 v12, v5;
	v12 =	vmul.bf16 v25, v24;
	v15 =	vmul.bf16 v34, v15  }
0x269: {  	v18 =	vld [tilespmem:s25+$0xEB1];
	v4 =	vadd.bf16 v11, v4;
	v11 =	vmul.bf16 v27, v26;
	v10 =	vmul.bf16 v35, v10  }
0x26a: {  	v20 =	vmul.bf16 v29, v28;
	v12 =	vmul.bf16 v13, v12;
	v13 =	vld [tilespmem:s25+$0xEC1];
	v2 =	vadd.bf16 v15, v2  }
0x26b: {  	v15 =	vmul.bf16 v31, v30;
	v3 =	vadd.bf16 v10, v3;
	v10 =	vmul.bf16 v16, v11  }
0x26c: {  	v11 =	vmul.bf16 v33, v32;
	v7 =	vadd.bf16 v12, v7;
	v12 =	vmul.bf16 v14, v20;
	[tilespmem:s24+$0x14B30] =	vst v2  }
0x26d: {  	v2 =	vmul.bf16 v19, v8;
	v6 =	vadd.bf16 v10, v6;
	v8 =	vmul.bf16 v17, v15;
	[tilespmem:s24+$0x14B40] =	vst v3  }
0x26e: {  	v1 =	vadd.bf16 v9, v1;
	v3 =	vadd.bf16 v12, v5;
	v5 =	vmul.bf16 v18, v11;
	[tilespmem:s24+$0x14B50] =	vst v7  }
0x26f: {  	v2 =	vmul.bf16 v13, v2;
	v4 =	vadd.bf16 v8, v4;
	[tilespmem:s24+$0x14B60] =	vst v6  }
0x270: {  	v1 =	vadd.bf16 v5, v1;
	[tilespmem:s24+$0x14B70] =	vst v3  }
0x271: {  	v0 =	vadd.bf16 v2, v0;
	[tilespmem:s24+$0x14B80] =	vst v4  }
0x272: {  	[tilespmem:s24+$0x14B90] =	vst v1  }
0x273: {  	s26 =	simm.s32 $0x0;
	[tilespmem:s24+$0x14BA0] =	vst v0  }
0x274: {  	v0 =	vld [tilespmem:s26+$0x720]  }
0x275: {  	v1 =	vld [tilespmem:s26+$0xADB0]  }
0x276: {  	v2 =	vld [tilespmem:s26+$0x6B0]  }
0x277: {  	v3 =	vld [tilespmem:s26+$0xF41]  }
0x278: {  	v4 =	vld [tilespmem:s26+$0xAD40]  }
0x279: {  	v5 =	vld [tilespmem:s26+$0x6C0]  }
0x27a: {  	v6 =	vld [tilespmem:s26+$0xAD50]  }
0x27b: {  	v7 =	vld [tilespmem:s26+$0x6D0]  }
0x27c: {  	v8 =	vld [tilespmem:s26+$0xAD60]  }
0x27d: {  	v9 =	vld [tilespmem:s26+$0x6E0]  }
0x27e: {  	v10 =	vld [tilespmem:s26+$0xAD70]  }
0x27f: {  	v11 =	vld [tilespmem:s26+$0x6F0]  }
0x280: {  	v12 =	vld [tilespmem:s26+$0xAD80]  }
0x281: {  	v13 =	vld [tilespmem:s26+$0x700]  }
0x282: {  	v15 =	vld [tilespmem:s26+$0xAD90]  }
0x283: {  	v17 =	vld [tilespmem:s26+$0x710]  }
0x284: {  	v16 =	vld [tilespmem:s26+$0xED1]  }
0x285: {  	v18 =	vld [tilespmem:s26+$0xEE1]  }
0x286: {  	v0 =	vmul.bf16 v1, v0;
	v1 =	vld [tilespmem:s26+$0xADA0];
	v2 =	vmul.bf16 v4, v2  }
0x287: {  	v4 =	vld [tilespmem:s26+$0xEF1];
	v5 =	vmul.bf16 v6, v5;
	v6 =	vmul.bf16 v8, v7  }
0x288: {  	v9 =	vmul.bf16 v10, v9;
	v12 =	vmul.bf16 v12, v11  }
0x289: {  	v14 =	vld [tilespmem:s26+$0xF01];
	v0 =	vmul.bf16 v3, v0;
	v2 =	vmul.bf16 v16, v2  }
0x28a: {  	v11 =	vmul.bf16 v15, v13;
	v7 =	vimm.bf16 $0.0e+00;
	v3 =	vimm.bf16 $0.0e+00;
	v16 =	vld [tilespmem:s26+$0xF11]  }
0x28b: {  	v15 =	vld [tilespmem:s26+$0xF21];
	v0 =	vadd.bf16 v0, v3;
	v2 =	vadd.bf16 v2, v3;
	v10 =	vmul.bf16 v1, v17  }
0x28c: {  	s25 =	simm.s32 $0x410;
	v13 =	vld [tilespmem:s26+$0xF31];
	v17 =	vmul.bf16 v18, v5;
	v18 =	vmul.bf16 v4, v6;
	v6 =	vimm.bf16 $0.0e+00  }
0x28d: {  	v8 =	vld [tilespmem:s25+$0x720];
	s26 =	simm.s32 $0x2080;
	v5 =	vimm.bf16 $0.0e+00;
	v4 =	vimm.bf16 $0.0e+00;
	v1 =	vimm.bf16 $0.0e+00  }
.LBB2_17:
0x28e: {  	p0 =	sne.s32 s26, $0x11440;
	v19 =	vld [tilespmem:s25+$0xADB0];
	v3 =	vadd.bf16 v17, v3;
	v9 =	vmul.bf16 v14, v9  }
0x28f: {  	v14 =	vld [tilespmem:s25+$0x6B0];
	v7 =	vadd.bf16 v18, v7;
	v12 =	vmul.bf16 v16, v12  }
0x290: {  	v16 =	vld [tilespmem:s25+$0xF41];
	v6 =	vadd.bf16 v9, v6;
	v9 =	vmul.bf16 v15, v11  }
0x291: {  	v11 =	vld [tilespmem:s25+$0xAD40];
	v5 =	vadd.bf16 v12, v5;
	v10 =	vmul.bf16 v13, v10  }
0x292: {  	v12 =	vld [tilespmem:s25+$0x6C0];
	v4 =	vadd.bf16 v9, v4  }
0x293: {  	v9 =	vld [tilespmem:s25+$0xAD50];
	v8 =	vmul.bf16 v19, v8;
	v1 =	vadd.bf16 v10, v1  }
0x294: {  	v10 =	vld [tilespmem:s25+$0x6D0]  }
0x295: {  	v13 =	vld [tilespmem:s25+$0xAD60];
	v8 =	vmul.bf16 v16, v8  }
0x296: {  	v15 =	vmul.bf16 v11, v14;
	v11 =	vld [tilespmem:s25+$0x6E0]  }
0x297: {  	v14 =	vld [tilespmem:s25+$0xAD70];
	v0 =	vadd.bf16 v8, v0  }
0x298: {  	v8 =	vmul.bf16 v9, v12;
	v12 =	vld [tilespmem:s25+$0x6F0]  }
0x299: {  	v16 =	vld [tilespmem:s25+$0xAD80]  }
0x29a: {  	v18 =	vmul.bf16 v13, v10;
	v10 =	vld [tilespmem:s25+$0x700]  }
0x29b: {  	v13 =	vld [tilespmem:s25+$0xAD90]  }
0x29c: {  	v9 =	vmul.bf16 v14, v11;
	v17 =	vld [tilespmem:s25+$0x710]  }
0x29d: {  	v19 =	vld [tilespmem:s25+$0xADA0]  }
0x29e: {  	v20 =	vld [tilespmem:s25+$0xED1];
	v12 =	vmul.bf16 v16, v12  }
0x29f: {  	v21 =	vld [tilespmem:s25+$0xEE1]  }
0x2a0: {  	v22 =	vld [tilespmem:s25+$0xEF1];
	v11 =	vmul.bf16 v13, v10  }
.Ltmp7:
0x2a1: {  	v14 =	vld [tilespmem:s25+$0xF01];
	(pc) =	sbr.rel @p0 .LBB2_17-.Ltmp7, $4  }
0x2a2: {  	v16 =	vld [tilespmem:s25+$0xF11];
	v10 =	vmul.bf16 v19, v17  }
0x2a3: {  	v19 =	vmul.bf16 v20, v15;
	v15 =	vld [tilespmem:s25+$0xF21]  }
0x2a4: {  	v17 =	vmul.bf16 v21, v8;
	v13 =	vld [tilespmem:s25+$0xF31];
	s25 =	sshra.s32 s26, $0x2  }
0x2a5: {  	s26 =	sadd.s32 $0x1040, s26;
	v8 =	vld [tilespmem:s25+$0x720];
	v2 =	vadd.bf16 v19, v2;
	v18 =	vmul.bf16 v22, v18  }
0x2a6: {  	v19 =	vld [tilespmem:s25+$0xADB0]  }
0x2a7: {  	v20 =	vld [tilespmem:s25+$0x6B0]  }
0x2a8: {  	v21 =	vld [tilespmem:s25+$0xAD40]  }
0x2a9: {  	v22 =	vld [tilespmem:s25+$0x6C0]  }
0x2aa: {  	v23 =	vld [tilespmem:s25+$0xAD50]  }
0x2ab: {  	v24 =	vld [tilespmem:s25+$0x6D0]  }
0x2ac: {  	v25 =	vld [tilespmem:s25+$0xAD60]  }
0x2ad: {  	v26 =	vld [tilespmem:s25+$0x6E0]  }
0x2ae: {  	v27 =	vld [tilespmem:s25+$0xAD70]  }
0x2af: {  	v28 =	vld [tilespmem:s25+$0x6F0]  }
0x2b0: {  	v29 =	vld [tilespmem:s25+$0xAD80]  }
0x2b1: {  	v30 =	vld [tilespmem:s25+$0x700]  }
0x2b2: {  	v31 =	vld [tilespmem:s25+$0xAD90]  }
0x2b3: {  	v32 =	vld [tilespmem:s25+$0x710]  }
0x2b4: {  	v33 =	vld [tilespmem:s25+$0xADA0]  }
0x2b5: {  	v34 =	vld [tilespmem:s25+$0xED1]  }
0x2b6: {  	v35 =	vld [tilespmem:s25+$0xEE1]  }
0x2b7: {  	v3 =	vadd.bf16 v17, v3;
	v9 =	vmul.bf16 v14, v9;
	v14 =	vld [tilespmem:s25+$0xEF1];
	v12 =	vmul.bf16 v16, v12  }
0x2b8: {  	p0 =	seq.s32 s20, $0x4F;
	v7 =	vadd.bf16 v18, v7;
	v16 =	vld [tilespmem:s25+$0xF01];
	v11 =	vmul.bf16 v15, v11;
	v15 =	vmul.bf16 v21, v20  }
0x2b9: {  	s26 =	sadd.s32 @!p0 $0x1, s20;
	v6 =	vadd.bf16 v9, v6;
	v9 =	vmul.bf16 v13, v10;
	v13 =	vld [tilespmem:s25+$0xF11];
	v10 =	vmul.bf16 v23, v22  }
0x2ba: {  	v17 =	vld [tilespmem:s25+$0xF21];
	s28 =	smulhi.u32 @!p0 $0xCCCCCCCD, s26;
	v5 =	vadd.bf16 v12, v5;
	v12 =	vmul.bf16 v25, v24;
	v15 =	vmul.bf16 v34, v15  }
0x2bb: {  	v18 =	vld [tilespmem:s25+$0xF31];
	v4 =	vadd.bf16 v11, v4;
	v11 =	vmul.bf16 v27, v26;
	v10 =	vmul.bf16 v35, v10  }
0x2bc: {  	v20 =	vmul.bf16 v29, v28;
	v12 =	vmul.bf16 v14, v12;
	v14 =	vld [tilespmem:s25+$0xF41];
	s25 =	sshrl.u32 @!p0 s28, $0x4;
	v2 =	vadd.bf16 v15, v2  }
0x2bd: {  	s28 =	smul.u32 @!p0 $0x14, s25;
	v15 =	vmul.bf16 v31, v30;
	v3 =	vadd.bf16 v10, v3;
	v10 =	vmul.bf16 v16, v11  }
0x2be: {  	v11 =	vmul.bf16 v33, v32;
	v7 =	vadd.bf16 v12, v7;
	v12 =	vmul.bf16 v13, v20;
	[tilespmem:s24+$0x14BB0] =	vst v2  }
0x2bf: {  	s26 =	ssub.s32 @!p0 s26, s28;
	v2 =	vmul.bf16 v19, v8;
	v6 =	vadd.bf16 v10, v6;
	v8 =	vmul.bf16 v17, v15;
	[tilespmem:s24+$0x14BC0] =	vst v3  }
0x2c0: {  	v1 =	vadd.bf16 v9, v1;
	v3 =	vadd.bf16 v12, v5;
	v5 =	vmul.bf16 v18, v11;
	[tilespmem:s24+$0x14BD0] =	vst v7;
	s28 =	sshll.u32 @!p0 s26, $0x1  }
0x2c1: {  	s25 =	sshll.u32 @!p0 s25, $0x3;
	s28 =	sand.u32 @!p0 $0x6, s28;
	v2 =	vmul.bf16 v14, v2;
	v4 =	vadd.bf16 v8, v4;
	[tilespmem:s24+$0x14BE0] =	vst v6  }
0x2c2: {  	v1 =	vadd.bf16 v5, v1;
	[tilespmem:s24+$0x14BF0] =	vst v3;
	s25 =	sor.u32 @!p0 s25, s28  }
0x2c3: {  	s25 =	smul.u32 @!p0 $0x60, s25;
	v0 =	vadd.bf16 v2, v0;
	[tilespmem:s24+$0x14C00] =	vst v4  }
0x2c4: {  	[tilespmem:s24+$0x14C10] =	vst v1  }
0x2c5: {  	s25 =	sshra.s32 @!p0 s25, $0x2;
	[tilespmem:s24+$0x14C20] =	vst v0  }
0x2c6: {  	v0 =	vld @!p0 [tilespmem:s25+$0x0];
	_ =	sdelay $0x4  }
0x2c7: {  	v0 =	vmul.u32 @!p0 $0x5, v0  }
0x2c8: {  	s26 =	sshrl.u32 @!p0 s26, $0x2  }
0x2c9: {  	v0 =	vadd.s32 @!p0 s26, v0  }
0x2ca: {  	[tilespmem:$0x300] =	vst @!p0 v0  }
0x2cb: {  	v0 =	vld @!p0 [tilespmem:s25+$0x4];
	_ =	sdelay $0x4  }
0x2cc: {  	v0 =	vmul.u32 @!p0 $0x5, v0;
	_ =	sdelay $0x1  }
0x2cd: {  	v0 =	vadd.s32 @!p0 s26, v0  }
0x2ce: {  	s28 =	simm.s32 @!p0 $0x330;
	s25 =	simm.s32 @!p0 $0x14;
	s26 =	simm.s32 @!p0 $0x300;
	[tilespmem:$0x304] =	vst @!p0 v0  }
0x2cf: {  	[tilespmem:s28], [sflag:$0x1] =	stream.indirect.gather @!p0 [hbm4b:s4+s25], $0x410, s26, s25, $0xb8;
	[tilespmem:$0x16830] =	vst v63  }
0x2d0: {  	s28 =	simm.s32 @!p0 $0xA5B0  }
0x2d1: {  	[tilespmem:s28], [sflag:$0x1] =	stream.indirect.gather @!p0 [hbm4b:s5+s25], $0x410, s26, s25, $0xb8;
	[tilespmem:$0x16830] =	vst v63  }
0x2d2: {  	_ =	swait.ge [sflag:s18], $0x5140  }
0x2d3: {  	[sflag:s18] =	ssyncset.done $0x0  }
0x2d4: {  	[sflag:s18] =	ssyncadd.s32 $0xFFFFAEC0  }
0x2d5: {  	_ =	swait.ge [sflag:s18], $0x5140  }
0x2d6: {  	[sflag:s18] =	ssyncset.done $0x0  }
0x2d7: {  	s31 =	simm.s32 $0x0;
	[sflag:s18] =	ssyncadd.s32 $0xFFFFAEC0  }
0x2d8: {  	v0 =	vld [tilespmem:s31+$0x54E0]  }
0x2d9: {  	v1 =	vld [tilespmem:s31+$0xFB70]  }
0x2da: {  	v2 =	vld [tilespmem:s31+$0x5470]  }
0x2db: {  	v3 =	vld [tilespmem:s31+$0x5D01]  }
0x2dc: {  	v4 =	vld [tilespmem:s31+$0xFB00]  }
0x2dd: {  	v5 =	vld [tilespmem:s31+$0x5480]  }
0x2de: {  	v6 =	vld [tilespmem:s31+$0xFB10]  }
0x2df: {  	v7 =	vld [tilespmem:s31+$0x5490]  }
0x2e0: {  	v8 =	vld [tilespmem:s31+$0xFB20]  }
0x2e1: {  	v9 =	vld [tilespmem:s31+$0x54A0]  }
0x2e2: {  	v10 =	vld [tilespmem:s31+$0xFB30]  }
0x2e3: {  	v11 =	vld [tilespmem:s31+$0x54B0]  }
0x2e4: {  	v12 =	vld [tilespmem:s31+$0xFB40]  }
0x2e5: {  	v14 =	vld [tilespmem:s31+$0x54C0]  }
0x2e6: {  	v15 =	vld [tilespmem:s31+$0xFB50]  }
0x2e7: {  	v17 =	vld [tilespmem:s31+$0x54D0]  }
0x2e8: {  	v16 =	vld [tilespmem:s31+$0x5C91]  }
0x2e9: {  	v18 =	vld [tilespmem:s31+$0x5CA1]  }
0x2ea: {  	v0 =	vmul.bf16 v1, v0;
	v1 =	vld [tilespmem:s31+$0xFB60];
	v2 =	vmul.bf16 v4, v2  }
0x2eb: {  	v4 =	vld [tilespmem:s31+$0x5CB1];
	v5 =	vmul.bf16 v6, v5;
	v6 =	vmul.bf16 v8, v7  }
0x2ec: {  	v9 =	vmul.bf16 v10, v9;
	v12 =	vmul.bf16 v12, v11  }
0x2ed: {  	v13 =	vld [tilespmem:s31+$0x5CC1];
	v0 =	vmul.bf16 v3, v0;
	v2 =	vmul.bf16 v16, v2  }
0x2ee: {  	v11 =	vmul.bf16 v15, v14;
	v7 =	vimm.bf16 $0.0e+00;
	v3 =	vimm.bf16 $0.0e+00;
	v16 =	vld [tilespmem:s31+$0x5CD1]  }
0x2ef: {  	v15 =	vld [tilespmem:s31+$0x5CE1];
	v0 =	vadd.bf16 v0, v3;
	v2 =	vadd.bf16 v2, v3;
	v10 =	vmul.bf16 v1, v17  }
0x2f0: {  	s25 =	simm.s32 $0x410;
	v14 =	vld [tilespmem:s31+$0x5CF1];
	v17 =	vmul.bf16 v18, v5;
	v18 =	vmul.bf16 v4, v6;
	v6 =	vimm.bf16 $0.0e+00  }
0x2f1: {  	s26 =	simm.s32 $0x2080;
	v8 =	vld [tilespmem:s25+$0x54E0];
	v5 =	vimm.bf16 $0.0e+00;
	v4 =	vimm.bf16 $0.0e+00;
	v1 =	vimm.bf16 $0.0e+00  }
.LBB2_19:
0x2f2: {  	p0 =	sne.s32 s26, $0x11440;
	v19 =	vld [tilespmem:s25+$0xFB70];
	v3 =	vadd.bf16 v17, v3;
	v9 =	vmul.bf16 v13, v9  }
0x2f3: {  	v13 =	vld [tilespmem:s25+$0x5470];
	v7 =	vadd.bf16 v18, v7;
	v12 =	vmul.bf16 v16, v12  }
0x2f4: {  	v16 =	vld [tilespmem:s25+$0x5D01];
	v6 =	vadd.bf16 v9, v6;
	v9 =	vmul.bf16 v15, v11  }
0x2f5: {  	v11 =	vld [tilespmem:s25+$0xFB00];
	v5 =	vadd.bf16 v12, v5;
	v10 =	vmul.bf16 v14, v10  }
0x2f6: {  	v12 =	vld [tilespmem:s25+$0x5480];
	v4 =	vadd.bf16 v9, v4  }
0x2f7: {  	v9 =	vld [tilespmem:s25+$0xFB10];
	v8 =	vmul.bf16 v19, v8;
	v1 =	vadd.bf16 v10, v1  }
0x2f8: {  	v10 =	vld [tilespmem:s25+$0x5490]  }
0x2f9: {  	v14 =	vld [tilespmem:s25+$0xFB20];
	v8 =	vmul.bf16 v16, v8  }
0x2fa: {  	v15 =	vmul.bf16 v11, v13;
	v11 =	vld [tilespmem:s25+$0x54A0]  }
0x2fb: {  	v13 =	vld [tilespmem:s25+$0xFB30];
	v0 =	vadd.bf16 v8, v0  }
0x2fc: {  	v8 =	vmul.bf16 v9, v12;
	v12 =	vld [tilespmem:s25+$0x54B0]  }
0x2fd: {  	v16 =	vld [tilespmem:s25+$0xFB40]  }
0x2fe: {  	v18 =	vmul.bf16 v14, v10;
	v10 =	vld [tilespmem:s25+$0x54C0]  }
0x2ff: {  	v14 =	vld [tilespmem:s25+$0xFB50]  }
0x300: {  	v9 =	vmul.bf16 v13, v11;
	v17 =	vld [tilespmem:s25+$0x54D0]  }
0x301: {  	v19 =	vld [tilespmem:s25+$0xFB60]  }
0x302: {  	v20 =	vld [tilespmem:s25+$0x5C91];
	v12 =	vmul.bf16 v16, v12  }
0x303: {  	v21 =	vld [tilespmem:s25+$0x5CA1]  }
0x304: {  	v22 =	vld [tilespmem:s25+$0x5CB1];
	v11 =	vmul.bf16 v14, v10  }
.Ltmp8:
0x305: {  	v13 =	vld [tilespmem:s25+$0x5CC1];
	(pc) =	sbr.rel @p0 .LBB2_19-.Ltmp8, $4  }
0x306: {  	v16 =	vld [tilespmem:s25+$0x5CD1];
	v10 =	vmul.bf16 v19, v17  }
0x307: {  	v19 =	vmul.bf16 v20, v15;
	v15 =	vld [tilespmem:s25+$0x5CE1]  }
0x308: {  	v17 =	vmul.bf16 v21, v8;
	v14 =	vld [tilespmem:s25+$0x5CF1];
	s25 =	sshra.s32 s26, $0x2  }
0x309: {  	s26 =	sadd.s32 $0x1040, s26;
	v8 =	vld [tilespmem:s25+$0x54E0];
	v2 =	vadd.bf16 v19, v2;
	v18 =	vmul.bf16 v22, v18  }
0x30a: {  	v19 =	vld [tilespmem:s25+$0xFB70]  }
0x30b: {  	v20 =	vld [tilespmem:s25+$0x5470]  }
0x30c: {  	v21 =	vld [tilespmem:s25+$0xFB00]  }
0x30d: {  	v22 =	vld [tilespmem:s25+$0x5480]  }
0x30e: {  	v23 =	vld [tilespmem:s25+$0xFB10]  }
0x30f: {  	v24 =	vld [tilespmem:s25+$0x5490]  }
0x310: {  	v25 =	vld [tilespmem:s25+$0xFB20]  }
0x311: {  	v26 =	vld [tilespmem:s25+$0x54A0]  }
0x312: {  	v27 =	vld [tilespmem:s25+$0xFB30]  }
0x313: {  	v28 =	vld [tilespmem:s25+$0x54B0]  }
0x314: {  	v29 =	vld [tilespmem:s25+$0xFB40]  }
0x315: {  	v30 =	vld [tilespmem:s25+$0x54C0]  }
0x316: {  	v31 =	vld [tilespmem:s25+$0xFB50]  }
0x317: {  	v32 =	vld [tilespmem:s25+$0x54D0]  }
0x318: {  	v33 =	vld [tilespmem:s25+$0xFB60]  }
0x319: {  	v34 =	vld [tilespmem:s25+$0x5C91]  }
0x31a: {  	v35 =	vld [tilespmem:s25+$0x5CA1]  }
0x31b: {  	v3 =	vadd.bf16 v17, v3;
	v9 =	vmul.bf16 v13, v9;
	v13 =	vld [tilespmem:s25+$0x5CB1];
	v12 =	vmul.bf16 v16, v12  }
0x31c: {  	v7 =	vadd.bf16 v18, v7;
	v16 =	vld [tilespmem:s25+$0x5CC1];
	v11 =	vmul.bf16 v15, v11;
	v15 =	vmul.bf16 v21, v20  }
0x31d: {  	v6 =	vadd.bf16 v9, v6;
	v9 =	vmul.bf16 v14, v10;
	v14 =	vld [tilespmem:s25+$0x5CD1];
	v10 =	vmul.bf16 v23, v22  }
0x31e: {  	v17 =	vld [tilespmem:s25+$0x5CE1];
	v5 =	vadd.bf16 v12, v5;
	v12 =	vmul.bf16 v25, v24;
	v15 =	vmul.bf16 v34, v15  }
0x31f: {  	v18 =	vld [tilespmem:s25+$0x5CF1];
	v4 =	vadd.bf16 v11, v4;
	v11 =	vmul.bf16 v27, v26;
	v10 =	vmul.bf16 v35, v10  }
0x320: {  	v20 =	vmul.bf16 v29, v28;
	v12 =	vmul.bf16 v13, v12;
	v13 =	vld [tilespmem:s25+$0x5D01];
	v2 =	vadd.bf16 v15, v2  }
0x321: {  	v15 =	vmul.bf16 v31, v30;
	v3 =	vadd.bf16 v10, v3;
	v10 =	vmul.bf16 v16, v11  }
0x322: {  	v11 =	vmul.bf16 v33, v32;
	v7 =	vadd.bf16 v12, v7;
	v12 =	vmul.bf16 v14, v20;
	[tilespmem:s24+$0x14C30] =	vst v2  }
0x323: {  	v2 =	vmul.bf16 v19, v8;
	v6 =	vadd.bf16 v10, v6;
	v8 =	vmul.bf16 v17, v15;
	[tilespmem:s24+$0x14C40] =	vst v3  }
0x324: {  	v1 =	vadd.bf16 v9, v1;
	v3 =	vadd.bf16 v12, v5;
	v5 =	vmul.bf16 v18, v11;
	[tilespmem:s24+$0x14C50] =	vst v7  }
0x325: {  	v2 =	vmul.bf16 v13, v2;
	v4 =	vadd.bf16 v8, v4;
	[tilespmem:s24+$0x14C60] =	vst v6  }
0x326: {  	v1 =	vadd.bf16 v5, v1;
	[tilespmem:s24+$0x14C70] =	vst v3  }
0x327: {  	v0 =	vadd.bf16 v2, v0;
	[tilespmem:s24+$0x14C80] =	vst v4  }
0x328: {  	[tilespmem:s24+$0x14C90] =	vst v1  }
0x329: {  	s26 =	simm.s32 $0x0;
	[tilespmem:s24+$0x14CA0] =	vst v0  }
0x32a: {  	v0 =	vld [tilespmem:s26+$0x5560]  }
0x32b: {  	v1 =	vld [tilespmem:s26+$0xFBF0]  }
0x32c: {  	v2 =	vld [tilespmem:s26+$0x54F0]  }
0x32d: {  	v3 =	vld [tilespmem:s26+$0x5D81]  }
0x32e: {  	v4 =	vld [tilespmem:s26+$0xFB80]  }
0x32f: {  	v5 =	vld [tilespmem:s26+$0x5500]  }
0x330: {  	v6 =	vld [tilespmem:s26+$0xFB90]  }
0x331: {  	v7 =	vld [tilespmem:s26+$0x5510]  }
0x332: {  	v8 =	vld [tilespmem:s26+$0xFBA0]  }
0x333: {  	v9 =	vld [tilespmem:s26+$0x5520]  }
0x334: {  	v10 =	vld [tilespmem:s26+$0xFBB0]  }
0x335: {  	v11 =	vld [tilespmem:s26+$0x5530]  }
0x336: {  	v12 =	vld [tilespmem:s26+$0xFBC0]  }
0x337: {  	v14 =	vld [tilespmem:s26+$0x5540]  }
0x338: {  	v15 =	vld [tilespmem:s26+$0xFBD0]  }
0x339: {  	v17 =	vld [tilespmem:s26+$0x5550]  }
0x33a: {  	v16 =	vld [tilespmem:s26+$0x5D11]  }
0x33b: {  	v18 =	vld [tilespmem:s26+$0x5D21]  }
0x33c: {  	v0 =	vmul.bf16 v1, v0;
	v1 =	vld [tilespmem:s26+$0xFBE0];
	v2 =	vmul.bf16 v4, v2  }
0x33d: {  	v4 =	vld [tilespmem:s26+$0x5D31];
	v5 =	vmul.bf16 v6, v5;
	v6 =	vmul.bf16 v8, v7  }
0x33e: {  	v9 =	vmul.bf16 v10, v9;
	v12 =	vmul.bf16 v12, v11  }
0x33f: {  	v13 =	vld [tilespmem:s26+$0x5D41];
	v0 =	vmul.bf16 v3, v0;
	v2 =	vmul.bf16 v16, v2  }
0x340: {  	v11 =	vmul.bf16 v15, v14;
	v7 =	vimm.bf16 $0.0e+00;
	v3 =	vimm.bf16 $0.0e+00;
	v16 =	vld [tilespmem:s26+$0x5D51]  }
0x341: {  	v15 =	vld [tilespmem:s26+$0x5D61];
	v0 =	vadd.bf16 v0, v3;
	v2 =	vadd.bf16 v2, v3;
	v10 =	vmul.bf16 v1, v17  }
0x342: {  	s25 =	simm.s32 $0x410;
	v14 =	vld [tilespmem:s26+$0x5D71];
	v17 =	vmul.bf16 v18, v5;
	v18 =	vmul.bf16 v4, v6;
	v6 =	vimm.bf16 $0.0e+00  }
0x343: {  	v8 =	vld [tilespmem:s25+$0x5560];
	s26 =	simm.s32 $0x2080;
	v5 =	vimm.bf16 $0.0e+00;
	v4 =	vimm.bf16 $0.0e+00;
	v1 =	vimm.bf16 $0.0e+00  }
.LBB2_21:
0x344: {  	p0 =	sne.s32 s26, $0x11440;
	v19 =	vld [tilespmem:s25+$0xFBF0];
	v3 =	vadd.bf16 v17, v3;
	v9 =	vmul.bf16 v13, v9  }
0x345: {  	v13 =	vld [tilespmem:s25+$0x54F0];
	v7 =	vadd.bf16 v18, v7;
	v12 =	vmul.bf16 v16, v12  }
0x346: {  	v16 =	vld [tilespmem:s25+$0x5D81];
	v6 =	vadd.bf16 v9, v6;
	v9 =	vmul.bf16 v15, v11  }
0x347: {  	v11 =	vld [tilespmem:s25+$0xFB80];
	v5 =	vadd.bf16 v12, v5;
	v10 =	vmul.bf16 v14, v10  }
0x348: {  	v12 =	vld [tilespmem:s25+$0x5500];
	v4 =	vadd.bf16 v9, v4  }
0x349: {  	v9 =	vld [tilespmem:s25+$0xFB90];
	v8 =	vmul.bf16 v19, v8;
	v1 =	vadd.bf16 v10, v1  }
0x34a: {  	v10 =	vld [tilespmem:s25+$0x5510]  }
0x34b: {  	v14 =	vld [tilespmem:s25+$0xFBA0];
	v8 =	vmul.bf16 v16, v8  }
0x34c: {  	v15 =	vmul.bf16 v11, v13;
	v11 =	vld [tilespmem:s25+$0x5520]  }
0x34d: {  	v13 =	vld [tilespmem:s25+$0xFBB0];
	v0 =	vadd.bf16 v8, v0  }
0x34e: {  	v8 =	vmul.bf16 v9, v12;
	v12 =	vld [tilespmem:s25+$0x5530]  }
0x34f: {  	v16 =	vld [tilespmem:s25+$0xFBC0]  }
0x350: {  	v18 =	vmul.bf16 v14, v10;
	v10 =	vld [tilespmem:s25+$0x5540]  }
0x351: {  	v14 =	vld [tilespmem:s25+$0xFBD0]  }
0x352: {  	v9 =	vmul.bf16 v13, v11;
	v17 =	vld [tilespmem:s25+$0x5550]  }
0x353: {  	v19 =	vld [tilespmem:s25+$0xFBE0]  }
0x354: {  	v20 =	vld [tilespmem:s25+$0x5D11];
	v12 =	vmul.bf16 v16, v12  }
0x355: {  	v21 =	vld [tilespmem:s25+$0x5D21]  }
0x356: {  	v22 =	vld [tilespmem:s25+$0x5D31];
	v11 =	vmul.bf16 v14, v10  }
.Ltmp9:
0x357: {  	v13 =	vld [tilespmem:s25+$0x5D41];
	(pc) =	sbr.rel @p0 .LBB2_21-.Ltmp9, $4  }
0x358: {  	v16 =	vld [tilespmem:s25+$0x5D51];
	v10 =	vmul.bf16 v19, v17  }
0x359: {  	v19 =	vmul.bf16 v20, v15;
	v15 =	vld [tilespmem:s25+$0x5D61]  }
0x35a: {  	v17 =	vmul.bf16 v21, v8;
	v14 =	vld [tilespmem:s25+$0x5D71];
	s25 =	sshra.s32 s26, $0x2  }
0x35b: {  	s26 =	sadd.s32 $0x1040, s26;
	v8 =	vld [tilespmem:s25+$0x5560];
	v2 =	vadd.bf16 v19, v2;
	v18 =	vmul.bf16 v22, v18  }
0x35c: {  	v19 =	vld [tilespmem:s25+$0xFBF0]  }
0x35d: {  	v20 =	vld [tilespmem:s25+$0x54F0]  }
0x35e: {  	v21 =	vld [tilespmem:s25+$0xFB80]  }
0x35f: {  	v22 =	vld [tilespmem:s25+$0x5500]  }
0x360: {  	v23 =	vld [tilespmem:s25+$0xFB90]  }
0x361: {  	v24 =	vld [tilespmem:s25+$0x5510]  }
0x362: {  	v25 =	vld [tilespmem:s25+$0xFBA0]  }
0x363: {  	v26 =	vld [tilespmem:s25+$0x5520]  }
0x364: {  	v27 =	vld [tilespmem:s25+$0xFBB0]  }
0x365: {  	v28 =	vld [tilespmem:s25+$0x5530]  }
0x366: {  	v29 =	vld [tilespmem:s25+$0xFBC0]  }
0x367: {  	v30 =	vld [tilespmem:s25+$0x5540]  }
0x368: {  	v31 =	vld [tilespmem:s25+$0xFBD0]  }
0x369: {  	v32 =	vld [tilespmem:s25+$0x5550]  }
0x36a: {  	v33 =	vld [tilespmem:s25+$0xFBE0]  }
0x36b: {  	v34 =	vld [tilespmem:s25+$0x5D11]  }
0x36c: {  	v35 =	vld [tilespmem:s25+$0x5D21]  }
0x36d: {  	v3 =	vadd.bf16 v17, v3;
	v9 =	vmul.bf16 v13, v9;
	v13 =	vld [tilespmem:s25+$0x5D31];
	v12 =	vmul.bf16 v16, v12  }
0x36e: {  	v7 =	vadd.bf16 v18, v7;
	v16 =	vld [tilespmem:s25+$0x5D41];
	v11 =	vmul.bf16 v15, v11;
	v15 =	vmul.bf16 v21, v20  }
0x36f: {  	v6 =	vadd.bf16 v9, v6;
	v9 =	vmul.bf16 v14, v10;
	v14 =	vld [tilespmem:s25+$0x5D51];
	v10 =	vmul.bf16 v23, v22  }
0x370: {  	v17 =	vld [tilespmem:s25+$0x5D61];
	v5 =	vadd.bf16 v12, v5;
	v12 =	vmul.bf16 v25, v24;
	v15 =	vmul.bf16 v34, v15  }
0x371: {  	v18 =	vld [tilespmem:s25+$0x5D71];
	v4 =	vadd.bf16 v11, v4;
	v11 =	vmul.bf16 v27, v26;
	v10 =	vmul.bf16 v35, v10  }
0x372: {  	v20 =	vmul.bf16 v29, v28;
	v12 =	vmul.bf16 v13, v12;
	v13 =	vld [tilespmem:s25+$0x5D81];
	v2 =	vadd.bf16 v15, v2  }
0x373: {  	v15 =	vmul.bf16 v31, v30;
	v3 =	vadd.bf16 v10, v3;
	v10 =	vmul.bf16 v16, v11  }
0x374: {  	v11 =	vmul.bf16 v33, v32;
	v7 =	vadd.bf16 v12, v7;
	v12 =	vmul.bf16 v14, v20;
	[tilespmem:s24+$0x14CB0] =	vst v2  }
0x375: {  	v2 =	vmul.bf16 v19, v8;
	v6 =	vadd.bf16 v10, v6;
	v8 =	vmul.bf16 v17, v15;
	[tilespmem:s24+$0x14CC0] =	vst v3  }
0x376: {  	v1 =	vadd.bf16 v9, v1;
	v3 =	vadd.bf16 v12, v5;
	v5 =	vmul.bf16 v18, v11;
	[tilespmem:s24+$0x14CD0] =	vst v7  }
0x377: {  	v2 =	vmul.bf16 v13, v2;
	v4 =	vadd.bf16 v8, v4;
	[tilespmem:s24+$0x14CE0] =	vst v6  }
0x378: {  	v1 =	vadd.bf16 v5, v1;
	[tilespmem:s24+$0x14CF0] =	vst v3  }
0x379: {  	v0 =	vadd.bf16 v2, v0;
	[tilespmem:s24+$0x14D00] =	vst v4  }
0x37a: {  	[tilespmem:s24+$0x14D10] =	vst v1  }
0x37b: {  	s26 =	simm.s32 $0x0;
	[tilespmem:s24+$0x14D20] =	vst v0  }
0x37c: {  	v0 =	vld [tilespmem:s26+$0x55E0]  }
0x37d: {  	v1 =	vld [tilespmem:s26+$0xFC70]  }
0x37e: {  	v2 =	vld [tilespmem:s26+$0x5570]  }
0x37f: {  	v3 =	vld [tilespmem:s26+$0x5E01]  }
0x380: {  	v4 =	vld [tilespmem:s26+$0xFC00]  }
0x381: {  	v5 =	vld [tilespmem:s26+$0x5580]  }
0x382: {  	v6 =	vld [tilespmem:s26+$0xFC10]  }
0x383: {  	v7 =	vld [tilespmem:s26+$0x5590]  }
0x384: {  	v8 =	vld [tilespmem:s26+$0xFC20]  }
0x385: {  	v9 =	vld [tilespmem:s26+$0x55A0]  }
0x386: {  	v10 =	vld [tilespmem:s26+$0xFC30]  }
0x387: {  	v11 =	vld [tilespmem:s26+$0x55B0]  }
0x388: {  	v12 =	vld [tilespmem:s26+$0xFC40]  }
0x389: {  	v14 =	vld [tilespmem:s26+$0x55C0]  }
0x38a: {  	v15 =	vld [tilespmem:s26+$0xFC50]  }
0x38b: {  	v17 =	vld [tilespmem:s26+$0x55D0]  }
0x38c: {  	v16 =	vld [tilespmem:s26+$0x5D91]  }
0x38d: {  	v18 =	vld [tilespmem:s26+$0x5DA1]  }
0x38e: {  	v0 =	vmul.bf16 v1, v0;
	v1 =	vld [tilespmem:s26+$0xFC60];
	v2 =	vmul.bf16 v4, v2  }
0x38f: {  	v4 =	vld [tilespmem:s26+$0x5DB1];
	v5 =	vmul.bf16 v6, v5;
	v6 =	vmul.bf16 v8, v7  }
0x390: {  	v9 =	vmul.bf16 v10, v9;
	v12 =	vmul.bf16 v12, v11  }
0x391: {  	v13 =	vld [tilespmem:s26+$0x5DC1];
	v0 =	vmul.bf16 v3, v0;
	v2 =	vmul.bf16 v16, v2  }
0x392: {  	v11 =	vmul.bf16 v15, v14;
	v7 =	vimm.bf16 $0.0e+00;
	v3 =	vimm.bf16 $0.0e+00;
	v16 =	vld [tilespmem:s26+$0x5DD1]  }
0x393: {  	v15 =	vld [tilespmem:s26+$0x5DE1];
	v0 =	vadd.bf16 v0, v3;
	v2 =	vadd.bf16 v2, v3;
	v10 =	vmul.bf16 v1, v17  }
0x394: {  	s25 =	simm.s32 $0x410;
	v14 =	vld [tilespmem:s26+$0x5DF1];
	v17 =	vmul.bf16 v18, v5;
	v18 =	vmul.bf16 v4, v6;
	v6 =	vimm.bf16 $0.0e+00  }
0x395: {  	v8 =	vld [tilespmem:s25+$0x55E0];
	s26 =	simm.s32 $0x2080;
	v5 =	vimm.bf16 $0.0e+00;
	v4 =	vimm.bf16 $0.0e+00;
	v1 =	vimm.bf16 $0.0e+00  }
.LBB2_23:
0x396: {  	p0 =	sne.s32 s26, $0x11440;
	v19 =	vld [tilespmem:s25+$0xFC70];
	v3 =	vadd.bf16 v17, v3;
	v9 =	vmul.bf16 v13, v9  }
0x397: {  	v13 =	vld [tilespmem:s25+$0x5570];
	v7 =	vadd.bf16 v18, v7;
	v12 =	vmul.bf16 v16, v12  }
0x398: {  	v16 =	vld [tilespmem:s25+$0x5E01];
	v6 =	vadd.bf16 v9, v6;
	v9 =	vmul.bf16 v15, v11  }
0x399: {  	v11 =	vld [tilespmem:s25+$0xFC00];
	v5 =	vadd.bf16 v12, v5;
	v10 =	vmul.bf16 v14, v10  }
0x39a: {  	v12 =	vld [tilespmem:s25+$0x5580];
	v4 =	vadd.bf16 v9, v4  }
0x39b: {  	v9 =	vld [tilespmem:s25+$0xFC10];
	v8 =	vmul.bf16 v19, v8;
	v1 =	vadd.bf16 v10, v1  }
0x39c: {  	v10 =	vld [tilespmem:s25+$0x5590]  }
0x39d: {  	v14 =	vld [tilespmem:s25+$0xFC20];
	v8 =	vmul.bf16 v16, v8  }
0x39e: {  	v15 =	vmul.bf16 v11, v13;
	v11 =	vld [tilespmem:s25+$0x55A0]  }
0x39f: {  	v13 =	vld [tilespmem:s25+$0xFC30];
	v0 =	vadd.bf16 v8, v0  }
0x3a0: {  	v8 =	vmul.bf16 v9, v12;
	v12 =	vld [tilespmem:s25+$0x55B0]  }
0x3a1: {  	v16 =	vld [tilespmem:s25+$0xFC40]  }
0x3a2: {  	v18 =	vmul.bf16 v14, v10;
	v10 =	vld [tilespmem:s25+$0x55C0]  }
0x3a3: {  	v14 =	vld [tilespmem:s25+$0xFC50]  }
0x3a4: {  	v9 =	vmul.bf16 v13, v11;
	v17 =	vld [tilespmem:s25+$0x55D0]  }
0x3a5: {  	v19 =	vld [tilespmem:s25+$0xFC60]  }
0x3a6: {  	v20 =	vld [tilespmem:s25+$0x5D91];
	v12 =	vmul.bf16 v16, v12  }
0x3a7: {  	v21 =	vld [tilespmem:s25+$0x5DA1]  }
0x3a8: {  	v22 =	vld [tilespmem:s25+$0x5DB1];
	v11 =	vmul.bf16 v14, v10  }
.Ltmp10:
0x3a9: {  	v13 =	vld [tilespmem:s25+$0x5DC1];
	(pc) =	sbr.rel @p0 .LBB2_23-.Ltmp10, $4  }
0x3aa: {  	v16 =	vld [tilespmem:s25+$0x5DD1];
	v10 =	vmul.bf16 v19, v17  }
0x3ab: {  	v19 =	vmul.bf16 v20, v15;
	v15 =	vld [tilespmem:s25+$0x5DE1]  }
0x3ac: {  	v17 =	vmul.bf16 v21, v8;
	v14 =	vld [tilespmem:s25+$0x5DF1];
	s25 =	sshra.s32 s26, $0x2  }
0x3ad: {  	s26 =	sadd.s32 $0x1040, s26;
	v8 =	vld [tilespmem:s25+$0x55E0];
	v2 =	vadd.bf16 v19, v2;
	v18 =	vmul.bf16 v22, v18  }
0x3ae: {  	v19 =	vld [tilespmem:s25+$0xFC70]  }
0x3af: {  	v20 =	vld [tilespmem:s25+$0x5570]  }
0x3b0: {  	v21 =	vld [tilespmem:s25+$0xFC00]  }
0x3b1: {  	v22 =	vld [tilespmem:s25+$0x5580]  }
0x3b2: {  	v23 =	vld [tilespmem:s25+$0xFC10]  }
0x3b3: {  	v24 =	vld [tilespmem:s25+$0x5590]  }
0x3b4: {  	v25 =	vld [tilespmem:s25+$0xFC20]  }
0x3b5: {  	v26 =	vld [tilespmem:s25+$0x55A0]  }
0x3b6: {  	v27 =	vld [tilespmem:s25+$0xFC30]  }
0x3b7: {  	v28 =	vld [tilespmem:s25+$0x55B0]  }
0x3b8: {  	v29 =	vld [tilespmem:s25+$0xFC40]  }
0x3b9: {  	v30 =	vld [tilespmem:s25+$0x55C0]  }
0x3ba: {  	v31 =	vld [tilespmem:s25+$0xFC50]  }
0x3bb: {  	v32 =	vld [tilespmem:s25+$0x55D0]  }
0x3bc: {  	v33 =	vld [tilespmem:s25+$0xFC60]  }
0x3bd: {  	v34 =	vld [tilespmem:s25+$0x5D91]  }
0x3be: {  	v35 =	vld [tilespmem:s25+$0x5DA1]  }
0x3bf: {  	v3 =	vadd.bf16 v17, v3;
	v9 =	vmul.bf16 v13, v9;
	v13 =	vld [tilespmem:s25+$0x5DB1];
	v12 =	vmul.bf16 v16, v12  }
0x3c0: {  	v7 =	vadd.bf16 v18, v7;
	v16 =	vld [tilespmem:s25+$0x5DC1];
	v11 =	vmul.bf16 v15, v11;
	v15 =	vmul.bf16 v21, v20  }
0x3c1: {  	v6 =	vadd.bf16 v9, v6;
	v9 =	vmul.bf16 v14, v10;
	v14 =	vld [tilespmem:s25+$0x5DD1];
	v10 =	vmul.bf16 v23, v22  }
0x3c2: {  	v17 =	vld [tilespmem:s25+$0x5DE1];
	v5 =	vadd.bf16 v12, v5;
	v12 =	vmul.bf16 v25, v24;
	v15 =	vmul.bf16 v34, v15  }
0x3c3: {  	v18 =	vld [tilespmem:s25+$0x5DF1];
	v4 =	vadd.bf16 v11, v4;
	v11 =	vmul.bf16 v27, v26;
	v10 =	vmul.bf16 v35, v10  }
0x3c4: {  	v20 =	vmul.bf16 v29, v28;
	v12 =	vmul.bf16 v13, v12;
	v13 =	vld [tilespmem:s25+$0x5E01];
	v2 =	vadd.bf16 v15, v2  }
0x3c5: {  	v15 =	vmul.bf16 v31, v30;
	v3 =	vadd.bf16 v10, v3;
	v10 =	vmul.bf16 v16, v11  }
0x3c6: {  	v11 =	vmul.bf16 v33, v32;
	v7 =	vadd.bf16 v12, v7;
	v12 =	vmul.bf16 v14, v20;
	[tilespmem:s24+$0x14D30] =	vst v2  }
0x3c7: {  	v2 =	vmul.bf16 v19, v8;
	v6 =	vadd.bf16 v10, v6;
	v8 =	vmul.bf16 v17, v15;
	[tilespmem:s24+$0x14D40] =	vst v3  }
0x3c8: {  	v1 =	vadd.bf16 v9, v1;
	v3 =	vadd.bf16 v12, v5;
	v5 =	vmul.bf16 v18, v11;
	[tilespmem:s24+$0x14D50] =	vst v7  }
0x3c9: {  	v2 =	vmul.bf16 v13, v2;
	v4 =	vadd.bf16 v8, v4;
	[tilespmem:s24+$0x14D60] =	vst v6  }
0x3ca: {  	v1 =	vadd.bf16 v5, v1;
	[tilespmem:s24+$0x14D70] =	vst v3  }
0x3cb: {  	v0 =	vadd.bf16 v2, v0;
	[tilespmem:s24+$0x14D80] =	vst v4  }
0x3cc: {  	[tilespmem:s24+$0x14D90] =	vst v1  }
0x3cd: {  	s26 =	simm.s32 $0x0;
	[tilespmem:s24+$0x14DA0] =	vst v0  }
0x3ce: {  	v0 =	vld [tilespmem:s26+$0x5660]  }
0x3cf: {  	v1 =	vld [tilespmem:s26+$0xFCF0]  }
0x3d0: {  	v2 =	vld [tilespmem:s26+$0x55F0]  }
0x3d1: {  	v3 =	vld [tilespmem:s26+$0x5E81]  }
0x3d2: {  	v4 =	vld [tilespmem:s26+$0xFC80]  }
0x3d3: {  	v5 =	vld [tilespmem:s26+$0x5600]  }
0x3d4: {  	v6 =	vld [tilespmem:s26+$0xFC90]  }
0x3d5: {  	v7 =	vld [tilespmem:s26+$0x5610]  }
0x3d6: {  	v8 =	vld [tilespmem:s26+$0xFCA0]  }
0x3d7: {  	v9 =	vld [tilespmem:s26+$0x5620]  }
0x3d8: {  	v10 =	vld [tilespmem:s26+$0xFCB0]  }
0x3d9: {  	v11 =	vld [tilespmem:s26+$0x5630]  }
0x3da: {  	v12 =	vld [tilespmem:s26+$0xFCC0]  }
0x3db: {  	v14 =	vld [tilespmem:s26+$0x5640]  }
0x3dc: {  	v15 =	vld [tilespmem:s26+$0xFCD0]  }
0x3dd: {  	v17 =	vld [tilespmem:s26+$0x5650]  }
0x3de: {  	v16 =	vld [tilespmem:s26+$0x5E11]  }
0x3df: {  	v18 =	vld [tilespmem:s26+$0x5E21]  }
0x3e0: {  	v0 =	vmul.bf16 v1, v0;
	v1 =	vld [tilespmem:s26+$0xFCE0];
	v2 =	vmul.bf16 v4, v2  }
0x3e1: {  	v4 =	vld [tilespmem:s26+$0x5E31];
	v5 =	vmul.bf16 v6, v5;
	v6 =	vmul.bf16 v8, v7  }
0x3e2: {  	v9 =	vmul.bf16 v10, v9;
	v12 =	vmul.bf16 v12, v11  }
0x3e3: {  	v13 =	vld [tilespmem:s26+$0x5E41];
	v0 =	vmul.bf16 v3, v0;
	v2 =	vmul.bf16 v16, v2  }
0x3e4: {  	v11 =	vmul.bf16 v15, v14;
	v7 =	vimm.bf16 $0.0e+00;
	v3 =	vimm.bf16 $0.0e+00;
	v16 =	vld [tilespmem:s26+$0x5E51]  }
0x3e5: {  	v15 =	vld [tilespmem:s26+$0x5E61];
	v0 =	vadd.bf16 v0, v3;
	v2 =	vadd.bf16 v2, v3;
	v10 =	vmul.bf16 v1, v17  }
0x3e6: {  	s25 =	simm.s32 $0x410;
	v14 =	vld [tilespmem:s26+$0x5E71];
	v17 =	vmul.bf16 v18, v5;
	v18 =	vmul.bf16 v4, v6;
	v6 =	vimm.bf16 $0.0e+00  }
0x3e7: {  	v8 =	vld [tilespmem:s25+$0x5660];
	s26 =	simm.s32 $0x2080;
	v5 =	vimm.bf16 $0.0e+00;
	v4 =	vimm.bf16 $0.0e+00;
	v1 =	vimm.bf16 $0.0e+00  }
.LBB2_25:
0x3e8: {  	p0 =	sne.s32 s26, $0x11440;
	v19 =	vld [tilespmem:s25+$0xFCF0];
	v3 =	vadd.bf16 v17, v3;
	v9 =	vmul.bf16 v13, v9  }
0x3e9: {  	v13 =	vld [tilespmem:s25+$0x55F0];
	v7 =	vadd.bf16 v18, v7;
	v12 =	vmul.bf16 v16, v12  }
0x3ea: {  	v16 =	vld [tilespmem:s25+$0x5E81];
	v6 =	vadd.bf16 v9, v6;
	v9 =	vmul.bf16 v15, v11  }
0x3eb: {  	v11 =	vld [tilespmem:s25+$0xFC80];
	v5 =	vadd.bf16 v12, v5;
	v10 =	vmul.bf16 v14, v10  }
0x3ec: {  	v12 =	vld [tilespmem:s25+$0x5600];
	v4 =	vadd.bf16 v9, v4  }
0x3ed: {  	v9 =	vld [tilespmem:s25+$0xFC90];
	v8 =	vmul.bf16 v19, v8;
	v1 =	vadd.bf16 v10, v1  }
0x3ee: {  	v10 =	vld [tilespmem:s25+$0x5610]  }
0x3ef: {  	v14 =	vld [tilespmem:s25+$0xFCA0];
	v8 =	vmul.bf16 v16, v8  }
0x3f0: {  	v15 =	vmul.bf16 v11, v13;
	v11 =	vld [tilespmem:s25+$0x5620]  }
0x3f1: {  	v13 =	vld [tilespmem:s25+$0xFCB0];
	v0 =	vadd.bf16 v8, v0  }
0x3f2: {  	v8 =	vmul.bf16 v9, v12;
	v12 =	vld [tilespmem:s25+$0x5630]  }
0x3f3: {  	v16 =	vld [tilespmem:s25+$0xFCC0]  }
0x3f4: {  	v18 =	vmul.bf16 v14, v10;
	v10 =	vld [tilespmem:s25+$0x5640]  }
0x3f5: {  	v14 =	vld [tilespmem:s25+$0xFCD0]  }
0x3f6: {  	v9 =	vmul.bf16 v13, v11;
	v17 =	vld [tilespmem:s25+$0x5650]  }
0x3f7: {  	v19 =	vld [tilespmem:s25+$0xFCE0]  }
0x3f8: {  	v20 =	vld [tilespmem:s25+$0x5E11];
	v12 =	vmul.bf16 v16, v12  }
0x3f9: {  	v21 =	vld [tilespmem:s25+$0x5E21]  }
0x3fa: {  	v22 =	vld [tilespmem:s25+$0x5E31];
	v11 =	vmul.bf16 v14, v10  }
.Ltmp11:
0x3fb: {  	v13 =	vld [tilespmem:s25+$0x5E41];
	(pc) =	sbr.rel @p0 .LBB2_25-.Ltmp11, $4  }
0x3fc: {  	v16 =	vld [tilespmem:s25+$0x5E51];
	v10 =	vmul.bf16 v19, v17  }
0x3fd: {  	v19 =	vmul.bf16 v20, v15;
	v15 =	vld [tilespmem:s25+$0x5E61]  }
0x3fe: {  	v17 =	vmul.bf16 v21, v8;
	v14 =	vld [tilespmem:s25+$0x5E71];
	s25 =	sshra.s32 s26, $0x2  }
0x3ff: {  	s26 =	sadd.s32 $0x1040, s26;
	v8 =	vld [tilespmem:s25+$0x5660];
	v2 =	vadd.bf16 v19, v2;
	v18 =	vmul.bf16 v22, v18  }
0x400: {  	v19 =	vld [tilespmem:s25+$0xFCF0]  }
0x401: {  	v20 =	vld [tilespmem:s25+$0x55F0]  }
0x402: {  	v21 =	vld [tilespmem:s25+$0xFC80]  }
0x403: {  	v22 =	vld [tilespmem:s25+$0x5600]  }
0x404: {  	v23 =	vld [tilespmem:s25+$0xFC90]  }
0x405: {  	v24 =	vld [tilespmem:s25+$0x5610]  }
0x406: {  	v25 =	vld [tilespmem:s25+$0xFCA0]  }
0x407: {  	v26 =	vld [tilespmem:s25+$0x5620]  }
0x408: {  	v27 =	vld [tilespmem:s25+$0xFCB0]  }
0x409: {  	v28 =	vld [tilespmem:s25+$0x5630]  }
0x40a: {  	v29 =	vld [tilespmem:s25+$0xFCC0]  }
0x40b: {  	v30 =	vld [tilespmem:s25+$0x5640]  }
0x40c: {  	v31 =	vld [tilespmem:s25+$0xFCD0]  }
0x40d: {  	v32 =	vld [tilespmem:s25+$0x5650]  }
0x40e: {  	v33 =	vld [tilespmem:s25+$0xFCE0]  }
0x40f: {  	v34 =	vld [tilespmem:s25+$0x5E11]  }
0x410: {  	v35 =	vld [tilespmem:s25+$0x5E21]  }
0x411: {  	v3 =	vadd.bf16 v17, v3;
	v9 =	vmul.bf16 v13, v9;
	v13 =	vld [tilespmem:s25+$0x5E31];
	v12 =	vmul.bf16 v16, v12  }
0x412: {  	v7 =	vadd.bf16 v18, v7;
	v16 =	vld [tilespmem:s25+$0x5E41];
	v11 =	vmul.bf16 v15, v11;
	v15 =	vmul.bf16 v21, v20  }
0x413: {  	v6 =	vadd.bf16 v9, v6;
	v9 =	vmul.bf16 v14, v10;
	v14 =	vld [tilespmem:s25+$0x5E51];
	v10 =	vmul.bf16 v23, v22  }
0x414: {  	v17 =	vld [tilespmem:s25+$0x5E61];
	v5 =	vadd.bf16 v12, v5;
	v12 =	vmul.bf16 v25, v24;
	v15 =	vmul.bf16 v34, v15  }
0x415: {  	v18 =	vld [tilespmem:s25+$0x5E71];
	v4 =	vadd.bf16 v11, v4;
	v11 =	vmul.bf16 v27, v26;
	v10 =	vmul.bf16 v35, v10  }
0x416: {  	v20 =	vmul.bf16 v29, v28;
	v12 =	vmul.bf16 v13, v12;
	v13 =	vld [tilespmem:s25+$0x5E81];
	v2 =	vadd.bf16 v15, v2  }
0x417: {  	v15 =	vmul.bf16 v31, v30;
	v3 =	vadd.bf16 v10, v3;
	v10 =	vmul.bf16 v16, v11  }
0x418: {  	v11 =	vmul.bf16 v33, v32;
	v7 =	vadd.bf16 v12, v7;
	v12 =	vmul.bf16 v14, v20;
	[tilespmem:s24+$0x14DB0] =	vst v2  }
0x419: {  	v2 =	vmul.bf16 v19, v8;
	v6 =	vadd.bf16 v10, v6;
	v8 =	vmul.bf16 v17, v15;
	[tilespmem:s24+$0x14DC0] =	vst v3  }
0x41a: {  	v1 =	vadd.bf16 v9, v1;
	v3 =	vadd.bf16 v12, v5;
	v5 =	vmul.bf16 v18, v11;
	[tilespmem:s24+$0x14DD0] =	vst v7  }
0x41b: {  	v2 =	vmul.bf16 v13, v2;
	v4 =	vadd.bf16 v8, v4;
	[tilespmem:s24+$0x14DE0] =	vst v6  }
0x41c: {  	v1 =	vadd.bf16 v5, v1;
	[tilespmem:s24+$0x14DF0] =	vst v3  }
0x41d: {  	v0 =	vadd.bf16 v2, v0;
	[tilespmem:s24+$0x14E00] =	vst v4  }
0x41e: {  	[tilespmem:s24+$0x14E10] =	vst v1  }
0x41f: {  	s26 =	simm.s32 $0x0;
	[tilespmem:s24+$0x14E20] =	vst v0  }
0x420: {  	v0 =	vld [tilespmem:s26+$0x56E0]  }
0x421: {  	v1 =	vld [tilespmem:s26+$0xFD70]  }
0x422: {  	v2 =	vld [tilespmem:s26+$0x5670]  }
0x423: {  	v3 =	vld [tilespmem:s26+$0x5F01]  }
0x424: {  	v4 =	vld [tilespmem:s26+$0xFD00]  }
0x425: {  	v5 =	vld [tilespmem:s26+$0x5680]  }
0x426: {  	v6 =	vld [tilespmem:s26+$0xFD10]  }
0x427: {  	v7 =	vld [tilespmem:s26+$0x5690]  }
0x428: {  	v8 =	vld [tilespmem:s26+$0xFD20]  }
0x429: {  	v9 =	vld [tilespmem:s26+$0x56A0]  }
0x42a: {  	v10 =	vld [tilespmem:s26+$0xFD30]  }
0x42b: {  	v11 =	vld [tilespmem:s26+$0x56B0]  }
0x42c: {  	v12 =	vld [tilespmem:s26+$0xFD40]  }
0x42d: {  	v14 =	vld [tilespmem:s26+$0x56C0]  }
0x42e: {  	v15 =	vld [tilespmem:s26+$0xFD50]  }
0x42f: {  	v17 =	vld [tilespmem:s26+$0x56D0]  }
0x430: {  	v16 =	vld [tilespmem:s26+$0x5E91]  }
0x431: {  	v18 =	vld [tilespmem:s26+$0x5EA1]  }
0x432: {  	v0 =	vmul.bf16 v1, v0;
	v1 =	vld [tilespmem:s26+$0xFD60];
	v2 =	vmul.bf16 v4, v2  }
0x433: {  	v4 =	vld [tilespmem:s26+$0x5EB1];
	v5 =	vmul.bf16 v6, v5;
	v6 =	vmul.bf16 v8, v7  }
0x434: {  	v9 =	vmul.bf16 v10, v9;
	v12 =	vmul.bf16 v12, v11  }
0x435: {  	v13 =	vld [tilespmem:s26+$0x5EC1];
	v0 =	vmul.bf16 v3, v0;
	v2 =	vmul.bf16 v16, v2  }
0x436: {  	v11 =	vmul.bf16 v15, v14;
	v7 =	vimm.bf16 $0.0e+00;
	v3 =	vimm.bf16 $0.0e+00;
	v16 =	vld [tilespmem:s26+$0x5ED1]  }
0x437: {  	v15 =	vld [tilespmem:s26+$0x5EE1];
	v0 =	vadd.bf16 v0, v3;
	v2 =	vadd.bf16 v2, v3;
	v10 =	vmul.bf16 v1, v17  }
0x438: {  	s25 =	simm.s32 $0x410;
	v14 =	vld [tilespmem:s26+$0x5EF1];
	v17 =	vmul.bf16 v18, v5;
	v18 =	vmul.bf16 v4, v6;
	v6 =	vimm.bf16 $0.0e+00  }
0x439: {  	v8 =	vld [tilespmem:s25+$0x56E0];
	s26 =	simm.s32 $0x2080;
	v5 =	vimm.bf16 $0.0e+00;
	v4 =	vimm.bf16 $0.0e+00;
	v1 =	vimm.bf16 $0.0e+00  }
.LBB2_27:
0x43a: {  	p0 =	sne.s32 s26, $0x11440;
	v19 =	vld [tilespmem:s25+$0xFD70];
	v3 =	vadd.bf16 v17, v3;
	v9 =	vmul.bf16 v13, v9  }
0x43b: {  	v13 =	vld [tilespmem:s25+$0x5670];
	v7 =	vadd.bf16 v18, v7;
	v12 =	vmul.bf16 v16, v12  }
0x43c: {  	v16 =	vld [tilespmem:s25+$0x5F01];
	v6 =	vadd.bf16 v9, v6;
	v9 =	vmul.bf16 v15, v11  }
0x43d: {  	v11 =	vld [tilespmem:s25+$0xFD00];
	v5 =	vadd.bf16 v12, v5;
	v10 =	vmul.bf16 v14, v10  }
0x43e: {  	v12 =	vld [tilespmem:s25+$0x5680];
	v4 =	vadd.bf16 v9, v4  }
0x43f: {  	v9 =	vld [tilespmem:s25+$0xFD10];
	v8 =	vmul.bf16 v19, v8;
	v1 =	vadd.bf16 v10, v1  }
0x440: {  	v10 =	vld [tilespmem:s25+$0x5690]  }
0x441: {  	v14 =	vld [tilespmem:s25+$0xFD20];
	v8 =	vmul.bf16 v16, v8  }
0x442: {  	v15 =	vmul.bf16 v11, v13;
	v11 =	vld [tilespmem:s25+$0x56A0]  }
0x443: {  	v13 =	vld [tilespmem:s25+$0xFD30];
	v0 =	vadd.bf16 v8, v0  }
0x444: {  	v8 =	vmul.bf16 v9, v12;
	v12 =	vld [tilespmem:s25+$0x56B0]  }
0x445: {  	v16 =	vld [tilespmem:s25+$0xFD40]  }
0x446: {  	v18 =	vmul.bf16 v14, v10;
	v10 =	vld [tilespmem:s25+$0x56C0]  }
0x447: {  	v14 =	vld [tilespmem:s25+$0xFD50]  }
0x448: {  	v9 =	vmul.bf16 v13, v11;
	v17 =	vld [tilespmem:s25+$0x56D0]  }
0x449: {  	v19 =	vld [tilespmem:s25+$0xFD60]  }
0x44a: {  	v20 =	vld [tilespmem:s25+$0x5E91];
	v12 =	vmul.bf16 v16, v12  }
0x44b: {  	v21 =	vld [tilespmem:s25+$0x5EA1]  }
0x44c: {  	v22 =	vld [tilespmem:s25+$0x5EB1];
	v11 =	vmul.bf16 v14, v10  }
.Ltmp12:
0x44d: {  	v13 =	vld [tilespmem:s25+$0x5EC1];
	(pc) =	sbr.rel @p0 .LBB2_27-.Ltmp12, $4  }
0x44e: {  	v16 =	vld [tilespmem:s25+$0x5ED1];
	v10 =	vmul.bf16 v19, v17  }
0x44f: {  	v19 =	vmul.bf16 v20, v15;
	v15 =	vld [tilespmem:s25+$0x5EE1]  }
0x450: {  	v17 =	vmul.bf16 v21, v8;
	v14 =	vld [tilespmem:s25+$0x5EF1];
	s25 =	sshra.s32 s26, $0x2  }
0x451: {  	s26 =	sadd.s32 $0x1040, s26;
	v8 =	vld [tilespmem:s25+$0x56E0];
	v2 =	vadd.bf16 v19, v2;
	v18 =	vmul.bf16 v22, v18  }
0x452: {  	v19 =	vld [tilespmem:s25+$0xFD70]  }
0x453: {  	v20 =	vld [tilespmem:s25+$0x5670]  }
0x454: {  	v21 =	vld [tilespmem:s25+$0xFD00]  }
0x455: {  	v22 =	vld [tilespmem:s25+$0x5680]  }
0x456: {  	v23 =	vld [tilespmem:s25+$0xFD10]  }
0x457: {  	v24 =	vld [tilespmem:s25+$0x5690]  }
0x458: {  	v25 =	vld [tilespmem:s25+$0xFD20]  }
0x459: {  	v26 =	vld [tilespmem:s25+$0x56A0]  }
0x45a: {  	v27 =	vld [tilespmem:s25+$0xFD30]  }
0x45b: {  	v28 =	vld [tilespmem:s25+$0x56B0]  }
0x45c: {  	v29 =	vld [tilespmem:s25+$0xFD40]  }
0x45d: {  	v30 =	vld [tilespmem:s25+$0x56C0]  }
0x45e: {  	v31 =	vld [tilespmem:s25+$0xFD50]  }
0x45f: {  	v32 =	vld [tilespmem:s25+$0x56D0]  }
0x460: {  	v33 =	vld [tilespmem:s25+$0xFD60]  }
0x461: {  	v34 =	vld [tilespmem:s25+$0x5E91]  }
0x462: {  	v35 =	vld [tilespmem:s25+$0x5EA1]  }
0x463: {  	v3 =	vadd.bf16 v17, v3;
	v9 =	vmul.bf16 v13, v9;
	v13 =	vld [tilespmem:s25+$0x5EB1];
	v12 =	vmul.bf16 v16, v12  }
0x464: {  	v7 =	vadd.bf16 v18, v7;
	v16 =	vld [tilespmem:s25+$0x5EC1];
	v11 =	vmul.bf16 v15, v11;
	v15 =	vmul.bf16 v21, v20  }
0x465: {  	v6 =	vadd.bf16 v9, v6;
	v9 =	vmul.bf16 v14, v10;
	v14 =	vld [tilespmem:s25+$0x5ED1];
	v10 =	vmul.bf16 v23, v22  }
0x466: {  	v17 =	vld [tilespmem:s25+$0x5EE1];
	v5 =	vadd.bf16 v12, v5;
	v12 =	vmul.bf16 v25, v24;
	v15 =	vmul.bf16 v34, v15  }
0x467: {  	v18 =	vld [tilespmem:s25+$0x5EF1];
	v4 =	vadd.bf16 v11, v4;
	v11 =	vmul.bf16 v27, v26;
	v10 =	vmul.bf16 v35, v10  }
0x468: {  	v20 =	vmul.bf16 v29, v28;
	v12 =	vmul.bf16 v13, v12;
	v13 =	vld [tilespmem:s25+$0x5F01];
	v2 =	vadd.bf16 v15, v2  }
0x469: {  	v15 =	vmul.bf16 v31, v30;
	v3 =	vadd.bf16 v10, v3;
	v10 =	vmul.bf16 v16, v11  }
0x46a: {  	v11 =	vmul.bf16 v33, v32;
	v7 =	vadd.bf16 v12, v7;
	v12 =	vmul.bf16 v14, v20;
	[tilespmem:s24+$0x14E30] =	vst v2  }
0x46b: {  	v2 =	vmul.bf16 v19, v8;
	v6 =	vadd.bf16 v10, v6;
	v8 =	vmul.bf16 v17, v15;
	[tilespmem:s24+$0x14E40] =	vst v3  }
0x46c: {  	v1 =	vadd.bf16 v9, v1;
	v3 =	vadd.bf16 v12, v5;
	v5 =	vmul.bf16 v18, v11;
	[tilespmem:s24+$0x14E50] =	vst v7  }
0x46d: {  	v2 =	vmul.bf16 v13, v2;
	v4 =	vadd.bf16 v8, v4;
	[tilespmem:s24+$0x14E60] =	vst v6  }
0x46e: {  	v1 =	vadd.bf16 v5, v1;
	[tilespmem:s24+$0x14E70] =	vst v3  }
0x46f: {  	v0 =	vadd.bf16 v2, v0;
	[tilespmem:s24+$0x14E80] =	vst v4  }
0x470: {  	[tilespmem:s24+$0x14E90] =	vst v1  }
0x471: {  	s26 =	simm.s32 $0x0;
	[tilespmem:s24+$0x14EA0] =	vst v0  }
0x472: {  	v0 =	vld [tilespmem:s26+$0x5760]  }
0x473: {  	v1 =	vld [tilespmem:s26+$0xFDF0]  }
0x474: {  	v2 =	vld [tilespmem:s26+$0x56F0]  }
0x475: {  	v3 =	vld [tilespmem:s26+$0x5F81]  }
0x476: {  	v4 =	vld [tilespmem:s26+$0xFD80]  }
0x477: {  	v5 =	vld [tilespmem:s26+$0x5700]  }
0x478: {  	v6 =	vld [tilespmem:s26+$0xFD90]  }
0x479: {  	v7 =	vld [tilespmem:s26+$0x5710]  }
0x47a: {  	v8 =	vld [tilespmem:s26+$0xFDA0]  }
0x47b: {  	v9 =	vld [tilespmem:s26+$0x5720]  }
0x47c: {  	v10 =	vld [tilespmem:s26+$0xFDB0]  }
0x47d: {  	v11 =	vld [tilespmem:s26+$0x5730]  }
0x47e: {  	v12 =	vld [tilespmem:s26+$0xFDC0]  }
0x47f: {  	v14 =	vld [tilespmem:s26+$0x5740]  }
0x480: {  	v15 =	vld [tilespmem:s26+$0xFDD0]  }
0x481: {  	v17 =	vld [tilespmem:s26+$0x5750]  }
0x482: {  	v16 =	vld [tilespmem:s26+$0x5F11]  }
0x483: {  	v18 =	vld [tilespmem:s26+$0x5F21]  }
0x484: {  	v0 =	vmul.bf16 v1, v0;
	v1 =	vld [tilespmem:s26+$0xFDE0];
	v2 =	vmul.bf16 v4, v2  }
0x485: {  	v4 =	vld [tilespmem:s26+$0x5F31];
	v5 =	vmul.bf16 v6, v5;
	v6 =	vmul.bf16 v8, v7  }
0x486: {  	v9 =	vmul.bf16 v10, v9;
	v12 =	vmul.bf16 v12, v11  }
0x487: {  	v13 =	vld [tilespmem:s26+$0x5F41];
	v0 =	vmul.bf16 v3, v0;
	v2 =	vmul.bf16 v16, v2  }
0x488: {  	v11 =	vmul.bf16 v15, v14;
	v7 =	vimm.bf16 $0.0e+00;
	v3 =	vimm.bf16 $0.0e+00;
	v16 =	vld [tilespmem:s26+$0x5F51]  }
0x489: {  	v15 =	vld [tilespmem:s26+$0x5F61];
	v0 =	vadd.bf16 v0, v3;
	v2 =	vadd.bf16 v2, v3;
	v10 =	vmul.bf16 v1, v17  }
0x48a: {  	s25 =	simm.s32 $0x410;
	v14 =	vld [tilespmem:s26+$0x5F71];
	v17 =	vmul.bf16 v18, v5;
	v18 =	vmul.bf16 v4, v6;
	v6 =	vimm.bf16 $0.0e+00  }
0x48b: {  	v8 =	vld [tilespmem:s25+$0x5760];
	s26 =	simm.s32 $0x2080;
	v5 =	vimm.bf16 $0.0e+00;
	v4 =	vimm.bf16 $0.0e+00;
	v1 =	vimm.bf16 $0.0e+00  }
.LBB2_29:
0x48c: {  	p0 =	sne.s32 s26, $0x11440;
	v19 =	vld [tilespmem:s25+$0xFDF0];
	v3 =	vadd.bf16 v17, v3;
	v9 =	vmul.bf16 v13, v9  }
0x48d: {  	v13 =	vld [tilespmem:s25+$0x56F0];
	v7 =	vadd.bf16 v18, v7;
	v12 =	vmul.bf16 v16, v12  }
0x48e: {  	v16 =	vld [tilespmem:s25+$0x5F81];
	v6 =	vadd.bf16 v9, v6;
	v9 =	vmul.bf16 v15, v11  }
0x48f: {  	v11 =	vld [tilespmem:s25+$0xFD80];
	v5 =	vadd.bf16 v12, v5;
	v10 =	vmul.bf16 v14, v10  }
0x490: {  	v12 =	vld [tilespmem:s25+$0x5700];
	v4 =	vadd.bf16 v9, v4  }
0x491: {  	v9 =	vld [tilespmem:s25+$0xFD90];
	v8 =	vmul.bf16 v19, v8;
	v1 =	vadd.bf16 v10, v1  }
0x492: {  	v10 =	vld [tilespmem:s25+$0x5710]  }
0x493: {  	v14 =	vld [tilespmem:s25+$0xFDA0];
	v8 =	vmul.bf16 v16, v8  }
0x494: {  	v15 =	vmul.bf16 v11, v13;
	v11 =	vld [tilespmem:s25+$0x5720]  }
0x495: {  	v13 =	vld [tilespmem:s25+$0xFDB0];
	v0 =	vadd.bf16 v8, v0  }
0x496: {  	v8 =	vmul.bf16 v9, v12;
	v12 =	vld [tilespmem:s25+$0x5730]  }
0x497: {  	v16 =	vld [tilespmem:s25+$0xFDC0]  }
0x498: {  	v18 =	vmul.bf16 v14, v10;
	v10 =	vld [tilespmem:s25+$0x5740]  }
0x499: {  	v14 =	vld [tilespmem:s25+$0xFDD0]  }
0x49a: {  	v9 =	vmul.bf16 v13, v11;
	v17 =	vld [tilespmem:s25+$0x5750]  }
0x49b: {  	v19 =	vld [tilespmem:s25+$0xFDE0]  }
0x49c: {  	v20 =	vld [tilespmem:s25+$0x5F11];
	v12 =	vmul.bf16 v16, v12  }
0x49d: {  	v21 =	vld [tilespmem:s25+$0x5F21]  }
0x49e: {  	v22 =	vld [tilespmem:s25+$0x5F31];
	v11 =	vmul.bf16 v14, v10  }
.Ltmp13:
0x49f: {  	v13 =	vld [tilespmem:s25+$0x5F41];
	(pc) =	sbr.rel @p0 .LBB2_29-.Ltmp13, $4  }
0x4a0: {  	v16 =	vld [tilespmem:s25+$0x5F51];
	v10 =	vmul.bf16 v19, v17  }
0x4a1: {  	v19 =	vmul.bf16 v20, v15;
	v15 =	vld [tilespmem:s25+$0x5F61]  }
0x4a2: {  	v17 =	vmul.bf16 v21, v8;
	v14 =	vld [tilespmem:s25+$0x5F71];
	s25 =	sshra.s32 s26, $0x2  }
0x4a3: {  	s26 =	sadd.s32 $0x1040, s26;
	v8 =	vld [tilespmem:s25+$0x5760];
	v2 =	vadd.bf16 v19, v2;
	v18 =	vmul.bf16 v22, v18  }
0x4a4: {  	v19 =	vld [tilespmem:s25+$0xFDF0]  }
0x4a5: {  	v20 =	vld [tilespmem:s25+$0x56F0]  }
0x4a6: {  	v21 =	vld [tilespmem:s25+$0xFD80]  }
0x4a7: {  	v22 =	vld [tilespmem:s25+$0x5700]  }
0x4a8: {  	v23 =	vld [tilespmem:s25+$0xFD90]  }
0x4a9: {  	v24 =	vld [tilespmem:s25+$0x5710]  }
0x4aa: {  	v25 =	vld [tilespmem:s25+$0xFDA0]  }
0x4ab: {  	v26 =	vld [tilespmem:s25+$0x5720]  }
0x4ac: {  	v27 =	vld [tilespmem:s25+$0xFDB0]  }
0x4ad: {  	v28 =	vld [tilespmem:s25+$0x5730]  }
0x4ae: {  	v29 =	vld [tilespmem:s25+$0xFDC0]  }
0x4af: {  	v30 =	vld [tilespmem:s25+$0x5740]  }
0x4b0: {  	v31 =	vld [tilespmem:s25+$0xFDD0]  }
0x4b1: {  	v32 =	vld [tilespmem:s25+$0x5750]  }
0x4b2: {  	v33 =	vld [tilespmem:s25+$0xFDE0]  }
0x4b3: {  	v34 =	vld [tilespmem:s25+$0x5F11]  }
0x4b4: {  	v35 =	vld [tilespmem:s25+$0x5F21]  }
0x4b5: {  	v3 =	vadd.bf16 v17, v3;
	v9 =	vmul.bf16 v13, v9;
	v13 =	vld [tilespmem:s25+$0x5F31];
	v12 =	vmul.bf16 v16, v12  }
0x4b6: {  	v7 =	vadd.bf16 v18, v7;
	v16 =	vld [tilespmem:s25+$0x5F41];
	v11 =	vmul.bf16 v15, v11;
	v15 =	vmul.bf16 v21, v20  }
0x4b7: {  	v6 =	vadd.bf16 v9, v6;
	v9 =	vmul.bf16 v14, v10;
	v14 =	vld [tilespmem:s25+$0x5F51];
	v10 =	vmul.bf16 v23, v22  }
0x4b8: {  	v17 =	vld [tilespmem:s25+$0x5F61];
	v5 =	vadd.bf16 v12, v5;
	v12 =	vmul.bf16 v25, v24;
	v15 =	vmul.bf16 v34, v15  }
0x4b9: {  	v18 =	vld [tilespmem:s25+$0x5F71];
	v4 =	vadd.bf16 v11, v4;
	v11 =	vmul.bf16 v27, v26;
	v10 =	vmul.bf16 v35, v10  }
0x4ba: {  	v20 =	vmul.bf16 v29, v28;
	v12 =	vmul.bf16 v13, v12;
	v13 =	vld [tilespmem:s25+$0x5F81];
	v2 =	vadd.bf16 v15, v2  }
0x4bb: {  	v15 =	vmul.bf16 v31, v30;
	v3 =	vadd.bf16 v10, v3;
	v10 =	vmul.bf16 v16, v11  }
0x4bc: {  	v11 =	vmul.bf16 v33, v32;
	v7 =	vadd.bf16 v12, v7;
	v12 =	vmul.bf16 v14, v20;
	[tilespmem:s24+$0x14EB0] =	vst v2  }
0x4bd: {  	v2 =	vmul.bf16 v19, v8;
	v6 =	vadd.bf16 v10, v6;
	v8 =	vmul.bf16 v17, v15;
	[tilespmem:s24+$0x14EC0] =	vst v3  }
0x4be: {  	v1 =	vadd.bf16 v9, v1;
	v3 =	vadd.bf16 v12, v5;
	v5 =	vmul.bf16 v18, v11;
	[tilespmem:s24+$0x14ED0] =	vst v7  }
0x4bf: {  	v2 =	vmul.bf16 v13, v2;
	v4 =	vadd.bf16 v8, v4;
	[tilespmem:s24+$0x14EE0] =	vst v6  }
0x4c0: {  	v1 =	vadd.bf16 v5, v1;
	[tilespmem:s24+$0x14EF0] =	vst v3  }
0x4c1: {  	v0 =	vadd.bf16 v2, v0;
	[tilespmem:s24+$0x14F00] =	vst v4  }
0x4c2: {  	[tilespmem:s24+$0x14F10] =	vst v1  }
0x4c3: {  	s26 =	simm.s32 $0x0;
	[tilespmem:s24+$0x14F20] =	vst v0  }
0x4c4: {  	v0 =	vld [tilespmem:s26+$0x57E0]  }
0x4c5: {  	v1 =	vld [tilespmem:s26+$0xFE70]  }
0x4c6: {  	v2 =	vld [tilespmem:s26+$0x5770]  }
0x4c7: {  	v3 =	vld [tilespmem:s26+$0x6001]  }
0x4c8: {  	v4 =	vld [tilespmem:s26+$0xFE00]  }
0x4c9: {  	v5 =	vld [tilespmem:s26+$0x5780]  }
0x4ca: {  	v6 =	vld [tilespmem:s26+$0xFE10]  }
0x4cb: {  	v7 =	vld [tilespmem:s26+$0x5790]  }
0x4cc: {  	v8 =	vld [tilespmem:s26+$0xFE20]  }
0x4cd: {  	v9 =	vld [tilespmem:s26+$0x57A0]  }
0x4ce: {  	v10 =	vld [tilespmem:s26+$0xFE30]  }
0x4cf: {  	v11 =	vld [tilespmem:s26+$0x57B0]  }
0x4d0: {  	v12 =	vld [tilespmem:s26+$0xFE40]  }
0x4d1: {  	v14 =	vld [tilespmem:s26+$0x57C0]  }
0x4d2: {  	v15 =	vld [tilespmem:s26+$0xFE50]  }
0x4d3: {  	v17 =	vld [tilespmem:s26+$0x57D0]  }
0x4d4: {  	v16 =	vld [tilespmem:s26+$0x5F91]  }
0x4d5: {  	v18 =	vld [tilespmem:s26+$0x5FA1]  }
0x4d6: {  	v0 =	vmul.bf16 v1, v0;
	v1 =	vld [tilespmem:s26+$0xFE60];
	v2 =	vmul.bf16 v4, v2  }
0x4d7: {  	v4 =	vld [tilespmem:s26+$0x5FB1];
	v5 =	vmul.bf16 v6, v5;
	v6 =	vmul.bf16 v8, v7  }
0x4d8: {  	v9 =	vmul.bf16 v10, v9;
	v12 =	vmul.bf16 v12, v11  }
0x4d9: {  	v13 =	vld [tilespmem:s26+$0x5FC1];
	v0 =	vmul.bf16 v3, v0;
	v2 =	vmul.bf16 v16, v2  }
0x4da: {  	v11 =	vmul.bf16 v15, v14;
	v7 =	vimm.bf16 $0.0e+00;
	v3 =	vimm.bf16 $0.0e+00;
	v16 =	vld [tilespmem:s26+$0x5FD1]  }
0x4db: {  	v15 =	vld [tilespmem:s26+$0x5FE1];
	v0 =	vadd.bf16 v0, v3;
	v2 =	vadd.bf16 v2, v3;
	v10 =	vmul.bf16 v1, v17  }
0x4dc: {  	s25 =	simm.s32 $0x410;
	v14 =	vld [tilespmem:s26+$0x5FF1];
	v17 =	vmul.bf16 v18, v5;
	v18 =	vmul.bf16 v4, v6;
	v6 =	vimm.bf16 $0.0e+00  }
0x4dd: {  	v8 =	vld [tilespmem:s25+$0x57E0];
	s26 =	simm.s32 $0x2080;
	v5 =	vimm.bf16 $0.0e+00;
	v4 =	vimm.bf16 $0.0e+00;
	v1 =	vimm.bf16 $0.0e+00  }
.LBB2_31:
0x4de: {  	p0 =	sne.s32 s26, $0x11440;
	v19 =	vld [tilespmem:s25+$0xFE70];
	v3 =	vadd.bf16 v17, v3;
	v9 =	vmul.bf16 v13, v9  }
0x4df: {  	v13 =	vld [tilespmem:s25+$0x5770];
	v7 =	vadd.bf16 v18, v7;
	v12 =	vmul.bf16 v16, v12  }
0x4e0: {  	v16 =	vld [tilespmem:s25+$0x6001];
	v6 =	vadd.bf16 v9, v6;
	v9 =	vmul.bf16 v15, v11  }
0x4e1: {  	v11 =	vld [tilespmem:s25+$0xFE00];
	v5 =	vadd.bf16 v12, v5;
	v10 =	vmul.bf16 v14, v10  }
0x4e2: {  	v12 =	vld [tilespmem:s25+$0x5780];
	v4 =	vadd.bf16 v9, v4  }
0x4e3: {  	v9 =	vld [tilespmem:s25+$0xFE10];
	v8 =	vmul.bf16 v19, v8;
	v1 =	vadd.bf16 v10, v1  }
0x4e4: {  	v10 =	vld [tilespmem:s25+$0x5790]  }
0x4e5: {  	v14 =	vld [tilespmem:s25+$0xFE20];
	v8 =	vmul.bf16 v16, v8  }
0x4e6: {  	v15 =	vmul.bf16 v11, v13;
	v11 =	vld [tilespmem:s25+$0x57A0]  }
0x4e7: {  	v13 =	vld [tilespmem:s25+$0xFE30];
	v0 =	vadd.bf16 v8, v0  }
0x4e8: {  	v8 =	vmul.bf16 v9, v12;
	v12 =	vld [tilespmem:s25+$0x57B0]  }
0x4e9: {  	v16 =	vld [tilespmem:s25+$0xFE40]  }
0x4ea: {  	v18 =	vmul.bf16 v14, v10;
	v10 =	vld [tilespmem:s25+$0x57C0]  }
0x4eb: {  	v14 =	vld [tilespmem:s25+$0xFE50]  }
0x4ec: {  	v9 =	vmul.bf16 v13, v11;
	v17 =	vld [tilespmem:s25+$0x57D0]  }
0x4ed: {  	v19 =	vld [tilespmem:s25+$0xFE60]  }
0x4ee: {  	v20 =	vld [tilespmem:s25+$0x5F91];
	v12 =	vmul.bf16 v16, v12  }
0x4ef: {  	v21 =	vld [tilespmem:s25+$0x5FA1]  }
0x4f0: {  	v22 =	vld [tilespmem:s25+$0x5FB1];
	v11 =	vmul.bf16 v14, v10  }
.Ltmp14:
0x4f1: {  	v13 =	vld [tilespmem:s25+$0x5FC1];
	(pc) =	sbr.rel @p0 .LBB2_31-.Ltmp14, $4  }
0x4f2: {  	v16 =	vld [tilespmem:s25+$0x5FD1];
	v10 =	vmul.bf16 v19, v17  }
0x4f3: {  	v19 =	vmul.bf16 v20, v15;
	v15 =	vld [tilespmem:s25+$0x5FE1]  }
0x4f4: {  	v17 =	vmul.bf16 v21, v8;
	v14 =	vld [tilespmem:s25+$0x5FF1];
	s25 =	sshra.s32 s26, $0x2  }
0x4f5: {  	s26 =	sadd.s32 $0x1040, s26;
	v8 =	vld [tilespmem:s25+$0x57E0];
	v2 =	vadd.bf16 v19, v2;
	v18 =	vmul.bf16 v22, v18  }
0x4f6: {  	v19 =	vld [tilespmem:s25+$0xFE70]  }
0x4f7: {  	v20 =	vld [tilespmem:s25+$0x5770]  }
0x4f8: {  	v21 =	vld [tilespmem:s25+$0xFE00]  }
0x4f9: {  	v22 =	vld [tilespmem:s25+$0x5780]  }
0x4fa: {  	v23 =	vld [tilespmem:s25+$0xFE10]  }
0x4fb: {  	v24 =	vld [tilespmem:s25+$0x5790]  }
0x4fc: {  	v25 =	vld [tilespmem:s25+$0xFE20]  }
0x4fd: {  	v26 =	vld [tilespmem:s25+$0x57A0]  }
0x4fe: {  	v27 =	vld [tilespmem:s25+$0xFE30]  }
0x4ff: {  	v28 =	vld [tilespmem:s25+$0x57B0]  }
0x500: {  	v29 =	vld [tilespmem:s25+$0xFE40]  }
0x501: {  	v30 =	vld [tilespmem:s25+$0x57C0]  }
0x502: {  	v31 =	vld [tilespmem:s25+$0xFE50]  }
0x503: {  	v32 =	vld [tilespmem:s25+$0x57D0]  }
0x504: {  	v33 =	vld [tilespmem:s25+$0xFE60]  }
0x505: {  	v34 =	vld [tilespmem:s25+$0x5F91]  }
0x506: {  	v35 =	vld [tilespmem:s25+$0x5FA1]  }
0x507: {  	v3 =	vadd.bf16 v17, v3;
	v9 =	vmul.bf16 v13, v9;
	v13 =	vld [tilespmem:s25+$0x5FB1];
	v12 =	vmul.bf16 v16, v12  }
0x508: {  	v7 =	vadd.bf16 v18, v7;
	v16 =	vld [tilespmem:s25+$0x5FC1];
	v11 =	vmul.bf16 v15, v11;
	v15 =	vmul.bf16 v21, v20  }
0x509: {  	v6 =	vadd.bf16 v9, v6;
	v9 =	vmul.bf16 v14, v10;
	v14 =	vld [tilespmem:s25+$0x5FD1];
	v10 =	vmul.bf16 v23, v22  }
0x50a: {  	v17 =	vld [tilespmem:s25+$0x5FE1];
	v5 =	vadd.bf16 v12, v5;
	v12 =	vmul.bf16 v25, v24;
	v15 =	vmul.bf16 v34, v15  }
0x50b: {  	v18 =	vld [tilespmem:s25+$0x5FF1];
	v4 =	vadd.bf16 v11, v4;
	v11 =	vmul.bf16 v27, v26;
	v10 =	vmul.bf16 v35, v10  }
0x50c: {  	v20 =	vmul.bf16 v29, v28;
	v12 =	vmul.bf16 v13, v12;
	v13 =	vld [tilespmem:s25+$0x6001];
	v2 =	vadd.bf16 v15, v2  }
0x50d: {  	v15 =	vmul.bf16 v31, v30;
	v3 =	vadd.bf16 v10, v3;
	v10 =	vmul.bf16 v16, v11  }
0x50e: {  	v11 =	vmul.bf16 v33, v32;
	v7 =	vadd.bf16 v12, v7;
	v12 =	vmul.bf16 v14, v20;
	[tilespmem:s24+$0x14F30] =	vst v2  }
0x50f: {  	v2 =	vmul.bf16 v19, v8;
	v6 =	vadd.bf16 v10, v6;
	v8 =	vmul.bf16 v17, v15;
	[tilespmem:s24+$0x14F40] =	vst v3  }
0x510: {  	v1 =	vadd.bf16 v9, v1;
	v3 =	vadd.bf16 v12, v5;
	v5 =	vmul.bf16 v18, v11;
	[tilespmem:s24+$0x14F50] =	vst v7  }
0x511: {  	v2 =	vmul.bf16 v13, v2;
	v4 =	vadd.bf16 v8, v4;
	[tilespmem:s24+$0x14F60] =	vst v6  }
0x512: {  	v1 =	vadd.bf16 v5, v1;
	[tilespmem:s24+$0x14F70] =	vst v3  }
0x513: {  	v0 =	vadd.bf16 v2, v0;
	[tilespmem:s24+$0x14F80] =	vst v4  }
0x514: {  	[tilespmem:s24+$0x14F90] =	vst v1  }
0x515: {  	s26 =	simm.s32 $0x0;
	[tilespmem:s24+$0x14FA0] =	vst v0  }
0x516: {  	v0 =	vld [tilespmem:s26+$0x5860]  }
0x517: {  	v1 =	vld [tilespmem:s26+$0xFEF0]  }
0x518: {  	v2 =	vld [tilespmem:s26+$0x57F0]  }
0x519: {  	v3 =	vld [tilespmem:s26+$0x6081]  }
0x51a: {  	v4 =	vld [tilespmem:s26+$0xFE80]  }
0x51b: {  	v5 =	vld [tilespmem:s26+$0x5800]  }
0x51c: {  	v6 =	vld [tilespmem:s26+$0xFE90]  }
0x51d: {  	v7 =	vld [tilespmem:s26+$0x5810]  }
0x51e: {  	v8 =	vld [tilespmem:s26+$0xFEA0]  }
0x51f: {  	v9 =	vld [tilespmem:s26+$0x5820]  }
0x520: {  	v10 =	vld [tilespmem:s26+$0xFEB0]  }
0x521: {  	v11 =	vld [tilespmem:s26+$0x5830]  }
0x522: {  	v12 =	vld [tilespmem:s26+$0xFEC0]  }
0x523: {  	v14 =	vld [tilespmem:s26+$0x5840]  }
0x524: {  	v15 =	vld [tilespmem:s26+$0xFED0]  }
0x525: {  	v17 =	vld [tilespmem:s26+$0x5850]  }
0x526: {  	v16 =	vld [tilespmem:s26+$0x6011]  }
0x527: {  	v18 =	vld [tilespmem:s26+$0x6021]  }
0x528: {  	v0 =	vmul.bf16 v1, v0;
	v1 =	vld [tilespmem:s26+$0xFEE0];
	v2 =	vmul.bf16 v4, v2  }
0x529: {  	v4 =	vld [tilespmem:s26+$0x6031];
	v5 =	vmul.bf16 v6, v5;
	v6 =	vmul.bf16 v8, v7  }
0x52a: {  	v9 =	vmul.bf16 v10, v9;
	v12 =	vmul.bf16 v12, v11  }
0x52b: {  	v13 =	vld [tilespmem:s26+$0x6041];
	v0 =	vmul.bf16 v3, v0;
	v2 =	vmul.bf16 v16, v2  }
0x52c: {  	v11 =	vmul.bf16 v15, v14;
	v7 =	vimm.bf16 $0.0e+00;
	v3 =	vimm.bf16 $0.0e+00;
	v16 =	vld [tilespmem:s26+$0x6051]  }
0x52d: {  	v15 =	vld [tilespmem:s26+$0x6061];
	v0 =	vadd.bf16 v0, v3;
	v2 =	vadd.bf16 v2, v3;
	v10 =	vmul.bf16 v1, v17  }
0x52e: {  	s25 =	simm.s32 $0x410;
	v14 =	vld [tilespmem:s26+$0x6071];
	v17 =	vmul.bf16 v18, v5;
	v18 =	vmul.bf16 v4, v6;
	v6 =	vimm.bf16 $0.0e+00  }
0x52f: {  	v8 =	vld [tilespmem:s25+$0x5860];
	s26 =	simm.s32 $0x2080;
	v5 =	vimm.bf16 $0.0e+00;
	v4 =	vimm.bf16 $0.0e+00;
	v1 =	vimm.bf16 $0.0e+00  }
.LBB2_33:
0x530: {  	p0 =	sne.s32 s26, $0x11440;
	v19 =	vld [tilespmem:s25+$0xFEF0];
	v3 =	vadd.bf16 v17, v3;
	v9 =	vmul.bf16 v13, v9  }
0x531: {  	v13 =	vld [tilespmem:s25+$0x57F0];
	v7 =	vadd.bf16 v18, v7;
	v12 =	vmul.bf16 v16, v12  }
0x532: {  	v16 =	vld [tilespmem:s25+$0x6081];
	v6 =	vadd.bf16 v9, v6;
	v9 =	vmul.bf16 v15, v11  }
0x533: {  	v11 =	vld [tilespmem:s25+$0xFE80];
	v5 =	vadd.bf16 v12, v5;
	v10 =	vmul.bf16 v14, v10  }
0x534: {  	v12 =	vld [tilespmem:s25+$0x5800];
	v4 =	vadd.bf16 v9, v4  }
0x535: {  	v9 =	vld [tilespmem:s25+$0xFE90];
	v8 =	vmul.bf16 v19, v8;
	v1 =	vadd.bf16 v10, v1  }
0x536: {  	v10 =	vld [tilespmem:s25+$0x5810]  }
0x537: {  	v14 =	vld [tilespmem:s25+$0xFEA0];
	v8 =	vmul.bf16 v16, v8  }
0x538: {  	v15 =	vmul.bf16 v11, v13;
	v11 =	vld [tilespmem:s25+$0x5820]  }
0x539: {  	v13 =	vld [tilespmem:s25+$0xFEB0];
	v0 =	vadd.bf16 v8, v0  }
0x53a: {  	v8 =	vmul.bf16 v9, v12;
	v12 =	vld [tilespmem:s25+$0x5830]  }
0x53b: {  	v16 =	vld [tilespmem:s25+$0xFEC0]  }
0x53c: {  	v18 =	vmul.bf16 v14, v10;
	v10 =	vld [tilespmem:s25+$0x5840]  }
0x53d: {  	v14 =	vld [tilespmem:s25+$0xFED0]  }
0x53e: {  	v9 =	vmul.bf16 v13, v11;
	v17 =	vld [tilespmem:s25+$0x5850]  }
0x53f: {  	v19 =	vld [tilespmem:s25+$0xFEE0]  }
0x540: {  	v20 =	vld [tilespmem:s25+$0x6011];
	v12 =	vmul.bf16 v16, v12  }
0x541: {  	v21 =	vld [tilespmem:s25+$0x6021]  }
0x542: {  	v22 =	vld [tilespmem:s25+$0x6031];
	v11 =	vmul.bf16 v14, v10  }
.Ltmp15:
0x543: {  	v13 =	vld [tilespmem:s25+$0x6041];
	(pc) =	sbr.rel @p0 .LBB2_33-.Ltmp15, $4  }
0x544: {  	v16 =	vld [tilespmem:s25+$0x6051];
	v10 =	vmul.bf16 v19, v17  }
0x545: {  	v19 =	vmul.bf16 v20, v15;
	v15 =	vld [tilespmem:s25+$0x6061]  }
0x546: {  	v17 =	vmul.bf16 v21, v8;
	v14 =	vld [tilespmem:s25+$0x6071];
	s25 =	sshra.s32 s26, $0x2  }
0x547: {  	s26 =	sadd.s32 $0x1040, s26;
	v8 =	vld [tilespmem:s25+$0x5860];
	v2 =	vadd.bf16 v19, v2;
	v18 =	vmul.bf16 v22, v18  }
0x548: {  	v19 =	vld [tilespmem:s25+$0xFEF0]  }
0x549: {  	v20 =	vld [tilespmem:s25+$0x57F0]  }
0x54a: {  	v21 =	vld [tilespmem:s25+$0xFE80]  }
0x54b: {  	v22 =	vld [tilespmem:s25+$0x5800]  }
0x54c: {  	v23 =	vld [tilespmem:s25+$0xFE90]  }
0x54d: {  	v24 =	vld [tilespmem:s25+$0x5810]  }
0x54e: {  	v25 =	vld [tilespmem:s25+$0xFEA0]  }
0x54f: {  	v26 =	vld [tilespmem:s25+$0x5820]  }
0x550: {  	v27 =	vld [tilespmem:s25+$0xFEB0]  }
0x551: {  	v28 =	vld [tilespmem:s25+$0x5830]  }
0x552: {  	v29 =	vld [tilespmem:s25+$0xFEC0]  }
0x553: {  	v30 =	vld [tilespmem:s25+$0x5840]  }
0x554: {  	v31 =	vld [tilespmem:s25+$0xFED0]  }
0x555: {  	v32 =	vld [tilespmem:s25+$0x5850]  }
0x556: {  	v33 =	vld [tilespmem:s25+$0xFEE0]  }
0x557: {  	v34 =	vld [tilespmem:s25+$0x6011]  }
0x558: {  	v35 =	vld [tilespmem:s25+$0x6021]  }
0x559: {  	v3 =	vadd.bf16 v17, v3;
	v9 =	vmul.bf16 v13, v9;
	v44 =	vld [tilespmem:s25+$0x6031];
	v12 =	vmul.bf16 v16, v12  }
0x55a: {  	v46 =	vld [tilespmem:s25+$0x6041];
	v7 =	vadd.bf16 v18, v7;
	v11 =	vmul.bf16 v15, v11;
	v45 =	vmul.bf16 v21, v20  }
0x55b: {  	v49 =	vld [tilespmem:s25+$0x6051];
	v6 =	vadd.bf16 v9, v6;
	v47 =	vmul.bf16 v14, v10;
	v48 =	vmul.bf16 v23, v22  }
0x55c: {  	v51 =	vld [tilespmem:s25+$0x6061];
	v5 =	vadd.bf16 v12, v5;
	v50 =	vmul.bf16 v25, v24;
	v15 =	vmul.bf16 v34, v45  }
0x55d: {  	v53 =	vld [tilespmem:s25+$0x6071];
	v4 =	vadd.bf16 v11, v4;
	v52 =	vmul.bf16 v27, v26;
	v10 =	vmul.bf16 v35, v48  }
0x55e: {  	v55 =	vld [tilespmem:s25+$0x6081];
	v54 =	vmul.bf16 v29, v28;
	v12 =	vmul.bf16 v44, v50;
	v2 =	vadd.bf16 v15, v2  }
0x55f: {  	v56 =	vmul.bf16 v31, v30;
	v57 =	vmul.bf16 v46, v52;
	v3 =	vadd.bf16 v10, v3  }
0x560: {  	v58 =	vmul.bf16 v33, v32;
	v59 =	vmul.bf16 v49, v54;
	v7 =	vadd.bf16 v12, v7;
	[tilespmem:s24+$0x14FB0] =	vst v2  }
0x561: {  	p0 =	sne.s32 s23, $0x6;
	v60 =	vmul.bf16 v19, v8;
	v61 =	vmul.bf16 v51, v56;
	v6 =	vadd.bf16 v57, v6;
	[tilespmem:s24+$0x14FC0] =	vst v3  }
0x562: {  	s22 =	sadd.s32 @!p0 s22, s3;
	v1 =	vadd.bf16 v47, v1;
	v63 =	vmul.bf16 v53, v58;
	v62 =	vadd.bf16 v59, v5;
	[tilespmem:s24+$0x14FD0] =	vst v7  }
0x563: {  	s22 =	smul.u32 @!p0 $0x2800, s22;
	v4 =	vadd.bf16 v61, v4;
	v2 =	vmul.bf16 v55, v60;
	[tilespmem:s24+$0x14FE0] =	vst v6  }
0x564: {  	s21 =	sshll.u32 @!p0 s21, $0xB;
	v1 =	vadd.bf16 v63, v1;
	[tilespmem:s24+$0x14FF0] =	vst v62  }
0x565: {  	s20 =	sadd.s32 $0x1, s20;
	s21 =	sor.u32 @!p0 s21, s22;
	[tilespmem:s24+$0x15000] =	vst v4;
	v0 =	vadd.bf16 v2, v0  }
0x566: {  	s23 =	simm.s32 @!p0 $0x1400;
	p1 =	sne.s32 s20, $0x50;
	s21 =	sshrl.u32 @!p0 s21, $0x4;
	[tilespmem:s24+$0x15010] =	vst v1  }
0x567: {  	s22 =	simm.s32 @!p0 $0x400;
	s21 =	sadd.s32 @!p0 s6, s21;
	[tilespmem:s24+$0x15020] =	vst v0;
	s24 =	simm.s32 @!p0 $0x14830  }
0x568: {  	[hbm4b:s21+s22] =	stream.strided.scatter @!p0 [tilespmem:s24], [sflag:$0x3], $0x2000, s23, s22, $0x38;
	[tilespmem:$0x16830] =	vst v63  }
.Ltmp16:
0x569: {  	_ = 	snop;
	(pc) =	sbr.rel @p1 .LBB2_2-.Ltmp16, $4  }
0x56a: {  	s21 =	simm.s32 @!p0 $0x3  }
0x56b: {  	_ =	swait.ge @!p0 [sflag:s21], $0x2000  }
0x56c: {  	[sflag:s21] =	ssyncset.done @!p0 $0x0  }
0x56d: {  	[sflag:s21] =	ssyncadd.s32 @!p0 $0xFFFFE000  }
0x56e: {  	s19 =	sadd.s32 $0x1, s19  }
0x56f: {  	p0 =	sne.s32 s19, s8  }
.Ltmp17:
0x570: {  	_ = 	snop;
	(pc) =	sbr.rel @p0 .LBB2_1-.Ltmp17, $1  }
0x571: {  	_ =	sdelay $0x3  }
0x572: {  	_ =	sfence.sel $0x180000  }
0x573: {  	[bflag:$0x0] =	sbarrier.arrive $0xFFFF  }
0x574: {  	p0 =	sne.s32 s1, $0x0;
	_ =	strace $0x90000047  }
0x575: {  	s0 =	sadd.s32 @!p0 $0x100000, s0;
	[bflag:$0x2] =	sbarrier.arrive $0xFFFF  }
0x576: {  	[sflag:s0] =	ssyncadd.tile.s32 @!p0 $0x1;
	_ =	shalt  }
.Lfunc_end2:
_tile_overlayer_lowered:
.L_overlay_start_2:
0x577: {  	(tag) =	ssettag $0x2  }
0x578: {  	s0 =	rddreg [dreg:$0x0];
	s2 =	stileid.u32  }
0x579: {  	s1 =	rddreg [dreg:$0x1];
	p0 =	sne.s32 s2, $0x0  }
0x57a: {  	s3 =	rddreg [dreg:$0x2];
	[bflag:$0x3] =	sbarrier.arrive $0xFFFF;
	s2 =	simm.s32 @!p0 $0x1C03  }
0x57b: {  	[timem:s3], [sflag:s2] =	dma.local @!p0 [hbm:s0], s1  }
0x57c: {  	s0 =	simm.s32 @!p0 $0x3  }
0x57d: {  	_ =	swait.ge @!p0 [sflag:s0], s1  }
0x57e: {  	s1 =	ssub.s32 @!p0 $0x0, s1;
	[sflag:s0] =	ssyncset.done @!p0 $0x0  }
0x57f: {  	[sflag:s0] =	ssyncadd.s32 @!p0 s1  }
0x580: {  	[bflag:$0x3] =	sbarrier.arrive $0xFFFF  }
0x581: {  	_ =	shalt  }

</sc_bundles>
